<compile_context>
chip_gen: v7x
topology: tpu7x:2x2x1
jax: 0.10.2.dev20260603
libtpu: 0.0.44.dev20260713+nightly
codegen_flags: <defaults>
</compile_context>

<pallas_src>
import functools

import jax
import jax.numpy as jnp
from jax import lax
from jax.experimental import pallas as pl
from jax.experimental.pallas import tpu as pltpu
from jax.experimental.pallas import tpu_sc as plsc

_N, _E, _D, _H, _ED = 10000, 320000, 128, 8, 16
_DH = _D // _H
_BLK = 1000
_NC, _NS = 2, 16
_C = 40
_EPT = _E // _NS
_NCHUNK = _EPT // _C
_NPT = _N // _NS
_ACC_W = 144
_HD = 64


def _qkv_body(x_ref, wq, bq, wk, bk, wv, bv, wskip, bskip, wt,
              qx_ref, kv_ref, skip_ref):
    x = x_ref[...]
    q = jnp.dot(x, wq[...], preferred_element_type=jnp.float32) + bq[...]
    k = jnp.dot(x, wk[...], preferred_element_type=jnp.float32) + bk[...]
    v = jnp.dot(x, wv[...], preferred_element_type=jnp.float32) + bv[...]
    qe = jnp.dot(q, wt[...], preferred_element_type=jnp.float32)
    qx_ref[0] = jnp.concatenate([q[:, :_HD], qe[:, :_HD]], axis=1)
    qx_ref[1] = jnp.concatenate([q[:, _HD:], qe[:, _HD:]], axis=1)
    kv_ref[0] = jnp.concatenate([k[:, :_HD], v[:, :_HD]], axis=1)
    kv_ref[1] = jnp.concatenate([k[:, _HD:], v[:, _HD:]], axis=1)
    skip_ref[...] = jnp.dot(x, wskip[...], preferred_element_type=jnp.float32) + bskip[...]


def _sc_edge_body(qx_hbm, kv_hbm, ei_hbm, ea_hbm, out_m, out_d,
                  eiva, eivb, eava, eavb, qxva, qxvb, kvva, kvvb,
                  msgva, msgvb, dsta, dstb, acc_sh, sems):
    c = lax.axis_index("c")
    s = lax.axis_index("s")
    zero16 = jnp.zeros((16,), jnp.float32)
    lane = lax.iota(jnp.int32, 16)

    def _splat(v):
        return jnp.full((16,), v, dtype=jnp.int32)

    def _zrow(i, _):
        for j in range(_ACC_W // 16):
            msgva[i, j * 16:(j + 1) * 16] = zero16
            msgvb[i, j * 16:(j + 1) * 16] = zero16
        return 0
    lax.fori_loop(0, _C, _zrow, 0)

    def _zacc(i, _):
        pltpu.sync_copy(msgva, acc_sh.at[pl.ds(s * _NPT + i * _C, _C)])
        return 0
    lax.fori_loop(0, _NPT // _C, _zacc, 0)
    pltpu.sync_copy(msgva.at[pl.ds(0, _NPT - (_NPT // _C) * _C)],
                    acc_sh.at[pl.ds(s * _NPT + (_NPT // _C) * _C,
                                    _NPT - (_NPT // _C) * _C)])
    plsc.subcore_barrier()

    xperm = [lane ^ sft for sft in (1, 2, 4, 8)]
    hmask = [(lane == h).astype(jnp.float32) for h in range(4)]

    si1, si2, sa1, sa2, sg1, sg2, sg3, sg4, sc1, sc2 = sems

    def _dst_copy(eivx, dstc):
        dstc[0:16] = eivx[1, 0:16]
        dstc[16:32] = eivx[1, 16:32]
        dstc[_C - 16:_C] = eivx[1, _C - 16:_C]

    def _scatter_start(msgv, dstc, sc):
        pltpu.async_copy(msgv, acc_sh.at[dstc], sc, add=True)

    def _scatter_wait(msgv, dstc, sc):
        pltpu.make_async_copy(msgv, acc_sh.at[dstc], sc).wait()

    def _idx_start(ch, eivx, eav, si, sa):
        ebase = s * _EPT + jnp.minimum(ch, _NCHUNK - 1) * _C
        pltpu.async_copy(ei_hbm.at[:, pl.ds(ebase, _C)], eivx, si)
        pltpu.async_copy(ea_hbm.at[pl.ds(ebase, _C)], eav, sa)

    def _idx_wait(eivx, si):
        pltpu.make_async_copy(ei_hbm.at[:, pl.ds(0, _C)], eivx, si).wait()

    def _gath_start(eivx, qxv, kvv, g1, g2):
        pltpu.async_copy(qx_hbm.at[c].at[eivx.at[1]], qxv, g1)
        pltpu.async_copy(kv_hbm.at[c].at[eivx.at[0]], kvv, g2)

    def _gath_wait(eivx, qxv, kvv, eav, g1, g2, sa):
        pltpu.make_async_copy(qx_hbm.at[c].at[eivx.at[1]], qxv, g1).wait()
        pltpu.make_async_copy(kv_hbm.at[c].at[eivx.at[0]], kvv, g2).wait()
        pltpu.make_async_copy(ea_hbm.at[pl.ds(0, _C)], eav, sa).wait()

    def _process(qxv, kvv, eav, msgv):
        @plsc.parallel_loop(0, _C, 1, unroll=20)
        def _edge(i):
            ea = eav[i, :]
            acomb = zero16
            for h in range(4):
                prod = (qxv[i, h * 16:(h + 1) * 16]
                        * kvv[i, h * 16:(h + 1) * 16]
                        + ea * qxv[i, _HD + h * 16:_HD + (h + 1) * 16])
                for xp in xperm:
                    prod = prod + prod.at[xp].get(mode="promise_in_bounds")
                acomb = acomb + prod * hmask[h]
            wall = jnp.exp(acomb * 0.25)
            msgv[i, 0:16] = wall
            for h in range(4):
                w = wall.at[_splat(h)].get(mode="promise_in_bounds")
                msgv[i, 16 + h * 16:16 + (h + 1) * 16] = w * ea
                msgv[i, 80 + h * 16:80 + (h + 1) * 16] = (
                    w * kvv[i, _HD + h * 16:_HD + (h + 1) * 16])

    _idx_start(0, eiva, eava, si1, sa1)
    _idx_start(1, eivb, eavb, si2, sa2)
    _idx_wait(eiva, si1)
    _gath_start(eiva, qxva, kvva, sg1, sg2)
    _idx_wait(eivb, si2)
    _gath_start(eivb, qxvb, kvvb, sg3, sg4)
    _dst_copy(eiva, dsta)
    _dst_copy(eivb, dstb)
    _scatter_start(msgva, dsta, sc1)
    _scatter_start(msgvb, dstb, sc2)

    def _pair(j2, _):
        j = j2 * 2
        _gath_wait(eiva, qxva, kvva, eava, sg1, sg2, sa1)
        _scatter_wait(msgva, dsta, sc1)
        _dst_copy(eiva, dsta)
        _process(qxva, kvva, eava, msgva)
        _scatter_start(msgva, dsta, sc1)
        _idx_start(j + 2, eiva, eava, si1, sa1)
        _gath_wait(eivb, qxvb, kvvb, eavb, sg3, sg4, sa2)
        _scatter_wait(msgvb, dstb, sc2)
        _dst_copy(eivb, dstb)
        _process(qxvb, kvvb, eavb, msgvb)
        _scatter_start(msgvb, dstb, sc2)
        _idx_start(j + 3, eivb, eavb, si2, sa2)
        _idx_wait(eiva, si1)
        _gath_start(eiva, qxva, kvva, sg1, sg2)
        _idx_wait(eivb, si2)
        _gath_start(eivb, qxvb, kvvb, sg3, sg4)
        return 0

    lax.fori_loop(0, _NCHUNK // 2, _pair, 0)
    _gath_wait(eiva, qxva, kvva, eava, sg1, sg2, sa1)
    _gath_wait(eivb, qxvb, kvvb, eavb, sg3, sg4, sa2)
    _scatter_wait(msgva, dsta, sc1)
    _scatter_wait(msgvb, dstb, sc2)
    plsc.subcore_barrier()

    rows = pl.ds(s * _NPT, _NPT)
    pltpu.sync_copy(acc_sh.at[rows, pl.ds(16, 128)], out_m.at[c, rows])
    pltpu.sync_copy(acc_sh.at[rows, pl.ds(0, 16)], out_d.at[c, rows])


def _final_body(x_ref, skip_ref, m0_ref, m1_ref, d0_ref, d1_ref, we_blk,
                g1, be1, w1, bf1, w2, bf2, g2, be2, out_ref):
    m0 = m0_ref[0]
    m1 = m1_ref[0]
    d0 = d0_ref[0]
    d1 = d1_ref[0]
    acca = jnp.concatenate([m0[:, :_HD], m1[:, :_HD]], axis=1)
    accv = jnp.concatenate([m0[:, _HD:], m1[:, _HD:]], axis=1)
    parts = [jnp.broadcast_to(d0[:, h:h + 1], (d0.shape[0], _DH)) for h in range(4)]
    parts += [jnp.broadcast_to(d1[:, h:h + 1], (d1.shape[0], _DH)) for h in range(4)]
    den128 = jnp.concatenate(parts, axis=1) + 1e-16
    msg_e = jnp.dot(acca, we_blk[...], preferred_element_type=jnp.float32)
    attn = (accv + msg_e) / den128
    h = x_ref[...] + attn + skip_ref[...]
    mu = jnp.mean(h, axis=-1, keepdims=True)
    var = jnp.mean((h - mu) ** 2, axis=-1, keepdims=True)
    h = (h - mu) * lax.rsqrt(var + 1e-5) * g1[...] + be1[...]
    f = jnp.maximum(jnp.dot(h, w1[...], preferred_element_type=jnp.float32) + bf1[...], 0.0)
    f = jnp.dot(f, w2[...], preferred_element_type=jnp.float32) + bf2[...]
    h = h + f
    mu = jnp.mean(h, axis=-1, keepdims=True)
    var = jnp.mean((h - mu) ** 2, axis=-1, keepdims=True)
    out_ref[...] = (h - mu) * lax.rsqrt(var + 1e-5) * g2[...] + be2[...]


def _row_spec():
    return pl.BlockSpec((_BLK, _D), lambda i: (i, 0))


def _w_spec(r, c):
    return pl.BlockSpec((r, c), lambda i: (0, 0))


@functools.partial(
    pl.kernel,
    out_type=(jax.ShapeDtypeStruct((_NC, _N, 128), jnp.float32),
              jax.ShapeDtypeStruct((_NC, _N, 16), jnp.float32)),
    mesh=plsc.VectorSubcoreMesh(core_axis_name="c", subcore_axis_name="s"),
    compiler_params=pltpu.CompilerParams(use_tc_tiling_on_sc=False,
                                         needs_layout_passes=False),
    scratch_types=[
        pltpu.VMEM((2, _C), jnp.int32),
        pltpu.VMEM((2, _C), jnp.int32),
        pltpu.VMEM((_C, _ED), jnp.float32),
        pltpu.VMEM((_C, _ED), jnp.float32),
        pltpu.VMEM((_C, _D), jnp.float32),
        pltpu.VMEM((_C, _D), jnp.float32),
        pltpu.VMEM((_C, _D), jnp.float32),
        pltpu.VMEM((_C, _D), jnp.float32),
        pltpu.VMEM((_C, _ACC_W), jnp.float32),
        pltpu.VMEM((_C, _ACC_W), jnp.float32),
        pltpu.VMEM((_C,), jnp.int32),
        pltpu.VMEM((_C,), jnp.int32),
        pltpu.VMEM_SHARED((_N, _ACC_W), jnp.float32),
    ] + [pltpu.SemaphoreType.DMA] * 10,
)
def _sc_edge(qx_hbm, kv_hbm, ei_hbm, ea_hbm, out_m, out_d, *scratch):
    _sc_edge_body(qx_hbm, kv_hbm, ei_hbm, ea_hbm, out_m, out_d,
                  *scratch[:-10], scratch[-10:])


def kernel(x, edge_index, edge_attr, Wq, bq, Wk, bk, Wv, bv, We, Wskip, bskip,
           g1, be1, W1, bf1, W2, bf2, g2, be2):
    we_r = We.reshape(_ED, _H, _DH).transpose(1, 0, 2)
    we_blk = jax.scipy.linalg.block_diag(*[we_r[h] for h in range(_H)])
    wt = we_blk.T

    grid = _N // _BLK
    qx, kv, skip = pl.pallas_call(
        _qkv_body,
        grid=(grid,),
        in_specs=[
            _row_spec(),
            _w_spec(_D, _D), _w_spec(1, _D),
            _w_spec(_D, _D), _w_spec(1, _D),
            _w_spec(_D, _D), _w_spec(1, _D),
            _w_spec(_D, _D), _w_spec(1, _D),
            _w_spec(_D, _D),
        ],
        out_specs=[
            pl.BlockSpec((_NC, _BLK, _D), lambda i: (0, i, 0)),
            pl.BlockSpec((_NC, _BLK, _D), lambda i: (0, i, 0)),
            _row_spec(),
        ],
        out_shape=[
            jax.ShapeDtypeStruct((_NC, _N, _D), jnp.float32),
            jax.ShapeDtypeStruct((_NC, _N, _D), jnp.float32),
            jax.ShapeDtypeStruct((_N, _D), jnp.float32),
        ],
    )(x, Wq, bq.reshape(1, _D), Wk, bk.reshape(1, _D), Wv, bv.reshape(1, _D),
      Wskip, bskip.reshape(1, _D), wt)

    out_m, out_d = _sc_edge(qx, kv, edge_index, edge_attr)

    out = pl.pallas_call(
        _final_body,
        grid=(grid,),
        in_specs=[
            _row_spec(), _row_spec(),
            pl.BlockSpec((1, _BLK, 128), lambda i: (0, i, 0)),
            pl.BlockSpec((1, _BLK, 128), lambda i: (1, i, 0)),
            pl.BlockSpec((1, _BLK, 16), lambda i: (0, i, 0)),
            pl.BlockSpec((1, _BLK, 16), lambda i: (1, i, 0)),
            _w_spec(_D, _D),
            _w_spec(1, _D), _w_spec(1, _D),
            _w_spec(_D, 4 * _D), _w_spec(1, 4 * _D),
            _w_spec(4 * _D, _D), _w_spec(1, _D),
            _w_spec(1, _D), _w_spec(1, _D),
        ],
        out_specs=_row_spec(),
        out_shape=jax.ShapeDtypeStruct((_N, _D), jnp.float32),
    )(x, skip, out_m, out_m, out_d, out_d, we_blk,
      g1.reshape(1, _D), be1.reshape(1, _D), W1, bf1.reshape(1, 4 * _D),
      W2, bf2.reshape(1, _D), g2.reshape(1, _D), be2.reshape(1, _D))
    return out

# --- scband reference (transcript-rebuilt; emitter-appended) ---
"""Pipeline reference for scband-transformer-block-89163521065124 (READ-ONLY COPY).

The authoritative reference and input builder live on the scoring server;
editing this copy changes nothing except your own understanding.
"""

import jax, jax.numpy as jnp
import numpy as np

N, E, D, H, ED = 10000, 320000, 128, 8, 16
DH = D // H


def setup_inputs(seed: int = 0):
    key = jax.random.key(seed)
    ks = jax.random.split(key, 24)
    s = 0.05
    return {
        "x": jax.random.normal(ks[0], (N, D), dtype=jnp.float32),
        "edge_index": jax.random.randint(ks[1], (2, E), 0, N, dtype=jnp.int32),
        "edge_attr": jax.random.normal(ks[2], (E, ED), dtype=jnp.float32),
        "Wq": jax.random.normal(ks[3], (D, D), dtype=jnp.float32) * s,
        "bq": jnp.zeros((D,), dtype=jnp.float32),
        "Wk": jax.random.normal(ks[4], (D, D), dtype=jnp.float32) * s,
        "bk": jnp.zeros((D,), dtype=jnp.float32),
        "Wv": jax.random.normal(ks[5], (D, D), dtype=jnp.float32) * s,
        "bv": jnp.zeros((D,), dtype=jnp.float32),
        "We": jax.random.normal(ks[6], (ED, D), dtype=jnp.float32) * s,
        "Wskip": jax.random.normal(ks[7], (D, D), dtype=jnp.float32) * s,
        "bskip": jnp.zeros((D,), dtype=jnp.float32),
        "g1": jnp.ones((D,), dtype=jnp.float32),
        "be1": jnp.zeros((D,), dtype=jnp.float32),
        "W1": jax.random.normal(ks[8], (D, 4 * D), dtype=jnp.float32) * s,
        "bf1": jnp.zeros((4 * D,), dtype=jnp.float32),
        "W2": jax.random.normal(ks[9], (4 * D, D), dtype=jnp.float32) * s,
        "bf2": jnp.zeros((D,), dtype=jnp.float32),
        "g2": jnp.ones((D,), dtype=jnp.float32),
        "be2": jnp.zeros((D,), dtype=jnp.float32),
    }


def _layernorm(h, g, b):
    mu = jnp.mean(h, axis=-1, keepdims=True)
    var = jnp.mean((h - mu) ** 2, axis=-1, keepdims=True)
    return (h - mu) / jnp.sqrt(var + 1e-5) * g + b


def _transformer_conv(x, edge_index, edge_attr, Wq, bq, Wk, bk, Wv, bv, We, Wskip, bskip):
    src = edge_index[0]
    dst = edge_index[1]
    q = (x @ Wq + bq).reshape(N, H, DH)
    k = (x @ Wk + bk).reshape(N, H, DH)
    v = (x @ Wv + bv).reshape(N, H, DH)
    e = (edge_attr @ We).reshape(E, H, DH)
    qi = q[dst]
    kj = k[src] + e
    vj = v[src] + e
    alpha = jnp.sum(qi * kj, axis=-1) / jnp.sqrt(DH)  # [E, H]
    amax = jax.ops.segment_max(alpha, dst, num_segments=N)  # [N, H]
    amax = jnp.where(jnp.isfinite(amax), amax, 0.0)
    ex = jnp.exp(alpha - amax[dst])
    denom = jax.ops.segment_sum(ex, dst, num_segments=N)
    attn = ex / (denom[dst] + 1e-16)
    msg = vj * attn[:, :, None]
    out = jax.ops.segment_sum(msg, dst, num_segments=N).reshape(N, D)
    # root weight (skip projection inside TransformerConv)
    out = out + x @ Wskip + bskip
    return out


def reference(x, edge_index, edge_attr, Wq, bq, Wk, bk, Wv, bv, We, Wskip, bskip, g1, be1, W1, bf1, W2, bf2, g2, be2):
    attn_out = _transformer_conv(x, edge_index, edge_attr, Wq, bq, Wk, bk, Wv, bv, We, Wskip, bskip)
    h = x + attn_out  # dropout p=0.0 -> identity
    h = _layernorm(h, g1, be1)
    ffn = jax.nn.relu(h @ W1 + bf1) @ W2 + bf2
    h = h + ffn
    h = _layernorm(h, g2, be2)
    return h

if __name__ == "__main__":
    import jax
    _d = setup_inputs()
    print(jax.jit(kernel)(*tuple(_d.values())))

</pallas_src>

<mosaic_0001>
#map = affine_map<(d0, d1) -> (0, 0, 0)>
#map1 = affine_map<(d0, d1) -> (0, 0)>
module attributes {stable_mosaic.version = 14 : i64} {
  func.func @_sc_edge(%arg0: i32, %arg1: i32, %arg2: memref<2x10000x128xf32, #tpu.memory_space<hbm>>, %arg3: memref<2x10000x128xf32, #tpu.memory_space<hbm>>, %arg4: memref<2x320000xi32, #tpu.memory_space<hbm>>, %arg5: memref<320000x16xf32, #tpu.memory_space<hbm>>, %arg6: memref<2x10000x128xf32, #tpu.memory_space<hbm>>, %arg7: memref<2x10000x16xf32, #tpu.memory_space<hbm>>, %arg8: memref<2x40xi32, #tpu.memory_space<vmem>>, %arg9: memref<2x40xi32, #tpu.memory_space<vmem>>, %arg10: memref<40x16xf32, #tpu.memory_space<vmem>>, %arg11: memref<40x16xf32, #tpu.memory_space<vmem>>, %arg12: memref<40x128xf32, #tpu.memory_space<vmem>>, %arg13: memref<40x128xf32, #tpu.memory_space<vmem>>, %arg14: memref<40x128xf32, #tpu.memory_space<vmem>>, %arg15: memref<40x128xf32, #tpu.memory_space<vmem>>, %arg16: memref<40x144xf32, #tpu.memory_space<vmem>>, %arg17: memref<40x144xf32, #tpu.memory_space<vmem>>, %arg18: memref<40xi32, #tpu.memory_space<vmem>>, %arg19: memref<40xi32, #tpu.memory_space<vmem>>, %arg20: memref<10000x144xf32, #tpu.memory_space<vmem_shared>>, %arg21: memref<!tpu.dma_semaphore, #tpu.memory_space<semaphore_mem>>, %arg22: memref<!tpu.dma_semaphore, #tpu.memory_space<semaphore_mem>>, %arg23: memref<!tpu.dma_semaphore, #tpu.memory_space<semaphore_mem>>, %arg24: memref<!tpu.dma_semaphore, #tpu.memory_space<semaphore_mem>>, %arg25: memref<!tpu.dma_semaphore, #tpu.memory_space<semaphore_mem>>, %arg26: memref<!tpu.dma_semaphore, #tpu.memory_space<semaphore_mem>>, %arg27: memref<!tpu.dma_semaphore, #tpu.memory_space<semaphore_mem>>, %arg28: memref<!tpu.dma_semaphore, #tpu.memory_space<semaphore_mem>>, %arg29: memref<!tpu.dma_semaphore, #tpu.memory_space<semaphore_mem>>, %arg30: memref<!tpu.dma_semaphore, #tpu.memory_space<semaphore_mem>>) attributes {dimension_semantics = [#tpu.dimension_semantics<core_parallel>, #tpu.dimension_semantics<subcore_parallel>], iteration_bounds = array<i64: 2, 16>, scalar_prefetch = 0 : i64, scratch_operands = 23 : i64, tpu.core_type = #tpu.core_type<sc_vector_subcore>, window_params = [{transform_indices = #map}, {transform_indices = #map}, {transform_indices = #map1}, {transform_indices = #map1}, {transform_indices = #map}, {transform_indices = #map}]} {
    %broadcast_in_dim3A = arith.constant 0.000000e+00 : f32
    %broadcast_in_dim3A_0 = vector.broadcast %broadcast_in_dim3A : f32 to vector<16xf32>
    %iota3A = tpu.iota {dimensions = array<i32: 0>} : vector<16xi32>
    %scan3A = arith.constant 0 : i32
    %scan3A_1 = arith.constant 0 : i32
    %scan3A_2 = arith.constant 40 : i32
    %scan3A_3 = arith.addi %scan3A_1, %scan3A_2 : i32
    %scan3A_4 = arith.constant 1 : i32
    %scan3A_5 = scf.for %scan3A_242 = %scan3A_1 to %scan3A_3 step %scan3A_4 iter_args(%scan3A_243 = %scan3A) -> (i32)  : i32 {
      %swap3A_244 = arith.index_cast %scan3A_242 : i32 to index
      %swap3A_245 = arith.constant 0 : index
      %swap3A_246 = tpu.vector_load %arg16[%swap3A_244, %swap3A_245] {strides = array<i32>} : memref<40x144xf32, #tpu.memory_space<vmem>>, vector<16xf32>,
      tpu.vector_store %arg16[%swap3A_244, %swap3A_245], %broadcast_in_dim3A_0 {strides = array<i32>} : memref<40x144xf32, #tpu.memory_space<vmem>>, vector<16xf32>,
      %swap3A_247 = arith.index_cast %scan3A_242 : i32 to index
      %swap3A_248 = arith.constant 0 : index
      %swap3A_249 = tpu.vector_load %arg17[%swap3A_247, %swap3A_248] {strides = array<i32>} : memref<40x144xf32, #tpu.memory_space<vmem>>, vector<16xf32>,
      tpu.vector_store %arg17[%swap3A_247, %swap3A_248], %broadcast_in_dim3A_0 {strides = array<i32>} : memref<40x144xf32, #tpu.memory_space<vmem>>, vector<16xf32>,
      %swap3A_250 = arith.index_cast %scan3A_242 : i32 to index
      %swap3A_251 = arith.constant 16 : index
      %swap3A_252 = tpu.vector_load %arg16[%swap3A_250, %swap3A_251] {strides = array<i32>} : memref<40x144xf32, #tpu.memory_space<vmem>>, vector<16xf32>,
      tpu.vector_store %arg16[%swap3A_250, %swap3A_251], %broadcast_in_dim3A_0 {strides = array<i32>} : memref<40x144xf32, #tpu.memory_space<vmem>>, vector<16xf32>,
      %swap3A_253 = arith.index_cast %scan3A_242 : i32 to index
      %swap3A_254 = arith.constant 16 : index
      %swap3A_255 = tpu.vector_load %arg17[%swap3A_253, %swap3A_254] {strides = array<i32>} : memref<40x144xf32, #tpu.memory_space<vmem>>, vector<16xf32>,
      tpu.vector_store %arg17[%swap3A_253, %swap3A_254], %broadcast_in_dim3A_0 {strides = array<i32>} : memref<40x144xf32, #tpu.memory_space<vmem>>, vector<16xf32>,
      %swap3A_256 = arith.index_cast %scan3A_242 : i32 to index
      %swap3A_257 = arith.constant 32 : index
      %swap3A_258 = tpu.vector_load %arg16[%swap3A_256, %swap3A_257] {strides = array<i32>} : memref<40x144xf32, #tpu.memory_space<vmem>>, vector<16xf32>,
      tpu.vector_store %arg16[%swap3A_256, %swap3A_257], %broadcast_in_dim3A_0 {strides = array<i32>} : memref<40x144xf32, #tpu.memory_space<vmem>>, vector<16xf32>,
      %swap3A_259 = arith.index_cast %scan3A_242 : i32 to index
      %swap3A_260 = arith.constant 32 : index
      %swap3A_261 = tpu.vector_load %arg17[%swap3A_259, %swap3A_260] {strides = array<i32>} : memref<40x144xf32, #tpu.memory_space<vmem>>, vector<16xf32>,
      tpu.vector_store %arg17[%swap3A_259, %swap3A_260], %broadcast_in_dim3A_0 {strides = array<i32>} : memref<40x144xf32, #tpu.memory_space<vmem>>, vector<16xf32>,
      %swap3A_262 = arith.index_cast %scan3A_242 : i32 to index
      %swap3A_263 = arith.constant 48 : index
      %swap3A_264 = tpu.vector_load %arg16[%swap3A_262, %swap3A_263] {strides = array<i32>} : memref<40x144xf32, #tpu.memory_space<vmem>>, vector<16xf32>,
      tpu.vector_store %arg16[%swap3A_262, %swap3A_263], %broadcast_in_dim3A_0 {strides = array<i32>} : memref<40x144xf32, #tpu.memory_space<vmem>>, vector<16xf32>,
      %swap3A_265 = arith.index_cast %scan3A_242 : i32 to index
      %swap3A_266 = arith.constant 48 : index
      %swap3A_267 = tpu.vector_load %arg17[%swap3A_265, %swap3A_266] {strides = array<i32>} : memref<40x144xf32, #tpu.memory_space<vmem>>, vector<16xf32>,
      tpu.vector_store %arg17[%swap3A_265, %swap3A_266], %broadcast_in_dim3A_0 {strides = array<i32>} : memref<40x144xf32, #tpu.memory_space<vmem>>, vector<16xf32>,
      %swap3A_268 = arith.index_cast %scan3A_242 : i32 to index
      %swap3A_269 = arith.constant 64 : index
      %swap3A_270 = tpu.vector_load %arg16[%swap3A_268, %swap3A_269] {strides = array<i32>} : memref<40x144xf32, #tpu.memory_space<vmem>>, vector<16xf32>,
      tpu.vector_store %arg16[%swap3A_268, %swap3A_269], %broadcast_in_dim3A_0 {strides = array<i32>} : memref<40x144xf32, #tpu.memory_space<vmem>>, vector<16xf32>,
      %swap3A_271 = arith.index_cast %scan3A_242 : i32 to index
      %swap3A_272 = arith.constant 64 : index
      %swap3A_273 = tpu.vector_load %arg17[%swap3A_271, %swap3A_272] {strides = array<i32>} : memref<40x144xf32, #tpu.memory_space<vmem>>, vector<16xf32>,
      tpu.vector_store %arg17[%swap3A_271, %swap3A_272], %broadcast_in_dim3A_0 {strides = array<i32>} : memref<40x144xf32, #tpu.memory_space<vmem>>, vector<16xf32>,
      %swap3A_274 = arith.index_cast %scan3A_242 : i32 to index
      %swap3A_275 = arith.constant 80 : index
      %swap3A_276 = tpu.vector_load %arg16[%swap3A_274, %swap3A_275] {strides = array<i32>} : memref<40x144xf32, #tpu.memory_space<vmem>>, vector<16xf32>,
      tpu.vector_store %arg16[%swap3A_274, %swap3A_275], %broadcast_in_dim3A_0 {strides = array<i32>} : memref<40x144xf32, #tpu.memory_space<vmem>>, vector<16xf32>,
      %swap3A_277 = arith.index_cast %scan3A_242 : i32 to index
      %swap3A_278 = arith.constant 80 : index
      %swap3A_279 = tpu.vector_load %arg17[%swap3A_277, %swap3A_278] {strides = array<i32>} : memref<40x144xf32, #tpu.memory_space<vmem>>, vector<16xf32>,
      tpu.vector_store %arg17[%swap3A_277, %swap3A_278], %broadcast_in_dim3A_0 {strides = array<i32>} : memref<40x144xf32, #tpu.memory_space<vmem>>, vector<16xf32>,
      %swap3A_280 = arith.index_cast %scan3A_242 : i32 to index
      %swap3A_281 = arith.constant 96 : index
      %swap3A_282 = tpu.vector_load %arg16[%swap3A_280, %swap3A_281] {strides = array<i32>} : memref<40x144xf32, #tpu.memory_space<vmem>>, vector<16xf32>,
      tpu.vector_store %arg16[%swap3A_280, %swap3A_281], %broadcast_in_dim3A_0 {strides = array<i32>} : memref<40x144xf32, #tpu.memory_space<vmem>>, vector<16xf32>,
      %swap3A_283 = arith.index_cast %scan3A_242 : i32 to index
      %swap3A_284 = arith.constant 96 : index
      %swap3A_285 = tpu.vector_load %arg17[%swap3A_283, %swap3A_284] {strides = array<i32>} : memref<40x144xf32, #tpu.memory_space<vmem>>, vector<16xf32>,
      tpu.vector_store %arg17[%swap3A_283, %swap3A_284], %broadcast_in_dim3A_0 {strides = array<i32>} : memref<40x144xf32, #tpu.memory_space<vmem>>, vector<16xf32>,
      %swap3A_286 = arith.index_cast %scan3A_242 : i32 to index
      %swap3A_287 = arith.constant 112 : index
      %swap3A_288 = tpu.vector_load %arg16[%swap3A_286, %swap3A_287] {strides = array<i32>} : memref<40x144xf32, #tpu.memory_space<vmem>>, vector<16xf32>,
      tpu.vector_store %arg16[%swap3A_286, %swap3A_287], %broadcast_in_dim3A_0 {strides = array<i32>} : memref<40x144xf32, #tpu.memory_space<vmem>>, vector<16xf32>,
      %swap3A_289 = arith.index_cast %scan3A_242 : i32 to index
      %swap3A_290 = arith.constant 112 : index
      %swap3A_291 = tpu.vector_load %arg17[%swap3A_289, %swap3A_290] {strides = array<i32>} : memref<40x144xf32, #tpu.memory_space<vmem>>, vector<16xf32>,
      tpu.vector_store %arg17[%swap3A_289, %swap3A_290], %broadcast_in_dim3A_0 {strides = array<i32>} : memref<40x144xf32, #tpu.memory_space<vmem>>, vector<16xf32>,
      %swap3A_292 = arith.index_cast %scan3A_242 : i32 to index
      %swap3A_293 = arith.constant 128 : index
      %swap3A_294 = tpu.vector_load %arg16[%swap3A_292, %swap3A_293] {strides = array<i32>} : memref<40x144xf32, #tpu.memory_space<vmem>>, vector<16xf32>,
      tpu.vector_store %arg16[%swap3A_292, %swap3A_293], %broadcast_in_dim3A_0 {strides = array<i32>} : memref<40x144xf32, #tpu.memory_space<vmem>>, vector<16xf32>,
      %swap3A_295 = arith.index_cast %scan3A_242 : i32 to index
      %swap3A_296 = arith.constant 128 : index
      %swap3A_297 = tpu.vector_load %arg17[%swap3A_295, %swap3A_296] {strides = array<i32>} : memref<40x144xf32, #tpu.memory_space<vmem>>, vector<16xf32>,
      tpu.vector_store %arg17[%swap3A_295, %swap3A_296], %broadcast_in_dim3A_0 {strides = array<i32>} : memref<40x144xf32, #tpu.memory_space<vmem>>, vector<16xf32>,
      %scan3A_298 = arith.constant 0 : i32
      scf.yield %scan3A_298 : i32
    }
    %scan3A_6 = arith.constant 40 : i32
    %scan3A_7 = arith.constant 0 : i32
    %scan3A_8 = arith.constant 0 : i32
    %scan3A_9 = arith.constant 15 : i32
    %scan3A_10 = arith.addi %scan3A_8, %scan3A_9 : i32
    %scan3A_11 = arith.constant 1 : i32
    %scan3A_12 = scf.for %scan3A_242 = %scan3A_8 to %scan3A_10 step %scan3A_11 iter_args(%scan3A_243 = %scan3A_7) -> (i32)  : i32 {
      %mul3A_244 = arith.constant 625 : i32
      %mul3A_245 = arith.muli %arg1, %mul3A_244 : i32
      %mul3A_246 = arith.constant 40 : i32
      %mul3A_247 = arith.muli %scan3A_242, %mul3A_246 : i32
      %add3A_248 = arith.addi %mul3A_245, %mul3A_247 : i32
      "tpu.region"() ({
        %run_scoped3A = tpu.sem_alloc : memref<!tpu.dma_semaphore, #tpu.memory_space<semaphore_mem>>
        %dma_start3A_250 = arith.constant 0 : i32
        %dma_start3A_251 = tpu.memref_slice %arg20[%add3A_248, %dma_start3A_250] : memref<10000x144xf32, #tpu.memory_space<vmem_shared>> -> memref<40x144xf32, #tpu.memory_space<vmem_shared>>
        %dma_start3A_252 = arith.constant 0 : i32
        %dma_start3A_253 = tpu.memref_slice %arg20[%add3A_248, %dma_start3A_252] : memref<10000x144xf32, #tpu.memory_space<vmem_shared>> -> memref<40x144xf32, #tpu.memory_space<vmem_shared>>
        tpu.enqueue_dma source(%arg16 : memref<40x144xf32, #tpu.memory_space<vmem>>) target(%dma_start3A_253 : memref<40x144xf32, #tpu.memory_space<vmem_shared>>) target_semaphore(%run_scoped3A : memref<!tpu.dma_semaphore, #tpu.memory_space<semaphore_mem>>)
        %dma_wait3A_254 = arith.constant 0 : i32
        %dma_wait3A_255 = tpu.memref_slice %arg20[%add3A_248, %dma_wait3A_254] : memref<10000x144xf32, #tpu.memory_space<vmem_shared>> -> memref<40x144xf32, #tpu.memory_space<vmem_shared>>
        %dma_wait3A_256 = arith.constant 0 : i32
        %dma_wait3A_257 = tpu.memref_slice %arg20[%add3A_248, %dma_wait3A_256] : memref<10000x144xf32, #tpu.memory_space<vmem_shared>> -> memref<40x144xf32, #tpu.memory_space<vmem_shared>>
        tpu.wait_dma2 semaphore(%run_scoped3A : memref<!tpu.dma_semaphore, #tpu.memory_space<semaphore_mem>>) src(%arg16 : memref<40x144xf32, #tpu.memory_space<vmem>>) dst(%dma_wait3A_257 : memref<40x144xf32, #tpu.memory_space<vmem_shared>>)
        tpu.yield
      }) : () -> ()
      %scan3A_249 = arith.constant 0 : i32
      scf.yield %scan3A_249 : i32
    }
    %scan3A_13 = arith.constant 15 : i32
    %mul3A = arith.constant 625 : i32
    %mul3A_14 = arith.muli %arg1, %mul3A : i32
    %add3A = arith.constant 600 : i32
    %add3A_15 = arith.addi %mul3A_14, %add3A : i32
    "tpu.region"() ({
      %run_scoped3A = tpu.sem_alloc : memref<!tpu.dma_semaphore, #tpu.memory_space<semaphore_mem>>
      %dma_start3A_242 = arith.constant 0 : i32
      %dma_start3A_243 = arith.constant 0 : i32
      %dma_start3A_244 = tpu.memref_slice %arg16[%dma_start3A_242, %dma_start3A_243] : memref<40x144xf32, #tpu.memory_space<vmem>> -> memref<25x144xf32, #tpu.memory_space<vmem>>
      %dma_start3A_245 = arith.constant 0 : i32
      %dma_start3A_246 = tpu.memref_slice %arg20[%add3A_15, %dma_start3A_245] : memref<10000x144xf32, #tpu.memory_space<vmem_shared>> -> memref<25x144xf32, #tpu.memory_space<vmem_shared>>
      %dma_start3A_247 = arith.constant 0 : i32
      %dma_start3A_248 = tpu.memref_slice %arg20[%add3A_15, %dma_start3A_247] : memref<10000x144xf32, #tpu.memory_space<vmem_shared>> -> memref<25x144xf32, #tpu.memory_space<vmem_shared>>
      %dma_start3A_249 = arith.constant 0 : i32
      %dma_start3A_250 = arith.constant 0 : i32
      %dma_start3A_251 = tpu.memref_slice %arg16[%dma_start3A_249, %dma_start3A_250] : memref<40x144xf32, #tpu.memory_space<vmem>> -> memref<25x144xf32, #tpu.memory_space<vmem>>
      tpu.enqueue_dma source(%dma_start3A_251 : memref<25x144xf32, #tpu.memory_space<vmem>>) target(%dma_start3A_248 : memref<25x144xf32, #tpu.memory_space<vmem_shared>>) target_semaphore(%run_scoped3A : memref<!tpu.dma_semaphore, #tpu.memory_space<semaphore_mem>>)
      %dma_wait3A_252 = arith.constant 0 : i32
      %dma_wait3A_253 = arith.constant 0 : i32
      %dma_wait3A_254 = tpu.memref_slice %arg16[%dma_wait3A_252, %dma_wait3A_253] : memref<40x144xf32, #tpu.memory_space<vmem>> -> memref<25x144xf32, #tpu.memory_space<vmem>>
      %dma_wait3A_255 = arith.constant 0 : i32
      %dma_wait3A_256 = tpu.memref_slice %arg20[%add3A_15, %dma_wait3A_255] : memref<10000x144xf32, #tpu.memory_space<vmem_shared>> -> memref<25x144xf32, #tpu.memory_space<vmem_shared>>
      %dma_wait3A_257 = arith.constant 0 : i32
      %dma_wait3A_258 = tpu.memref_slice %arg20[%add3A_15, %dma_wait3A_257] : memref<10000x144xf32, #tpu.memory_space<vmem_shared>> -> memref<25x144xf32, #tpu.memory_space<vmem_shared>>
      %dma_wait3A_259 = arith.constant 0 : i32
      %dma_wait3A_260 = arith.constant 0 : i32
      %dma_wait3A_261 = tpu.memref_slice %arg16[%dma_wait3A_259, %dma_wait3A_260] : memref<40x144xf32, #tpu.memory_space<vmem>> -> memref<25x144xf32, #tpu.memory_space<vmem>>
      tpu.wait_dma2 semaphore(%run_scoped3A : memref<!tpu.dma_semaphore, #tpu.memory_space<semaphore_mem>>) src(%dma_wait3A_261 : memref<25x144xf32, #tpu.memory_space<vmem>>) dst(%dma_wait3A_258 : memref<25x144xf32, #tpu.memory_space<vmem_shared>>)
      tpu.yield
    }) : () -> ()
    %barrier3A = arith.constant 0 : index
    tpu.barrier barrier_id(%barrier3A)
    %xor3A = arith.constant 1 : i32
    %xor3A_16 = vector.broadcast %xor3A : i32 to vector<16xi32>
    %xor3A_17 = arith.xori %iota3A, %xor3A_16 : vector<16xi32>
    %xor3A_18 = arith.constant 2 : i32
    %xor3A_19 = vector.broadcast %xor3A_18 : i32 to vector<16xi32>
    %xor3A_20 = arith.xori %iota3A, %xor3A_19 : vector<16xi32>
    %xor3A_21 = arith.constant 4 : i32
    %xor3A_22 = vector.broadcast %xor3A_21 : i32 to vector<16xi32>
    %xor3A_23 = arith.xori %iota3A, %xor3A_22 : vector<16xi32>
    %xor3A_24 = arith.constant 8 : i32
    %xor3A_25 = vector.broadcast %xor3A_24 : i32 to vector<16xi32>
    %xor3A_26 = arith.xori %iota3A, %xor3A_25 : vector<16xi32>
    %eq3A = arith.constant 0 : i32
    %eq3A_27 = vector.broadcast %eq3A : i32 to vector<16xi32>
    %eq3A_28 = arith.cmpi eq, %iota3A, %eq3A_27 : vector<16xi32>
    %convert_element_type3A = arith.extui %eq3A_28 : vector<16xi1> to vector<16xi32>
    %convert_element_type3A_29 = arith.sitofp %convert_element_type3A : vector<16xi32> to vector<16xf32>
    %eq3A_30 = arith.constant 1 : i32
    %eq3A_31 = vector.broadcast %eq3A_30 : i32 to vector<16xi32>
    %eq3A_32 = arith.cmpi eq, %iota3A, %eq3A_31 : vector<16xi32>
    %convert_element_type3A_33 = arith.extui %eq3A_32 : vector<16xi1> to vector<16xi32>
    %convert_element_type3A_34 = arith.sitofp %convert_element_type3A_33 : vector<16xi32> to vector<16xf32>
    %eq3A_35 = arith.constant 2 : i32
    %eq3A_36 = vector.broadcast %eq3A_35 : i32 to vector<16xi32>
    %eq3A_37 = arith.cmpi eq, %iota3A, %eq3A_36 : vector<16xi32>
    %convert_element_type3A_38 = arith.extui %eq3A_37 : vector<16xi1> to vector<16xi32>
    %convert_element_type3A_39 = arith.sitofp %convert_element_type3A_38 : vector<16xi32> to vector<16xf32>
    %eq3A_40 = arith.constant 3 : i32
    %eq3A_41 = vector.broadcast %eq3A_40 : i32 to vector<16xi32>
    %eq3A_42 = arith.cmpi eq, %iota3A, %eq3A_41 : vector<16xi32>
    %convert_element_type3A_43 = arith.extui %eq3A_42 : vector<16xi1> to vector<16xi32>
    %convert_element_type3A_44 = arith.sitofp %convert_element_type3A_43 : vector<16xi32> to vector<16xf32>
    %mul3A_45 = arith.constant 20000 : i32
    %mul3A_46 = arith.muli %arg1, %mul3A_45 : i32
    %min3A = arith.constant 0 : i32
    %min3A_47 = arith.constant 499 : i32
    %min3A_48 = arith.minsi %min3A, %min3A_47 : i32
    %mul3A_49 = arith.constant 40 : i32
    %mul3A_50 = arith.muli %min3A_48, %mul3A_49 : i32
    %add3A_51 = arith.addi %mul3A_46, %mul3A_50 : i32
    %dma_start3A = arith.constant 0 : i32
    %dma_start3A_52 = tpu.memref_slice %arg4[%dma_start3A, %add3A_51] : memref<2x320000xi32, #tpu.memory_space<hbm>> -> memref<2x40xi32, #tpu.memory_space<hbm>>
    %dma_start3A_53 = arith.constant 0 : i32
    %dma_start3A_54 = tpu.memref_slice %arg4[%dma_start3A_53, %add3A_51] : memref<2x320000xi32, #tpu.memory_space<hbm>> -> memref<2x40xi32, #tpu.memory_space<hbm>>
    tpu.enqueue_dma source(%dma_start3A_54 : memref<2x40xi32, #tpu.memory_space<hbm>>) target(%arg8 : memref<2x40xi32, #tpu.memory_space<vmem>>) target_semaphore(%arg21 : memref<!tpu.dma_semaphore, #tpu.memory_space<semaphore_mem>>)
    %dma_start3A_55 = arith.constant 0 : i32
    %dma_start3A_56 = tpu.memref_slice %arg5[%add3A_51, %dma_start3A_55] : memref<320000x16xf32, #tpu.memory_space<hbm>> -> memref<40x16xf32, #tpu.memory_space<hbm>>
    %dma_start3A_57 = arith.constant 0 : i32
    %dma_start3A_58 = tpu.memref_slice %arg5[%add3A_51, %dma_start3A_57] : memref<320000x16xf32, #tpu.memory_space<hbm>> -> memref<40x16xf32, #tpu.memory_space<hbm>>
    tpu.enqueue_dma source(%dma_start3A_58 : memref<40x16xf32, #tpu.memory_space<hbm>>) target(%arg10 : memref<40x16xf32, #tpu.memory_space<vmem>>) target_semaphore(%arg23 : memref<!tpu.dma_semaphore, #tpu.memory_space<semaphore_mem>>)
    %mul3A_59 = arith.constant 20000 : i32
    %mul3A_60 = arith.muli %arg1, %mul3A_59 : i32
    %min3A_61 = arith.constant 1 : i32
    %min3A_62 = arith.constant 499 : i32
    %min3A_63 = arith.minsi %min3A_61, %min3A_62 : i32
    %mul3A_64 = arith.constant 40 : i32
    %mul3A_65 = arith.muli %min3A_63, %mul3A_64 : i32
    %add3A_66 = arith.addi %mul3A_60, %mul3A_65 : i32
    %dma_start3A_67 = arith.constant 0 : i32
    %dma_start3A_68 = tpu.memref_slice %arg4[%dma_start3A_67, %add3A_66] : memref<2x320000xi32, #tpu.memory_space<hbm>> -> memref<2x40xi32, #tpu.memory_space<hbm>>
    %dma_start3A_69 = arith.constant 0 : i32
    %dma_start3A_70 = tpu.memref_slice %arg4[%dma_start3A_69, %add3A_66] : memref<2x320000xi32, #tpu.memory_space<hbm>> -> memref<2x40xi32, #tpu.memory_space<hbm>>
    tpu.enqueue_dma source(%dma_start3A_70 : memref<2x40xi32, #tpu.memory_space<hbm>>) target(%arg9 : memref<2x40xi32, #tpu.memory_space<vmem>>) target_semaphore(%arg22 : memref<!tpu.dma_semaphore, #tpu.memory_space<semaphore_mem>>)
    %dma_start3A_71 = arith.constant 0 : i32
    %dma_start3A_72 = tpu.memref_slice %arg5[%add3A_66, %dma_start3A_71] : memref<320000x16xf32, #tpu.memory_space<hbm>> -> memref<40x16xf32, #tpu.memory_space<hbm>>
    %dma_start3A_73 = arith.constant 0 : i32
    %dma_start3A_74 = tpu.memref_slice %arg5[%add3A_66, %dma_start3A_73] : memref<320000x16xf32, #tpu.memory_space<hbm>> -> memref<40x16xf32, #tpu.memory_space<hbm>>
    tpu.enqueue_dma source(%dma_start3A_74 : memref<40x16xf32, #tpu.memory_space<hbm>>) target(%arg11 : memref<40x16xf32, #tpu.memory_space<vmem>>) target_semaphore(%arg24 : memref<!tpu.dma_semaphore, #tpu.memory_space<semaphore_mem>>)
    %dma_wait3A = arith.constant 0 : i32
    %dma_wait3A_75 = arith.constant 0 : i32
    %dma_wait3A_76 = tpu.memref_slice %arg4[%dma_wait3A, %dma_wait3A_75] : memref<2x320000xi32, #tpu.memory_space<hbm>> -> memref<2x40xi32, #tpu.memory_space<hbm>>
    %dma_wait3A_77 = arith.constant 0 : i32
    %dma_wait3A_78 = arith.constant 0 : i32
    %dma_wait3A_79 = tpu.memref_slice %arg4[%dma_wait3A_77, %dma_wait3A_78] : memref<2x320000xi32, #tpu.memory_space<hbm>> -> memref<2x40xi32, #tpu.memory_space<hbm>>
    tpu.wait_dma2 semaphore(%arg21 : memref<!tpu.dma_semaphore, #tpu.memory_space<semaphore_mem>>) src(%dma_wait3A_79 : memref<2x40xi32, #tpu.memory_space<hbm>>) dst(%arg8 : memref<2x40xi32, #tpu.memory_space<vmem>>)
    %dma_start3A_80 = arith.constant 1 : i32
    %dma_start3A_81 = arith.constant 0 : i32
    %dma_start3A_82 = tpu.memref_slice %arg8[%dma_start3A_80, %dma_start3A_81] : memref<2x40xi32, #tpu.memory_space<vmem>> -> memref<1x40xi32, #tpu.memory_space<vmem>>
    %dma_start3A_83 = tpu.memref_squeeze %dma_start3A_82 : memref<1x40xi32, #tpu.memory_space<vmem>> -> memref<40xi32, #tpu.memory_space<vmem>>
    %dma_start3A_84 = arith.constant 0 : i32
    %dma_start3A_85 = arith.constant 0 : i32
    %dma_start3A_86 = tpu.memref_slice %arg2[%arg0, %dma_start3A_84, %dma_start3A_85] : memref<2x10000x128xf32, #tpu.memory_space<hbm>> -> memref<1x10000x128xf32, #tpu.memory_space<hbm>>
    %dma_start3A_87 = tpu.memref_squeeze %dma_start3A_86 : memref<1x10000x128xf32, #tpu.memory_space<hbm>> -> memref<10000x128xf32, #tpu.memory_space<hbm>>
    %dma_start3A_88 = arith.constant 0 : i32
    %dma_start3A_89 = arith.constant 0 : i32
    %dma_start3A_90 = tpu.memref_slice %dma_start3A_87[%dma_start3A_88, %dma_start3A_89] : memref<10000x128xf32, #tpu.memory_space<hbm>> -> memref<10000x128xf32, #tpu.memory_space<hbm>>
    tpu.enqueue_indirect_dma source(%dma_start3A_90 : memref<10000x128xf32, #tpu.memory_space<hbm>>) target(%arg12 : memref<40x128xf32, #tpu.memory_space<vmem>>) offsets(%dma_start3A_83 : memref<40xi32, #tpu.memory_space<vmem>>) semaphore(%arg25 : memref<!tpu.dma_semaphore, #tpu.memory_space<semaphore_mem>>)
    %dma_start3A_91 = arith.constant 0 : i32
    %dma_start3A_92 = arith.constant 0 : i32
    %dma_start3A_93 = tpu.memref_slice %arg8[%dma_start3A_91, %dma_start3A_92] : memref<2x40xi32, #tpu.memory_space<vmem>> -> memref<1x40xi32, #tpu.memory_space<vmem>>
    %dma_start3A_94 = tpu.memref_squeeze %dma_start3A_93 : memref<1x40xi32, #tpu.memory_space<vmem>> -> memref<40xi32, #tpu.memory_space<vmem>>
    %dma_start3A_95 = arith.constant 0 : i32
    %dma_start3A_96 = arith.constant 0 : i32
    %dma_start3A_97 = tpu.memref_slice %arg3[%arg0, %dma_start3A_95, %dma_start3A_96] : memref<2x10000x128xf32, #tpu.memory_space<hbm>> -> memref<1x10000x128xf32, #tpu.memory_space<hbm>>
    %dma_start3A_98 = tpu.memref_squeeze %dma_start3A_97 : memref<1x10000x128xf32, #tpu.memory_space<hbm>> -> memref<10000x128xf32, #tpu.memory_space<hbm>>
    %dma_start3A_99 = arith.constant 0 : i32
    %dma_start3A_100 = arith.constant 0 : i32
    %dma_start3A_101 = tpu.memref_slice %dma_start3A_98[%dma_start3A_99, %dma_start3A_100] : memref<10000x128xf32, #tpu.memory_space<hbm>> -> memref<10000x128xf32, #tpu.memory_space<hbm>>
    tpu.enqueue_indirect_dma source(%dma_start3A_101 : memref<10000x128xf32, #tpu.memory_space<hbm>>) target(%arg14 : memref<40x128xf32, #tpu.memory_space<vmem>>) offsets(%dma_start3A_94 : memref<40xi32, #tpu.memory_space<vmem>>) semaphore(%arg26 : memref<!tpu.dma_semaphore, #tpu.memory_space<semaphore_mem>>)
    %dma_wait3A_102 = arith.constant 0 : i32
    %dma_wait3A_103 = arith.constant 0 : i32
    %dma_wait3A_104 = tpu.memref_slice %arg4[%dma_wait3A_102, %dma_wait3A_103] : memref<2x320000xi32, #tpu.memory_space<hbm>> -> memref<2x40xi32, #tpu.memory_space<hbm>>
    %dma_wait3A_105 = arith.constant 0 : i32
    %dma_wait3A_106 = arith.constant 0 : i32
    %dma_wait3A_107 = tpu.memref_slice %arg4[%dma_wait3A_105, %dma_wait3A_106] : memref<2x320000xi32, #tpu.memory_space<hbm>> -> memref<2x40xi32, #tpu.memory_space<hbm>>
    tpu.wait_dma2 semaphore(%arg22 : memref<!tpu.dma_semaphore, #tpu.memory_space<semaphore_mem>>) src(%dma_wait3A_107 : memref<2x40xi32, #tpu.memory_space<hbm>>) dst(%arg9 : memref<2x40xi32, #tpu.memory_space<vmem>>)
    %dma_start3A_108 = arith.constant 1 : i32
    %dma_start3A_109 = arith.constant 0 : i32
    %dma_start3A_110 = tpu.memref_slice %arg9[%dma_start3A_108, %dma_start3A_109] : memref<2x40xi32, #tpu.memory_space<vmem>> -> memref<1x40xi32, #tpu.memory_space<vmem>>
    %dma_start3A_111 = tpu.memref_squeeze %dma_start3A_110 : memref<1x40xi32, #tpu.memory_space<vmem>> -> memref<40xi32, #tpu.memory_space<vmem>>
    %dma_start3A_112 = arith.constant 0 : i32
    %dma_start3A_113 = arith.constant 0 : i32
    %dma_start3A_114 = tpu.memref_slice %arg2[%arg0, %dma_start3A_112, %dma_start3A_113] : memref<2x10000x128xf32, #tpu.memory_space<hbm>> -> memref<1x10000x128xf32, #tpu.memory_space<hbm>>
    %dma_start3A_115 = tpu.memref_squeeze %dma_start3A_114 : memref<1x10000x128xf32, #tpu.memory_space<hbm>> -> memref<10000x128xf32, #tpu.memory_space<hbm>>
    %dma_start3A_116 = arith.constant 0 : i32
    %dma_start3A_117 = arith.constant 0 : i32
    %dma_start3A_118 = tpu.memref_slice %dma_start3A_115[%dma_start3A_116, %dma_start3A_117] : memref<10000x128xf32, #tpu.memory_space<hbm>> -> memref<10000x128xf32, #tpu.memory_space<hbm>>
    tpu.enqueue_indirect_dma source(%dma_start3A_118 : memref<10000x128xf32, #tpu.memory_space<hbm>>) target(%arg13 : memref<40x128xf32, #tpu.memory_space<vmem>>) offsets(%dma_start3A_111 : memref<40xi32, #tpu.memory_space<vmem>>) semaphore(%arg27 : memref<!tpu.dma_semaphore, #tpu.memory_space<semaphore_mem>>)
    %dma_start3A_119 = arith.constant 0 : i32
    %dma_start3A_120 = arith.constant 0 : i32
    %dma_start3A_121 = tpu.memref_slice %arg9[%dma_start3A_119, %dma_start3A_120] : memref<2x40xi32, #tpu.memory_space<vmem>> -> memref<1x40xi32, #tpu.memory_space<vmem>>
    %dma_start3A_122 = tpu.memref_squeeze %dma_start3A_121 : memref<1x40xi32, #tpu.memory_space<vmem>> -> memref<40xi32, #tpu.memory_space<vmem>>
    %dma_start3A_123 = arith.constant 0 : i32
    %dma_start3A_124 = arith.constant 0 : i32
    %dma_start3A_125 = tpu.memref_slice %arg3[%arg0, %dma_start3A_123, %dma_start3A_124] : memref<2x10000x128xf32, #tpu.memory_space<hbm>> -> memref<1x10000x128xf32, #tpu.memory_space<hbm>>
    %dma_start3A_126 = tpu.memref_squeeze %dma_start3A_125 : memref<1x10000x128xf32, #tpu.memory_space<hbm>> -> memref<10000x128xf32, #tpu.memory_space<hbm>>
    %dma_start3A_127 = arith.constant 0 : i32
    %dma_start3A_128 = arith.constant 0 : i32
    %dma_start3A_129 = tpu.memref_slice %dma_start3A_126[%dma_start3A_127, %dma_start3A_128] : memref<10000x128xf32, #tpu.memory_space<hbm>> -> memref<10000x128xf32, #tpu.memory_space<hbm>>
    tpu.enqueue_indirect_dma source(%dma_start3A_129 : memref<10000x128xf32, #tpu.memory_space<hbm>>) target(%arg15 : memref<40x128xf32, #tpu.memory_space<vmem>>) offsets(%dma_start3A_122 : memref<40xi32, #tpu.memory_space<vmem>>) semaphore(%arg28 : memref<!tpu.dma_semaphore, #tpu.memory_space<semaphore_mem>>)
    %get3A = arith.constant 1 : i32
    %get3A_130 = arith.index_cast %get3A : i32 to index
    %get3A_131 = arith.constant 0 : index
    %get3A_132 = tpu.vector_load %arg8[%get3A_130, %get3A_131] {strides = array<i32>} : memref<2x40xi32, #tpu.memory_space<vmem>>, vector<16xi32>,
    %swap3A = arith.constant 0 : index
    %swap3A_133 = tpu.vector_load %arg18[%swap3A] {strides = array<i32>} : memref<40xi32, #tpu.memory_space<vmem>>, vector<16xi32>,
    tpu.vector_store %arg18[%swap3A], %get3A_132 {strides = array<i32>} : memref<40xi32, #tpu.memory_space<vmem>>, vector<16xi32>,
    %get3A_134 = arith.constant 1 : i32
    %get3A_135 = arith.index_cast %get3A_134 : i32 to index
    %get3A_136 = arith.constant 16 : index
    %get3A_137 = tpu.vector_load %arg8[%get3A_135, %get3A_136] {strides = array<i32>} : memref<2x40xi32, #tpu.memory_space<vmem>>, vector<16xi32>,
    %swap3A_138 = arith.constant 16 : index
    %swap3A_139 = tpu.vector_load %arg18[%swap3A_138] {strides = array<i32>} : memref<40xi32, #tpu.memory_space<vmem>>, vector<16xi32>,
    tpu.vector_store %arg18[%swap3A_138], %get3A_137 {strides = array<i32>} : memref<40xi32, #tpu.memory_space<vmem>>, vector<16xi32>,
    %get3A_140 = arith.constant 1 : i32
    %get3A_141 = arith.index_cast %get3A_140 : i32 to index
    %get3A_142 = arith.constant 24 : index
    %get3A_143 = tpu.vector_load %arg8[%get3A_141, %get3A_142] {strides = array<i32>} : memref<2x40xi32, #tpu.memory_space<vmem>>, vector<16xi32>,
    %swap3A_144 = arith.constant 24 : index
    %swap3A_145 = tpu.vector_load %arg18[%swap3A_144] {strides = array<i32>} : memref<40xi32, #tpu.memory_space<vmem>>, vector<16xi32>,
    tpu.vector_store %arg18[%swap3A_144], %get3A_143 {strides = array<i32>} : memref<40xi32, #tpu.memory_space<vmem>>, vector<16xi32>,
    %get3A_146 = arith.constant 1 : i32
    %get3A_147 = arith.index_cast %get3A_146 : i32 to index
    %get3A_148 = arith.constant 0 : index
    %get3A_149 = tpu.vector_load %arg9[%get3A_147, %get3A_148] {strides = array<i32>} : memref<2x40xi32, #tpu.memory_space<vmem>>, vector<16xi32>,
    %swap3A_150 = arith.constant 0 : index
    %swap3A_151 = tpu.vector_load %arg19[%swap3A_150] {strides = array<i32>} : memref<40xi32, #tpu.memory_space<vmem>>, vector<16xi32>,
    tpu.vector_store %arg19[%swap3A_150], %get3A_149 {strides = array<i32>} : memref<40xi32, #tpu.memory_space<vmem>>, vector<16xi32>,
    %get3A_152 = arith.constant 1 : i32
    %get3A_153 = arith.index_cast %get3A_152 : i32 to index
    %get3A_154 = arith.constant 16 : index
    %get3A_155 = tpu.vector_load %arg9[%get3A_153, %get3A_154] {strides = array<i32>} : memref<2x40xi32, #tpu.memory_space<vmem>>, vector<16xi32>,
    %swap3A_156 = arith.constant 16 : index
    %swap3A_157 = tpu.vector_load %arg19[%swap3A_156] {strides = array<i32>} : memref<40xi32, #tpu.memory_space<vmem>>, vector<16xi32>,
    tpu.vector_store %arg19[%swap3A_156], %get3A_155 {strides = array<i32>} : memref<40xi32, #tpu.memory_space<vmem>>, vector<16xi32>,
    %get3A_158 = arith.constant 1 : i32
    %get3A_159 = arith.index_cast %get3A_158 : i32 to index
    %get3A_160 = arith.constant 24 : index
    %get3A_161 = tpu.vector_load %arg9[%get3A_159, %get3A_160] {strides = array<i32>} : memref<2x40xi32, #tpu.memory_space<vmem>>, vector<16xi32>,
    %swap3A_162 = arith.constant 24 : index
    %swap3A_163 = tpu.vector_load %arg19[%swap3A_162] {strides = array<i32>} : memref<40xi32, #tpu.memory_space<vmem>>, vector<16xi32>,
    tpu.vector_store %arg19[%swap3A_162], %get3A_161 {strides = array<i32>} : memref<40xi32, #tpu.memory_space<vmem>>, vector<16xi32>,
    %dma_start3A_164 = arith.constant 0 : i32
    %dma_start3A_165 = arith.constant 0 : i32
    %dma_start3A_166 = tpu.memref_slice %arg20[%dma_start3A_164, %dma_start3A_165] : memref<10000x144xf32, #tpu.memory_space<vmem_shared>> -> memref<10000x144xf32, #tpu.memory_space<vmem_shared>>
    tpu.enqueue_indirect_dma source(%arg16 : memref<40x144xf32, #tpu.memory_space<vmem>>) target(%dma_start3A_166 : memref<10000x144xf32, #tpu.memory_space<vmem_shared>>) offsets(%arg18 : memref<40xi32, #tpu.memory_space<vmem>>) semaphore(%arg29 : memref<!tpu.dma_semaphore, #tpu.memory_space<semaphore_mem>>) {add = true}
    %dma_start3A_167 = arith.constant 0 : i32
    %dma_start3A_168 = arith.constant 0 : i32
    %dma_start3A_169 = tpu.memref_slice %arg20[%dma_start3A_167, %dma_start3A_168] : memref<10000x144xf32, #tpu.memory_space<vmem_shared>> -> memref<10000x144xf32, #tpu.memory_space<vmem_shared>>
    tpu.enqueue_indirect_dma source(%arg17 : memref<40x144xf32, #tpu.memory_space<vmem>>) target(%dma_start3A_169 : memref<10000x144xf32, #tpu.memory_space<vmem_shared>>) offsets(%arg19 : memref<40xi32, #tpu.memory_space<vmem>>) semaphore(%arg30 : memref<!tpu.dma_semaphore, #tpu.memory_space<semaphore_mem>>) {add = true}
    %scan3A_170 = arith.constant 0 : i32
    %scan3A_171 = arith.constant 0 : i32
    %scan3A_172 = arith.constant 250 : i32
    %scan3A_173 = arith.addi %scan3A_171, %scan3A_172 : i32
    %scan3A_174 = arith.constant 1 : i32
    %scan3A_175 = scf.for %scan3A_242 = %scan3A_171 to %scan3A_173 step %scan3A_174 iter_args(%scan3A_243 = %scan3A_170) -> (i32)  : i32 {
      %mul3A_244 = arith.constant 2 : i32
      %mul3A_245 = arith.muli %scan3A_242, %mul3A_244 : i32
      %dma_wait3A_246 = arith.constant 1 : i32
      %dma_wait3A_247 = arith.constant 0 : i32
      %dma_wait3A_248 = tpu.memref_slice %arg8[%dma_wait3A_246, %dma_wait3A_247] : memref<2x40xi32, #tpu.memory_space<vmem>> -> memref<1x40xi32, #tpu.memory_space<vmem>>
      %dma_wait3A_249 = tpu.memref_squeeze %dma_wait3A_248 : memref<1x40xi32, #tpu.memory_space<vmem>> -> memref<40xi32, #tpu.memory_space<vmem>>
      %dma_wait3A_250 = arith.constant 0 : i32
      %dma_wait3A_251 = arith.constant 0 : i32
      %dma_wait3A_252 = tpu.memref_slice %arg2[%arg0, %dma_wait3A_250, %dma_wait3A_251] : memref<2x10000x128xf32, #tpu.memory_space<hbm>> -> memref<1x10000x128xf32, #tpu.memory_space<hbm>>
      %dma_wait3A_253 = tpu.memref_squeeze %dma_wait3A_252 : memref<1x10000x128xf32, #tpu.memory_space<hbm>> -> memref<10000x128xf32, #tpu.memory_space<hbm>>
      %dma_wait3A_254 = arith.constant 0 : i32
      %dma_wait3A_255 = arith.constant 0 : i32
      %dma_wait3A_256 = tpu.memref_slice %dma_wait3A_253[%dma_wait3A_254, %dma_wait3A_255] : memref<10000x128xf32, #tpu.memory_space<hbm>> -> memref<10000x128xf32, #tpu.memory_space<hbm>>
      tpu.wait_indirect_dma semaphore(%arg25 : memref<!tpu.dma_semaphore, #tpu.memory_space<semaphore_mem>>) src(%dma_wait3A_256 : memref<10000x128xf32, #tpu.memory_space<hbm>>) dst(%arg12 : memref<40x128xf32, #tpu.memory_space<vmem>>)
      %dma_wait3A_257 = arith.constant 0 : i32
      %dma_wait3A_258 = arith.constant 0 : i32
      %dma_wait3A_259 = tpu.memref_slice %arg8[%dma_wait3A_257, %dma_wait3A_258] : memref<2x40xi32, #tpu.memory_space<vmem>> -> memref<1x40xi32, #tpu.memory_space<vmem>>
      %dma_wait3A_260 = tpu.memref_squeeze %dma_wait3A_259 : memref<1x40xi32, #tpu.memory_space<vmem>> -> memref<40xi32, #tpu.memory_space<vmem>>
      %dma_wait3A_261 = arith.constant 0 : i32
      %dma_wait3A_262 = arith.constant 0 : i32
      %dma_wait3A_263 = tpu.memref_slice %arg3[%arg0, %dma_wait3A_261, %dma_wait3A_262] : memref<2x10000x128xf32, #tpu.memory_space<hbm>> -> memref<1x10000x128xf32, #tpu.memory_space<hbm>>
      %dma_wait3A_264 = tpu.memref_squeeze %dma_wait3A_263 : memref<1x10000x128xf32, #tpu.memory_space<hbm>> -> memref<10000x128xf32, #tpu.memory_space<hbm>>
      %dma_wait3A_265 = arith.constant 0 : i32
      %dma_wait3A_266 = arith.constant 0 : i32
      %dma_wait3A_267 = tpu.memref_slice %dma_wait3A_264[%dma_wait3A_265, %dma_wait3A_266] : memref<10000x128xf32, #tpu.memory_space<hbm>> -> memref<10000x128xf32, #tpu.memory_space<hbm>>
      tpu.wait_indirect_dma semaphore(%arg26 : memref<!tpu.dma_semaphore, #tpu.memory_space<semaphore_mem>>) src(%dma_wait3A_267 : memref<10000x128xf32, #tpu.memory_space<hbm>>) dst(%arg14 : memref<40x128xf32, #tpu.memory_space<vmem>>)
      %dma_wait3A_268 = arith.constant 0 : i32
      %dma_wait3A_269 = arith.constant 0 : i32
      %dma_wait3A_270 = tpu.memref_slice %arg5[%dma_wait3A_268, %dma_wait3A_269] : memref<320000x16xf32, #tpu.memory_space<hbm>> -> memref<40x16xf32, #tpu.memory_space<hbm>>
      %dma_wait3A_271 = arith.constant 0 : i32
      %dma_wait3A_272 = arith.constant 0 : i32
      %dma_wait3A_273 = tpu.memref_slice %arg5[%dma_wait3A_271, %dma_wait3A_272] : memref<320000x16xf32, #tpu.memory_space<hbm>> -> memref<40x16xf32, #tpu.memory_space<hbm>>
      tpu.wait_dma2 semaphore(%arg23 : memref<!tpu.dma_semaphore, #tpu.memory_space<semaphore_mem>>) src(%dma_wait3A_273 : memref<40x16xf32, #tpu.memory_space<hbm>>) dst(%arg10 : memref<40x16xf32, #tpu.memory_space<vmem>>)
      %dma_wait3A_274 = arith.constant 0 : i32
      %dma_wait3A_275 = arith.constant 0 : i32
      %dma_wait3A_276 = tpu.memref_slice %arg20[%dma_wait3A_274, %dma_wait3A_275] : memref<10000x144xf32, #tpu.memory_space<vmem_shared>> -> memref<10000x144xf32, #tpu.memory_space<vmem_shared>>
      tpu.wait_indirect_dma semaphore(%arg29 : memref<!tpu.dma_semaphore, #tpu.memory_space<semaphore_mem>>) src(%arg16 : memref<40x144xf32, #tpu.memory_space<vmem>>) dst(%dma_wait3A_276 : memref<10000x144xf32, #tpu.memory_space<vmem_shared>>)
      %get3A_277 = arith.constant 1 : i32
      %get3A_278 = arith.index_cast %get3A_277 : i32 to index
      %get3A_279 = arith.constant 0 : index
      %get3A_280 = tpu.vector_load %arg8[%get3A_278, %get3A_279] {strides = array<i32>} : memref<2x40xi32, #tpu.memory_space<vmem>>, vector<16xi32>,
      %swap3A_281 = arith.constant 0 : index
      %swap3A_282 = tpu.vector_load %arg18[%swap3A_281] {strides = array<i32>} : memref<40xi32, #tpu.memory_space<vmem>>, vector<16xi32>,
      tpu.vector_store %arg18[%swap3A_281], %get3A_280 {strides = array<i32>} : memref<40xi32, #tpu.memory_space<vmem>>, vector<16xi32>,
      %get3A_283 = arith.constant 1 : i32
      %get3A_284 = arith.index_cast %get3A_283 : i32 to index
      %get3A_285 = arith.constant 16 : index
      %get3A_286 = tpu.vector_load %arg8[%get3A_284, %get3A_285] {strides = array<i32>} : memref<2x40xi32, #tpu.memory_space<vmem>>, vector<16xi32>,
      %swap3A_287 = arith.constant 16 : index
      %swap3A_288 = tpu.vector_load %arg18[%swap3A_287] {strides = array<i32>} : memref<40xi32, #tpu.memory_space<vmem>>, vector<16xi32>,
      tpu.vector_store %arg18[%swap3A_287], %get3A_286 {strides = array<i32>} : memref<40xi32, #tpu.memory_space<vmem>>, vector<16xi32>,
      %get3A_289 = arith.constant 1 : i32
      %get3A_290 = arith.index_cast %get3A_289 : i32 to index
      %get3A_291 = arith.constant 24 : index
      %get3A_292 = tpu.vector_load %arg8[%get3A_290, %get3A_291] {strides = array<i32>} : memref<2x40xi32, #tpu.memory_space<vmem>>, vector<16xi32>,
      %swap3A_293 = arith.constant 24 : index
      %swap3A_294 = tpu.vector_load %arg18[%swap3A_293] {strides = array<i32>} : memref<40xi32, #tpu.memory_space<vmem>>, vector<16xi32>,
      tpu.vector_store %arg18[%swap3A_293], %get3A_292 {strides = array<i32>} : memref<40xi32, #tpu.memory_space<vmem>>, vector<16xi32>,
      %parallel_loop3A = arith.constant 0 : i32
      %parallel_loop3A_295 = arith.constant 40 : i32
      %parallel_loop3A_296 = arith.constant 1 : i32
      scf.for %parallel_loop3A_446 = %parallel_loop3A to %parallel_loop3A_295 step %parallel_loop3A_296  : i32 {
        %parallel_loop3A_447 = arith.index_cast %parallel_loop3A_446 : i32 to index
        %parallel_loop3A_448 = arith.constant 0 : index
        %parallel_loop3A_449 = tpu.vector_load %arg10[%parallel_loop3A_447, %parallel_loop3A_448] {strides = array<i32>} : memref<40x16xf32, #tpu.memory_space<vmem>>, vector<16xf32>,
        %parallel_loop3A_450 = arith.index_cast %parallel_loop3A_446 : i32 to index
        %parallel_loop3A_451 = arith.constant 0 : index
        %parallel_loop3A_452 = tpu.vector_load %arg12[%parallel_loop3A_450, %parallel_loop3A_451] {strides = array<i32>} : memref<40x128xf32, #tpu.memory_space<vmem>>, vector<16xf32>,
        %parallel_loop3A_453 = arith.index_cast %parallel_loop3A_446 : i32 to index
        %parallel_loop3A_454 = arith.constant 0 : index
        %parallel_loop3A_455 = tpu.vector_load %arg14[%parallel_loop3A_453, %parallel_loop3A_454] {strides = array<i32>} : memref<40x128xf32, #tpu.memory_space<vmem>>, vector<16xf32>,
        %parallel_loop3A_456 = arith.mulf %parallel_loop3A_452, %parallel_loop3A_455 : vector<16xf32>
        %parallel_loop3A_457 = arith.index_cast %parallel_loop3A_446 : i32 to index
        %parallel_loop3A_458 = arith.constant 64 : index
        %parallel_loop3A_459 = tpu.vector_load %arg12[%parallel_loop3A_457, %parallel_loop3A_458] {strides = array<i32>} : memref<40x128xf32, #tpu.memory_space<vmem>>, vector<16xf32>,
        %parallel_loop3A_460 = arith.mulf %parallel_loop3A_449, %parallel_loop3A_459 : vector<16xf32>
        %parallel_loop3A_461 = arith.addf %parallel_loop3A_456, %parallel_loop3A_460 : vector<16xf32>
        %parallel_loop3A_462 = arith.constant 0 : i32
        %parallel_loop3A_463 = vector.broadcast %parallel_loop3A_462 : i32 to vector<16xi32>
        %parallel_loop3A_464 = arith.cmpi slt, %xor3A_17, %parallel_loop3A_463 : vector<16xi32>
        %parallel_loop3A_465 = arith.constant 16 : i32
        %parallel_loop3A_466 = vector.broadcast %parallel_loop3A_465 : i32 to vector<16xi32>
        %parallel_loop3A_467 = arith.addi %xor3A_17, %parallel_loop3A_466 : vector<16xi32>
        %parallel_loop3A_468 = arith.select %parallel_loop3A_464, %parallel_loop3A_467, %xor3A_17 : vector<16xi1>, vector<16xi32>
        %parallel_loop3A_469 = vector.shape_cast %parallel_loop3A_468 : vector<16xi32> to vector<16x1xi32>
        %parallel_loop3A_470 = vector.shape_cast %parallel_loop3A_469 : vector<16x1xi32> to vector<16xi32>
        %parallel_loop3A_471 = tpu.dynamic_gather %parallel_loop3A_461[%parallel_loop3A_470] in [0] : vector<16xf32>, vector<16xi32> -> vector<16xf32>
        %parallel_loop3A_472 = arith.addf %parallel_loop3A_461, %parallel_loop3A_471 : vector<16xf32>
        %parallel_loop3A_473 = arith.constant 0 : i32
        %parallel_loop3A_474 = vector.broadcast %parallel_loop3A_473 : i32 to vector<16xi32>
        %parallel_loop3A_475 = arith.cmpi slt, %xor3A_20, %parallel_loop3A_474 : vector<16xi32>
        %parallel_loop3A_476 = arith.constant 16 : i32
        %parallel_loop3A_477 = vector.broadcast %parallel_loop3A_476 : i32 to vector<16xi32>
        %parallel_loop3A_478 = arith.addi %xor3A_20, %parallel_loop3A_477 : vector<16xi32>
        %parallel_loop3A_479 = arith.select %parallel_loop3A_475, %parallel_loop3A_478, %xor3A_20 : vector<16xi1>, vector<16xi32>
        %parallel_loop3A_480 = vector.shape_cast %parallel_loop3A_479 : vector<16xi32> to vector<16x1xi32>
        %parallel_loop3A_481 = vector.shape_cast %parallel_loop3A_480 : vector<16x1xi32> to vector<16xi32>
        %parallel_loop3A_482 = tpu.dynamic_gather %parallel_loop3A_472[%parallel_loop3A_481] in [0] : vector<16xf32>, vector<16xi32> -> vector<16xf32>
        %parallel_loop3A_483 = arith.addf %parallel_loop3A_472, %parallel_loop3A_482 : vector<16xf32>
        %parallel_loop3A_484 = arith.constant 0 : i32
        %parallel_loop3A_485 = vector.broadcast %parallel_loop3A_484 : i32 to vector<16xi32>
        %parallel_loop3A_486 = arith.cmpi slt, %xor3A_23, %parallel_loop3A_485 : vector<16xi32>
        %parallel_loop3A_487 = arith.constant 16 : i32
        %parallel_loop3A_488 = vector.broadcast %parallel_loop3A_487 : i32 to vector<16xi32>
        %parallel_loop3A_489 = arith.addi %xor3A_23, %parallel_loop3A_488 : vector<16xi32>
        %parallel_loop3A_490 = arith.select %parallel_loop3A_486, %parallel_loop3A_489, %xor3A_23 : vector<16xi1>, vector<16xi32>
        %parallel_loop3A_491 = vector.shape_cast %parallel_loop3A_490 : vector<16xi32> to vector<16x1xi32>
        %parallel_loop3A_492 = vector.shape_cast %parallel_loop3A_491 : vector<16x1xi32> to vector<16xi32>
        %parallel_loop3A_493 = tpu.dynamic_gather %parallel_loop3A_483[%parallel_loop3A_492] in [0] : vector<16xf32>, vector<16xi32> -> vector<16xf32>
        %parallel_loop3A_494 = arith.addf %parallel_loop3A_483, %parallel_loop3A_493 : vector<16xf32>
        %parallel_loop3A_495 = arith.constant 0 : i32
        %parallel_loop3A_496 = vector.broadcast %parallel_loop3A_495 : i32 to vector<16xi32>
        %parallel_loop3A_497 = arith.cmpi slt, %xor3A_26, %parallel_loop3A_496 : vector<16xi32>
        %parallel_loop3A_498 = arith.constant 16 : i32
        %parallel_loop3A_499 = vector.broadcast %parallel_loop3A_498 : i32 to vector<16xi32>
        %parallel_loop3A_500 = arith.addi %xor3A_26, %parallel_loop3A_499 : vector<16xi32>
        %parallel_loop3A_501 = arith.select %parallel_loop3A_497, %parallel_loop3A_500, %xor3A_26 : vector<16xi1>, vector<16xi32>
        %parallel_loop3A_502 = vector.shape_cast %parallel_loop3A_501 : vector<16xi32> to vector<16x1xi32>
        %parallel_loop3A_503 = vector.shape_cast %parallel_loop3A_502 : vector<16x1xi32> to vector<16xi32>
        %parallel_loop3A_504 = tpu.dynamic_gather %parallel_loop3A_494[%parallel_loop3A_503] in [0] : vector<16xf32>, vector<16xi32> -> vector<16xf32>
        %parallel_loop3A_505 = arith.addf %parallel_loop3A_494, %parallel_loop3A_504 : vector<16xf32>
        %parallel_loop3A_506 = arith.mulf %parallel_loop3A_505, %convert_element_type3A_29 : vector<16xf32>
        %parallel_loop3A_507 = arith.addf %broadcast_in_dim3A_0, %parallel_loop3A_506 : vector<16xf32>
        %parallel_loop3A_508 = arith.index_cast %parallel_loop3A_446 : i32 to index
        %parallel_loop3A_509 = arith.constant 16 : index
        %parallel_loop3A_510 = tpu.vector_load %arg12[%parallel_loop3A_508, %parallel_loop3A_509] {strides = array<i32>} : memref<40x128xf32, #tpu.memory_space<vmem>>, vector<16xf32>,
        %parallel_loop3A_511 = arith.index_cast %parallel_loop3A_446 : i32 to index
        %parallel_loop3A_512 = arith.constant 16 : index
        %parallel_loop3A_513 = tpu.vector_load %arg14[%parallel_loop3A_511, %parallel_loop3A_512] {strides = array<i32>} : memref<40x128xf32, #tpu.memory_space<vmem>>, vector<16xf32>,
        %parallel_loop3A_514 = arith.mulf %parallel_loop3A_510, %parallel_loop3A_513 : vector<16xf32>
        %parallel_loop3A_515 = arith.index_cast %parallel_loop3A_446 : i32 to index
        %parallel_loop3A_516 = arith.constant 80 : index
        %parallel_loop3A_517 = tpu.vector_load %arg12[%parallel_loop3A_515, %parallel_loop3A_516] {strides = array<i32>} : memref<40x128xf32, #tpu.memory_space<vmem>>, vector<16xf32>,
        %parallel_loop3A_518 = arith.mulf %parallel_loop3A_449, %parallel_loop3A_517 : vector<16xf32>
        %parallel_loop3A_519 = arith.addf %parallel_loop3A_514, %parallel_loop3A_518 : vector<16xf32>
        %parallel_loop3A_520 = arith.constant 0 : i32
        %parallel_loop3A_521 = vector.broadcast %parallel_loop3A_520 : i32 to vector<16xi32>
        %parallel_loop3A_522 = arith.cmpi slt, %xor3A_17, %parallel_loop3A_521 : vector<16xi32>
        %parallel_loop3A_523 = arith.constant 16 : i32
        %parallel_loop3A_524 = vector.broadcast %parallel_loop3A_523 : i32 to vector<16xi32>
        %parallel_loop3A_525 = arith.addi %xor3A_17, %parallel_loop3A_524 : vector<16xi32>
        %parallel_loop3A_526 = arith.select %parallel_loop3A_522, %parallel_loop3A_525, %xor3A_17 : vector<16xi1>, vector<16xi32>
        %parallel_loop3A_527 = vector.shape_cast %parallel_loop3A_526 : vector<16xi32> to vector<16x1xi32>
        %parallel_loop3A_528 = vector.shape_cast %parallel_loop3A_527 : vector<16x1xi32> to vector<16xi32>
        %parallel_loop3A_529 = tpu.dynamic_gather %parallel_loop3A_519[%parallel_loop3A_528] in [0] : vector<16xf32>, vector<16xi32> -> vector<16xf32>
        %parallel_loop3A_530 = arith.addf %parallel_loop3A_519, %parallel_loop3A_529 : vector<16xf32>
        %parallel_loop3A_531 = arith.constant 0 : i32
        %parallel_loop3A_532 = vector.broadcast %parallel_loop3A_531 : i32 to vector<16xi32>
        %parallel_loop3A_533 = arith.cmpi slt, %xor3A_20, %parallel_loop3A_532 : vector<16xi32>
        %parallel_loop3A_534 = arith.constant 16 : i32
        %parallel_loop3A_535 = vector.broadcast %parallel_loop3A_534 : i32 to vector<16xi32>
        %parallel_loop3A_536 = arith.addi %xor3A_20, %parallel_loop3A_535 : vector<16xi32>
        %parallel_loop3A_537 = arith.select %parallel_loop3A_533, %parallel_loop3A_536, %xor3A_20 : vector<16xi1>, vector<16xi32>
        %parallel_loop3A_538 = vector.shape_cast %parallel_loop3A_537 : vector<16xi32> to vector<16x1xi32>
        %parallel_loop3A_539 = vector.shape_cast %parallel_loop3A_538 : vector<16x1xi32> to vector<16xi32>
        %parallel_loop3A_540 = tpu.dynamic_gather %parallel_loop3A_530[%parallel_loop3A_539] in [0] : vector<16xf32>, vector<16xi32> -> vector<16xf32>
        %parallel_loop3A_541 = arith.addf %parallel_loop3A_530, %parallel_loop3A_540 : vector<16xf32>
        %parallel_loop3A_542 = arith.constant 0 : i32
        %parallel_loop3A_543 = vector.broadcast %parallel_loop3A_542 : i32 to vector<16xi32>
        %parallel_loop3A_544 = arith.cmpi slt, %xor3A_23, %parallel_loop3A_543 : vector<16xi32>
        %parallel_loop3A_545 = arith.constant 16 : i32
        %parallel_loop3A_546 = vector.broadcast %parallel_loop3A_545 : i32 to vector<16xi32>
        %parallel_loop3A_547 = arith.addi %xor3A_23, %parallel_loop3A_546 : vector<16xi32>
        %parallel_loop3A_548 = arith.select %parallel_loop3A_544, %parallel_loop3A_547, %xor3A_23 : vector<16xi1>, vector<16xi32>
        %parallel_loop3A_549 = vector.shape_cast %parallel_loop3A_548 : vector<16xi32> to vector<16x1xi32>
        %parallel_loop3A_550 = vector.shape_cast %parallel_loop3A_549 : vector<16x1xi32> to vector<16xi32>
        %parallel_loop3A_551 = tpu.dynamic_gather %parallel_loop3A_541[%parallel_loop3A_550] in [0] : vector<16xf32>, vector<16xi32> -> vector<16xf32>
        %parallel_loop3A_552 = arith.addf %parallel_loop3A_541, %parallel_loop3A_551 : vector<16xf32>
        %parallel_loop3A_553 = arith.constant 0 : i32
        %parallel_loop3A_554 = vector.broadcast %parallel_loop3A_553 : i32 to vector<16xi32>
        %parallel_loop3A_555 = arith.cmpi slt, %xor3A_26, %parallel_loop3A_554 : vector<16xi32>
        %parallel_loop3A_556 = arith.constant 16 : i32
        %parallel_loop3A_557 = vector.broadcast %parallel_loop3A_556 : i32 to vector<16xi32>
        %parallel_loop3A_558 = arith.addi %xor3A_26, %parallel_loop3A_557 : vector<16xi32>
        %parallel_loop3A_559 = arith.select %parallel_loop3A_555, %parallel_loop3A_558, %xor3A_26 : vector<16xi1>, vector<16xi32>
        %parallel_loop3A_560 = vector.shape_cast %parallel_loop3A_559 : vector<16xi32> to vector<16x1xi32>
        %parallel_loop3A_561 = vector.shape_cast %parallel_loop3A_560 : vector<16x1xi32> to vector<16xi32>
        %parallel_loop3A_562 = tpu.dynamic_gather %parallel_loop3A_552[%parallel_loop3A_561] in [0] : vector<16xf32>, vector<16xi32> -> vector<16xf32>
        %parallel_loop3A_563 = arith.addf %parallel_loop3A_552, %parallel_loop3A_562 : vector<16xf32>
        %parallel_loop3A_564 = arith.mulf %parallel_loop3A_563, %convert_element_type3A_34 : vector<16xf32>
        %parallel_loop3A_565 = arith.addf %parallel_loop3A_507, %parallel_loop3A_564 : vector<16xf32>
        %parallel_loop3A_566 = arith.index_cast %parallel_loop3A_446 : i32 to index
        %parallel_loop3A_567 = arith.constant 32 : index
        %parallel_loop3A_568 = tpu.vector_load %arg12[%parallel_loop3A_566, %parallel_loop3A_567] {strides = array<i32>} : memref<40x128xf32, #tpu.memory_space<vmem>>, vector<16xf32>,
        %parallel_loop3A_569 = arith.index_cast %parallel_loop3A_446 : i32 to index
        %parallel_loop3A_570 = arith.constant 32 : index
        %parallel_loop3A_571 = tpu.vector_load %arg14[%parallel_loop3A_569, %parallel_loop3A_570] {strides = array<i32>} : memref<40x128xf32, #tpu.memory_space<vmem>>, vector<16xf32>,
        %parallel_loop3A_572 = arith.mulf %parallel_loop3A_568, %parallel_loop3A_571 : vector<16xf32>
        %parallel_loop3A_573 = arith.index_cast %parallel_loop3A_446 : i32 to index
        %parallel_loop3A_574 = arith.constant 96 : index
        %parallel_loop3A_575 = tpu.vector_load %arg12[%parallel_loop3A_573, %parallel_loop3A_574] {strides = array<i32>} : memref<40x128xf32, #tpu.memory_space<vmem>>, vector<16xf32>,
        %parallel_loop3A_576 = arith.mulf %parallel_loop3A_449, %parallel_loop3A_575 : vector<16xf32>
        %parallel_loop3A_577 = arith.addf %parallel_loop3A_572, %parallel_loop3A_576 : vector<16xf32>
        %parallel_loop3A_578 = arith.constant 0 : i32
        %parallel_loop3A_579 = vector.broadcast %parallel_loop3A_578 : i32 to vector<16xi32>
        %parallel_loop3A_580 = arith.cmpi slt, %xor3A_17, %parallel_loop3A_579 : vector<16xi32>
        %parallel_loop3A_581 = arith.constant 16 : i32
        %parallel_loop3A_582 = vector.broadcast %parallel_loop3A_581 : i32 to vector<16xi32>
        %parallel_loop3A_583 = arith.addi %xor3A_17, %parallel_loop3A_582 : vector<16xi32>
        %parallel_loop3A_584 = arith.select %parallel_loop3A_580, %parallel_loop3A_583, %xor3A_17 : vector<16xi1>, vector<16xi32>
        %parallel_loop3A_585 = vector.shape_cast %parallel_loop3A_584 : vector<16xi32> to vector<16x1xi32>
        %parallel_loop3A_586 = vector.shape_cast %parallel_loop3A_585 : vector<16x1xi32> to vector<16xi32>
        %parallel_loop3A_587 = tpu.dynamic_gather %parallel_loop3A_577[%parallel_loop3A_586] in [0] : vector<16xf32>, vector<16xi32> -> vector<16xf32>
        %parallel_loop3A_588 = arith.addf %parallel_loop3A_577, %parallel_loop3A_587 : vector<16xf32>
        %parallel_loop3A_589 = arith.constant 0 : i32
        %parallel_loop3A_590 = vector.broadcast %parallel_loop3A_589 : i32 to vector<16xi32>
        %parallel_loop3A_591 = arith.cmpi slt, %xor3A_20, %parallel_loop3A_590 : vector<16xi32>
        %parallel_loop3A_592 = arith.constant 16 : i32
        %parallel_loop3A_593 = vector.broadcast %parallel_loop3A_592 : i32 to vector<16xi32>
        %parallel_loop3A_594 = arith.addi %xor3A_20, %parallel_loop3A_593 : vector<16xi32>
        %parallel_loop3A_595 = arith.select %parallel_loop3A_591, %parallel_loop3A_594, %xor3A_20 : vector<16xi1>, vector<16xi32>
        %parallel_loop3A_596 = vector.shape_cast %parallel_loop3A_595 : vector<16xi32> to vector<16x1xi32>
        %parallel_loop3A_597 = vector.shape_cast %parallel_loop3A_596 : vector<16x1xi32> to vector<16xi32>
        %parallel_loop3A_598 = tpu.dynamic_gather %parallel_loop3A_588[%parallel_loop3A_597] in [0] : vector<16xf32>, vector<16xi32> -> vector<16xf32>
        %parallel_loop3A_599 = arith.addf %parallel_loop3A_588, %parallel_loop3A_598 : vector<16xf32>
        %parallel_loop3A_600 = arith.constant 0 : i32
        %parallel_loop3A_601 = vector.broadcast %parallel_loop3A_600 : i32 to vector<16xi32>
        %parallel_loop3A_602 = arith.cmpi slt, %xor3A_23, %parallel_loop3A_601 : vector<16xi32>
        %parallel_loop3A_603 = arith.constant 16 : i32
        %parallel_loop3A_604 = vector.broadcast %parallel_loop3A_603 : i32 to vector<16xi32>
        %parallel_loop3A_605 = arith.addi %xor3A_23, %parallel_loop3A_604 : vector<16xi32>
        %parallel_loop3A_606 = arith.select %parallel_loop3A_602, %parallel_loop3A_605, %xor3A_23 : vector<16xi1>, vector<16xi32>
        %parallel_loop3A_607 = vector.shape_cast %parallel_loop3A_606 : vector<16xi32> to vector<16x1xi32>
        %parallel_loop3A_608 = vector.shape_cast %parallel_loop3A_607 : vector<16x1xi32> to vector<16xi32>
        %parallel_loop3A_609 = tpu.dynamic_gather %parallel_loop3A_599[%parallel_loop3A_608] in [0] : vector<16xf32>, vector<16xi32> -> vector<16xf32>
        %parallel_loop3A_610 = arith.addf %parallel_loop3A_599, %parallel_loop3A_609 : vector<16xf32>
        %parallel_loop3A_611 = arith.constant 0 : i32
        %parallel_loop3A_612 = vector.broadcast %parallel_loop3A_611 : i32 to vector<16xi32>
        %parallel_loop3A_613 = arith.cmpi slt, %xor3A_26, %parallel_loop3A_612 : vector<16xi32>
        %parallel_loop3A_614 = arith.constant 16 : i32
        %parallel_loop3A_615 = vector.broadcast %parallel_loop3A_614 : i32 to vector<16xi32>
        %parallel_loop3A_616 = arith.addi %xor3A_26, %parallel_loop3A_615 : vector<16xi32>
        %parallel_loop3A_617 = arith.select %parallel_loop3A_613, %parallel_loop3A_616, %xor3A_26 : vector<16xi1>, vector<16xi32>
        %parallel_loop3A_618 = vector.shape_cast %parallel_loop3A_617 : vector<16xi32> to vector<16x1xi32>
        %parallel_loop3A_619 = vector.shape_cast %parallel_loop3A_618 : vector<16x1xi32> to vector<16xi32>
        %parallel_loop3A_620 = tpu.dynamic_gather %parallel_loop3A_610[%parallel_loop3A_619] in [0] : vector<16xf32>, vector<16xi32> -> vector<16xf32>
        %parallel_loop3A_621 = arith.addf %parallel_loop3A_610, %parallel_loop3A_620 : vector<16xf32>
        %parallel_loop3A_622 = arith.mulf %parallel_loop3A_621, %convert_element_type3A_39 : vector<16xf32>
        %parallel_loop3A_623 = arith.addf %parallel_loop3A_565, %parallel_loop3A_622 : vector<16xf32>
        %parallel_loop3A_624 = arith.index_cast %parallel_loop3A_446 : i32 to index
        %parallel_loop3A_625 = arith.constant 48 : index
        %parallel_loop3A_626 = tpu.vector_load %arg12[%parallel_loop3A_624, %parallel_loop3A_625] {strides = array<i32>} : memref<40x128xf32, #tpu.memory_space<vmem>>, vector<16xf32>,
        %parallel_loop3A_627 = arith.index_cast %parallel_loop3A_446 : i32 to index
        %parallel_loop3A_628 = arith.constant 48 : index
        %parallel_loop3A_629 = tpu.vector_load %arg14[%parallel_loop3A_627, %parallel_loop3A_628] {strides = array<i32>} : memref<40x128xf32, #tpu.memory_space<vmem>>, vector<16xf32>,
        %parallel_loop3A_630 = arith.mulf %parallel_loop3A_626, %parallel_loop3A_629 : vector<16xf32>
        %parallel_loop3A_631 = arith.index_cast %parallel_loop3A_446 : i32 to index
        %parallel_loop3A_632 = arith.constant 112 : index
        %parallel_loop3A_633 = tpu.vector_load %arg12[%parallel_loop3A_631, %parallel_loop3A_632] {strides = array<i32>} : memref<40x128xf32, #tpu.memory_space<vmem>>, vector<16xf32>,
        %parallel_loop3A_634 = arith.mulf %parallel_loop3A_449, %parallel_loop3A_633 : vector<16xf32>
        %parallel_loop3A_635 = arith.addf %parallel_loop3A_630, %parallel_loop3A_634 : vector<16xf32>
        %parallel_loop3A_636 = arith.constant 0 : i32
        %parallel_loop3A_637 = vector.broadcast %parallel_loop3A_636 : i32 to vector<16xi32>
        %parallel_loop3A_638 = arith.cmpi slt, %xor3A_17, %parallel_loop3A_637 : vector<16xi32>
        %parallel_loop3A_639 = arith.constant 16 : i32
        %parallel_loop3A_640 = vector.broadcast %parallel_loop3A_639 : i32 to vector<16xi32>
        %parallel_loop3A_641 = arith.addi %xor3A_17, %parallel_loop3A_640 : vector<16xi32>
        %parallel_loop3A_642 = arith.select %parallel_loop3A_638, %parallel_loop3A_641, %xor3A_17 : vector<16xi1>, vector<16xi32>
        %parallel_loop3A_643 = vector.shape_cast %parallel_loop3A_642 : vector<16xi32> to vector<16x1xi32>
        %parallel_loop3A_644 = vector.shape_cast %parallel_loop3A_643 : vector<16x1xi32> to vector<16xi32>
        %parallel_loop3A_645 = tpu.dynamic_gather %parallel_loop3A_635[%parallel_loop3A_644] in [0] : vector<16xf32>, vector<16xi32> -> vector<16xf32>
        %parallel_loop3A_646 = arith.addf %parallel_loop3A_635, %parallel_loop3A_645 : vector<16xf32>
        %parallel_loop3A_647 = arith.constant 0 : i32
        %parallel_loop3A_648 = vector.broadcast %parallel_loop3A_647 : i32 to vector<16xi32>
        %parallel_loop3A_649 = arith.cmpi slt, %xor3A_20, %parallel_loop3A_648 : vector<16xi32>
        %parallel_loop3A_650 = arith.constant 16 : i32
        %parallel_loop3A_651 = vector.broadcast %parallel_loop3A_650 : i32 to vector<16xi32>
        %parallel_loop3A_652 = arith.addi %xor3A_20, %parallel_loop3A_651 : vector<16xi32>
        %parallel_loop3A_653 = arith.select %parallel_loop3A_649, %parallel_loop3A_652, %xor3A_20 : vector<16xi1>, vector<16xi32>
        %parallel_loop3A_654 = vector.shape_cast %parallel_loop3A_653 : vector<16xi32> to vector<16x1xi32>
        %parallel_loop3A_655 = vector.shape_cast %parallel_loop3A_654 : vector<16x1xi32> to vector<16xi32>
        %parallel_loop3A_656 = tpu.dynamic_gather %parallel_loop3A_646[%parallel_loop3A_655] in [0] : vector<16xf32>, vector<16xi32> -> vector<16xf32>
        %parallel_loop3A_657 = arith.addf %parallel_loop3A_646, %parallel_loop3A_656 : vector<16xf32>
        %parallel_loop3A_658 = arith.constant 0 : i32
        %parallel_loop3A_659 = vector.broadcast %parallel_loop3A_658 : i32 to vector<16xi32>
        %parallel_loop3A_660 = arith.cmpi slt, %xor3A_23, %parallel_loop3A_659 : vector<16xi32>
        %parallel_loop3A_661 = arith.constant 16 : i32
        %parallel_loop3A_662 = vector.broadcast %parallel_loop3A_661 : i32 to vector<16xi32>
        %parallel_loop3A_663 = arith.addi %xor3A_23, %parallel_loop3A_662 : vector<16xi32>
        %parallel_loop3A_664 = arith.select %parallel_loop3A_660, %parallel_loop3A_663, %xor3A_23 : vector<16xi1>, vector<16xi32>
        %parallel_loop3A_665 = vector.shape_cast %parallel_loop3A_664 : vector<16xi32> to vector<16x1xi32>
        %parallel_loop3A_666 = vector.shape_cast %parallel_loop3A_665 : vector<16x1xi32> to vector<16xi32>
        %parallel_loop3A_667 = tpu.dynamic_gather %parallel_loop3A_657[%parallel_loop3A_666] in [0] : vector<16xf32>, vector<16xi32> -> vector<16xf32>
        %parallel_loop3A_668 = arith.addf %parallel_loop3A_657, %parallel_loop3A_667 : vector<16xf32>
        %parallel_loop3A_669 = arith.constant 0 : i32
        %parallel_loop3A_670 = vector.broadcast %parallel_loop3A_669 : i32 to vector<16xi32>
        %parallel_loop3A_671 = arith.cmpi slt, %xor3A_26, %parallel_loop3A_670 : vector<16xi32>
        %parallel_loop3A_672 = arith.constant 16 : i32
        %parallel_loop3A_673 = vector.broadcast %parallel_loop3A_672 : i32 to vector<16xi32>
        %parallel_loop3A_674 = arith.addi %xor3A_26, %parallel_loop3A_673 : vector<16xi32>
        %parallel_loop3A_675 = arith.select %parallel_loop3A_671, %parallel_loop3A_674, %xor3A_26 : vector<16xi1>, vector<16xi32>
        %parallel_loop3A_676 = vector.shape_cast %parallel_loop3A_675 : vector<16xi32> to vector<16x1xi32>
        %parallel_loop3A_677 = vector.shape_cast %parallel_loop3A_676 : vector<16x1xi32> to vector<16xi32>
        %parallel_loop3A_678 = tpu.dynamic_gather %parallel_loop3A_668[%parallel_loop3A_677] in [0] : vector<16xf32>, vector<16xi32> -> vector<16xf32>
        %parallel_loop3A_679 = arith.addf %parallel_loop3A_668, %parallel_loop3A_678 : vector<16xf32>
        %parallel_loop3A_680 = arith.mulf %parallel_loop3A_679, %convert_element_type3A_44 : vector<16xf32>
        %parallel_loop3A_681 = arith.addf %parallel_loop3A_623, %parallel_loop3A_680 : vector<16xf32>
        %parallel_loop3A_682 = arith.constant 2.500000e-01 : f32
        %parallel_loop3A_683 = vector.broadcast %parallel_loop3A_682 : f32 to vector<16xf32>
        %parallel_loop3A_684 = arith.mulf %parallel_loop3A_681, %parallel_loop3A_683 : vector<16xf32>
        %parallel_loop3A_685 = math.exp %parallel_loop3A_684 : vector<16xf32>
        %parallel_loop3A_686 = arith.index_cast %parallel_loop3A_446 : i32 to index
        %parallel_loop3A_687 = arith.constant 0 : index
        %parallel_loop3A_688 = tpu.vector_load %arg16[%parallel_loop3A_686, %parallel_loop3A_687] {strides = array<i32>} : memref<40x144xf32, #tpu.memory_space<vmem>>, vector<16xf32>,
        tpu.vector_store %arg16[%parallel_loop3A_686, %parallel_loop3A_687], %parallel_loop3A_685 {strides = array<i32>} : memref<40x144xf32, #tpu.memory_space<vmem>>, vector<16xf32>,
        %parallel_loop3A_689 = arith.constant 0 : i32
        %parallel_loop3A_690 = vector.broadcast %parallel_loop3A_689 : i32 to vector<16xi32>
        %parallel_loop3A_691 = arith.constant 0 : i32
        %parallel_loop3A_692 = vector.broadcast %parallel_loop3A_691 : i32 to vector<16xi32>
        %parallel_loop3A_693 = arith.cmpi slt, %parallel_loop3A_690, %parallel_loop3A_692 : vector<16xi32>
        %parallel_loop3A_694 = arith.constant 16 : i32
        %parallel_loop3A_695 = vector.broadcast %parallel_loop3A_694 : i32 to vector<16xi32>
        %parallel_loop3A_696 = arith.addi %parallel_loop3A_690, %parallel_loop3A_695 : vector<16xi32>
        %parallel_loop3A_697 = arith.select %parallel_loop3A_693, %parallel_loop3A_696, %parallel_loop3A_690 : vector<16xi1>, vector<16xi32>
        %parallel_loop3A_698 = vector.shape_cast %parallel_loop3A_697 : vector<16xi32> to vector<16x1xi32>
        %parallel_loop3A_699 = vector.shape_cast %parallel_loop3A_698 : vector<16x1xi32> to vector<16xi32>
        %parallel_loop3A_700 = tpu.dynamic_gather %parallel_loop3A_685[%parallel_loop3A_699] in [0] : vector<16xf32>, vector<16xi32> -> vector<16xf32>
        %parallel_loop3A_701 = arith.mulf %parallel_loop3A_700, %parallel_loop3A_449 : vector<16xf32>
        %parallel_loop3A_702 = arith.index_cast %parallel_loop3A_446 : i32 to index
        %parallel_loop3A_703 = arith.constant 16 : index
        %parallel_loop3A_704 = tpu.vector_load %arg16[%parallel_loop3A_702, %parallel_loop3A_703] {strides = array<i32>} : memref<40x144xf32, #tpu.memory_space<vmem>>, vector<16xf32>,
        tpu.vector_store %arg16[%parallel_loop3A_702, %parallel_loop3A_703], %parallel_loop3A_701 {strides = array<i32>} : memref<40x144xf32, #tpu.memory_space<vmem>>, vector<16xf32>,
        %parallel_loop3A_705 = arith.index_cast %parallel_loop3A_446 : i32 to index
        %parallel_loop3A_706 = arith.constant 64 : index
        %parallel_loop3A_707 = tpu.vector_load %arg14[%parallel_loop3A_705, %parallel_loop3A_706] {strides = array<i32>} : memref<40x128xf32, #tpu.memory_space<vmem>>, vector<16xf32>,
        %parallel_loop3A_708 = arith.mulf %parallel_loop3A_700, %parallel_loop3A_707 : vector<16xf32>
        %parallel_loop3A_709 = arith.index_cast %parallel_loop3A_446 : i32 to index
        %parallel_loop3A_710 = arith.constant 80 : index
        %parallel_loop3A_711 = tpu.vector_load %arg16[%parallel_loop3A_709, %parallel_loop3A_710] {strides = array<i32>} : memref<40x144xf32, #tpu.memory_space<vmem>>, vector<16xf32>,
        tpu.vector_store %arg16[%parallel_loop3A_709, %parallel_loop3A_710], %parallel_loop3A_708 {strides = array<i32>} : memref<40x144xf32, #tpu.memory_space<vmem>>, vector<16xf32>,
        %parallel_loop3A_712 = arith.constant 1 : i32
        %parallel_loop3A_713 = vector.broadcast %parallel_loop3A_712 : i32 to vector<16xi32>
        %parallel_loop3A_714 = arith.constant 0 : i32
        %parallel_loop3A_715 = vector.broadcast %parallel_loop3A_714 : i32 to vector<16xi32>
        %parallel_loop3A_716 = arith.cmpi slt, %parallel_loop3A_713, %parallel_loop3A_715 : vector<16xi32>
        %parallel_loop3A_717 = arith.constant 16 : i32
        %parallel_loop3A_718 = vector.broadcast %parallel_loop3A_717 : i32 to vector<16xi32>
        %parallel_loop3A_719 = arith.addi %parallel_loop3A_713, %parallel_loop3A_718 : vector<16xi32>
        %parallel_loop3A_720 = arith.select %parallel_loop3A_716, %parallel_loop3A_719, %parallel_loop3A_713 : vector<16xi1>, vector<16xi32>
        %parallel_loop3A_721 = vector.shape_cast %parallel_loop3A_720 : vector<16xi32> to vector<16x1xi32>
        %parallel_loop3A_722 = vector.shape_cast %parallel_loop3A_721 : vector<16x1xi32> to vector<16xi32>
        %parallel_loop3A_723 = tpu.dynamic_gather %parallel_loop3A_685[%parallel_loop3A_722] in [0] : vector<16xf32>, vector<16xi32> -> vector<16xf32>
        %parallel_loop3A_724 = arith.mulf %parallel_loop3A_723, %parallel_loop3A_449 : vector<16xf32>
        %parallel_loop3A_725 = arith.index_cast %parallel_loop3A_446 : i32 to index
        %parallel_loop3A_726 = arith.constant 32 : index
        %parallel_loop3A_727 = tpu.vector_load %arg16[%parallel_loop3A_725, %parallel_loop3A_726] {strides = array<i32>} : memref<40x144xf32, #tpu.memory_space<vmem>>, vector<16xf32>,
        tpu.vector_store %arg16[%parallel_loop3A_725, %parallel_loop3A_726], %parallel_loop3A_724 {strides = array<i32>} : memref<40x144xf32, #tpu.memory_space<vmem>>, vector<16xf32>,
        %parallel_loop3A_728 = arith.index_cast %parallel_loop3A_446 : i32 to index
        %parallel_loop3A_729 = arith.constant 80 : index
        %parallel_loop3A_730 = tpu.vector_load %arg14[%parallel_loop3A_728, %parallel_loop3A_729] {strides = array<i32>} : memref<40x128xf32, #tpu.memory_space<vmem>>, vector<16xf32>,
        %parallel_loop3A_731 = arith.mulf %parallel_loop3A_723, %parallel_loop3A_730 : vector<16xf32>
        %parallel_loop3A_732 = arith.index_cast %parallel_loop3A_446 : i32 to index
        %parallel_loop3A_733 = arith.constant 96 : index
        %parallel_loop3A_734 = tpu.vector_load %arg16[%parallel_loop3A_732, %parallel_loop3A_733] {strides = array<i32>} : memref<40x144xf32, #tpu.memory_space<vmem>>, vector<16xf32>,
        tpu.vector_store %arg16[%parallel_loop3A_732, %parallel_loop3A_733], %parallel_loop3A_731 {strides = array<i32>} : memref<40x144xf32, #tpu.memory_space<vmem>>, vector<16xf32>,
        %parallel_loop3A_735 = arith.constant 2 : i32
        %parallel_loop3A_736 = vector.broadcast %parallel_loop3A_735 : i32 to vector<16xi32>
        %parallel_loop3A_737 = arith.constant 0 : i32
        %parallel_loop3A_738 = vector.broadcast %parallel_loop3A_737 : i32 to vector<16xi32>
        %parallel_loop3A_739 = arith.cmpi slt, %parallel_loop3A_736, %parallel_loop3A_738 : vector<16xi32>
        %parallel_loop3A_740 = arith.constant 16 : i32
        %parallel_loop3A_741 = vector.broadcast %parallel_loop3A_740 : i32 to vector<16xi32>
        %parallel_loop3A_742 = arith.addi %parallel_loop3A_736, %parallel_loop3A_741 : vector<16xi32>
        %parallel_loop3A_743 = arith.select %parallel_loop3A_739, %parallel_loop3A_742, %parallel_loop3A_736 : vector<16xi1>, vector<16xi32>
        %parallel_loop3A_744 = vector.shape_cast %parallel_loop3A_743 : vector<16xi32> to vector<16x1xi32>
        %parallel_loop3A_745 = vector.shape_cast %parallel_loop3A_744 : vector<16x1xi32> to vector<16xi32>
        %parallel_loop3A_746 = tpu.dynamic_gather %parallel_loop3A_685[%parallel_loop3A_745] in [0] : vector<16xf32>, vector<16xi32> -> vector<16xf32>
        %parallel_loop3A_747 = arith.mulf %parallel_loop3A_746, %parallel_loop3A_449 : vector<16xf32>
        %parallel_loop3A_748 = arith.index_cast %parallel_loop3A_446 : i32 to index
        %parallel_loop3A_749 = arith.constant 48 : index
        %parallel_loop3A_750 = tpu.vector_load %arg16[%parallel_loop3A_748, %parallel_loop3A_749] {strides = array<i32>} : memref<40x144xf32, #tpu.memory_space<vmem>>, vector<16xf32>,
        tpu.vector_store %arg16[%parallel_loop3A_748, %parallel_loop3A_749], %parallel_loop3A_747 {strides = array<i32>} : memref<40x144xf32, #tpu.memory_space<vmem>>, vector<16xf32>,
        %parallel_loop3A_751 = arith.index_cast %parallel_loop3A_446 : i32 to index
        %parallel_loop3A_752 = arith.constant 96 : index
        %parallel_loop3A_753 = tpu.vector_load %arg14[%parallel_loop3A_751, %parallel_loop3A_752] {strides = array<i32>} : memref<40x128xf32, #tpu.memory_space<vmem>>, vector<16xf32>,
        %parallel_loop3A_754 = arith.mulf %parallel_loop3A_746, %parallel_loop3A_753 : vector<16xf32>
        %parallel_loop3A_755 = arith.index_cast %parallel_loop3A_446 : i32 to index
        %parallel_loop3A_756 = arith.constant 112 : index
        %parallel_loop3A_757 = tpu.vector_load %arg16[%parallel_loop3A_755, %parallel_loop3A_756] {strides = array<i32>} : memref<40x144xf32, #tpu.memory_space<vmem>>, vector<16xf32>,
        tpu.vector_store %arg16[%parallel_loop3A_755, %parallel_loop3A_756], %parallel_loop3A_754 {strides = array<i32>} : memref<40x144xf32, #tpu.memory_space<vmem>>, vector<16xf32>,
        %parallel_loop3A_758 = arith.constant 3 : i32
        %parallel_loop3A_759 = vector.broadcast %parallel_loop3A_758 : i32 to vector<16xi32>
        %parallel_loop3A_760 = arith.constant 0 : i32
        %parallel_loop3A_761 = vector.broadcast %parallel_loop3A_760 : i32 to vector<16xi32>
        %parallel_loop3A_762 = arith.cmpi slt, %parallel_loop3A_759, %parallel_loop3A_761 : vector<16xi32>
        %parallel_loop3A_763 = arith.constant 16 : i32
        %parallel_loop3A_764 = vector.broadcast %parallel_loop3A_763 : i32 to vector<16xi32>
        %parallel_loop3A_765 = arith.addi %parallel_loop3A_759, %parallel_loop3A_764 : vector<16xi32>
        %parallel_loop3A_766 = arith.select %parallel_loop3A_762, %parallel_loop3A_765, %parallel_loop3A_759 : vector<16xi1>, vector<16xi32>
        %parallel_loop3A_767 = vector.shape_cast %parallel_loop3A_766 : vector<16xi32> to vector<16x1xi32>
        %parallel_loop3A_768 = vector.shape_cast %parallel_loop3A_767 : vector<16x1xi32> to vector<16xi32>
        %parallel_loop3A_769 = tpu.dynamic_gather %parallel_loop3A_685[%parallel_loop3A_768] in [0] : vector<16xf32>, vector<16xi32> -> vector<16xf32>
        %parallel_loop3A_770 = arith.mulf %parallel_loop3A_769, %parallel_loop3A_449 : vector<16xf32>
        %parallel_loop3A_771 = arith.index_cast %parallel_loop3A_446 : i32 to index
        %parallel_loop3A_772 = arith.constant 64 : index
        %parallel_loop3A_773 = tpu.vector_load %arg16[%parallel_loop3A_771, %parallel_loop3A_772] {strides = array<i32>} : memref<40x144xf32, #tpu.memory_space<vmem>>, vector<16xf32>,
        tpu.vector_store %arg16[%parallel_loop3A_771, %parallel_loop3A_772], %parallel_loop3A_770 {strides = array<i32>} : memref<40x144xf32, #tpu.memory_space<vmem>>, vector<16xf32>,
        %parallel_loop3A_774 = arith.index_cast %parallel_loop3A_446 : i32 to index
        %parallel_loop3A_775 = arith.constant 112 : index
        %parallel_loop3A_776 = tpu.vector_load %arg14[%parallel_loop3A_774, %parallel_loop3A_775] {strides = array<i32>} : memref<40x128xf32, #tpu.memory_space<vmem>>, vector<16xf32>,
        %parallel_loop3A_777 = arith.mulf %parallel_loop3A_769, %parallel_loop3A_776 : vector<16xf32>
        %parallel_loop3A_778 = arith.index_cast %parallel_loop3A_446 : i32 to index
        %parallel_loop3A_779 = arith.constant 128 : index
        %parallel_loop3A_780 = tpu.vector_load %arg16[%parallel_loop3A_778, %parallel_loop3A_779] {strides = array<i32>} : memref<40x144xf32, #tpu.memory_space<vmem>>, vector<16xf32>,
        tpu.vector_store %arg16[%parallel_loop3A_778, %parallel_loop3A_779], %parallel_loop3A_777 {strides = array<i32>} : memref<40x144xf32, #tpu.memory_space<vmem>>, vector<16xf32>,
      } {sc.loop_unroll_factor = 20 : i64, sc.parallel_access}
      %dma_start3A_297 = arith.constant 0 : i32
      %dma_start3A_298 = arith.constant 0 : i32
      %dma_start3A_299 = tpu.memref_slice %arg20[%dma_start3A_297, %dma_start3A_298] : memref<10000x144xf32, #tpu.memory_space<vmem_shared>> -> memref<10000x144xf32, #tpu.memory_space<vmem_shared>>
      tpu.enqueue_indirect_dma source(%arg16 : memref<40x144xf32, #tpu.memory_space<vmem>>) target(%dma_start3A_299 : memref<10000x144xf32, #tpu.memory_space<vmem_shared>>) offsets(%arg18 : memref<40xi32, #tpu.memory_space<vmem>>) semaphore(%arg29 : memref<!tpu.dma_semaphore, #tpu.memory_space<semaphore_mem>>) {add = true}
      %add3A_300 = arith.constant 2 : i32
      %add3A_301 = arith.addi %mul3A_245, %add3A_300 : i32
      %mul3A_302 = arith.constant 20000 : i32
      %mul3A_303 = arith.muli %arg1, %mul3A_302 : i32
      %min3A_304 = arith.constant 499 : i32
      %min3A_305 = arith.minsi %add3A_301, %min3A_304 : i32
      %mul3A_306 = arith.constant 40 : i32
      %mul3A_307 = arith.muli %min3A_305, %mul3A_306 : i32
      %add3A_308 = arith.addi %mul3A_303, %mul3A_307 : i32
      %dma_start3A_309 = arith.constant 0 : i32
      %dma_start3A_310 = tpu.memref_slice %arg4[%dma_start3A_309, %add3A_308] : memref<2x320000xi32, #tpu.memory_space<hbm>> -> memref<2x40xi32, #tpu.memory_space<hbm>>
      %dma_start3A_311 = arith.constant 0 : i32
      %dma_start3A_312 = tpu.memref_slice %arg4[%dma_start3A_311, %add3A_308] : memref<2x320000xi32, #tpu.memory_space<hbm>> -> memref<2x40xi32, #tpu.memory_space<hbm>>
      tpu.enqueue_dma source(%dma_start3A_312 : memref<2x40xi32, #tpu.memory_space<hbm>>) target(%arg8 : memref<2x40xi32, #tpu.memory_space<vmem>>) target_semaphore(%arg21 : memref<!tpu.dma_semaphore, #tpu.memory_space<semaphore_mem>>)
      %dma_start3A_313 = arith.constant 0 : i32
      %dma_start3A_314 = tpu.memref_slice %arg5[%add3A_308, %dma_start3A_313] : memref<320000x16xf32, #tpu.memory_space<hbm>> -> memref<40x16xf32, #tpu.memory_space<hbm>>
      %dma_start3A_315 = arith.constant 0 : i32
      %dma_start3A_316 = tpu.memref_slice %arg5[%add3A_308, %dma_start3A_315] : memref<320000x16xf32, #tpu.memory_space<hbm>> -> memref<40x16xf32, #tpu.memory_space<hbm>>
      tpu.enqueue_dma source(%dma_start3A_316 : memref<40x16xf32, #tpu.memory_space<hbm>>) target(%arg10 : memref<40x16xf32, #tpu.memory_space<vmem>>) target_semaphore(%arg23 : memref<!tpu.dma_semaphore, #tpu.memory_space<semaphore_mem>>)
      %dma_wait3A_317 = arith.constant 1 : i32
      %dma_wait3A_318 = arith.constant 0 : i32
      %dma_wait3A_319 = tpu.memref_slice %arg9[%dma_wait3A_317, %dma_wait3A_318] : memref<2x40xi32, #tpu.memory_space<vmem>> -> memref<1x40xi32, #tpu.memory_space<vmem>>
      %dma_wait3A_320 = tpu.memref_squeeze %dma_wait3A_319 : memref<1x40xi32, #tpu.memory_space<vmem>> -> memref<40xi32, #tpu.memory_space<vmem>>
      %dma_wait3A_321 = arith.constant 0 : i32
      %dma_wait3A_322 = arith.constant 0 : i32
      %dma_wait3A_323 = tpu.memref_slice %arg2[%arg0, %dma_wait3A_321, %dma_wait3A_322] : memref<2x10000x128xf32, #tpu.memory_space<hbm>> -> memref<1x10000x128xf32, #tpu.memory_space<hbm>>
      %dma_wait3A_324 = tpu.memref_squeeze %dma_wait3A_323 : memref<1x10000x128xf32, #tpu.memory_space<hbm>> -> memref<10000x128xf32, #tpu.memory_space<hbm>>
      %dma_wait3A_325 = arith.constant 0 : i32
      %dma_wait3A_326 = arith.constant 0 : i32
      %dma_wait3A_327 = tpu.memref_slice %dma_wait3A_324[%dma_wait3A_325, %dma_wait3A_326] : memref<10000x128xf32, #tpu.memory_space<hbm>> -> memref<10000x128xf32, #tpu.memory_space<hbm>>
      tpu.wait_indirect_dma semaphore(%arg27 : memref<!tpu.dma_semaphore, #tpu.memory_space<semaphore_mem>>) src(%dma_wait3A_327 : memref<10000x128xf32, #tpu.memory_space<hbm>>) dst(%arg13 : memref<40x128xf32, #tpu.memory_space<vmem>>)
      %dma_wait3A_328 = arith.constant 0 : i32
      %dma_wait3A_329 = arith.constant 0 : i32
      %dma_wait3A_330 = tpu.memref_slice %arg9[%dma_wait3A_328, %dma_wait3A_329] : memref<2x40xi32, #tpu.memory_space<vmem>> -> memref<1x40xi32, #tpu.memory_space<vmem>>
      %dma_wait3A_331 = tpu.memref_squeeze %dma_wait3A_330 : memref<1x40xi32, #tpu.memory_space<vmem>> -> memref<40xi32, #tpu.memory_space<vmem>>
      %dma_wait3A_332 = arith.constant 0 : i32
      %dma_wait3A_333 = arith.constant 0 : i32
      %dma_wait3A_334 = tpu.memref_slice %arg3[%arg0, %dma_wait3A_332, %dma_wait3A_333] : memref<2x10000x128xf32, #tpu.memory_space<hbm>> -> memref<1x10000x128xf32, #tpu.memory_space<hbm>>
      %dma_wait3A_335 = tpu.memref_squeeze %dma_wait3A_334 : memref<1x10000x128xf32, #tpu.memory_space<hbm>> -> memref<10000x128xf32, #tpu.memory_space<hbm>>
      %dma_wait3A_336 = arith.constant 0 : i32
      %dma_wait3A_337 = arith.constant 0 : i32
      %dma_wait3A_338 = tpu.memref_slice %dma_wait3A_335[%dma_wait3A_336, %dma_wait3A_337] : memref<10000x128xf32, #tpu.memory_space<hbm>> -> memref<10000x128xf32, #tpu.memory_space<hbm>>
      tpu.wait_indirect_dma semaphore(%arg28 : memref<!tpu.dma_semaphore, #tpu.memory_space<semaphore_mem>>) src(%dma_wait3A_338 : memref<10000x128xf32, #tpu.memory_space<hbm>>) dst(%arg15 : memref<40x128xf32, #tpu.memory_space<vmem>>)
      %dma_wait3A_339 = arith.constant 0 : i32
      %dma_wait3A_340 = arith.constant 0 : i32
      %dma_wait3A_341 = tpu.memref_slice %arg5[%dma_wait3A_339, %dma_wait3A_340] : memref<320000x16xf32, #tpu.memory_space<hbm>> -> memref<40x16xf32, #tpu.memory_space<hbm>>
      %dma_wait3A_342 = arith.constant 0 : i32
      %dma_wait3A_343 = arith.constant 0 : i32
      %dma_wait3A_344 = tpu.memref_slice %arg5[%dma_wait3A_342, %dma_wait3A_343] : memref<320000x16xf32, #tpu.memory_space<hbm>> -> memref<40x16xf32, #tpu.memory_space<hbm>>
      tpu.wait_dma2 semaphore(%arg24 : memref<!tpu.dma_semaphore, #tpu.memory_space<semaphore_mem>>) src(%dma_wait3A_344 : memref<40x16xf32, #tpu.memory_space<hbm>>) dst(%arg11 : memref<40x16xf32, #tpu.memory_space<vmem>>)
      %dma_wait3A_345 = arith.constant 0 : i32
      %dma_wait3A_346 = arith.constant 0 : i32
      %dma_wait3A_347 = tpu.memref_slice %arg20[%dma_wait3A_345, %dma_wait3A_346] : memref<10000x144xf32, #tpu.memory_space<vmem_shared>> -> memref<10000x144xf32, #tpu.memory_space<vmem_shared>>
      tpu.wait_indirect_dma semaphore(%arg30 : memref<!tpu.dma_semaphore, #tpu.memory_space<semaphore_mem>>) src(%arg17 : memref<40x144xf32, #tpu.memory_space<vmem>>) dst(%dma_wait3A_347 : memref<10000x144xf32, #tpu.memory_space<vmem_shared>>)
      %get3A_348 = arith.constant 1 : i32
      %get3A_349 = arith.index_cast %get3A_348 : i32 to index
      %get3A_350 = arith.constant 0 : index
      %get3A_351 = tpu.vector_load %arg9[%get3A_349, %get3A_350] {strides = array<i32>} : memref<2x40xi32, #tpu.memory_space<vmem>>, vector<16xi32>,
      %swap3A_352 = arith.constant 0 : index
      %swap3A_353 = tpu.vector_load %arg19[%swap3A_352] {strides = array<i32>} : memref<40xi32, #tpu.memory_space<vmem>>, vector<16xi32>,
      tpu.vector_store %arg19[%swap3A_352], %get3A_351 {strides = array<i32>} : memref<40xi32, #tpu.memory_space<vmem>>, vector<16xi32>,
      %get3A_354 = arith.constant 1 : i32
      %get3A_355 = arith.index_cast %get3A_354 : i32 to index
      %get3A_356 = arith.constant 16 : index
      %get3A_357 = tpu.vector_load %arg9[%get3A_355, %get3A_356] {strides = array<i32>} : memref<2x40xi32, #tpu.memory_space<vmem>>, vector<16xi32>,
      %swap3A_358 = arith.constant 16 : index
      %swap3A_359 = tpu.vector_load %arg19[%swap3A_358] {strides = array<i32>} : memref<40xi32, #tpu.memory_space<vmem>>, vector<16xi32>,
      tpu.vector_store %arg19[%swap3A_358], %get3A_357 {strides = array<i32>} : memref<40xi32, #tpu.memory_space<vmem>>, vector<16xi32>,
      %get3A_360 = arith.constant 1 : i32
      %get3A_361 = arith.index_cast %get3A_360 : i32 to index
      %get3A_362 = arith.constant 24 : index
      %get3A_363 = tpu.vector_load %arg9[%get3A_361, %get3A_362] {strides = array<i32>} : memref<2x40xi32, #tpu.memory_space<vmem>>, vector<16xi32>,
      %swap3A_364 = arith.constant 24 : index
      %swap3A_365 = tpu.vector_load %arg19[%swap3A_364] {strides = array<i32>} : memref<40xi32, #tpu.memory_space<vmem>>, vector<16xi32>,
      tpu.vector_store %arg19[%swap3A_364], %get3A_363 {strides = array<i32>} : memref<40xi32, #tpu.memory_space<vmem>>, vector<16xi32>,
      %parallel_loop3A_366 = arith.constant 0 : i32
      %parallel_loop3A_367 = arith.constant 40 : i32
      %parallel_loop3A_368 = arith.constant 1 : i32
      scf.for %parallel_loop3A_446 = %parallel_loop3A_366 to %parallel_loop3A_367 step %parallel_loop3A_368  : i32 {
        %parallel_loop3A_447 = arith.index_cast %parallel_loop3A_446 : i32 to index
        %parallel_loop3A_448 = arith.constant 0 : index
        %parallel_loop3A_449 = tpu.vector_load %arg11[%parallel_loop3A_447, %parallel_loop3A_448] {strides = array<i32>} : memref<40x16xf32, #tpu.memory_space<vmem>>, vector<16xf32>,
        %parallel_loop3A_450 = arith.index_cast %parallel_loop3A_446 : i32 to index
        %parallel_loop3A_451 = arith.constant 0 : index
        %parallel_loop3A_452 = tpu.vector_load %arg13[%parallel_loop3A_450, %parallel_loop3A_451] {strides = array<i32>} : memref<40x128xf32, #tpu.memory_space<vmem>>, vector<16xf32>,
        %parallel_loop3A_453 = arith.index_cast %parallel_loop3A_446 : i32 to index
        %parallel_loop3A_454 = arith.constant 0 : index
        %parallel_loop3A_455 = tpu.vector_load %arg15[%parallel_loop3A_453, %parallel_loop3A_454] {strides = array<i32>} : memref<40x128xf32, #tpu.memory_space<vmem>>, vector<16xf32>,
        %parallel_loop3A_456 = arith.mulf %parallel_loop3A_452, %parallel_loop3A_455 : vector<16xf32>
        %parallel_loop3A_457 = arith.index_cast %parallel_loop3A_446 : i32 to index
        %parallel_loop3A_458 = arith.constant 64 : index
        %parallel_loop3A_459 = tpu.vector_load %arg13[%parallel_loop3A_457, %parallel_loop3A_458] {strides = array<i32>} : memref<40x128xf32, #tpu.memory_space<vmem>>, vector<16xf32>,
        %parallel_loop3A_460 = arith.mulf %parallel_loop3A_449, %parallel_loop3A_459 : vector<16xf32>
        %parallel_loop3A_461 = arith.addf %parallel_loop3A_456, %parallel_loop3A_460 : vector<16xf32>
        %parallel_loop3A_462 = arith.constant 0 : i32
        %parallel_loop3A_463 = vector.broadcast %parallel_loop3A_462 : i32 to vector<16xi32>
        %parallel_loop3A_464 = arith.cmpi slt, %xor3A_17, %parallel_loop3A_463 : vector<16xi32>
        %parallel_loop3A_465 = arith.constant 16 : i32
        %parallel_loop3A_466 = vector.broadcast %parallel_loop3A_465 : i32 to vector<16xi32>
        %parallel_loop3A_467 = arith.addi %xor3A_17, %parallel_loop3A_466 : vector<16xi32>
        %parallel_loop3A_468 = arith.select %parallel_loop3A_464, %parallel_loop3A_467, %xor3A_17 : vector<16xi1>, vector<16xi32>
        %parallel_loop3A_469 = vector.shape_cast %parallel_loop3A_468 : vector<16xi32> to vector<16x1xi32>
        %parallel_loop3A_470 = vector.shape_cast %parallel_loop3A_469 : vector<16x1xi32> to vector<16xi32>
        %parallel_loop3A_471 = tpu.dynamic_gather %parallel_loop3A_461[%parallel_loop3A_470] in [0] : vector<16xf32>, vector<16xi32> -> vector<16xf32>
        %parallel_loop3A_472 = arith.addf %parallel_loop3A_461, %parallel_loop3A_471 : vector<16xf32>
        %parallel_loop3A_473 = arith.constant 0 : i32
        %parallel_loop3A_474 = vector.broadcast %parallel_loop3A_473 : i32 to vector<16xi32>
        %parallel_loop3A_475 = arith.cmpi slt, %xor3A_20, %parallel_loop3A_474 : vector<16xi32>
        %parallel_loop3A_476 = arith.constant 16 : i32
        %parallel_loop3A_477 = vector.broadcast %parallel_loop3A_476 : i32 to vector<16xi32>
        %parallel_loop3A_478 = arith.addi %xor3A_20, %parallel_loop3A_477 : vector<16xi32>
        %parallel_loop3A_479 = arith.select %parallel_loop3A_475, %parallel_loop3A_478, %xor3A_20 : vector<16xi1>, vector<16xi32>
        %parallel_loop3A_480 = vector.shape_cast %parallel_loop3A_479 : vector<16xi32> to vector<16x1xi32>
        %parallel_loop3A_481 = vector.shape_cast %parallel_loop3A_480 : vector<16x1xi32> to vector<16xi32>
        %parallel_loop3A_482 = tpu.dynamic_gather %parallel_loop3A_472[%parallel_loop3A_481] in [0] : vector<16xf32>, vector<16xi32> -> vector<16xf32>
        %parallel_loop3A_483 = arith.addf %parallel_loop3A_472, %parallel_loop3A_482 : vector<16xf32>
        %parallel_loop3A_484 = arith.constant 0 : i32
        %parallel_loop3A_485 = vector.broadcast %parallel_loop3A_484 : i32 to vector<16xi32>
        %parallel_loop3A_486 = arith.cmpi slt, %xor3A_23, %parallel_loop3A_485 : vector<16xi32>
        %parallel_loop3A_487 = arith.constant 16 : i32
        %parallel_loop3A_488 = vector.broadcast %parallel_loop3A_487 : i32 to vector<16xi32>
        %parallel_loop3A_489 = arith.addi %xor3A_23, %parallel_loop3A_488 : vector<16xi32>
        %parallel_loop3A_490 = arith.select %parallel_loop3A_486, %parallel_loop3A_489, %xor3A_23 : vector<16xi1>, vector<16xi32>
        %parallel_loop3A_491 = vector.shape_cast %parallel_loop3A_490 : vector<16xi32> to vector<16x1xi32>
        %parallel_loop3A_492 = vector.shape_cast %parallel_loop3A_491 : vector<16x1xi32> to vector<16xi32>
        %parallel_loop3A_493 = tpu.dynamic_gather %parallel_loop3A_483[%parallel_loop3A_492] in [0] : vector<16xf32>, vector<16xi32> -> vector<16xf32>
        %parallel_loop3A_494 = arith.addf %parallel_loop3A_483, %parallel_loop3A_493 : vector<16xf32>
        %parallel_loop3A_495 = arith.constant 0 : i32
        %parallel_loop3A_496 = vector.broadcast %parallel_loop3A_495 : i32 to vector<16xi32>
        %parallel_loop3A_497 = arith.cmpi slt, %xor3A_26, %parallel_loop3A_496 : vector<16xi32>
        %parallel_loop3A_498 = arith.constant 16 : i32
        %parallel_loop3A_499 = vector.broadcast %parallel_loop3A_498 : i32 to vector<16xi32>
        %parallel_loop3A_500 = arith.addi %xor3A_26, %parallel_loop3A_499 : vector<16xi32>
        %parallel_loop3A_501 = arith.select %parallel_loop3A_497, %parallel_loop3A_500, %xor3A_26 : vector<16xi1>, vector<16xi32>
        %parallel_loop3A_502 = vector.shape_cast %parallel_loop3A_501 : vector<16xi32> to vector<16x1xi32>
        %parallel_loop3A_503 = vector.shape_cast %parallel_loop3A_502 : vector<16x1xi32> to vector<16xi32>
        %parallel_loop3A_504 = tpu.dynamic_gather %parallel_loop3A_494[%parallel_loop3A_503] in [0] : vector<16xf32>, vector<16xi32> -> vector<16xf32>
        %parallel_loop3A_505 = arith.addf %parallel_loop3A_494, %parallel_loop3A_504 : vector<16xf32>
        %parallel_loop3A_506 = arith.mulf %parallel_loop3A_505, %convert_element_type3A_29 : vector<16xf32>
        %parallel_loop3A_507 = arith.addf %broadcast_in_dim3A_0, %parallel_loop3A_506 : vector<16xf32>
        %parallel_loop3A_508 = arith.index_cast %parallel_loop3A_446 : i32 to index
        %parallel_loop3A_509 = arith.constant 16 : index
        %parallel_loop3A_510 = tpu.vector_load %arg13[%parallel_loop3A_508, %parallel_loop3A_509] {strides = array<i32>} : memref<40x128xf32, #tpu.memory_space<vmem>>, vector<16xf32>,
        %parallel_loop3A_511 = arith.index_cast %parallel_loop3A_446 : i32 to index
        %parallel_loop3A_512 = arith.constant 16 : index
        %parallel_loop3A_513 = tpu.vector_load %arg15[%parallel_loop3A_511, %parallel_loop3A_512] {strides = array<i32>} : memref<40x128xf32, #tpu.memory_space<vmem>>, vector<16xf32>,
        %parallel_loop3A_514 = arith.mulf %parallel_loop3A_510, %parallel_loop3A_513 : vector<16xf32>
        %parallel_loop3A_515 = arith.index_cast %parallel_loop3A_446 : i32 to index
        %parallel_loop3A_516 = arith.constant 80 : index
        %parallel_loop3A_517 = tpu.vector_load %arg13[%parallel_loop3A_515, %parallel_loop3A_516] {strides = array<i32>} : memref<40x128xf32, #tpu.memory_space<vmem>>, vector<16xf32>,
        %parallel_loop3A_518 = arith.mulf %parallel_loop3A_449, %parallel_loop3A_517 : vector<16xf32>
        %parallel_loop3A_519 = arith.addf %parallel_loop3A_514, %parallel_loop3A_518 : vector<16xf32>
        %parallel_loop3A_520 = arith.constant 0 : i32
        %parallel_loop3A_521 = vector.broadcast %parallel_loop3A_520 : i32 to vector<16xi32>
        %parallel_loop3A_522 = arith.cmpi slt, %xor3A_17, %parallel_loop3A_521 : vector<16xi32>
        %parallel_loop3A_523 = arith.constant 16 : i32
        %parallel_loop3A_524 = vector.broadcast %parallel_loop3A_523 : i32 to vector<16xi32>
        %parallel_loop3A_525 = arith.addi %xor3A_17, %parallel_loop3A_524 : vector<16xi32>
        %parallel_loop3A_526 = arith.select %parallel_loop3A_522, %parallel_loop3A_525, %xor3A_17 : vector<16xi1>, vector<16xi32>
        %parallel_loop3A_527 = vector.shape_cast %parallel_loop3A_526 : vector<16xi32> to vector<16x1xi32>
        %parallel_loop3A_528 = vector.shape_cast %parallel_loop3A_527 : vector<16x1xi32> to vector<16xi32>
        %parallel_loop3A_529 = tpu.dynamic_gather %parallel_loop3A_519[%parallel_loop3A_528] in [0] : vector<16xf32>, vector<16xi32> -> vector<16xf32>
        %parallel_loop3A_530 = arith.addf %parallel_loop3A_519, %parallel_loop3A_529 : vector<16xf32>
        %parallel_loop3A_531 = arith.constant 0 : i32
        %parallel_loop3A_532 = vector.broadcast %parallel_loop3A_531 : i32 to vector<16xi32>
        %parallel_loop3A_533 = arith.cmpi slt, %xor3A_20, %parallel_loop3A_532 : vector<16xi32>
        %parallel_loop3A_534 = arith.constant 16 : i32
        %parallel_loop3A_535 = vector.broadcast %parallel_loop3A_534 : i32 to vector<16xi32>
        %parallel_loop3A_536 = arith.addi %xor3A_20, %parallel_loop3A_535 : vector<16xi32>
        %parallel_loop3A_537 = arith.select %parallel_loop3A_533, %parallel_loop3A_536, %xor3A_20 : vector<16xi1>, vector<16xi32>
        %parallel_loop3A_538 = vector.shape_cast %parallel_loop3A_537 : vector<16xi32> to vector<16x1xi32>
        %parallel_loop3A_539 = vector.shape_cast %parallel_loop3A_538 : vector<16x1xi32> to vector<16xi32>
        %parallel_loop3A_540 = tpu.dynamic_gather %parallel_loop3A_530[%parallel_loop3A_539] in [0] : vector<16xf32>, vector<16xi32> -> vector<16xf32>
        %parallel_loop3A_541 = arith.addf %parallel_loop3A_530, %parallel_loop3A_540 : vector<16xf32>
        %parallel_loop3A_542 = arith.constant 0 : i32
        %parallel_loop3A_543 = vector.broadcast %parallel_loop3A_542 : i32 to vector<16xi32>
        %parallel_loop3A_544 = arith.cmpi slt, %xor3A_23, %parallel_loop3A_543 : vector<16xi32>
        %parallel_loop3A_545 = arith.constant 16 : i32
        %parallel_loop3A_546 = vector.broadcast %parallel_loop3A_545 : i32 to vector<16xi32>
        %parallel_loop3A_547 = arith.addi %xor3A_23, %parallel_loop3A_546 : vector<16xi32>
        %parallel_loop3A_548 = arith.select %parallel_loop3A_544, %parallel_loop3A_547, %xor3A_23 : vector<16xi1>, vector<16xi32>
        %parallel_loop3A_549 = vector.shape_cast %parallel_loop3A_548 : vector<16xi32> to vector<16x1xi32>
        %parallel_loop3A_550 = vector.shape_cast %parallel_loop3A_549 : vector<16x1xi32> to vector<16xi32>
        %parallel_loop3A_551 = tpu.dynamic_gather %parallel_loop3A_541[%parallel_loop3A_550] in [0] : vector<16xf32>, vector<16xi32> -> vector<16xf32>
        %parallel_loop3A_552 = arith.addf %parallel_loop3A_541, %parallel_loop3A_551 : vector<16xf32>
        %parallel_loop3A_553 = arith.constant 0 : i32
        %parallel_loop3A_554 = vector.broadcast %parallel_loop3A_553 : i32 to vector<16xi32>
        %parallel_loop3A_555 = arith.cmpi slt, %xor3A_26, %parallel_loop3A_554 : vector<16xi32>
        %parallel_loop3A_556 = arith.constant 16 : i32
        %parallel_loop3A_557 = vector.broadcast %parallel_loop3A_556 : i32 to vector<16xi32>
        %parallel_loop3A_558 = arith.addi %xor3A_26, %parallel_loop3A_557 : vector<16xi32>
        %parallel_loop3A_559 = arith.select %parallel_loop3A_555, %parallel_loop3A_558, %xor3A_26 : vector<16xi1>, vector<16xi32>
        %parallel_loop3A_560 = vector.shape_cast %parallel_loop3A_559 : vector<16xi32> to vector<16x1xi32>
        %parallel_loop3A_561 = vector.shape_cast %parallel_loop3A_560 : vector<16x1xi32> to vector<16xi32>
        %parallel_loop3A_562 = tpu.dynamic_gather %parallel_loop3A_552[%parallel_loop3A_561] in [0] : vector<16xf32>, vector<16xi32> -> vector<16xf32>
        %parallel_loop3A_563 = arith.addf %parallel_loop3A_552, %parallel_loop3A_562 : vector<16xf32>
        %parallel_loop3A_564 = arith.mulf %parallel_loop3A_563, %convert_element_type3A_34 : vector<16xf32>
        %parallel_loop3A_565 = arith.addf %parallel_loop3A_507, %parallel_loop3A_564 : vector<16xf32>
        %parallel_loop3A_566 = arith.index_cast %parallel_loop3A_446 : i32 to index
        %parallel_loop3A_567 = arith.constant 32 : index
        %parallel_loop3A_568 = tpu.vector_load %arg13[%parallel_loop3A_566, %parallel_loop3A_567] {strides = array<i32>} : memref<40x128xf32, #tpu.memory_space<vmem>>, vector<16xf32>,
        %parallel_loop3A_569 = arith.index_cast %parallel_loop3A_446 : i32 to index
        %parallel_loop3A_570 = arith.constant 32 : index
        %parallel_loop3A_571 = tpu.vector_load %arg15[%parallel_loop3A_569, %parallel_loop3A_570] {strides = array<i32>} : memref<40x128xf32, #tpu.memory_space<vmem>>, vector<16xf32>,
        %parallel_loop3A_572 = arith.mulf %parallel_loop3A_568, %parallel_loop3A_571 : vector<16xf32>
        %parallel_loop3A_573 = arith.index_cast %parallel_loop3A_446 : i32 to index
        %parallel_loop3A_574 = arith.constant 96 : index
        %parallel_loop3A_575 = tpu.vector_load %arg13[%parallel_loop3A_573, %parallel_loop3A_574] {strides = array<i32>} : memref<40x128xf32, #tpu.memory_space<vmem>>, vector<16xf32>,
        %parallel_loop3A_576 = arith.mulf %parallel_loop3A_449, %parallel_loop3A_575 : vector<16xf32>
        %parallel_loop3A_577 = arith.addf %parallel_loop3A_572, %parallel_loop3A_576 : vector<16xf32>
        %parallel_loop3A_578 = arith.constant 0 : i32
        %parallel_loop3A_579 = vector.broadcast %parallel_loop3A_578 : i32 to vector<16xi32>
        %parallel_loop3A_580 = arith.cmpi slt, %xor3A_17, %parallel_loop3A_579 : vector<16xi32>
        %parallel_loop3A_581 = arith.constant 16 : i32
        %parallel_loop3A_582 = vector.broadcast %parallel_loop3A_581 : i32 to vector<16xi32>
        %parallel_loop3A_583 = arith.addi %xor3A_17, %parallel_loop3A_582 : vector<16xi32>
        %parallel_loop3A_584 = arith.select %parallel_loop3A_580, %parallel_loop3A_583, %xor3A_17 : vector<16xi1>, vector<16xi32>
        %parallel_loop3A_585 = vector.shape_cast %parallel_loop3A_584 : vector<16xi32> to vector<16x1xi32>
        %parallel_loop3A_586 = vector.shape_cast %parallel_loop3A_585 : vector<16x1xi32> to vector<16xi32>
        %parallel_loop3A_587 = tpu.dynamic_gather %parallel_loop3A_577[%parallel_loop3A_586] in [0] : vector<16xf32>, vector<16xi32> -> vector<16xf32>
        %parallel_loop3A_588 = arith.addf %parallel_loop3A_577, %parallel_loop3A_587 : vector<16xf32>
        %parallel_loop3A_589 = arith.constant 0 : i32
        %parallel_loop3A_590 = vector.broadcast %parallel_loop3A_589 : i32 to vector<16xi32>
        %parallel_loop3A_591 = arith.cmpi slt, %xor3A_20, %parallel_loop3A_590 : vector<16xi32>
        %parallel_loop3A_592 = arith.constant 16 : i32
        %parallel_loop3A_593 = vector.broadcast %parallel_loop3A_592 : i32 to vector<16xi32>
        %parallel_loop3A_594 = arith.addi %xor3A_20, %parallel_loop3A_593 : vector<16xi32>
        %parallel_loop3A_595 = arith.select %parallel_loop3A_591, %parallel_loop3A_594, %xor3A_20 : vector<16xi1>, vector<16xi32>
        %parallel_loop3A_596 = vector.shape_cast %parallel_loop3A_595 : vector<16xi32> to vector<16x1xi32>
        %parallel_loop3A_597 = vector.shape_cast %parallel_loop3A_596 : vector<16x1xi32> to vector<16xi32>
        %parallel_loop3A_598 = tpu.dynamic_gather %parallel_loop3A_588[%parallel_loop3A_597] in [0] : vector<16xf32>, vector<16xi32> -> vector<16xf32>
        %parallel_loop3A_599 = arith.addf %parallel_loop3A_588, %parallel_loop3A_598 : vector<16xf32>
        %parallel_loop3A_600 = arith.constant 0 : i32
        %parallel_loop3A_601 = vector.broadcast %parallel_loop3A_600 : i32 to vector<16xi32>
        %parallel_loop3A_602 = arith.cmpi slt, %xor3A_23, %parallel_loop3A_601 : vector<16xi32>
        %parallel_loop3A_603 = arith.constant 16 : i32
        %parallel_loop3A_604 = vector.broadcast %parallel_loop3A_603 : i32 to vector<16xi32>
        %parallel_loop3A_605 = arith.addi %xor3A_23, %parallel_loop3A_604 : vector<16xi32>
        %parallel_loop3A_606 = arith.select %parallel_loop3A_602, %parallel_loop3A_605, %xor3A_23 : vector<16xi1>, vector<16xi32>
        %parallel_loop3A_607 = vector.shape_cast %parallel_loop3A_606 : vector<16xi32> to vector<16x1xi32>
        %parallel_loop3A_608 = vector.shape_cast %parallel_loop3A_607 : vector<16x1xi32> to vector<16xi32>
        %parallel_loop3A_609 = tpu.dynamic_gather %parallel_loop3A_599[%parallel_loop3A_608] in [0] : vector<16xf32>, vector<16xi32> -> vector<16xf32>
        %parallel_loop3A_610 = arith.addf %parallel_loop3A_599, %parallel_loop3A_609 : vector<16xf32>
        %parallel_loop3A_611 = arith.constant 0 : i32
        %parallel_loop3A_612 = vector.broadcast %parallel_loop3A_611 : i32 to vector<16xi32>
        %parallel_loop3A_613 = arith.cmpi slt, %xor3A_26, %parallel_loop3A_612 : vector<16xi32>
        %parallel_loop3A_614 = arith.constant 16 : i32
        %parallel_loop3A_615 = vector.broadcast %parallel_loop3A_614 : i32 to vector<16xi32>
        %parallel_loop3A_616 = arith.addi %xor3A_26, %parallel_loop3A_615 : vector<16xi32>
        %parallel_loop3A_617 = arith.select %parallel_loop3A_613, %parallel_loop3A_616, %xor3A_26 : vector<16xi1>, vector<16xi32>
        %parallel_loop3A_618 = vector.shape_cast %parallel_loop3A_617 : vector<16xi32> to vector<16x1xi32>
        %parallel_loop3A_619 = vector.shape_cast %parallel_loop3A_618 : vector<16x1xi32> to vector<16xi32>
        %parallel_loop3A_620 = tpu.dynamic_gather %parallel_loop3A_610[%parallel_loop3A_619] in [0] : vector<16xf32>, vector<16xi32> -> vector<16xf32>
        %parallel_loop3A_621 = arith.addf %parallel_loop3A_610, %parallel_loop3A_620 : vector<16xf32>
        %parallel_loop3A_622 = arith.mulf %parallel_loop3A_621, %convert_element_type3A_39 : vector<16xf32>
        %parallel_loop3A_623 = arith.addf %parallel_loop3A_565, %parallel_loop3A_622 : vector<16xf32>
        %parallel_loop3A_624 = arith.index_cast %parallel_loop3A_446 : i32 to index
        %parallel_loop3A_625 = arith.constant 48 : index
        %parallel_loop3A_626 = tpu.vector_load %arg13[%parallel_loop3A_624, %parallel_loop3A_625] {strides = array<i32>} : memref<40x128xf32, #tpu.memory_space<vmem>>, vector<16xf32>,
        %parallel_loop3A_627 = arith.index_cast %parallel_loop3A_446 : i32 to index
        %parallel_loop3A_628 = arith.constant 48 : index
        %parallel_loop3A_629 = tpu.vector_load %arg15[%parallel_loop3A_627, %parallel_loop3A_628] {strides = array<i32>} : memref<40x128xf32, #tpu.memory_space<vmem>>, vector<16xf32>,
        %parallel_loop3A_630 = arith.mulf %parallel_loop3A_626, %parallel_loop3A_629 : vector<16xf32>
        %parallel_loop3A_631 = arith.index_cast %parallel_loop3A_446 : i32 to index
        %parallel_loop3A_632 = arith.constant 112 : index
        %parallel_loop3A_633 = tpu.vector_load %arg13[%parallel_loop3A_631, %parallel_loop3A_632] {strides = array<i32>} : memref<40x128xf32, #tpu.memory_space<vmem>>, vector<16xf32>,
        %parallel_loop3A_634 = arith.mulf %parallel_loop3A_449, %parallel_loop3A_633 : vector<16xf32>
        %parallel_loop3A_635 = arith.addf %parallel_loop3A_630, %parallel_loop3A_634 : vector<16xf32>
        %parallel_loop3A_636 = arith.constant 0 : i32
        %parallel_loop3A_637 = vector.broadcast %parallel_loop3A_636 : i32 to vector<16xi32>
        %parallel_loop3A_638 = arith.cmpi slt, %xor3A_17, %parallel_loop3A_637 : vector<16xi32>
        %parallel_loop3A_639 = arith.constant 16 : i32
        %parallel_loop3A_640 = vector.broadcast %parallel_loop3A_639 : i32 to vector<16xi32>
        %parallel_loop3A_641 = arith.addi %xor3A_17, %parallel_loop3A_640 : vector<16xi32>
        %parallel_loop3A_642 = arith.select %parallel_loop3A_638, %parallel_loop3A_641, %xor3A_17 : vector<16xi1>, vector<16xi32>
        %parallel_loop3A_643 = vector.shape_cast %parallel_loop3A_642 : vector<16xi32> to vector<16x1xi32>
        %parallel_loop3A_644 = vector.shape_cast %parallel_loop3A_643 : vector<16x1xi32> to vector<16xi32>
        %parallel_loop3A_645 = tpu.dynamic_gather %parallel_loop3A_635[%parallel_loop3A_644] in [0] : vector<16xf32>, vector<16xi32> -> vector<16xf32>
        %parallel_loop3A_646 = arith.addf %parallel_loop3A_635, %parallel_loop3A_645 : vector<16xf32>
        %parallel_loop3A_647 = arith.constant 0 : i32
        %parallel_loop3A_648 = vector.broadcast %parallel_loop3A_647 : i32 to vector<16xi32>
        %parallel_loop3A_649 = arith.cmpi slt, %xor3A_20, %parallel_loop3A_648 : vector<16xi32>
        %parallel_loop3A_650 = arith.constant 16 : i32
        %parallel_loop3A_651 = vector.broadcast %parallel_loop3A_650 : i32 to vector<16xi32>
        %parallel_loop3A_652 = arith.addi %xor3A_20, %parallel_loop3A_651 : vector<16xi32>
        %parallel_loop3A_653 = arith.select %parallel_loop3A_649, %parallel_loop3A_652, %xor3A_20 : vector<16xi1>, vector<16xi32>
        %parallel_loop3A_654 = vector.shape_cast %parallel_loop3A_653 : vector<16xi32> to vector<16x1xi32>
        %parallel_loop3A_655 = vector.shape_cast %parallel_loop3A_654 : vector<16x1xi32> to vector<16xi32>
        %parallel_loop3A_656 = tpu.dynamic_gather %parallel_loop3A_646[%parallel_loop3A_655] in [0] : vector<16xf32>, vector<16xi32> -> vector<16xf32>
        %parallel_loop3A_657 = arith.addf %parallel_loop3A_646, %parallel_loop3A_656 : vector<16xf32>
        %parallel_loop3A_658 = arith.constant 0 : i32
        %parallel_loop3A_659 = vector.broadcast %parallel_loop3A_658 : i32 to vector<16xi32>
        %parallel_loop3A_660 = arith.cmpi slt, %xor3A_23, %parallel_loop3A_659 : vector<16xi32>
        %parallel_loop3A_661 = arith.constant 16 : i32
        %parallel_loop3A_662 = vector.broadcast %parallel_loop3A_661 : i32 to vector<16xi32>
        %parallel_loop3A_663 = arith.addi %xor3A_23, %parallel_loop3A_662 : vector<16xi32>
        %parallel_loop3A_664 = arith.select %parallel_loop3A_660, %parallel_loop3A_663, %xor3A_23 : vector<16xi1>, vector<16xi32>
        %parallel_loop3A_665 = vector.shape_cast %parallel_loop3A_664 : vector<16xi32> to vector<16x1xi32>
        %parallel_loop3A_666 = vector.shape_cast %parallel_loop3A_665 : vector<16x1xi32> to vector<16xi32>
        %parallel_loop3A_667 = tpu.dynamic_gather %parallel_loop3A_657[%parallel_loop3A_666] in [0] : vector<16xf32>, vector<16xi32> -> vector<16xf32>
        %parallel_loop3A_668 = arith.addf %parallel_loop3A_657, %parallel_loop3A_667 : vector<16xf32>
        %parallel_loop3A_669 = arith.constant 0 : i32
        %parallel_loop3A_670 = vector.broadcast %parallel_loop3A_669 : i32 to vector<16xi32>
        %parallel_loop3A_671 = arith.cmpi slt, %xor3A_26, %parallel_loop3A_670 : vector<16xi32>
        %parallel_loop3A_672 = arith.constant 16 : i32
        %parallel_loop3A_673 = vector.broadcast %parallel_loop3A_672 : i32 to vector<16xi32>
        %parallel_loop3A_674 = arith.addi %xor3A_26, %parallel_loop3A_673 : vector<16xi32>
        %parallel_loop3A_675 = arith.select %parallel_loop3A_671, %parallel_loop3A_674, %xor3A_26 : vector<16xi1>, vector<16xi32>
        %parallel_loop3A_676 = vector.shape_cast %parallel_loop3A_675 : vector<16xi32> to vector<16x1xi32>
        %parallel_loop3A_677 = vector.shape_cast %parallel_loop3A_676 : vector<16x1xi32> to vector<16xi32>
        %parallel_loop3A_678 = tpu.dynamic_gather %parallel_loop3A_668[%parallel_loop3A_677] in [0] : vector<16xf32>, vector<16xi32> -> vector<16xf32>
        %parallel_loop3A_679 = arith.addf %parallel_loop3A_668, %parallel_loop3A_678 : vector<16xf32>
        %parallel_loop3A_680 = arith.mulf %parallel_loop3A_679, %convert_element_type3A_44 : vector<16xf32>
        %parallel_loop3A_681 = arith.addf %parallel_loop3A_623, %parallel_loop3A_680 : vector<16xf32>
        %parallel_loop3A_682 = arith.constant 2.500000e-01 : f32
        %parallel_loop3A_683 = vector.broadcast %parallel_loop3A_682 : f32 to vector<16xf32>
        %parallel_loop3A_684 = arith.mulf %parallel_loop3A_681, %parallel_loop3A_683 : vector<16xf32>
        %parallel_loop3A_685 = math.exp %parallel_loop3A_684 : vector<16xf32>
        %parallel_loop3A_686 = arith.index_cast %parallel_loop3A_446 : i32 to index
        %parallel_loop3A_687 = arith.constant 0 : index
        %parallel_loop3A_688 = tpu.vector_load %arg17[%parallel_loop3A_686, %parallel_loop3A_687] {strides = array<i32>} : memref<40x144xf32, #tpu.memory_space<vmem>>, vector<16xf32>,
        tpu.vector_store %arg17[%parallel_loop3A_686, %parallel_loop3A_687], %parallel_loop3A_685 {strides = array<i32>} : memref<40x144xf32, #tpu.memory_space<vmem>>, vector<16xf32>,
        %parallel_loop3A_689 = arith.constant 0 : i32
        %parallel_loop3A_690 = vector.broadcast %parallel_loop3A_689 : i32 to vector<16xi32>
        %parallel_loop3A_691 = arith.constant 0 : i32
        %parallel_loop3A_692 = vector.broadcast %parallel_loop3A_691 : i32 to vector<16xi32>
        %parallel_loop3A_693 = arith.cmpi slt, %parallel_loop3A_690, %parallel_loop3A_692 : vector<16xi32>
        %parallel_loop3A_694 = arith.constant 16 : i32
        %parallel_loop3A_695 = vector.broadcast %parallel_loop3A_694 : i32 to vector<16xi32>
        %parallel_loop3A_696 = arith.addi %parallel_loop3A_690, %parallel_loop3A_695 : vector<16xi32>
        %parallel_loop3A_697 = arith.select %parallel_loop3A_693, %parallel_loop3A_696, %parallel_loop3A_690 : vector<16xi1>, vector<16xi32>
        %parallel_loop3A_698 = vector.shape_cast %parallel_loop3A_697 : vector<16xi32> to vector<16x1xi32>
        %parallel_loop3A_699 = vector.shape_cast %parallel_loop3A_698 : vector<16x1xi32> to vector<16xi32>
        %parallel_loop3A_700 = tpu.dynamic_gather %parallel_loop3A_685[%parallel_loop3A_699] in [0] : vector<16xf32>, vector<16xi32> -> vector<16xf32>
        %parallel_loop3A_701 = arith.mulf %parallel_loop3A_700, %parallel_loop3A_449 : vector<16xf32>
        %parallel_loop3A_702 = arith.index_cast %parallel_loop3A_446 : i32 to index
        %parallel_loop3A_703 = arith.constant 16 : index
        %parallel_loop3A_704 = tpu.vector_load %arg17[%parallel_loop3A_702, %parallel_loop3A_703] {strides = array<i32>} : memref<40x144xf32, #tpu.memory_space<vmem>>, vector<16xf32>,
        tpu.vector_store %arg17[%parallel_loop3A_702, %parallel_loop3A_703], %parallel_loop3A_701 {strides = array<i32>} : memref<40x144xf32, #tpu.memory_space<vmem>>, vector<16xf32>,
        %parallel_loop3A_705 = arith.index_cast %parallel_loop3A_446 : i32 to index
        %parallel_loop3A_706 = arith.constant 64 : index
        %parallel_loop3A_707 = tpu.vector_load %arg15[%parallel_loop3A_705, %parallel_loop3A_706] {strides = array<i32>} : memref<40x128xf32, #tpu.memory_space<vmem>>, vector<16xf32>,
        %parallel_loop3A_708 = arith.mulf %parallel_loop3A_700, %parallel_loop3A_707 : vector<16xf32>
        %parallel_loop3A_709 = arith.index_cast %parallel_loop3A_446 : i32 to index
        %parallel_loop3A_710 = arith.constant 80 : index
        %parallel_loop3A_711 = tpu.vector_load %arg17[%parallel_loop3A_709, %parallel_loop3A_710] {strides = array<i32>} : memref<40x144xf32, #tpu.memory_space<vmem>>, vector<16xf32>,
        tpu.vector_store %arg17[%parallel_loop3A_709, %parallel_loop3A_710], %parallel_loop3A_708 {strides = array<i32>} : memref<40x144xf32, #tpu.memory_space<vmem>>, vector<16xf32>,
        %parallel_loop3A_712 = arith.constant 1 : i32
        %parallel_loop3A_713 = vector.broadcast %parallel_loop3A_712 : i32 to vector<16xi32>
        %parallel_loop3A_714 = arith.constant 0 : i32
        %parallel_loop3A_715 = vector.broadcast %parallel_loop3A_714 : i32 to vector<16xi32>
        %parallel_loop3A_716 = arith.cmpi slt, %parallel_loop3A_713, %parallel_loop3A_715 : vector<16xi32>
        %parallel_loop3A_717 = arith.constant 16 : i32
        %parallel_loop3A_718 = vector.broadcast %parallel_loop3A_717 : i32 to vector<16xi32>
        %parallel_loop3A_719 = arith.addi %parallel_loop3A_713, %parallel_loop3A_718 : vector<16xi32>
        %parallel_loop3A_720 = arith.select %parallel_loop3A_716, %parallel_loop3A_719, %parallel_loop3A_713 : vector<16xi1>, vector<16xi32>
        %parallel_loop3A_721 = vector.shape_cast %parallel_loop3A_720 : vector<16xi32> to vector<16x1xi32>
        %parallel_loop3A_722 = vector.shape_cast %parallel_loop3A_721 : vector<16x1xi32> to vector<16xi32>
        %parallel_loop3A_723 = tpu.dynamic_gather %parallel_loop3A_685[%parallel_loop3A_722] in [0] : vector<16xf32>, vector<16xi32> -> vector<16xf32>
        %parallel_loop3A_724 = arith.mulf %parallel_loop3A_723, %parallel_loop3A_449 : vector<16xf32>
        %parallel_loop3A_725 = arith.index_cast %parallel_loop3A_446 : i32 to index
        %parallel_loop3A_726 = arith.constant 32 : index
        %parallel_loop3A_727 = tpu.vector_load %arg17[%parallel_loop3A_725, %parallel_loop3A_726] {strides = array<i32>} : memref<40x144xf32, #tpu.memory_space<vmem>>, vector<16xf32>,
        tpu.vector_store %arg17[%parallel_loop3A_725, %parallel_loop3A_726], %parallel_loop3A_724 {strides = array<i32>} : memref<40x144xf32, #tpu.memory_space<vmem>>, vector<16xf32>,
        %parallel_loop3A_728 = arith.index_cast %parallel_loop3A_446 : i32 to index
        %parallel_loop3A_729 = arith.constant 80 : index
        %parallel_loop3A_730 = tpu.vector_load %arg15[%parallel_loop3A_728, %parallel_loop3A_729] {strides = array<i32>} : memref<40x128xf32, #tpu.memory_space<vmem>>, vector<16xf32>,
        %parallel_loop3A_731 = arith.mulf %parallel_loop3A_723, %parallel_loop3A_730 : vector<16xf32>
        %parallel_loop3A_732 = arith.index_cast %parallel_loop3A_446 : i32 to index
        %parallel_loop3A_733 = arith.constant 96 : index
        %parallel_loop3A_734 = tpu.vector_load %arg17[%parallel_loop3A_732, %parallel_loop3A_733] {strides = array<i32>} : memref<40x144xf32, #tpu.memory_space<vmem>>, vector<16xf32>,
        tpu.vector_store %arg17[%parallel_loop3A_732, %parallel_loop3A_733], %parallel_loop3A_731 {strides = array<i32>} : memref<40x144xf32, #tpu.memory_space<vmem>>, vector<16xf32>,
        %parallel_loop3A_735 = arith.constant 2 : i32
        %parallel_loop3A_736 = vector.broadcast %parallel_loop3A_735 : i32 to vector<16xi32>
        %parallel_loop3A_737 = arith.constant 0 : i32
        %parallel_loop3A_738 = vector.broadcast %parallel_loop3A_737 : i32 to vector<16xi32>
        %parallel_loop3A_739 = arith.cmpi slt, %parallel_loop3A_736, %parallel_loop3A_738 : vector<16xi32>
        %parallel_loop3A_740 = arith.constant 16 : i32
        %parallel_loop3A_741 = vector.broadcast %parallel_loop3A_740 : i32 to vector<16xi32>
        %parallel_loop3A_742 = arith.addi %parallel_loop3A_736, %parallel_loop3A_741 : vector<16xi32>
        %parallel_loop3A_743 = arith.select %parallel_loop3A_739, %parallel_loop3A_742, %parallel_loop3A_736 : vector<16xi1>, vector<16xi32>
        %parallel_loop3A_744 = vector.shape_cast %parallel_loop3A_743 : vector<16xi32> to vector<16x1xi32>
        %parallel_loop3A_745 = vector.shape_cast %parallel_loop3A_744 : vector<16x1xi32> to vector<16xi32>
        %parallel_loop3A_746 = tpu.dynamic_gather %parallel_loop3A_685[%parallel_loop3A_745] in [0] : vector<16xf32>, vector<16xi32> -> vector<16xf32>
        %parallel_loop3A_747 = arith.mulf %parallel_loop3A_746, %parallel_loop3A_449 : vector<16xf32>
        %parallel_loop3A_748 = arith.index_cast %parallel_loop3A_446 : i32 to index
        %parallel_loop3A_749 = arith.constant 48 : index
        %parallel_loop3A_750 = tpu.vector_load %arg17[%parallel_loop3A_748, %parallel_loop3A_749] {strides = array<i32>} : memref<40x144xf32, #tpu.memory_space<vmem>>, vector<16xf32>,
        tpu.vector_store %arg17[%parallel_loop3A_748, %parallel_loop3A_749], %parallel_loop3A_747 {strides = array<i32>} : memref<40x144xf32, #tpu.memory_space<vmem>>, vector<16xf32>,
        %parallel_loop3A_751 = arith.index_cast %parallel_loop3A_446 : i32 to index
        %parallel_loop3A_752 = arith.constant 96 : index
        %parallel_loop3A_753 = tpu.vector_load %arg15[%parallel_loop3A_751, %parallel_loop3A_752] {strides = array<i32>} : memref<40x128xf32, #tpu.memory_space<vmem>>, vector<16xf32>,
        %parallel_loop3A_754 = arith.mulf %parallel_loop3A_746, %parallel_loop3A_753 : vector<16xf32>
        %parallel_loop3A_755 = arith.index_cast %parallel_loop3A_446 : i32 to index
        %parallel_loop3A_756 = arith.constant 112 : index
        %parallel_loop3A_757 = tpu.vector_load %arg17[%parallel_loop3A_755, %parallel_loop3A_756] {strides = array<i32>} : memref<40x144xf32, #tpu.memory_space<vmem>>, vector<16xf32>,
        tpu.vector_store %arg17[%parallel_loop3A_755, %parallel_loop3A_756], %parallel_loop3A_754 {strides = array<i32>} : memref<40x144xf32, #tpu.memory_space<vmem>>, vector<16xf32>,
        %parallel_loop3A_758 = arith.constant 3 : i32
        %parallel_loop3A_759 = vector.broadcast %parallel_loop3A_758 : i32 to vector<16xi32>
        %parallel_loop3A_760 = arith.constant 0 : i32
        %parallel_loop3A_761 = vector.broadcast %parallel_loop3A_760 : i32 to vector<16xi32>
        %parallel_loop3A_762 = arith.cmpi slt, %parallel_loop3A_759, %parallel_loop3A_761 : vector<16xi32>
        %parallel_loop3A_763 = arith.constant 16 : i32
        %parallel_loop3A_764 = vector.broadcast %parallel_loop3A_763 : i32 to vector<16xi32>
        %parallel_loop3A_765 = arith.addi %parallel_loop3A_759, %parallel_loop3A_764 : vector<16xi32>
        %parallel_loop3A_766 = arith.select %parallel_loop3A_762, %parallel_loop3A_765, %parallel_loop3A_759 : vector<16xi1>, vector<16xi32>
        %parallel_loop3A_767 = vector.shape_cast %parallel_loop3A_766 : vector<16xi32> to vector<16x1xi32>
        %parallel_loop3A_768 = vector.shape_cast %parallel_loop3A_767 : vector<16x1xi32> to vector<16xi32>
        %parallel_loop3A_769 = tpu.dynamic_gather %parallel_loop3A_685[%parallel_loop3A_768] in [0] : vector<16xf32>, vector<16xi32> -> vector<16xf32>
        %parallel_loop3A_770 = arith.mulf %parallel_loop3A_769, %parallel_loop3A_449 : vector<16xf32>
        %parallel_loop3A_771 = arith.index_cast %parallel_loop3A_446 : i32 to index
        %parallel_loop3A_772 = arith.constant 64 : index
        %parallel_loop3A_773 = tpu.vector_load %arg17[%parallel_loop3A_771, %parallel_loop3A_772] {strides = array<i32>} : memref<40x144xf32, #tpu.memory_space<vmem>>, vector<16xf32>,
        tpu.vector_store %arg17[%parallel_loop3A_771, %parallel_loop3A_772], %parallel_loop3A_770 {strides = array<i32>} : memref<40x144xf32, #tpu.memory_space<vmem>>, vector<16xf32>,
        %parallel_loop3A_774 = arith.index_cast %parallel_loop3A_446 : i32 to index
        %parallel_loop3A_775 = arith.constant 112 : index
        %parallel_loop3A_776 = tpu.vector_load %arg15[%parallel_loop3A_774, %parallel_loop3A_775] {strides = array<i32>} : memref<40x128xf32, #tpu.memory_space<vmem>>, vector<16xf32>,
        %parallel_loop3A_777 = arith.mulf %parallel_loop3A_769, %parallel_loop3A_776 : vector<16xf32>
        %parallel_loop3A_778 = arith.index_cast %parallel_loop3A_446 : i32 to index
        %parallel_loop3A_779 = arith.constant 128 : index
        %parallel_loop3A_780 = tpu.vector_load %arg17[%parallel_loop3A_778, %parallel_loop3A_779] {strides = array<i32>} : memref<40x144xf32, #tpu.memory_space<vmem>>, vector<16xf32>,
        tpu.vector_store %arg17[%parallel_loop3A_778, %parallel_loop3A_779], %parallel_loop3A_777 {strides = array<i32>} : memref<40x144xf32, #tpu.memory_space<vmem>>, vector<16xf32>,
      } {sc.loop_unroll_factor = 20 : i64, sc.parallel_access}
      %dma_start3A_369 = arith.constant 0 : i32
      %dma_start3A_370 = arith.constant 0 : i32
      %dma_start3A_371 = tpu.memref_slice %arg20[%dma_start3A_369, %dma_start3A_370] : memref<10000x144xf32, #tpu.memory_space<vmem_shared>> -> memref<10000x144xf32, #tpu.memory_space<vmem_shared>>
      tpu.enqueue_indirect_dma source(%arg17 : memref<40x144xf32, #tpu.memory_space<vmem>>) target(%dma_start3A_371 : memref<10000x144xf32, #tpu.memory_space<vmem_shared>>) offsets(%arg19 : memref<40xi32, #tpu.memory_space<vmem>>) semaphore(%arg30 : memref<!tpu.dma_semaphore, #tpu.memory_space<semaphore_mem>>) {add = true}
      %add3A_372 = arith.constant 3 : i32
      %add3A_373 = arith.addi %mul3A_245, %add3A_372 : i32
      %mul3A_374 = arith.constant 20000 : i32
      %mul3A_375 = arith.muli %arg1, %mul3A_374 : i32
      %min3A_376 = arith.constant 499 : i32
      %min3A_377 = arith.minsi %add3A_373, %min3A_376 : i32
      %mul3A_378 = arith.constant 40 : i32
      %mul3A_379 = arith.muli %min3A_377, %mul3A_378 : i32
      %add3A_380 = arith.addi %mul3A_375, %mul3A_379 : i32
      %dma_start3A_381 = arith.constant 0 : i32
      %dma_start3A_382 = tpu.memref_slice %arg4[%dma_start3A_381, %add3A_380] : memref<2x320000xi32, #tpu.memory_space<hbm>> -> memref<2x40xi32, #tpu.memory_space<hbm>>
      %dma_start3A_383 = arith.constant 0 : i32
      %dma_start3A_384 = tpu.memref_slice %arg4[%dma_start3A_383, %add3A_380] : memref<2x320000xi32, #tpu.memory_space<hbm>> -> memref<2x40xi32, #tpu.memory_space<hbm>>
      tpu.enqueue_dma source(%dma_start3A_384 : memref<2x40xi32, #tpu.memory_space<hbm>>) target(%arg9 : memref<2x40xi32, #tpu.memory_space<vmem>>) target_semaphore(%arg22 : memref<!tpu.dma_semaphore, #tpu.memory_space<semaphore_mem>>)
      %dma_start3A_385 = arith.constant 0 : i32
      %dma_start3A_386 = tpu.memref_slice %arg5[%add3A_380, %dma_start3A_385] : memref<320000x16xf32, #tpu.memory_space<hbm>> -> memref<40x16xf32, #tpu.memory_space<hbm>>
      %dma_start3A_387 = arith.constant 0 : i32
      %dma_start3A_388 = tpu.memref_slice %arg5[%add3A_380, %dma_start3A_387] : memref<320000x16xf32, #tpu.memory_space<hbm>> -> memref<40x16xf32, #tpu.memory_space<hbm>>
      tpu.enqueue_dma source(%dma_start3A_388 : memref<40x16xf32, #tpu.memory_space<hbm>>) target(%arg11 : memref<40x16xf32, #tpu.memory_space<vmem>>) target_semaphore(%arg24 : memref<!tpu.dma_semaphore, #tpu.memory_space<semaphore_mem>>)
      %dma_wait3A_389 = arith.constant 0 : i32
      %dma_wait3A_390 = arith.constant 0 : i32
      %dma_wait3A_391 = tpu.memref_slice %arg4[%dma_wait3A_389, %dma_wait3A_390] : memref<2x320000xi32, #tpu.memory_space<hbm>> -> memref<2x40xi32, #tpu.memory_space<hbm>>
      %dma_wait3A_392 = arith.constant 0 : i32
      %dma_wait3A_393 = arith.constant 0 : i32
      %dma_wait3A_394 = tpu.memref_slice %arg4[%dma_wait3A_392, %dma_wait3A_393] : memref<2x320000xi32, #tpu.memory_space<hbm>> -> memref<2x40xi32, #tpu.memory_space<hbm>>
      tpu.wait_dma2 semaphore(%arg21 : memref<!tpu.dma_semaphore, #tpu.memory_space<semaphore_mem>>) src(%dma_wait3A_394 : memref<2x40xi32, #tpu.memory_space<hbm>>) dst(%arg8 : memref<2x40xi32, #tpu.memory_space<vmem>>)
      %dma_start3A_395 = arith.constant 1 : i32
      %dma_start3A_396 = arith.constant 0 : i32
      %dma_start3A_397 = tpu.memref_slice %arg8[%dma_start3A_395, %dma_start3A_396] : memref<2x40xi32, #tpu.memory_space<vmem>> -> memref<1x40xi32, #tpu.memory_space<vmem>>
      %dma_start3A_398 = tpu.memref_squeeze %dma_start3A_397 : memref<1x40xi32, #tpu.memory_space<vmem>> -> memref<40xi32, #tpu.memory_space<vmem>>
      %dma_start3A_399 = arith.constant 0 : i32
      %dma_start3A_400 = arith.constant 0 : i32
      %dma_start3A_401 = tpu.memref_slice %arg2[%arg0, %dma_start3A_399, %dma_start3A_400] : memref<2x10000x128xf32, #tpu.memory_space<hbm>> -> memref<1x10000x128xf32, #tpu.memory_space<hbm>>
      %dma_start3A_402 = tpu.memref_squeeze %dma_start3A_401 : memref<1x10000x128xf32, #tpu.memory_space<hbm>> -> memref<10000x128xf32, #tpu.memory_space<hbm>>
      %dma_start3A_403 = arith.constant 0 : i32
      %dma_start3A_404 = arith.constant 0 : i32
      %dma_start3A_405 = tpu.memref_slice %dma_start3A_402[%dma_start3A_403, %dma_start3A_404] : memref<10000x128xf32, #tpu.memory_space<hbm>> -> memref<10000x128xf32, #tpu.memory_space<hbm>>
      tpu.enqueue_indirect_dma source(%dma_start3A_405 : memref<10000x128xf32, #tpu.memory_space<hbm>>) target(%arg12 : memref<40x128xf32, #tpu.memory_space<vmem>>) offsets(%dma_start3A_398 : memref<40xi32, #tpu.memory_space<vmem>>) semaphore(%arg25 : memref<!tpu.dma_semaphore, #tpu.memory_space<semaphore_mem>>)
      %dma_start3A_406 = arith.constant 0 : i32
      %dma_start3A_407 = arith.constant 0 : i32
      %dma_start3A_408 = tpu.memref_slice %arg8[%dma_start3A_406, %dma_start3A_407] : memref<2x40xi32, #tpu.memory_space<vmem>> -> memref<1x40xi32, #tpu.memory_space<vmem>>
      %dma_start3A_409 = tpu.memref_squeeze %dma_start3A_408 : memref<1x40xi32, #tpu.memory_space<vmem>> -> memref<40xi32, #tpu.memory_space<vmem>>
      %dma_start3A_410 = arith.constant 0 : i32
      %dma_start3A_411 = arith.constant 0 : i32
      %dma_start3A_412 = tpu.memref_slice %arg3[%arg0, %dma_start3A_410, %dma_start3A_411] : memref<2x10000x128xf32, #tpu.memory_space<hbm>> -> memref<1x10000x128xf32, #tpu.memory_space<hbm>>
      %dma_start3A_413 = tpu.memref_squeeze %dma_start3A_412 : memref<1x10000x128xf32, #tpu.memory_space<hbm>> -> memref<10000x128xf32, #tpu.memory_space<hbm>>
      %dma_start3A_414 = arith.constant 0 : i32
      %dma_start3A_415 = arith.constant 0 : i32
      %dma_start3A_416 = tpu.memref_slice %dma_start3A_413[%dma_start3A_414, %dma_start3A_415] : memref<10000x128xf32, #tpu.memory_space<hbm>> -> memref<10000x128xf32, #tpu.memory_space<hbm>>
      tpu.enqueue_indirect_dma source(%dma_start3A_416 : memref<10000x128xf32, #tpu.memory_space<hbm>>) target(%arg14 : memref<40x128xf32, #tpu.memory_space<vmem>>) offsets(%dma_start3A_409 : memref<40xi32, #tpu.memory_space<vmem>>) semaphore(%arg26 : memref<!tpu.dma_semaphore, #tpu.memory_space<semaphore_mem>>)
      %dma_wait3A_417 = arith.constant 0 : i32
      %dma_wait3A_418 = arith.constant 0 : i32
      %dma_wait3A_419 = tpu.memref_slice %arg4[%dma_wait3A_417, %dma_wait3A_418] : memref<2x320000xi32, #tpu.memory_space<hbm>> -> memref<2x40xi32, #tpu.memory_space<hbm>>
      %dma_wait3A_420 = arith.constant 0 : i32
      %dma_wait3A_421 = arith.constant 0 : i32
      %dma_wait3A_422 = tpu.memref_slice %arg4[%dma_wait3A_420, %dma_wait3A_421] : memref<2x320000xi32, #tpu.memory_space<hbm>> -> memref<2x40xi32, #tpu.memory_space<hbm>>
      tpu.wait_dma2 semaphore(%arg22 : memref<!tpu.dma_semaphore, #tpu.memory_space<semaphore_mem>>) src(%dma_wait3A_422 : memref<2x40xi32, #tpu.memory_space<hbm>>) dst(%arg9 : memref<2x40xi32, #tpu.memory_space<vmem>>)
      %dma_start3A_423 = arith.constant 1 : i32
      %dma_start3A_424 = arith.constant 0 : i32
      %dma_start3A_425 = tpu.memref_slice %arg9[%dma_start3A_423, %dma_start3A_424] : memref<2x40xi32, #tpu.memory_space<vmem>> -> memref<1x40xi32, #tpu.memory_space<vmem>>
      %dma_start3A_426 = tpu.memref_squeeze %dma_start3A_425 : memref<1x40xi32, #tpu.memory_space<vmem>> -> memref<40xi32, #tpu.memory_space<vmem>>
      %dma_start3A_427 = arith.constant 0 : i32
      %dma_start3A_428 = arith.constant 0 : i32
      %dma_start3A_429 = tpu.memref_slice %arg2[%arg0, %dma_start3A_427, %dma_start3A_428] : memref<2x10000x128xf32, #tpu.memory_space<hbm>> -> memref<1x10000x128xf32, #tpu.memory_space<hbm>>
      %dma_start3A_430 = tpu.memref_squeeze %dma_start3A_429 : memref<1x10000x128xf32, #tpu.memory_space<hbm>> -> memref<10000x128xf32, #tpu.memory_space<hbm>>
      %dma_start3A_431 = arith.constant 0 : i32
      %dma_start3A_432 = arith.constant 0 : i32
      %dma_start3A_433 = tpu.memref_slice %dma_start3A_430[%dma_start3A_431, %dma_start3A_432] : memref<10000x128xf32, #tpu.memory_space<hbm>> -> memref<10000x128xf32, #tpu.memory_space<hbm>>
      tpu.enqueue_indirect_dma source(%dma_start3A_433 : memref<10000x128xf32, #tpu.memory_space<hbm>>) target(%arg13 : memref<40x128xf32, #tpu.memory_space<vmem>>) offsets(%dma_start3A_426 : memref<40xi32, #tpu.memory_space<vmem>>) semaphore(%arg27 : memref<!tpu.dma_semaphore, #tpu.memory_space<semaphore_mem>>)
      %dma_start3A_434 = arith.constant 0 : i32
      %dma_start3A_435 = arith.constant 0 : i32
      %dma_start3A_436 = tpu.memref_slice %arg9[%dma_start3A_434, %dma_start3A_435] : memref<2x40xi32, #tpu.memory_space<vmem>> -> memref<1x40xi32, #tpu.memory_space<vmem>>
      %dma_start3A_437 = tpu.memref_squeeze %dma_start3A_436 : memref<1x40xi32, #tpu.memory_space<vmem>> -> memref<40xi32, #tpu.memory_space<vmem>>
      %dma_start3A_438 = arith.constant 0 : i32
      %dma_start3A_439 = arith.constant 0 : i32
      %dma_start3A_440 = tpu.memref_slice %arg3[%arg0, %dma_start3A_438, %dma_start3A_439] : memref<2x10000x128xf32, #tpu.memory_space<hbm>> -> memref<1x10000x128xf32, #tpu.memory_space<hbm>>
      %dma_start3A_441 = tpu.memref_squeeze %dma_start3A_440 : memref<1x10000x128xf32, #tpu.memory_space<hbm>> -> memref<10000x128xf32, #tpu.memory_space<hbm>>
      %dma_start3A_442 = arith.constant 0 : i32
      %dma_start3A_443 = arith.constant 0 : i32
      %dma_start3A_444 = tpu.memref_slice %dma_start3A_441[%dma_start3A_442, %dma_start3A_443] : memref<10000x128xf32, #tpu.memory_space<hbm>> -> memref<10000x128xf32, #tpu.memory_space<hbm>>
      tpu.enqueue_indirect_dma source(%dma_start3A_444 : memref<10000x128xf32, #tpu.memory_space<hbm>>) target(%arg15 : memref<40x128xf32, #tpu.memory_space<vmem>>) offsets(%dma_start3A_437 : memref<40xi32, #tpu.memory_space<vmem>>) semaphore(%arg28 : memref<!tpu.dma_semaphore, #tpu.memory_space<semaphore_mem>>)
      %scan3A_445 = arith.constant 0 : i32
      scf.yield %scan3A_445 : i32
    }
    %scan3A_176 = arith.constant 250 : i32
    %dma_wait3A_177 = arith.constant 1 : i32
    %dma_wait3A_178 = arith.constant 0 : i32
    %dma_wait3A_179 = tpu.memref_slice %arg8[%dma_wait3A_177, %dma_wait3A_178] : memref<2x40xi32, #tpu.memory_space<vmem>> -> memref<1x40xi32, #tpu.memory_space<vmem>>
    %dma_wait3A_180 = tpu.memref_squeeze %dma_wait3A_179 : memref<1x40xi32, #tpu.memory_space<vmem>> -> memref<40xi32, #tpu.memory_space<vmem>>
    %dma_wait3A_181 = arith.constant 0 : i32
    %dma_wait3A_182 = arith.constant 0 : i32
    %dma_wait3A_183 = tpu.memref_slice %arg2[%arg0, %dma_wait3A_181, %dma_wait3A_182] : memref<2x10000x128xf32, #tpu.memory_space<hbm>> -> memref<1x10000x128xf32, #tpu.memory_space<hbm>>
    %dma_wait3A_184 = tpu.memref_squeeze %dma_wait3A_183 : memref<1x10000x128xf32, #tpu.memory_space<hbm>> -> memref<10000x128xf32, #tpu.memory_space<hbm>>
    %dma_wait3A_185 = arith.constant 0 : i32
    %dma_wait3A_186 = arith.constant 0 : i32
    %dma_wait3A_187 = tpu.memref_slice %dma_wait3A_184[%dma_wait3A_185, %dma_wait3A_186] : memref<10000x128xf32, #tpu.memory_space<hbm>> -> memref<10000x128xf32, #tpu.memory_space<hbm>>
    tpu.wait_indirect_dma semaphore(%arg25 : memref<!tpu.dma_semaphore, #tpu.memory_space<semaphore_mem>>) src(%dma_wait3A_187 : memref<10000x128xf32, #tpu.memory_space<hbm>>) dst(%arg12 : memref<40x128xf32, #tpu.memory_space<vmem>>)
    %dma_wait3A_188 = arith.constant 0 : i32
    %dma_wait3A_189 = arith.constant 0 : i32
    %dma_wait3A_190 = tpu.memref_slice %arg8[%dma_wait3A_188, %dma_wait3A_189] : memref<2x40xi32, #tpu.memory_space<vmem>> -> memref<1x40xi32, #tpu.memory_space<vmem>>
    %dma_wait3A_191 = tpu.memref_squeeze %dma_wait3A_190 : memref<1x40xi32, #tpu.memory_space<vmem>> -> memref<40xi32, #tpu.memory_space<vmem>>
    %dma_wait3A_192 = arith.constant 0 : i32
    %dma_wait3A_193 = arith.constant 0 : i32
    %dma_wait3A_194 = tpu.memref_slice %arg3[%arg0, %dma_wait3A_192, %dma_wait3A_193] : memref<2x10000x128xf32, #tpu.memory_space<hbm>> -> memref<1x10000x128xf32, #tpu.memory_space<hbm>>
    %dma_wait3A_195 = tpu.memref_squeeze %dma_wait3A_194 : memref<1x10000x128xf32, #tpu.memory_space<hbm>> -> memref<10000x128xf32, #tpu.memory_space<hbm>>
    %dma_wait3A_196 = arith.constant 0 : i32
    %dma_wait3A_197 = arith.constant 0 : i32
    %dma_wait3A_198 = tpu.memref_slice %dma_wait3A_195[%dma_wait3A_196, %dma_wait3A_197] : memref<10000x128xf32, #tpu.memory_space<hbm>> -> memref<10000x128xf32, #tpu.memory_space<hbm>>
    tpu.wait_indirect_dma semaphore(%arg26 : memref<!tpu.dma_semaphore, #tpu.memory_space<semaphore_mem>>) src(%dma_wait3A_198 : memref<10000x128xf32, #tpu.memory_space<hbm>>) dst(%arg14 : memref<40x128xf32, #tpu.memory_space<vmem>>)
    %dma_wait3A_199 = arith.constant 0 : i32
    %dma_wait3A_200 = arith.constant 0 : i32
    %dma_wait3A_201 = tpu.memref_slice %arg5[%dma_wait3A_199, %dma_wait3A_200] : memref<320000x16xf32, #tpu.memory_space<hbm>> -> memref<40x16xf32, #tpu.memory_space<hbm>>
    %dma_wait3A_202 = arith.constant 0 : i32
    %dma_wait3A_203 = arith.constant 0 : i32
    %dma_wait3A_204 = tpu.memref_slice %arg5[%dma_wait3A_202, %dma_wait3A_203] : memref<320000x16xf32, #tpu.memory_space<hbm>> -> memref<40x16xf32, #tpu.memory_space<hbm>>
    tpu.wait_dma2 semaphore(%arg23 : memref<!tpu.dma_semaphore, #tpu.memory_space<semaphore_mem>>) src(%dma_wait3A_204 : memref<40x16xf32, #tpu.memory_space<hbm>>) dst(%arg10 : memref<40x16xf32, #tpu.memory_space<vmem>>)
    %dma_wait3A_205 = arith.constant 1 : i32
    %dma_wait3A_206 = arith.constant 0 : i32
    %dma_wait3A_207 = tpu.memref_slice %arg9[%dma_wait3A_205, %dma_wait3A_206] : memref<2x40xi32, #tpu.memory_space<vmem>> -> memref<1x40xi32, #tpu.memory_space<vmem>>
    %dma_wait3A_208 = tpu.memref_squeeze %dma_wait3A_207 : memref<1x40xi32, #tpu.memory_space<vmem>> -> memref<40xi32, #tpu.memory_space<vmem>>
    %dma_wait3A_209 = arith.constant 0 : i32
    %dma_wait3A_210 = arith.constant 0 : i32
    %dma_wait3A_211 = tpu.memref_slice %arg2[%arg0, %dma_wait3A_209, %dma_wait3A_210] : memref<2x10000x128xf32, #tpu.memory_space<hbm>> -> memref<1x10000x128xf32, #tpu.memory_space<hbm>>
    %dma_wait3A_212 = tpu.memref_squeeze %dma_wait3A_211 : memref<1x10000x128xf32, #tpu.memory_space<hbm>> -> memref<10000x128xf32, #tpu.memory_space<hbm>>
    %dma_wait3A_213 = arith.constant 0 : i32
    %dma_wait3A_214 = arith.constant 0 : i32
    %dma_wait3A_215 = tpu.memref_slice %dma_wait3A_212[%dma_wait3A_213, %dma_wait3A_214] : memref<10000x128xf32, #tpu.memory_space<hbm>> -> memref<10000x128xf32, #tpu.memory_space<hbm>>
    tpu.wait_indirect_dma semaphore(%arg27 : memref<!tpu.dma_semaphore, #tpu.memory_space<semaphore_mem>>) src(%dma_wait3A_215 : memref<10000x128xf32, #tpu.memory_space<hbm>>) dst(%arg13 : memref<40x128xf32, #tpu.memory_space<vmem>>)
    %dma_wait3A_216 = arith.constant 0 : i32
    %dma_wait3A_217 = arith.constant 0 : i32
    %dma_wait3A_218 = tpu.memref_slice %arg9[%dma_wait3A_216, %dma_wait3A_217] : memref<2x40xi32, #tpu.memory_space<vmem>> -> memref<1x40xi32, #tpu.memory_space<vmem>>
    %dma_wait3A_219 = tpu.memref_squeeze %dma_wait3A_218 : memref<1x40xi32, #tpu.memory_space<vmem>> -> memref<40xi32, #tpu.memory_space<vmem>>
    %dma_wait3A_220 = arith.constant 0 : i32
    %dma_wait3A_221 = arith.constant 0 : i32
    %dma_wait3A_222 = tpu.memref_slice %arg3[%arg0, %dma_wait3A_220, %dma_wait3A_221] : memref<2x10000x128xf32, #tpu.memory_space<hbm>> -> memref<1x10000x128xf32, #tpu.memory_space<hbm>>
    %dma_wait3A_223 = tpu.memref_squeeze %dma_wait3A_222 : memref<1x10000x128xf32, #tpu.memory_space<hbm>> -> memref<10000x128xf32, #tpu.memory_space<hbm>>
    %dma_wait3A_224 = arith.constant 0 : i32
    %dma_wait3A_225 = arith.constant 0 : i32
    %dma_wait3A_226 = tpu.memref_slice %dma_wait3A_223[%dma_wait3A_224, %dma_wait3A_225] : memref<10000x128xf32, #tpu.memory_space<hbm>> -> memref<10000x128xf32, #tpu.memory_space<hbm>>
    tpu.wait_indirect_dma semaphore(%arg28 : memref<!tpu.dma_semaphore, #tpu.memory_space<semaphore_mem>>) src(%dma_wait3A_226 : memref<10000x128xf32, #tpu.memory_space<hbm>>) dst(%arg15 : memref<40x128xf32, #tpu.memory_space<vmem>>)
    %dma_wait3A_227 = arith.constant 0 : i32
    %dma_wait3A_228 = arith.constant 0 : i32
    %dma_wait3A_229 = tpu.memref_slice %arg5[%dma_wait3A_227, %dma_wait3A_228] : memref<320000x16xf32, #tpu.memory_space<hbm>> -> memref<40x16xf32, #tpu.memory_space<hbm>>
    %dma_wait3A_230 = arith.constant 0 : i32
    %dma_wait3A_231 = arith.constant 0 : i32
    %dma_wait3A_232 = tpu.memref_slice %arg5[%dma_wait3A_230, %dma_wait3A_231] : memref<320000x16xf32, #tpu.memory_space<hbm>> -> memref<40x16xf32, #tpu.memory_space<hbm>>
    tpu.wait_dma2 semaphore(%arg24 : memref<!tpu.dma_semaphore, #tpu.memory_space<semaphore_mem>>) src(%dma_wait3A_232 : memref<40x16xf32, #tpu.memory_space<hbm>>) dst(%arg11 : memref<40x16xf32, #tpu.memory_space<vmem>>)
    %dma_wait3A_233 = arith.constant 0 : i32
    %dma_wait3A_234 = arith.constant 0 : i32
    %dma_wait3A_235 = tpu.memref_slice %arg20[%dma_wait3A_233, %dma_wait3A_234] : memref<10000x144xf32, #tpu.memory_space<vmem_shared>> -> memref<10000x144xf32, #tpu.memory_space<vmem_shared>>
    tpu.wait_indirect_dma semaphore(%arg29 : memref<!tpu.dma_semaphore, #tpu.memory_space<semaphore_mem>>) src(%arg16 : memref<40x144xf32, #tpu.memory_space<vmem>>) dst(%dma_wait3A_235 : memref<10000x144xf32, #tpu.memory_space<vmem_shared>>)
    %dma_wait3A_236 = arith.constant 0 : i32
    %dma_wait3A_237 = arith.constant 0 : i32
    %dma_wait3A_238 = tpu.memref_slice %arg20[%dma_wait3A_236, %dma_wait3A_237] : memref<10000x144xf32, #tpu.memory_space<vmem_shared>> -> memref<10000x144xf32, #tpu.memory_space<vmem_shared>>
    tpu.wait_indirect_dma semaphore(%arg30 : memref<!tpu.dma_semaphore, #tpu.memory_space<semaphore_mem>>) src(%arg17 : memref<40x144xf32, #tpu.memory_space<vmem>>) dst(%dma_wait3A_238 : memref<10000x144xf32, #tpu.memory_space<vmem_shared>>)
    %barrier3A_239 = arith.constant 0 : index
    tpu.barrier barrier_id(%barrier3A_239)
    %mul3A_240 = arith.constant 625 : i32
    %mul3A_241 = arith.muli %arg1, %mul3A_240 : i32
    "tpu.region"() ({
      %run_scoped3A = tpu.sem_alloc : memref<!tpu.dma_semaphore, #tpu.memory_space<semaphore_mem>>
      %dma_start3A_242 = arith.constant 0 : i32
      %dma_start3A_243 = tpu.memref_slice %arg6[%arg0, %mul3A_241, %dma_start3A_242] : memref<2x10000x128xf32, #tpu.memory_space<hbm>> -> memref<1x625x128xf32, #tpu.memory_space<hbm>>
      %dma_start3A_244 = tpu.memref_squeeze %dma_start3A_243 : memref<1x625x128xf32, #tpu.memory_space<hbm>> -> memref<625x128xf32, #tpu.memory_space<hbm>>
      %dma_start3A_245 = arith.constant 16 : i32
      %dma_start3A_246 = tpu.memref_slice %arg20[%mul3A_241, %dma_start3A_245] : memref<10000x144xf32, #tpu.memory_space<vmem_shared>> -> memref<625x128xf32, #tpu.memory_space<vmem_shared>>
      tpu.enqueue_dma source(%dma_start3A_246 : memref<625x128xf32, #tpu.memory_space<vmem_shared>>) target(%dma_start3A_244 : memref<625x128xf32, #tpu.memory_space<hbm>>) target_semaphore(%run_scoped3A : memref<!tpu.dma_semaphore, #tpu.memory_space<semaphore_mem>>)
      %dma_wait3A_247 = arith.constant 0 : i32
      %dma_wait3A_248 = tpu.memref_slice %arg6[%arg0, %mul3A_241, %dma_wait3A_247] : memref<2x10000x128xf32, #tpu.memory_space<hbm>> -> memref<1x625x128xf32, #tpu.memory_space<hbm>>
      %dma_wait3A_249 = tpu.memref_squeeze %dma_wait3A_248 : memref<1x625x128xf32, #tpu.memory_space<hbm>> -> memref<625x128xf32, #tpu.memory_space<hbm>>
      %dma_wait3A_250 = arith.constant 16 : i32
      %dma_wait3A_251 = tpu.memref_slice %arg20[%mul3A_241, %dma_wait3A_250] : memref<10000x144xf32, #tpu.memory_space<vmem_shared>> -> memref<625x128xf32, #tpu.memory_space<vmem_shared>>
      tpu.wait_dma2 semaphore(%run_scoped3A : memref<!tpu.dma_semaphore, #tpu.memory_space<semaphore_mem>>) src(%dma_wait3A_251 : memref<625x128xf32, #tpu.memory_space<vmem_shared>>) dst(%dma_wait3A_249 : memref<625x128xf32, #tpu.memory_space<hbm>>)
      tpu.yield
    }) : () -> ()
    "tpu.region"() ({
      %run_scoped3A = tpu.sem_alloc : memref<!tpu.dma_semaphore, #tpu.memory_space<semaphore_mem>>
      %dma_start3A_242 = arith.constant 0 : i32
      %dma_start3A_243 = tpu.memref_slice %arg7[%arg0, %mul3A_241, %dma_start3A_242] : memref<2x10000x16xf32, #tpu.memory_space<hbm>> -> memref<1x625x16xf32, #tpu.memory_space<hbm>>
      %dma_start3A_244 = tpu.memref_squeeze %dma_start3A_243 : memref<1x625x16xf32, #tpu.memory_space<hbm>> -> memref<625x16xf32, #tpu.memory_space<hbm>>
      %dma_start3A_245 = arith.constant 0 : i32
      %dma_start3A_246 = tpu.memref_slice %arg20[%mul3A_241, %dma_start3A_245] : memref<10000x144xf32, #tpu.memory_space<vmem_shared>> -> memref<625x16xf32, #tpu.memory_space<vmem_shared>>
      tpu.enqueue_dma source(%dma_start3A_246 : memref<625x16xf32, #tpu.memory_space<vmem_shared>>) target(%dma_start3A_244 : memref<625x16xf32, #tpu.memory_space<hbm>>) target_semaphore(%run_scoped3A : memref<!tpu.dma_semaphore, #tpu.memory_space<semaphore_mem>>)
      %dma_wait3A_247 = arith.constant 0 : i32
      %dma_wait3A_248 = tpu.memref_slice %arg7[%arg0, %mul3A_241, %dma_wait3A_247] : memref<2x10000x16xf32, #tpu.memory_space<hbm>> -> memref<1x625x16xf32, #tpu.memory_space<hbm>>
      %dma_wait3A_249 = tpu.memref_squeeze %dma_wait3A_248 : memref<1x625x16xf32, #tpu.memory_space<hbm>> -> memref<625x16xf32, #tpu.memory_space<hbm>>
      %dma_wait3A_250 = arith.constant 0 : i32
      %dma_wait3A_251 = tpu.memref_slice %arg20[%mul3A_241, %dma_wait3A_250] : memref<10000x144xf32, #tpu.memory_space<vmem_shared>> -> memref<625x16xf32, #tpu.memory_space<vmem_shared>>
      tpu.wait_dma2 semaphore(%run_scoped3A : memref<!tpu.dma_semaphore, #tpu.memory_space<semaphore_mem>>) src(%dma_wait3A_251 : memref<625x16xf32, #tpu.memory_space<vmem_shared>>) dst(%dma_wait3A_249 : memref<625x16xf32, #tpu.memory_space<hbm>>)
      tpu.yield
    }) : () -> ()
    return
  }
}

module attributes {stable_mosaic.version = 14 : i64} {
  func.func @_qkv_body(%arg0: i32, %arg1: memref<1000x128xf32, #tpu.memory_space<vmem>>, %arg2: memref<128x128xf32, #tpu.memory_space<vmem>>, %arg3: memref<1x128xf32, #tpu.memory_space<vmem>>, %arg4: memref<128x128xf32, #tpu.memory_space<vmem>>, %arg5: memref<1x128xf32, #tpu.memory_space<vmem>>, %arg6: memref<128x128xf32, #tpu.memory_space<vmem>>, %arg7: memref<1x128xf32, #tpu.memory_space<vmem>>, %arg8: memref<128x128xf32, #tpu.memory_space<vmem>>, %arg9: memref<1x128xf32, #tpu.memory_space<vmem>>, %arg10: memref<128x128xf32, #tpu.memory_space<vmem>>, %arg11: memref<2x1000x128xf32, #tpu.memory_space<vmem>>, %arg12: memref<2x1000x128xf32, #tpu.memory_space<vmem>>, %arg13: memref<1000x128xf32, #tpu.memory_space<vmem>>) attributes {dimension_semantics = [#tpu.dimension_semantics<arbitrary>], iteration_bounds = array<i64: 10>, scalar_prefetch = 0 : i64, scratch_operands = 0 : i64, tpu.core_type = #tpu.core_type<tc>, window_params = [{transform_indices = @transform_0, window_bounds = array<i64: 1000, 128>}, {pipeline_mode = #tpu.pipeline_mode<synchronous>, transform_indices = @transform_1, window_bounds = array<i64: 128, 128>}, {pipeline_mode = #tpu.pipeline_mode<synchronous>, transform_indices = @transform_2, window_bounds = array<i64: 1, 128>}, {pipeline_mode = #tpu.pipeline_mode<synchronous>, transform_indices = @transform_3, window_bounds = array<i64: 128, 128>}, {pipeline_mode = #tpu.pipeline_mode<synchronous>, transform_indices = @transform_4, window_bounds = array<i64: 1, 128>}, {pipeline_mode = #tpu.pipeline_mode<synchronous>, transform_indices = @transform_5, window_bounds = array<i64: 128, 128>}, {pipeline_mode = #tpu.pipeline_mode<synchronous>, transform_indices = @transform_6, window_bounds = array<i64: 1, 128>}, {pipeline_mode = #tpu.pipeline_mode<synchronous>, transform_indices = @transform_7, window_bounds = array<i64: 128, 128>}, {pipeline_mode = #tpu.pipeline_mode<synchronous>, transform_indices = @transform_8, window_bounds = array<i64: 1, 128>}, {pipeline_mode = #tpu.pipeline_mode<synchronous>, transform_indices = @transform_9, window_bounds = array<i64: 128, 128>}, {transform_indices = @transform_10, window_bounds = array<i64: 2, 1000, 128>}, {transform_indices = @transform_11, window_bounds = array<i64: 2, 1000, 128>}, {transform_indices = @transform_12, window_bounds = array<i64: 1000, 128>}]} {
    %get3A = arith.constant 0 : index
    %get3A_0 = arith.constant 0 : index
    %get3A_1 = vector.load %arg1[%get3A, %get3A_0] : memref<1000x128xf32, #tpu.memory_space<vmem>>, vector<1000x128xf32>
    %get3A_2 = arith.constant 0 : index
    %get3A_3 = arith.constant 0 : index
    %get3A_4 = vector.load %arg2[%get3A_2, %get3A_3] : memref<128x128xf32, #tpu.memory_space<vmem>>, vector<128x128xf32>
    %dot_general3A = arith.constant dense<0.000000e+00> : vector<1000x128xf32>
    %dot_general3A_5 = tpu.matmul %get3A_1, %get3A_4, %dot_general3A {dimension_numbers = #tpu.dot_dimension_numbers<[1], [0], [0], [1], [0, 0, 1, 1], [], []>, transpose_lhs_hint = false} : vector<1000x128xf32>, vector<128x128xf32>, vector<1000x128xf32> -> vector<1000x128xf32>
    %get3A_6 = arith.constant 0 : index
    %get3A_7 = arith.constant 0 : index
    %get3A_8 = vector.load %arg3[%get3A_6, %get3A_7] : memref<1x128xf32, #tpu.memory_space<vmem>>, vector<1x128xf32>
    %add3A = vector.broadcast %get3A_8 : vector<1x128xf32> to vector<1000x128xf32>
    %add3A_9 = arith.addf %dot_general3A_5, %add3A : vector<1000x128xf32>
    %get3A_10 = arith.constant 0 : index
    %get3A_11 = arith.constant 0 : index
    %get3A_12 = vector.load %arg4[%get3A_10, %get3A_11] : memref<128x128xf32, #tpu.memory_space<vmem>>, vector<128x128xf32>
    %dot_general3A_13 = arith.constant dense<0.000000e+00> : vector<1000x128xf32>
    %dot_general3A_14 = tpu.matmul %get3A_1, %get3A_12, %dot_general3A_13 {dimension_numbers = #tpu.dot_dimension_numbers<[1], [0], [0], [1], [0, 0, 1, 1], [], []>, transpose_lhs_hint = false} : vector<1000x128xf32>, vector<128x128xf32>, vector<1000x128xf32> -> vector<1000x128xf32>
    %get3A_15 = arith.constant 0 : index
    %get3A_16 = arith.constant 0 : index
    %get3A_17 = vector.load %arg5[%get3A_15, %get3A_16] : memref<1x128xf32, #tpu.memory_space<vmem>>, vector<1x128xf32>
    %add3A_18 = vector.broadcast %get3A_17 : vector<1x128xf32> to vector<1000x128xf32>
    %add3A_19 = arith.addf %dot_general3A_14, %add3A_18 : vector<1000x128xf32>
    %get3A_20 = arith.constant 0 : index
    %get3A_21 = arith.constant 0 : index
    %get3A_22 = vector.load %arg6[%get3A_20, %get3A_21] : memref<128x128xf32, #tpu.memory_space<vmem>>, vector<128x128xf32>
    %dot_general3A_23 = arith.constant dense<0.000000e+00> : vector<1000x128xf32>
    %dot_general3A_24 = tpu.matmul %get3A_1, %get3A_22, %dot_general3A_23 {dimension_numbers = #tpu.dot_dimension_numbers<[1], [0], [0], [1], [0, 0, 1, 1], [], []>, transpose_lhs_hint = false} : vector<1000x128xf32>, vector<128x128xf32>, vector<1000x128xf32> -> vector<1000x128xf32>
    %get3A_25 = arith.constant 0 : index
    %get3A_26 = arith.constant 0 : index
    %get3A_27 = vector.load %arg7[%get3A_25, %get3A_26] : memref<1x128xf32, #tpu.memory_space<vmem>>, vector<1x128xf32>
    %add3A_28 = vector.broadcast %get3A_27 : vector<1x128xf32> to vector<1000x128xf32>
    %add3A_29 = arith.addf %dot_general3A_24, %add3A_28 : vector<1000x128xf32>
    %get3A_30 = arith.constant 0 : index
    %get3A_31 = arith.constant 0 : index
    %get3A_32 = vector.load %arg10[%get3A_30, %get3A_31] : memref<128x128xf32, #tpu.memory_space<vmem>>, vector<128x128xf32>
    %dot_general3A_33 = arith.constant dense<0.000000e+00> : vector<1000x128xf32>
    %dot_general3A_34 = tpu.matmul %add3A_9, %get3A_32, %dot_general3A_33 {dimension_numbers = #tpu.dot_dimension_numbers<[1], [0], [0], [1], [0, 0, 1, 1], [], []>, transpose_lhs_hint = false} : vector<1000x128xf32>, vector<128x128xf32>, vector<1000x128xf32> -> vector<1000x128xf32>
    %slice3A = vector.extract_strided_slice %add3A_9 {offsets = [0, 0], sizes = [1000, 64], strides = [1, 1]} : vector<1000x128xf32> to vector<1000x64xf32>
    %slice3A_35 = vector.extract_strided_slice %dot_general3A_34 {offsets = [0, 0], sizes = [1000, 64], strides = [1, 1]} : vector<1000x128xf32> to vector<1000x64xf32>
    %concatenate3A = tpu.concatenate %slice3A, %slice3A_35 in 1 : vector<1000x64xf32>, vector<1000x64xf32> -> vector<1000x128xf32>
    %swap3A = arith.constant 0 : index
    %swap3A_36 = arith.constant 0 : index
    %swap3A_37 = arith.constant 0 : index
    %swap3A_38 = vector.load %arg11[%swap3A, %swap3A_36, %swap3A_37] : memref<2x1000x128xf32, #tpu.memory_space<vmem>>, vector<1x1000x128xf32>
    %swap3A_39 = vector.shape_cast %swap3A_38 : vector<1x1000x128xf32> to vector<1000x128xf32>
    %swap3A_40 = vector.shape_cast %concatenate3A : vector<1000x128xf32> to vector<1x1000x128xf32>
    tpu.vector_store %arg11[%swap3A, %swap3A_36, %swap3A_37], %swap3A_40 {strides = array<i32>} : memref<2x1000x128xf32, #tpu.memory_space<vmem>>, vector<1x1000x128xf32>,
    %slice3A_41 = vector.extract_strided_slice %add3A_9 {offsets = [0, 64], sizes = [1000, 64], strides = [1, 1]} : vector<1000x128xf32> to vector<1000x64xf32>
    %slice3A_42 = vector.extract_strided_slice %dot_general3A_34 {offsets = [0, 64], sizes = [1000, 64], strides = [1, 1]} : vector<1000x128xf32> to vector<1000x64xf32>
    %concatenate3A_43 = tpu.concatenate %slice3A_41, %slice3A_42 in 1 : vector<1000x64xf32>, vector<1000x64xf32> -> vector<1000x128xf32>
    %swap3A_44 = arith.constant 1 : index
    %swap3A_45 = arith.constant 0 : index
    %swap3A_46 = arith.constant 0 : index
    %swap3A_47 = vector.load %arg11[%swap3A_44, %swap3A_45, %swap3A_46] : memref<2x1000x128xf32, #tpu.memory_space<vmem>>, vector<1x1000x128xf32>
    %swap3A_48 = vector.shape_cast %swap3A_47 : vector<1x1000x128xf32> to vector<1000x128xf32>
    %swap3A_49 = vector.shape_cast %concatenate3A_43 : vector<1000x128xf32> to vector<1x1000x128xf32>
    tpu.vector_store %arg11[%swap3A_44, %swap3A_45, %swap3A_46], %swap3A_49 {strides = array<i32>} : memref<2x1000x128xf32, #tpu.memory_space<vmem>>, vector<1x1000x128xf32>,
    %slice3A_50 = vector.extract_strided_slice %add3A_19 {offsets = [0, 0], sizes = [1000, 64], strides = [1, 1]} : vector<1000x128xf32> to vector<1000x64xf32>
    %slice3A_51 = vector.extract_strided_slice %add3A_29 {offsets = [0, 0], sizes = [1000, 64], strides = [1, 1]} : vector<1000x128xf32> to vector<1000x64xf32>
    %concatenate3A_52 = tpu.concatenate %slice3A_50, %slice3A_51 in 1 : vector<1000x64xf32>, vector<1000x64xf32> -> vector<1000x128xf32>
    %swap3A_53 = arith.constant 0 : index
    %swap3A_54 = arith.constant 0 : index
    %swap3A_55 = arith.constant 0 : index
    %swap3A_56 = vector.load %arg12[%swap3A_53, %swap3A_54, %swap3A_55] : memref<2x1000x128xf32, #tpu.memory_space<vmem>>, vector<1x1000x128xf32>
    %swap3A_57 = vector.shape_cast %swap3A_56 : vector<1x1000x128xf32> to vector<1000x128xf32>
    %swap3A_58 = vector.shape_cast %concatenate3A_52 : vector<1000x128xf32> to vector<1x1000x128xf32>
    tpu.vector_store %arg12[%swap3A_53, %swap3A_54, %swap3A_55], %swap3A_58 {strides = array<i32>} : memref<2x1000x128xf32, #tpu.memory_space<vmem>>, vector<1x1000x128xf32>,
    %slice3A_59 = vector.extract_strided_slice %add3A_19 {offsets = [0, 64], sizes = [1000, 64], strides = [1, 1]} : vector<1000x128xf32> to vector<1000x64xf32>
    %slice3A_60 = vector.extract_strided_slice %add3A_29 {offsets = [0, 64], sizes = [1000, 64], strides = [1, 1]} : vector<1000x128xf32> to vector<1000x64xf32>
    %concatenate3A_61 = tpu.concatenate %slice3A_59, %slice3A_60 in 1 : vector<1000x64xf32>, vector<1000x64xf32> -> vector<1000x128xf32>
    %swap3A_62 = arith.constant 1 : index
    %swap3A_63 = arith.constant 0 : index
    %swap3A_64 = arith.constant 0 : index
    %swap3A_65 = vector.load %arg12[%swap3A_62, %swap3A_63, %swap3A_64] : memref<2x1000x128xf32, #tpu.memory_space<vmem>>, vector<1x1000x128xf32>
    %swap3A_66 = vector.shape_cast %swap3A_65 : vector<1x1000x128xf32> to vector<1000x128xf32>
    %swap3A_67 = vector.shape_cast %concatenate3A_61 : vector<1000x128xf32> to vector<1x1000x128xf32>
    tpu.vector_store %arg12[%swap3A_62, %swap3A_63, %swap3A_64], %swap3A_67 {strides = array<i32>} : memref<2x1000x128xf32, #tpu.memory_space<vmem>>, vector<1x1000x128xf32>,
    %get3A_68 = arith.constant 0 : index
    %get3A_69 = arith.constant 0 : index
    %get3A_70 = vector.load %arg8[%get3A_68, %get3A_69] : memref<128x128xf32, #tpu.memory_space<vmem>>, vector<128x128xf32>
    %dot_general3A_71 = arith.constant dense<0.000000e+00> : vector<1000x128xf32>
    %dot_general3A_72 = tpu.matmul %get3A_1, %get3A_70, %dot_general3A_71 {dimension_numbers = #tpu.dot_dimension_numbers<[1], [0], [0], [1], [0, 0, 1, 1], [], []>, transpose_lhs_hint = false} : vector<1000x128xf32>, vector<128x128xf32>, vector<1000x128xf32> -> vector<1000x128xf32>
    %get3A_73 = arith.constant 0 : index
    %get3A_74 = arith.constant 0 : index
    %get3A_75 = vector.load %arg9[%get3A_73, %get3A_74] : memref<1x128xf32, #tpu.memory_space<vmem>>, vector<1x128xf32>
    %add3A_76 = vector.broadcast %get3A_75 : vector<1x128xf32> to vector<1000x128xf32>
    %add3A_77 = arith.addf %dot_general3A_72, %add3A_76 : vector<1000x128xf32>
    %swap3A_78 = arith.constant 0 : index
    %swap3A_79 = arith.constant 0 : index
    %swap3A_80 = vector.load %arg13[%swap3A_78, %swap3A_79] : memref<1000x128xf32, #tpu.memory_space<vmem>>, vector<1000x128xf32>
    tpu.vector_store %arg13[%swap3A_78, %swap3A_79], %add3A_77 {strides = array<i32>} : memref<1000x128xf32, #tpu.memory_space<vmem>>, vector<1000x128xf32>,
    return
  }
  func.func @transform_0(%arg0: i32) -> (i32, i32) {
    %c0_i32 = arith.constant 0 : i32
    %c0_i32_0 = arith.constant 0 : i32
    return %arg0, %c0_i32 : i32, i32
  }
  func.func @transform_1(%arg0: i32) -> (i32, i32) {
    %c0_i32 = arith.constant 0 : i32
    %c0_i32_0 = arith.constant 0 : i32
    %c0_i32_1 = arith.constant 0 : i32
    return %c0_i32, %c0_i32_0 : i32, i32
  }
  func.func @transform_2(%arg0: i32) -> (i32, i32) {
    %c0_i32 = arith.constant 0 : i32
    %c0_i32_0 = arith.constant 0 : i32
    %c0_i32_1 = arith.constant 0 : i32
    return %c0_i32, %c0_i32_0 : i32, i32
  }
  func.func @transform_3(%arg0: i32) -> (i32, i32) {
    %c0_i32 = arith.constant 0 : i32
    %c0_i32_0 = arith.constant 0 : i32
    %c0_i32_1 = arith.constant 0 : i32
    return %c0_i32, %c0_i32_0 : i32, i32
  }
  func.func @transform_4(%arg0: i32) -> (i32, i32) {
    %c0_i32 = arith.constant 0 : i32
    %c0_i32_0 = arith.constant 0 : i32
    %c0_i32_1 = arith.constant 0 : i32
    return %c0_i32, %c0_i32_0 : i32, i32
  }
  func.func @transform_5(%arg0: i32) -> (i32, i32) {
    %c0_i32 = arith.constant 0 : i32
    %c0_i32_0 = arith.constant 0 : i32
    %c0_i32_1 = arith.constant 0 : i32
    return %c0_i32, %c0_i32_0 : i32, i32
  }
  func.func @transform_6(%arg0: i32) -> (i32, i32) {
    %c0_i32 = arith.constant 0 : i32
    %c0_i32_0 = arith.constant 0 : i32
    %c0_i32_1 = arith.constant 0 : i32
    return %c0_i32, %c0_i32_0 : i32, i32
  }
  func.func @transform_7(%arg0: i32) -> (i32, i32) {
    %c0_i32 = arith.constant 0 : i32
    %c0_i32_0 = arith.constant 0 : i32
    %c0_i32_1 = arith.constant 0 : i32
    return %c0_i32, %c0_i32_0 : i32, i32
  }
  func.func @transform_8(%arg0: i32) -> (i32, i32) {
    %c0_i32 = arith.constant 0 : i32
    %c0_i32_0 = arith.constant 0 : i32
    %c0_i32_1 = arith.constant 0 : i32
    return %c0_i32, %c0_i32_0 : i32, i32
  }
  func.func @transform_9(%arg0: i32) -> (i32, i32) {
    %c0_i32 = arith.constant 0 : i32
    %c0_i32_0 = arith.constant 0 : i32
    %c0_i32_1 = arith.constant 0 : i32
    return %c0_i32, %c0_i32_0 : i32, i32
  }
  func.func @transform_10(%arg0: i32) -> (i32, i32, i32) {
    %c0_i32 = arith.constant 0 : i32
    %c0_i32_0 = arith.constant 0 : i32
    %c0_i32_1 = arith.constant 0 : i32
    return %c0_i32, %arg0, %c0_i32_0 : i32, i32, i32
  }
  func.func @transform_11(%arg0: i32) -> (i32, i32, i32) {
    %c0_i32 = arith.constant 0 : i32
    %c0_i32_0 = arith.constant 0 : i32
    %c0_i32_1 = arith.constant 0 : i32
    return %c0_i32, %arg0, %c0_i32_0 : i32, i32, i32
  }
  func.func @transform_12(%arg0: i32) -> (i32, i32) {
    %c0_i32 = arith.constant 0 : i32
    %c0_i32_0 = arith.constant 0 : i32
    return %arg0, %c0_i32 : i32, i32
  }
}

module attributes {stable_mosaic.version = 14 : i64} {
  func.func @_final_body(%arg0: i32, %arg1: memref<1000x128xf32, #tpu.memory_space<vmem>>, %arg2: memref<1000x128xf32, #tpu.memory_space<vmem>>, %arg3: memref<1x1000x128xf32, #tpu.memory_space<vmem>>, %arg4: memref<1x1000x128xf32, #tpu.memory_space<vmem>>, %arg5: memref<1x1000x16xf32, #tpu.memory_space<vmem>>, %arg6: memref<1x1000x16xf32, #tpu.memory_space<vmem>>, %arg7: memref<128x128xf32, #tpu.memory_space<vmem>>, %arg8: memref<1x128xf32, #tpu.memory_space<vmem>>, %arg9: memref<1x128xf32, #tpu.memory_space<vmem>>, %arg10: memref<128x512xf32, #tpu.memory_space<vmem>>, %arg11: memref<1x512xf32, #tpu.memory_space<vmem>>, %arg12: memref<512x128xf32, #tpu.memory_space<vmem>>, %arg13: memref<1x128xf32, #tpu.memory_space<vmem>>, %arg14: memref<1x128xf32, #tpu.memory_space<vmem>>, %arg15: memref<1x128xf32, #tpu.memory_space<vmem>>, %arg16: memref<1000x128xf32, #tpu.memory_space<vmem>>) attributes {dimension_semantics = [#tpu.dimension_semantics<arbitrary>], iteration_bounds = array<i64: 10>, scalar_prefetch = 0 : i64, scratch_operands = 0 : i64, tpu.core_type = #tpu.core_type<tc>, window_params = [{transform_indices = @transform_0, window_bounds = array<i64: 1000, 128>}, {transform_indices = @transform_1, window_bounds = array<i64: 1000, 128>}, {transform_indices = @transform_2, window_bounds = array<i64: 1, 1000, 128>}, {transform_indices = @transform_3, window_bounds = array<i64: 1, 1000, 128>}, {transform_indices = @transform_4, window_bounds = array<i64: 1, 1000, 16>}, {transform_indices = @transform_5, window_bounds = array<i64: 1, 1000, 16>}, {pipeline_mode = #tpu.pipeline_mode<synchronous>, transform_indices = @transform_6, window_bounds = array<i64: 128, 128>}, {pipeline_mode = #tpu.pipeline_mode<synchronous>, transform_indices = @transform_7, window_bounds = array<i64: 1, 128>}, {pipeline_mode = #tpu.pipeline_mode<synchronous>, transform_indices = @transform_8, window_bounds = array<i64: 1, 128>}, {pipeline_mode = #tpu.pipeline_mode<synchronous>, transform_indices = @transform_9, window_bounds = array<i64: 128, 512>}, {pipeline_mode = #tpu.pipeline_mode<synchronous>, transform_indices = @transform_10, window_bounds = array<i64: 1, 512>}, {pipeline_mode = #tpu.pipeline_mode<synchronous>, transform_indices = @transform_11, window_bounds = array<i64: 512, 128>}, {pipeline_mode = #tpu.pipeline_mode<synchronous>, transform_indices = @transform_12, window_bounds = array<i64: 1, 128>}, {pipeline_mode = #tpu.pipeline_mode<synchronous>, transform_indices = @transform_13, window_bounds = array<i64: 1, 128>}, {pipeline_mode = #tpu.pipeline_mode<synchronous>, transform_indices = @transform_14, window_bounds = array<i64: 1, 128>}, {transform_indices = @transform_15, window_bounds = array<i64: 1000, 128>}]} {
    %get3A = arith.constant 0 : index
    %get3A_0 = arith.constant 0 : index
    %get3A_1 = arith.constant 0 : index
    %get3A_2 = vector.load %arg3[%get3A, %get3A_0, %get3A_1] : memref<1x1000x128xf32, #tpu.memory_space<vmem>>, vector<1x1000x128xf32>
    %get3A_3 = vector.shape_cast %get3A_2 : vector<1x1000x128xf32> to vector<1000x128xf32>
    %get3A_4 = arith.constant 0 : index
    %get3A_5 = arith.constant 0 : index
    %get3A_6 = arith.constant 0 : index
    %get3A_7 = vector.load %arg4[%get3A_4, %get3A_5, %get3A_6] : memref<1x1000x128xf32, #tpu.memory_space<vmem>>, vector<1x1000x128xf32>
    %get3A_8 = vector.shape_cast %get3A_7 : vector<1x1000x128xf32> to vector<1000x128xf32>
    %get3A_9 = arith.constant 0 : index
    %get3A_10 = arith.constant 0 : index
    %get3A_11 = arith.constant 0 : index
    %get3A_12 = vector.load %arg5[%get3A_9, %get3A_10, %get3A_11] : memref<1x1000x16xf32, #tpu.memory_space<vmem>>, vector<1x1000x16xf32>
    %get3A_13 = vector.shape_cast %get3A_12 : vector<1x1000x16xf32> to vector<1000x16xf32>
    %get3A_14 = arith.constant 0 : index
    %get3A_15 = arith.constant 0 : index
    %get3A_16 = arith.constant 0 : index
    %get3A_17 = vector.load %arg6[%get3A_14, %get3A_15, %get3A_16] : memref<1x1000x16xf32, #tpu.memory_space<vmem>>, vector<1x1000x16xf32>
    %get3A_18 = vector.shape_cast %get3A_17 : vector<1x1000x16xf32> to vector<1000x16xf32>
    %slice3A = vector.extract_strided_slice %get3A_3 {offsets = [0, 0], sizes = [1000, 64], strides = [1, 1]} : vector<1000x128xf32> to vector<1000x64xf32>
    %slice3A_19 = vector.extract_strided_slice %get3A_8 {offsets = [0, 0], sizes = [1000, 64], strides = [1, 1]} : vector<1000x128xf32> to vector<1000x64xf32>
    %concatenate3A = tpu.concatenate %slice3A, %slice3A_19 in 1 : vector<1000x64xf32>, vector<1000x64xf32> -> vector<1000x128xf32>
    %slice3A_20 = vector.extract_strided_slice %get3A_3 {offsets = [0, 64], sizes = [1000, 64], strides = [1, 1]} : vector<1000x128xf32> to vector<1000x64xf32>
    %slice3A_21 = vector.extract_strided_slice %get3A_8 {offsets = [0, 64], sizes = [1000, 64], strides = [1, 1]} : vector<1000x128xf32> to vector<1000x64xf32>
    %concatenate3A_22 = tpu.concatenate %slice3A_20, %slice3A_21 in 1 : vector<1000x64xf32>, vector<1000x64xf32> -> vector<1000x128xf32>
    %slice3A_23 = vector.extract_strided_slice %get3A_13 {offsets = [0, 0], sizes = [1000, 1], strides = [1, 1]} : vector<1000x16xf32> to vector<1000x1xf32>
    %broadcast_in_dim3A = vector.shape_cast %slice3A_23 : vector<1000x1xf32> to vector<1000x1xf32>
    %broadcast_in_dim3A_24 = vector.broadcast %broadcast_in_dim3A : vector<1000x1xf32> to vector<1000x16xf32>
    %slice3A_25 = vector.extract_strided_slice %get3A_13 {offsets = [0, 1], sizes = [1000, 1], strides = [1, 1]} : vector<1000x16xf32> to vector<1000x1xf32>
    %broadcast_in_dim3A_26 = vector.shape_cast %slice3A_25 : vector<1000x1xf32> to vector<1000x1xf32>
    %broadcast_in_dim3A_27 = vector.broadcast %broadcast_in_dim3A_26 : vector<1000x1xf32> to vector<1000x16xf32>
    %slice3A_28 = vector.extract_strided_slice %get3A_13 {offsets = [0, 2], sizes = [1000, 1], strides = [1, 1]} : vector<1000x16xf32> to vector<1000x1xf32>
    %broadcast_in_dim3A_29 = vector.shape_cast %slice3A_28 : vector<1000x1xf32> to vector<1000x1xf32>
    %broadcast_in_dim3A_30 = vector.broadcast %broadcast_in_dim3A_29 : vector<1000x1xf32> to vector<1000x16xf32>
    %slice3A_31 = vector.extract_strided_slice %get3A_13 {offsets = [0, 3], sizes = [1000, 1], strides = [1, 1]} : vector<1000x16xf32> to vector<1000x1xf32>
    %broadcast_in_dim3A_32 = vector.shape_cast %slice3A_31 : vector<1000x1xf32> to vector<1000x1xf32>
    %broadcast_in_dim3A_33 = vector.broadcast %broadcast_in_dim3A_32 : vector<1000x1xf32> to vector<1000x16xf32>
    %slice3A_34 = vector.extract_strided_slice %get3A_18 {offsets = [0, 0], sizes = [1000, 1], strides = [1, 1]} : vector<1000x16xf32> to vector<1000x1xf32>
    %broadcast_in_dim3A_35 = vector.shape_cast %slice3A_34 : vector<1000x1xf32> to vector<1000x1xf32>
    %broadcast_in_dim3A_36 = vector.broadcast %broadcast_in_dim3A_35 : vector<1000x1xf32> to vector<1000x16xf32>
    %slice3A_37 = vector.extract_strided_slice %get3A_18 {offsets = [0, 1], sizes = [1000, 1], strides = [1, 1]} : vector<1000x16xf32> to vector<1000x1xf32>
    %broadcast_in_dim3A_38 = vector.shape_cast %slice3A_37 : vector<1000x1xf32> to vector<1000x1xf32>
    %broadcast_in_dim3A_39 = vector.broadcast %broadcast_in_dim3A_38 : vector<1000x1xf32> to vector<1000x16xf32>
    %slice3A_40 = vector.extract_strided_slice %get3A_18 {offsets = [0, 2], sizes = [1000, 1], strides = [1, 1]} : vector<1000x16xf32> to vector<1000x1xf32>
    %broadcast_in_dim3A_41 = vector.shape_cast %slice3A_40 : vector<1000x1xf32> to vector<1000x1xf32>
    %broadcast_in_dim3A_42 = vector.broadcast %broadcast_in_dim3A_41 : vector<1000x1xf32> to vector<1000x16xf32>
    %slice3A_43 = vector.extract_strided_slice %get3A_18 {offsets = [0, 3], sizes = [1000, 1], strides = [1, 1]} : vector<1000x16xf32> to vector<1000x1xf32>
    %broadcast_in_dim3A_44 = vector.shape_cast %slice3A_43 : vector<1000x1xf32> to vector<1000x1xf32>
    %broadcast_in_dim3A_45 = vector.broadcast %broadcast_in_dim3A_44 : vector<1000x1xf32> to vector<1000x16xf32>
    %concatenate3A_46 = tpu.concatenate %broadcast_in_dim3A_24, %broadcast_in_dim3A_27, %broadcast_in_dim3A_30, %broadcast_in_dim3A_33, %broadcast_in_dim3A_36, %broadcast_in_dim3A_39, %broadcast_in_dim3A_42, %broadcast_in_dim3A_45 in 1 : vector<1000x16xf32>, vector<1000x16xf32>, vector<1000x16xf32>, vector<1000x16xf32>, vector<1000x16xf32>, vector<1000x16xf32>, vector<1000x16xf32>, vector<1000x16xf32> -> vector<1000x128xf32>
    %add3A = arith.constant 1.000000e-16 : f32
    %add3A_47 = vector.broadcast %add3A : f32 to vector<1000x128xf32>
    %add3A_48 = arith.addf %concatenate3A_46, %add3A_47 : vector<1000x128xf32>
    %get3A_49 = arith.constant 0 : index
    %get3A_50 = arith.constant 0 : index
    %get3A_51 = vector.load %arg7[%get3A_49, %get3A_50] : memref<128x128xf32, #tpu.memory_space<vmem>>, vector<128x128xf32>
    %dot_general3A = arith.constant dense<0.000000e+00> : vector<1000x128xf32>
    %dot_general3A_52 = tpu.matmul %concatenate3A, %get3A_51, %dot_general3A {dimension_numbers = #tpu.dot_dimension_numbers<[1], [0], [0], [1], [0, 0, 1, 1], [], []>, transpose_lhs_hint = false} : vector<1000x128xf32>, vector<128x128xf32>, vector<1000x128xf32> -> vector<1000x128xf32>
    %add3A_53 = arith.addf %concatenate3A_22, %dot_general3A_52 : vector<1000x128xf32>
    %div3A = arith.divf %add3A_53, %add3A_48 : vector<1000x128xf32>
    %get3A_54 = arith.constant 0 : index
    %get3A_55 = arith.constant 0 : index
    %get3A_56 = vector.load %arg1[%get3A_54, %get3A_55] : memref<1000x128xf32, #tpu.memory_space<vmem>>, vector<1000x128xf32>
    %add3A_57 = arith.addf %get3A_56, %div3A : vector<1000x128xf32>
    %get3A_58 = arith.constant 0 : index
    %get3A_59 = arith.constant 0 : index
    %get3A_60 = vector.load %arg2[%get3A_58, %get3A_59] : memref<1000x128xf32, #tpu.memory_space<vmem>>, vector<1000x128xf32>
    %add3A_61 = arith.addf %add3A_57, %get3A_60 : vector<1000x128xf32>
    %reduce_sum3A = arith.constant dense<0.000000e+00> : vector<1000xf32>
    %reduce_sum3A_62 = vector.multi_reduction <add>, %add3A_61, %reduce_sum3A [1] : vector<1000x128xf32> to vector<1000xf32>
    %broadcast_in_dim3A_63 = vector.shape_cast %reduce_sum3A_62 : vector<1000xf32> to vector<1000x1xf32>
    %div3A_64 = arith.constant 1.280000e+02 : f32
    %div3A_65 = vector.broadcast %div3A_64 : f32 to vector<1000x1xf32>
    %div3A_66 = arith.divf %broadcast_in_dim3A_63, %div3A_65 : vector<1000x1xf32>
    %sub3A = vector.broadcast %div3A_66 : vector<1000x1xf32> to vector<1000x128xf32>
    %sub3A_67 = arith.subf %add3A_61, %sub3A : vector<1000x128xf32>
    %integer_pow3A = arith.mulf %sub3A_67, %sub3A_67 : vector<1000x128xf32>
    %reduce_sum3A_68 = arith.constant dense<0.000000e+00> : vector<1000xf32>
    %reduce_sum3A_69 = vector.multi_reduction <add>, %integer_pow3A, %reduce_sum3A_68 [1] : vector<1000x128xf32> to vector<1000xf32>
    %broadcast_in_dim3A_70 = vector.shape_cast %reduce_sum3A_69 : vector<1000xf32> to vector<1000x1xf32>
    %div3A_71 = arith.constant 1.280000e+02 : f32
    %div3A_72 = vector.broadcast %div3A_71 : f32 to vector<1000x1xf32>
    %div3A_73 = arith.divf %broadcast_in_dim3A_70, %div3A_72 : vector<1000x1xf32>
    %sub3A_74 = vector.broadcast %div3A_66 : vector<1000x1xf32> to vector<1000x128xf32>
    %sub3A_75 = arith.subf %add3A_61, %sub3A_74 : vector<1000x128xf32>
    %add3A_76 = arith.constant 9.99999974E-6 : f32
    %add3A_77 = vector.broadcast %add3A_76 : f32 to vector<1000x1xf32>
    %add3A_78 = arith.addf %div3A_73, %add3A_77 : vector<1000x1xf32>
    %rsqrt3A = math.rsqrt %add3A_78 : vector<1000x1xf32>
    %mul3A = vector.broadcast %rsqrt3A : vector<1000x1xf32> to vector<1000x128xf32>
    %mul3A_79 = arith.mulf %sub3A_75, %mul3A : vector<1000x128xf32>
    %get3A_80 = arith.constant 0 : index
    %get3A_81 = arith.constant 0 : index
    %get3A_82 = vector.load %arg8[%get3A_80, %get3A_81] : memref<1x128xf32, #tpu.memory_space<vmem>>, vector<1x128xf32>
    %mul3A_83 = vector.broadcast %get3A_82 : vector<1x128xf32> to vector<1000x128xf32>
    %mul3A_84 = arith.mulf %mul3A_79, %mul3A_83 : vector<1000x128xf32>
    %get3A_85 = arith.constant 0 : index
    %get3A_86 = arith.constant 0 : index
    %get3A_87 = vector.load %arg9[%get3A_85, %get3A_86] : memref<1x128xf32, #tpu.memory_space<vmem>>, vector<1x128xf32>
    %add3A_88 = vector.broadcast %get3A_87 : vector<1x128xf32> to vector<1000x128xf32>
    %add3A_89 = arith.addf %mul3A_84, %add3A_88 : vector<1000x128xf32>
    %get3A_90 = arith.constant 0 : index
    %get3A_91 = arith.constant 0 : index
    %get3A_92 = vector.load %arg10[%get3A_90, %get3A_91] : memref<128x512xf32, #tpu.memory_space<vmem>>, vector<128x512xf32>
    %dot_general3A_93 = arith.constant dense<0.000000e+00> : vector<1000x512xf32>
    %dot_general3A_94 = tpu.matmul %add3A_89, %get3A_92, %dot_general3A_93 {dimension_numbers = #tpu.dot_dimension_numbers<[1], [0], [0], [1], [0, 0, 1, 1], [], []>, transpose_lhs_hint = false} : vector<1000x128xf32>, vector<128x512xf32>, vector<1000x512xf32> -> vector<1000x512xf32>
    %get3A_95 = arith.constant 0 : index
    %get3A_96 = arith.constant 0 : index
    %get3A_97 = vector.load %arg11[%get3A_95, %get3A_96] : memref<1x512xf32, #tpu.memory_space<vmem>>, vector<1x512xf32>
    %add3A_98 = vector.broadcast %get3A_97 : vector<1x512xf32> to vector<1000x512xf32>
    %add3A_99 = arith.addf %dot_general3A_94, %add3A_98 : vector<1000x512xf32>
    %max3A = arith.constant 0.000000e+00 : f32
    %max3A_100 = vector.broadcast %max3A : f32 to vector<1000x512xf32>
    %max3A_101 = arith.maximumf %add3A_99, %max3A_100 : vector<1000x512xf32>
    %get3A_102 = arith.constant 0 : index
    %get3A_103 = arith.constant 0 : index
    %get3A_104 = vector.load %arg12[%get3A_102, %get3A_103] : memref<512x128xf32, #tpu.memory_space<vmem>>, vector<512x128xf32>
    %dot_general3A_105 = arith.constant dense<0.000000e+00> : vector<1000x128xf32>
    %dot_general3A_106 = tpu.matmul %max3A_101, %get3A_104, %dot_general3A_105 {dimension_numbers = #tpu.dot_dimension_numbers<[1], [0], [0], [1], [0, 0, 1, 1], [], []>, transpose_lhs_hint = false} : vector<1000x512xf32>, vector<512x128xf32>, vector<1000x128xf32> -> vector<1000x128xf32>
    %get3A_107 = arith.constant 0 : index
    %get3A_108 = arith.constant 0 : index
    %get3A_109 = vector.load %arg13[%get3A_107, %get3A_108] : memref<1x128xf32, #tpu.memory_space<vmem>>, vector<1x128xf32>
    %add3A_110 = vector.broadcast %get3A_109 : vector<1x128xf32> to vector<1000x128xf32>
    %add3A_111 = arith.addf %dot_general3A_106, %add3A_110 : vector<1000x128xf32>
    %add3A_112 = arith.addf %add3A_89, %add3A_111 : vector<1000x128xf32>
    %reduce_sum3A_113 = arith.constant dense<0.000000e+00> : vector<1000xf32>
    %reduce_sum3A_114 = vector.multi_reduction <add>, %add3A_112, %reduce_sum3A_113 [1] : vector<1000x128xf32> to vector<1000xf32>
    %broadcast_in_dim3A_115 = vector.shape_cast %reduce_sum3A_114 : vector<1000xf32> to vector<1000x1xf32>
    %div3A_116 = arith.constant 1.280000e+02 : f32
    %div3A_117 = vector.broadcast %div3A_116 : f32 to vector<1000x1xf32>
    %div3A_118 = arith.divf %broadcast_in_dim3A_115, %div3A_117 : vector<1000x1xf32>
    %sub3A_119 = vector.broadcast %div3A_118 : vector<1000x1xf32> to vector<1000x128xf32>
    %sub3A_120 = arith.subf %add3A_112, %sub3A_119 : vector<1000x128xf32>
    %integer_pow3A_121 = arith.mulf %sub3A_120, %sub3A_120 : vector<1000x128xf32>
    %reduce_sum3A_122 = arith.constant dense<0.000000e+00> : vector<1000xf32>
    %reduce_sum3A_123 = vector.multi_reduction <add>, %integer_pow3A_121, %reduce_sum3A_122 [1] : vector<1000x128xf32> to vector<1000xf32>
    %broadcast_in_dim3A_124 = vector.shape_cast %reduce_sum3A_123 : vector<1000xf32> to vector<1000x1xf32>
    %div3A_125 = arith.constant 1.280000e+02 : f32
    %div3A_126 = vector.broadcast %div3A_125 : f32 to vector<1000x1xf32>
    %div3A_127 = arith.divf %broadcast_in_dim3A_124, %div3A_126 : vector<1000x1xf32>
    %sub3A_128 = vector.broadcast %div3A_118 : vector<1000x1xf32> to vector<1000x128xf32>
    %sub3A_129 = arith.subf %add3A_112, %sub3A_128 : vector<1000x128xf32>
    %add3A_130 = arith.constant 9.99999974E-6 : f32
    %add3A_131 = vector.broadcast %add3A_130 : f32 to vector<1000x1xf32>
    %add3A_132 = arith.addf %div3A_127, %add3A_131 : vector<1000x1xf32>
    %rsqrt3A_133 = math.rsqrt %add3A_132 : vector<1000x1xf32>
    %mul3A_134 = vector.broadcast %rsqrt3A_133 : vector<1000x1xf32> to vector<1000x128xf32>
    %mul3A_135 = arith.mulf %sub3A_129, %mul3A_134 : vector<1000x128xf32>
    %get3A_136 = arith.constant 0 : index
    %get3A_137 = arith.constant 0 : index
    %get3A_138 = vector.load %arg14[%get3A_136, %get3A_137] : memref<1x128xf32, #tpu.memory_space<vmem>>, vector<1x128xf32>
    %mul3A_139 = vector.broadcast %get3A_138 : vector<1x128xf32> to vector<1000x128xf32>
    %mul3A_140 = arith.mulf %mul3A_135, %mul3A_139 : vector<1000x128xf32>
    %get3A_141 = arith.constant 0 : index
    %get3A_142 = arith.constant 0 : index
    %get3A_143 = vector.load %arg15[%get3A_141, %get3A_142] : memref<1x128xf32, #tpu.memory_space<vmem>>, vector<1x128xf32>
    %add3A_144 = vector.broadcast %get3A_143 : vector<1x128xf32> to vector<1000x128xf32>
    %add3A_145 = arith.addf %mul3A_140, %add3A_144 : vector<1000x128xf32>
    %swap3A = arith.constant 0 : index
    %swap3A_146 = arith.constant 0 : index
    %swap3A_147 = vector.load %arg16[%swap3A, %swap3A_146] : memref<1000x128xf32, #tpu.memory_space<vmem>>, vector<1000x128xf32>
    tpu.vector_store %arg16[%swap3A, %swap3A_146], %add3A_145 {strides = array<i32>} : memref<1000x128xf32, #tpu.memory_space<vmem>>, vector<1000x128xf32>,
    return
  }
  func.func @transform_0(%arg0: i32) -> (i32, i32) {
    %c0_i32 = arith.constant 0 : i32
    %c0_i32_0 = arith.constant 0 : i32
    return %arg0, %c0_i32 : i32, i32
  }
  func.func @transform_1(%arg0: i32) -> (i32, i32) {
    %c0_i32 = arith.constant 0 : i32
    %c0_i32_0 = arith.constant 0 : i32
    return %arg0, %c0_i32 : i32, i32
  }
  func.func @transform_2(%arg0: i32) -> (i32, i32, i32) {
    %c0_i32 = arith.constant 0 : i32
    %c0_i32_0 = arith.constant 0 : i32
    %c0_i32_1 = arith.constant 0 : i32
    return %c0_i32, %arg0, %c0_i32_0 : i32, i32, i32
  }
  func.func @transform_3(%arg0: i32) -> (i32, i32, i32) {
    %c1_i32 = arith.constant 1 : i32
    %c0_i32 = arith.constant 0 : i32
    %c0_i32_0 = arith.constant 0 : i32
    return %c1_i32, %arg0, %c0_i32 : i32, i32, i32
  }
  func.func @transform_4(%arg0: i32) -> (i32, i32, i32) {
    %c0_i32 = arith.constant 0 : i32
    %c0_i32_0 = arith.constant 0 : i32
    %c0_i32_1 = arith.constant 0 : i32
    return %c0_i32, %arg0, %c0_i32_0 : i32, i32, i32
  }
  func.func @transform_5(%arg0: i32) -> (i32, i32, i32) {
    %c1_i32 = arith.constant 1 : i32
    %c0_i32 = arith.constant 0 : i32
    %c0_i32_0 = arith.constant 0 : i32
    return %c1_i32, %arg0, %c0_i32 : i32, i32, i32
  }
  func.func @transform_6(%arg0: i32) -> (i32, i32) {
    %c0_i32 = arith.constant 0 : i32
    %c0_i32_0 = arith.constant 0 : i32
    %c0_i32_1 = arith.constant 0 : i32
    return %c0_i32, %c0_i32_0 : i32, i32
  }
  func.func @transform_7(%arg0: i32) -> (i32, i32) {
    %c0_i32 = arith.constant 0 : i32
    %c0_i32_0 = arith.constant 0 : i32
    %c0_i32_1 = arith.constant 0 : i32
    return %c0_i32, %c0_i32_0 : i32, i32
  }
  func.func @transform_8(%arg0: i32) -> (i32, i32) {
    %c0_i32 = arith.constant 0 : i32
    %c0_i32_0 = arith.constant 0 : i32
    %c0_i32_1 = arith.constant 0 : i32
    return %c0_i32, %c0_i32_0 : i32, i32
  }
  func.func @transform_9(%arg0: i32) -> (i32, i32) {
    %c0_i32 = arith.constant 0 : i32
    %c0_i32_0 = arith.constant 0 : i32
    %c0_i32_1 = arith.constant 0 : i32
    return %c0_i32, %c0_i32_0 : i32, i32
  }
  func.func @transform_10(%arg0: i32) -> (i32, i32) {
    %c0_i32 = arith.constant 0 : i32
    %c0_i32_0 = arith.constant 0 : i32
    %c0_i32_1 = arith.constant 0 : i32
    return %c0_i32, %c0_i32_0 : i32, i32
  }
  func.func @transform_11(%arg0: i32) -> (i32, i32) {
    %c0_i32 = arith.constant 0 : i32
    %c0_i32_0 = arith.constant 0 : i32
    %c0_i32_1 = arith.constant 0 : i32
    return %c0_i32, %c0_i32_0 : i32, i32
  }
  func.func @transform_12(%arg0: i32) -> (i32, i32) {
    %c0_i32 = arith.constant 0 : i32
    %c0_i32_0 = arith.constant 0 : i32
    %c0_i32_1 = arith.constant 0 : i32
    return %c0_i32, %c0_i32_0 : i32, i32
  }
  func.func @transform_13(%arg0: i32) -> (i32, i32) {
    %c0_i32 = arith.constant 0 : i32
    %c0_i32_0 = arith.constant 0 : i32
    %c0_i32_1 = arith.constant 0 : i32
    return %c0_i32, %c0_i32_0 : i32, i32
  }
  func.func @transform_14(%arg0: i32) -> (i32, i32) {
    %c0_i32 = arith.constant 0 : i32
    %c0_i32_0 = arith.constant 0 : i32
    %c0_i32_1 = arith.constant 0 : i32
    return %c0_i32, %c0_i32_0 : i32, i32
  }
  func.func @transform_15(%arg0: i32) -> (i32, i32) {
    %c0_i32 = arith.constant 0 : i32
    %c0_i32_0 = arith.constant 0 : i32
    return %arg0, %c0_i32 : i32, i32
  }
}

</mosaic_0001>

<sc_bundles>
// kernel: kernel.5.cloned.1.call-start
scs
__scs_entry_jumppad:
0x0: {  	(pc) =	sbr.rel $0x88, $3  }
0x1: {  	(tag) =	ssettag $0x0;
	lr =	simm.s32 $0x1  }
0x2: {  	[smem:$0x3F8D] =	sst lr;
	_ =	strace $0xD0000000  }
0x3: {  	_ = 	snop  }
0x4: {  	_ = 	snop  }
0x5: {  	_ = 	snop  }
0x6: {  	_ = 	snop  }
0x7: {  	_ = 	snop  }
__scs_overlays_trampoline_lowered:
0x8: {  	[smem:$0x3F9C] =	sst s0  }
0x9: {  	[smem:$0x3F9D] =	sst s1  }
0xa: {  	[smem:$0x3F9E] =	sst s2  }
0xb: {  	[smem:$0x3F9F] =	sst s3  }
0xc: {  	[smem:$0x3FA0] =	sst s4  }
0xd: {  	[smem:$0x3FA1] =	sst s5  }
0xe: {  	[smem:$0x3FA2] =	sst s6  }
0xf: {  	[smem:$0x3FA3] =	sst s7  }
0x10: {  	[smem:$0x3FA4] =	sst s8  }
0x11: {  	[smem:$0x3FA5] =	sst s9;
	s0 =	simm.s32 @!p0 $0x0  }
0x12: {  	s1 =	sld [smem:$0x3F8B];
	s0 =	simm.s32 @p0 $0x1  }
0x13: {  	[smem:$0x3FA6] =	sst s0;
	s0 =	simm.s32 @!p1 $0x0  }
0x14: {  	s2 =	sld [smem:$0x3F8A];
	s0 =	simm.s32 @p1 $0x1  }
0x15: {  	[smem:$0x3FA7] =	sst s0;
	s0 =	simm.s32 @!p2 $0x0  }
0x16: {  	s3 =	sld [smem:$0x3FDB];
	s0 =	simm.s32 @p2 $0x1  }
0x17: {  	s4 =	simm.s32 $0x1BF5;
	[smem:$0x3FA9] =	sst s0  }
0x18: {  	s0 =	sld [smem:$0x3F8C];
	_ =	swait.ge [sflag:s4], $0x0  }
0x19: {  	s7 =	sld [smem:$0x3F8D]  }
0x1a: {  	s8 =	sadd.s32 $0xFFFFE003, lr  }
0x1b: {  	s9 =	sadd.s32 $0xFFFFFEF7, lr;
	s5 =	simm.s32 $0xFFFFFFFF;
	p2 =	slt.u32 s8, $0xFFFFF086  }
0x1c: {  	p1 =	slt.u32 s9, $0xF7A;
	s5 =	simm.s32 @!p2 $0x0  }
0x1d: {  	s5 =	simm.s32 @p1 $0x1;
	p0 =	seq.s32 s7, s2  }
0x1e: {  	s7 =	smul.u32 @!p0 $0xF7A, s2;
	p2 =	seq.s32 @!p0 s5, $0x0  }
0x1f: {  	s9 =	smul.u32 $0xF7A, s1;
	s8 =	simm.s32 @!p0 $0x1BF5;
	p2 =	por !p2, p0  }
0x20: {  	[sflag:s8] =	ssyncset.s32 @!p0 $0xFFFFF086;
	s6 =	sadd.s32 @!p0 s3, s7;
	s7 =	simm.s32 @!p0 $0x108  }
0x21: {  	s3 =	sadd.s32 s3, s9;
	s6 =	sadd.s32 @!p0 $0x88, s6;
	s7 =	simm.s32 @p2 $0x1082  }
0x22: {  	[simem:s7], [sflag:s8] =	dma.local @!p0 [hbm:s6], $0xF7A  }
0x23: {  	s9 =	sor.u32 $0xD0000000, s2;
	s6 =	simm.s32 $0x108;
	_ =	swait.ge @!p0 [sflag:s8], $0x0  }
0x24: {  	s3 =	sadd.s32 $0x88, s3;
	s6 =	simm.s32 @!p1 $0x1082;
	[sflag:s4] =	ssyncset.s32 $0xFFFFF086  }
0x25: {  	[simem:s6], [sflag:s4] =	dma.local [hbm:s3], $0xF7A  }
0x26: {  	[smem:$0x3F8D] =	sst s1;
	(tag) =	ssettag s2;
	_ =	strace s9  }
0x27: {  	s1 =	sld [smem:$0x3F9D]  }
0x28: {  	s2 =	sld [smem:$0x3F9E]  }
0x29: {  	s4 =	sld [smem:$0x3FA0]  }
0x2a: {  	p0 =	seq.s32 s5, $0x0;
	s5 =	sld [smem:$0x3FA1]  }
0x2b: {  	s6 =	sld [smem:$0x3FA2]  }
0x2c: {  	s7 =	sld [smem:$0x3FA3]  }
0x2d: {  	s3 =	simm.s32 $0x108;
	s8 =	sld [smem:$0x3FA4]  }
0x2e: {  	s3 =	simm.s32 @!p0 $0x1082;
	s9 =	sld [smem:$0x3FA5]  }
0x2f: {  	lr =	sadd.s32 s0, s3;
	s0 =	sld [smem:$0x3F9C]  }
0x30: {  	s3 =	sld [smem:$0x3F9F]  }
0x31: {  	[smem:$0x3FA8] =	sst s10  }
0x32: {  	s10 =	sld [smem:$0x3FA6];
	_ =	sdelay $0x3  }
0x33: {  	p0 =	seq.s32 s10, $0x1;
	s10 =	sld [smem:$0x3FA8];
	_ =	sdelay $0x3  }
0x34: {  	[smem:$0x3FA8] =	sst s10  }
0x35: {  	s10 =	sld [smem:$0x3FA7];
	_ =	sdelay $0x3  }
0x36: {  	p1 =	seq.s32 s10, $0x1;
	s10 =	sld [smem:$0x3FA8];
	_ =	sdelay $0x3  }
0x37: {  	[smem:$0x3FA8] =	sst s10  }
0x38: {  	s10 =	sld [smem:$0x3FA9]  }
0x39: {  	_ = 	snop;
	(pc) =	sbr.ind lr, $3  }
0x3a: {  	_ = 	snop  }
0x3b: {  	_ = 	snop  }
0x3c: {  	p2 =	seq.s32 s10, $0x1;
	s10 =	sld [smem:$0x3FA8]  }
0x3d: {  	_ =	shalt  }
0x3e: {  	_ =	shalt  }
0x3f: {  	_ =	shalt  }
0x40: {  	_ =	shalt  }
0x41: {  	_ =	shalt  }
0x42: {  	_ =	shalt  }
0x43: {  	_ =	shalt  }
0x44: {  	_ =	shalt  }
0x45: {  	_ =	shalt  }
0x46: {  	_ =	shalt  }
0x47: {  	_ =	shalt  }
0x48: {  	_ =	shalt  }
0x49: {  	_ =	shalt  }
0x4a: {  	_ =	shalt  }
0x4b: {  	_ =	shalt  }
0x4c: {  	_ =	shalt  }
0x4d: {  	_ =	shalt  }
0x4e: {  	_ =	shalt  }
0x4f: {  	_ =	shalt  }
0x50: {  	_ =	shalt  }
0x51: {  	_ =	shalt  }
0x52: {  	_ =	shalt  }
0x53: {  	_ =	shalt  }
0x54: {  	_ =	shalt  }
0x55: {  	_ =	shalt  }
0x56: {  	_ =	shalt  }
0x57: {  	_ =	shalt  }
0x58: {  	_ =	shalt  }
0x59: {  	_ =	shalt  }
0x5a: {  	_ =	shalt  }
0x5b: {  	_ =	shalt  }
0x5c: {  	_ =	shalt  }
0x5d: {  	_ =	shalt  }
0x5e: {  	_ =	shalt  }
0x5f: {  	_ =	shalt  }
0x60: {  	_ =	shalt  }
0x61: {  	_ =	shalt  }
0x62: {  	_ =	shalt  }
0x63: {  	_ =	shalt  }
0x64: {  	_ =	shalt  }
0x65: {  	_ =	shalt  }
0x66: {  	_ =	shalt  }
0x67: {  	_ =	shalt  }
0x68: {  	_ =	shalt  }
0x69: {  	_ =	shalt  }
0x6a: {  	_ =	shalt  }
0x6b: {  	_ =	shalt  }
0x6c: {  	_ =	shalt  }
0x6d: {  	_ =	shalt  }
0x6e: {  	_ =	shalt  }
0x6f: {  	_ =	shalt  }
0x70: {  	_ =	shalt  }
0x71: {  	_ =	shalt  }
0x72: {  	_ =	shalt  }
0x73: {  	_ =	shalt  }
0x74: {  	_ =	shalt  }
0x75: {  	_ =	shalt  }
0x76: {  	_ =	shalt  }
0x77: {  	_ =	shalt  }
0x78: {  	_ =	shalt  }
0x79: {  	_ =	shalt  }
0x7a: {  	_ =	shalt  }
0x7b: {  	_ =	shalt  }
0x7c: {  	_ =	shalt  }
0x7d: {  	_ =	shalt  }
0x7e: {  	_ =	shalt  }
0x7f: {  	_ =	shalt  }
0x80: {  	_ =	shalt  }
0x81: {  	_ =	shalt  }
0x82: {  	_ =	shalt  }
0x83: {  	_ =	shalt  }
0x84: {  	_ =	shalt  }
0x85: {  	_ =	shalt  }
0x86: {  	_ =	shalt  }
0x87: {  	_ =	shalt  }
.Lfunc_end0:
.L_simem_size_0:
called_computation_lowered:
.L_overlay_start_0:
0x88: {  	s2 =	sld [smem:$0x3FD9]  }
0x89: {  	s3 =	sld [smem:$0x3FFE];
	_ =	sdelay $0x1  }
0x8a: {  	s1 =	srdreg.scid  }
0x8b: {  	s0 =	sand.u32 $0x1, s1  }
0x8c: {  	s17 =	sshll.u32 s0, $0xA;
	s2 =	sadd.s32 s3, s2  }
0x8d: {  	s2 =	sadd.s32 s2, s17  }
0x8e: {  	[smem:$0x3FB4] =	sst s2  }
0x8f: {  	_ = 	snop  }
0x90: {  	s2 =	sld [smem:$0x3FD0];
	(tm) =	ssettm $0x1  }
0x91: {  	s18 =	sld [smem:$0x3FFB];
	_ =	sdelay $0x3  }
0x92: {  	_ =	strace s18  }
0x93: {  	s3 =	sld [smem:$0x3FFC];
	_ =	sdelay $0x3  }
0x94: {  	_ =	strace s3  }
0x95: {  	s3 =	sld [smem:$0x3FFD];
	_ =	sdelay $0x3  }
0x96: {  	_ =	strace s3  }
0x97: {  	_ =	strace $0x8FFFFFFF  }
0x98: {  	s19 =	sld [smem:$0x3FDB];
	_ =	sdelay $0x1  }
0x99: {  	s4 =	simm.s32 $_scs_section_size  }
0x9a: {  	s5 =	simm.s32 $_size__tile_overlayer_lowered;
	s6 =	simm.s32 $_tile_overlayer_lowered  }
0x9b: {  	s22 =	simm.s32 $0x1BFF;
	s21 =	sshll.u32 s6, $0x1;
	s3 =	sadd.s32 s4, s19  }
0x9c: {  	s7 =	simm.s32 $0x0;
	s20 =	sshll.u32 s5, $0x1;
	s5 =	sadd.s32 s21, s3  }
0x9d: {  	[timem:s7], [sflag:s22] =	dma.local [hbm:s5], s20  }
0x9e: {  	_ =	swait.ge [sflag:s22], s20  }
0x9f: {  	s4 =	ssub.s32 $0x0, s20;
	[sflag:s22] =	ssyncset.done $0x0  }
0xa0: {  	[sflag:s22] =	ssyncadd.s32 s4;
	_ =	sdelay $0x1  }
0xa1: {  	s23 =	simm.s32 $0x1B8B  }
0xa2: {  	_ =	swait.ge [sflag:s23], $0x1  }
0xa3: {  	[sflag:s23] =	ssyncset.done $0x0  }
0xa4: {  	s25 =	simm.s32 $0x1B8E;
	s24 =	sld [smem:$0x3FFE];
	[sflag:s23] =	ssyncadd.s32 $0xFFFFFFFF  }
0xa5: {  	s26 =	simm.s32 $execute0_lowered;
	[smem:$0x3FD2] =	sst s25  }
0xa6: {  	s5 =	sshll.u32 s26, $0x1;
	_ =	strace $0x80000046;
	[dreg:$0x1] =	wrdreg $0xFFFFFFFF  }
0xa7: {  	s28 =	simm.s32 $_size_execute0_lowered;
	s3 =	sadd.s32 s3, s5;
	[dreg:$0x0] =	wrdreg $0x0  }
0xa8: {  	s5 =	sshll.u32 s28, $0x1;
	[dreg:$0x2] =	wrdreg s3  }
0xa9: {  	[dreg:$0x3] =	wrdreg s5  }
0xaa: {  	[dreg:$0x4] =	wrdreg $0xC0  }
0xab: {  	_ =	task [dreg:s7], $0x5FFFF  }
0xac: {  	[dreg:$0x1] =	wrdreg $0xFFFFFFFF  }
0xad: {  	[dreg:$0x0] =	wrdreg $0x60  }
0xae: {  	[dreg:$0x2] =	wrdreg s24  }
0xaf: {  	[dreg:$0x3] =	wrdreg s2  }
0xb0: {  	[dreg:$0x4] =	wrdreg $0x82F00  }
0xb1: {  	[dreg:$0x5] =	wrdreg $0x9  }
0xb2: {  	_ =	task.clear_ibuf [dreg:s7], $0x6FFFF;
	_ =	strace $0x90000046  }
0xb3: {  	s29 =	simm.s32 $0x9;
	_ =	strace $0x80000048  }
0xb4: {  	_ =	swait.ge [sflag:s29], $0x1  }
0xb5: {  	[sflag:s29] =	ssyncadd.s32 $0xFFFFFFFF  }
0xb6: {  	_ =	strace $0x90000048  }
0xb7: {  	_ =	sfence  }
0xb8: {  	s30 =	sld [smem:$0x0];
	_ =	sdelay $0x2  }
0xb9: {  	s31 =	sshll.u32 s1, $0xD;
	s1 =	sshrl.u32 s1, $0x2  }
0xba: {  	s3 =	sand.u32 $0x4000, s31;
	s1 =	sadd.s32 s1, s30  }
0xbb: {  	s0 =	sor.u32 s3, s0;
	s1 =	sshll.u32 s1, $0x11  }
0xbc: {  	s0 =	sor.u32 s1, s0  }
0xbd: {  	s0 =	sadd.s32 $0x8F2B, s0  }
0xbe: {  	[sflag:s0] =	ssyncadd.remote.s32 $0x1  }
0xbf: {  	_ =	sfence.sel $0xFFFF  }
0xc0: {  	[dreg:$0x0] =	wrdreg $0xFFFFFFFF;
	(pc) =	sbr.abs _section_cstart, $3  }
0xc1: {  	[dreg:$0x1] =	wrdreg $0xFFFFFFFF  }
0xc2: {  	_ =	task.clear_ibuf [dreg:s7], $0x2FFFF;
	_ =	strace $0x9FFFFFFF  }
0xc3: {  	(tm) =	ssettm $0x7FFFFFFF  }
tec
execute0_lowered:
.L_overlay_start_1:
0x0: {  	(tag) =	ssettag $0x1  }
0x1: {  	s9 =	stileid.u32  }
0x2: {  	s21 =	smul.u32 $0x13880, s9  }
0x3: {  	s22 =	smul.u32 $0x2710, s9  }
0x4: {  	s0 =	rddreg [dreg:$0x0];
	s6 =	smul.u32 $0x57E40, s9  }
0x5: {  	s1 =	srdreg.scid;
	s3 =	simm.s32 $0x0;
	s25 =	smul.u32 $0x4E20, s9  }
0x6: {  	s1 =	sand.u32 $0x1, s1;
	[smem:$0x7FF] =	sst s3;
	s29 =	smul.u32 $0x9C40, s9  }
0x7: {  	s8 =	rddreg [dreg:$0x1];
	s10 =	sadd.s32 $0x4E5A00, s0;
	s2 =	smul.u32 $0x138800, s1  }
0x8: {  	s7 =	rddreg [dreg:$0x2];
	_ =	strace $0x80000047;
	s4 =	smul.u32 $0x27100, s1  }
0x9: {  	[dreg:$0x4] =	wrdreg s10;
	s23 =	sshrl.u32 s6, $0x2;
	s6 =	sadd.s32 s10, s29  }
0xa: {  	s1 =	ssub.s32 $0x2, s1;
	s12 =	sadd.s32 $0x78, s25;
	[dreg:$0x8] =	wrdreg s6  }
0xb: {  	s24 =	sshrl.u32 s1, $0x1;
	s11 =	sadd.s32 s23, s7;
	[dreg:$0xd] =	wrdreg s12  }
0xc: {  	s1 =	ssub.s32 s1, s24;
	s26 =	sadd.s32 $0x15180, s11;
	[dreg:$0x5] =	wrdreg s11  }
0xd: {  	s28 =	sshrl.u32 s25, $0x3;
	s15 =	smax.u32 s1, $0x1;
	[dreg:$0x6] =	wrdreg s26  }
0xe: {  	s30 =	sadd.s32 $0x28, s25;
	s16 =	sadd.s32 $0x1680, s11;
	[dreg:$0x10] =	wrdreg s15  }
0xf: {  	s5 =	sshrl.u32 s2, $0x3;
	s17 =	sadd.s32 $0x2D00, s11;
	[dreg:$0x11] =	wrdreg s16  }
0x10: {  	s2 =	sadd.s32 s21, s2;
	s18 =	sadd.s32 $0x4380, s11;
	[dreg:$0x12] =	wrdreg s17  }
0x11: {  	s3 =	sadd.s32 s22, s4;
	s19 =	sadd.s32 $0x5A00, s11;
	[dreg:$0x13] =	wrdreg s18  }
0x12: {  	s31 =	sshrl.u32 s30, $0x3;
	s20 =	sadd.s32 $0x7080, s11;
	[dreg:$0x14] =	wrdreg s19  }
0x13: {  	s7 =	sshll.u32 s30, $0x1;
	s21 =	sadd.s32 $0x8700, s11;
	[dreg:$0x15] =	wrdreg s20  }
0x14: {  	s5 =	sadd.s32 s5, s0;
	s23 =	sadd.s32 $0x9D80, s11;
	[dreg:$0x16] =	wrdreg s21  }
0x15: {  	v0 =	vimm.s32 $0xEFCDAB89;
	v1 =	vimm.s32 $0x67452301;
	s2 =	sshrl.u32 s2, $0x3;
	s24 =	sadd.s32 $0xB400, s11;
	[dreg:$0x18] =	wrdreg s23  }
0x16: {  	v2 =	vimm.s32 $0xDCFE98BA;
	v3 =	vimm.s32 $0x54761032;
	s3 =	sshrl.u32 s3, $0x3;
	s29 =	sadd.s32 $0x10E00, s11;
	[dreg:$0x19] =	wrdreg s24  }
0x17: {  	v4 =	vimm.s32 $0xBA98FEDC;
	v5 =	vimm.s32 $0x32107654;
	s30 =	sadd.s32 $0x12480, s11;
	s2 =	sadd.s32 s2, s0;
	[dreg:$0x1d] =	wrdreg s29  }
0x18: {  	vm0 =	vcmask $0x300;
	vm13 =	vcmask $0x704;
	vm14 =	vcmask $0xB08;
	s0 =	sadd.s32 s3, s0;
	s3 =	sadd.s32 s8, s28;
	[dreg:$0x1e] =	wrdreg s30  }
0x19: {  	vm15 =	vcmask $0xF0C;
	v32 =	vimm.s32 $0x0;
	v2 =	vunpack.c.l.s4.s8 v2;
	s14 =	sadd.s32 $0x10, s11;
	s9 =	sadd.s32 $0x51C00, s5;
	[dreg:$0x7] =	wrdreg s3  }
0x1a: {  	v3 =	vunpack.c.l.s4.s8 v3;
	v4 =	vunpack.c.l.s4.s8 v4;
	v5 =	vunpack.c.l.s4.s8 v5;
	s22 =	sshrl.u32 s14, $0x3;
	[dreg:$0xb] =	wrdreg s9  }
0x1b: {  	v0 =	vunpack.c.l.s4.s8 v0;
	v1 =	vunpack.c.l.s4.s8 v1;
	v2 =	vunpack.c.0.s8.s32 v2;
	s26 =	sadd.s32 $0xE100, s11;
	[dreg:$0x17] =	wrdreg s22  }
0x1c: {  	v3 =	vunpack.c.0.s8.s32 v3;
	v4 =	vunpack.c.0.s8.s32 v4;
	v5 =	vunpack.c.0.s8.s32 v5;
	s28 =	sadd.s32 $0xF780, s11;
	[dreg:$0x1b] =	wrdreg s26  }
0x1d: {  	v33 =	vimm.s32 $0x1;
	v0 =	vunpack.c.0.s8.s32 v0;
	v1 =	vunpack.c.0.s8.s32 v1;
	s3 =	sadd.s32 s8, s31;
	[dreg:$0x1c] =	wrdreg s28  }
0x1e: {  	v2 =	vcombine.low v3, v2;
	v3 =	vcombine.low v5, v4;
	v4 =	vimm.s32 $0xFEDCBA98;
	s8 =	sadd.s32 s10, s7;
	[dreg:$0x9] =	wrdreg s3  }
0x1f: {  	v34 =	vimm.s32 $0x2;
	v5 =	vimm.s32 $0x76543210;
	v4 =	vunpack.c.l.s4.s8 v4;
	s10 =	sadd.s32 $0x50, s25;
	[dreg:$0xa] =	wrdreg s8  }
0x20: {  	v1 =	vcombine.low v1, v0;
	v0 =	vimm.f32 $0.0e+00;
	v5 =	vunpack.c.l.s4.s8 v5;
	s2 =	sadd.s32 $0xA9C00, s2;
	[dreg:$0xc] =	wrdreg s10  }
0x21: {  	v35 =	vimm.s32 $0x3;
	v40 =	vsel vm0, $0x3F800000, v0;
	s0 =	sadd.s32 $0x9FE00, s0;
	[dreg:$0xe] =	wrdreg s2;
	v6 =	vunpack.c.0.s8.s32 v4  }
0x22: {  	s1 =	simm.s32 $0x0;
	s25 =	sadd.s32 $0xCA80, s11;
	v1 =	vand.u32 $0xF, v1;
	v2 =	vand.u32 $0xF, v2;
	[dreg:$0xf] =	wrdreg s0;
	v7 =	vunpack.c.0.s8.s32 v5  }
0x23: {  	s13 =	sadd.s32 $0x3A00, s5;
	s31 =	sadd.s32 $0x13B00, s11;
	v3 =	vand.u32 $0xF, v3;
	[dreg:$0x1a] =	wrdreg s25;
	v5 =	vsel vm13, $0x3F800000, v0;
	v8 =	vand.u32 $0xF, v6  }
0x24: {  	[dreg:$0x1f] =	wrdreg s31;
	s3 =	simm.s32 $0xB;
	s10 =	simm.s32 $0x28;
	v6 =	vsel vm14, $0x3F800000, v0;
	v7 =	vcombine.low v8, v7;
	v8 =	vsel vm15, $0x3F800000, v0  }
.LBB2_1:
0x25: {  	[smem:$0x7FD] =	sst s1;
	s0 =	simm.s32 $0x0;
	s1 =	simm.s32 $0x240  }
.LBB2_2:
0x26: {  	p0 =	sne.s32 s1, $0x57C0;
	[tilespmem:s0+$0x6CA0] =	vst v0  }
0x27: {  	[tilespmem:s0+$0x55A0] =	vst v0  }
0x28: {  	[tilespmem:s0+$0x6C20] =	vst v0  }
0x29: {  	[tilespmem:s0+$0x55B0] =	vst v0  }
0x2a: {  	[tilespmem:s0+$0x6C30] =	vst v0  }
0x2b: {  	[tilespmem:s0+$0x55C0] =	vst v0  }
0x2c: {  	[tilespmem:s0+$0x6C40] =	vst v0  }
0x2d: {  	[tilespmem:s0+$0x55D0] =	vst v0  }
0x2e: {  	[tilespmem:s0+$0x6C50] =	vst v0  }
0x2f: {  	[tilespmem:s0+$0x55E0] =	vst v0  }
0x30: {  	[tilespmem:s0+$0x6C60] =	vst v0  }
0x31: {  	[tilespmem:s0+$0x55F0] =	vst v0  }
0x32: {  	[tilespmem:s0+$0x6C70] =	vst v0  }
.Ltmp0:
0x33: {  	[tilespmem:s0+$0x5600] =	vst v0;
	(pc) =	sbr.rel @p0 .LBB2_2-.Ltmp0, $4  }
0x34: {  	[tilespmem:s0+$0x6C80] =	vst v0  }
0x35: {  	[tilespmem:s0+$0x5610] =	vst v0  }
0x36: {  	[tilespmem:s0+$0x6C90] =	vst v0  }
0x37: {  	[tilespmem:s0+$0x5620] =	vst v0;
	s0 =	sshra.s32 s1, $0x2;
	s1 =	sadd.s32 $0x240, s1  }
0x38: {  	[tilespmem:s0+$0x6CA0] =	vst v0  }
0x39: {  	[tilespmem:s0+$0x55A0] =	vst v0  }
0x3a: {  	[tilespmem:s0+$0x6C20] =	vst v0  }
0x3b: {  	[tilespmem:s0+$0x55B0] =	vst v0  }
0x3c: {  	[tilespmem:s0+$0x6C30] =	vst v0  }
0x3d: {  	[tilespmem:s0+$0x55C0] =	vst v0  }
0x3e: {  	[tilespmem:s0+$0x6C40] =	vst v0  }
0x3f: {  	[tilespmem:s0+$0x55D0] =	vst v0  }
0x40: {  	[tilespmem:s0+$0x6C50] =	vst v0  }
0x41: {  	[tilespmem:s0+$0x55E0] =	vst v0  }
0x42: {  	[tilespmem:s0+$0x6C60] =	vst v0  }
0x43: {  	[tilespmem:s0+$0x55F0] =	vst v0  }
0x44: {  	[tilespmem:s0+$0x6C70] =	vst v0  }
0x45: {  	[tilespmem:s0+$0x5600] =	vst v0  }
0x46: {  	[tilespmem:s0+$0x6C80] =	vst v0  }
0x47: {  	[tilespmem:s0+$0x5610] =	vst v0  }
0x48: {  	[tilespmem:s0+$0x6C90] =	vst v0  }
0x49: {  	[tilespmem:s0+$0x5620] =	vst v0;
	s1 =	simm.s32 $0x55A0  }
0x4a: {  	[spmem:s11] =	stream.linear.scatter [tilespmem:s1], [sflag:$0xB], $0x1680, $0x38;
	[tilespmem:$0x1E280] =	vst v63  }
0x4b: {  	_ =	swait.ge [sflag:s3], $0x1680  }
0x4c: {  	[sflag:s3] =	ssyncset.done $0x0  }
0x4d: {  	s23 =	rddreg [dreg:$0x11];
	[sflag:s3] =	ssyncadd.s32 $0xFFFFE980  }
0x4e: {  	[spmem:s23] =	stream.linear.scatter [tilespmem:s1], [sflag:$0xB], $0x1680, $0x38;
	[tilespmem:$0x1E280] =	vst v63  }
0x4f: {  	_ =	swait.ge [sflag:s3], $0x1680  }
0x50: {  	[sflag:s3] =	ssyncset.done $0x0  }
0x51: {  	s24 =	rddreg [dreg:$0x12];
	[sflag:s3] =	ssyncadd.s32 $0xFFFFE980  }
0x52: {  	[spmem:s24] =	stream.linear.scatter [tilespmem:s1], [sflag:$0xB], $0x1680, $0x38;
	[tilespmem:$0x1E280] =	vst v63  }
0x53: {  	_ =	swait.ge [sflag:s3], $0x1680  }
0x54: {  	[sflag:s3] =	ssyncset.done $0x0  }
0x55: {  	s25 =	rddreg [dreg:$0x13];
	[sflag:s3] =	ssyncadd.s32 $0xFFFFE980  }
0x56: {  	[spmem:s25] =	stream.linear.scatter [tilespmem:s1], [sflag:$0xB], $0x1680, $0x38;
	[tilespmem:$0x1E280] =	vst v63  }
0x57: {  	_ =	swait.ge [sflag:s3], $0x1680  }
0x58: {  	[sflag:s3] =	ssyncset.done $0x0  }
0x59: {  	s26 =	rddreg [dreg:$0x14];
	[sflag:s3] =	ssyncadd.s32 $0xFFFFE980  }
0x5a: {  	[spmem:s26] =	stream.linear.scatter [tilespmem:s1], [sflag:$0xB], $0x1680, $0x38;
	[tilespmem:$0x1E280] =	vst v63  }
0x5b: {  	_ =	swait.ge [sflag:s3], $0x1680  }
0x5c: {  	[sflag:s3] =	ssyncset.done $0x0  }
0x5d: {  	s28 =	rddreg [dreg:$0x15];
	[sflag:s3] =	ssyncadd.s32 $0xFFFFE980  }
0x5e: {  	[spmem:s28] =	stream.linear.scatter [tilespmem:s1], [sflag:$0xB], $0x1680, $0x38;
	[tilespmem:$0x1E280] =	vst v63  }
0x5f: {  	_ =	swait.ge [sflag:s3], $0x1680  }
0x60: {  	[sflag:s3] =	ssyncset.done $0x0  }
0x61: {  	s29 =	rddreg [dreg:$0x16];
	[sflag:s3] =	ssyncadd.s32 $0xFFFFE980  }
0x62: {  	[spmem:s29] =	stream.linear.scatter [tilespmem:s1], [sflag:$0xB], $0x1680, $0x38;
	[tilespmem:$0x1E280] =	vst v63  }
0x63: {  	_ =	swait.ge [sflag:s3], $0x1680  }
0x64: {  	[sflag:s3] =	ssyncset.done $0x0  }
0x65: {  	s30 =	rddreg [dreg:$0x18];
	[sflag:s3] =	ssyncadd.s32 $0xFFFFE980  }
0x66: {  	[spmem:s30] =	stream.linear.scatter [tilespmem:s1], [sflag:$0xB], $0x1680, $0x38;
	[tilespmem:$0x1E280] =	vst v63  }
0x67: {  	_ =	swait.ge [sflag:s3], $0x1680  }
0x68: {  	[sflag:s3] =	ssyncset.done $0x0  }
0x69: {  	s31 =	rddreg [dreg:$0x19];
	[sflag:s3] =	ssyncadd.s32 $0xFFFFE980  }
0x6a: {  	[spmem:s31] =	stream.linear.scatter [tilespmem:s1], [sflag:$0xB], $0x1680, $0x38;
	[tilespmem:$0x1E280] =	vst v63  }
0x6b: {  	_ =	swait.ge [sflag:s3], $0x1680  }
0x6c: {  	[sflag:s3] =	ssyncset.done $0x0  }
0x6d: {  	s2 =	rddreg [dreg:$0x1a];
	[sflag:s3] =	ssyncadd.s32 $0xFFFFE980  }
0x6e: {  	[spmem:s2] =	stream.linear.scatter [tilespmem:s1], [sflag:$0xB], $0x1680, $0x38;
	[tilespmem:$0x1E280] =	vst v63  }
0x6f: {  	_ =	swait.ge [sflag:s3], $0x1680  }
0x70: {  	[sflag:s3] =	ssyncset.done $0x0  }
0x71: {  	s4 =	rddreg [dreg:$0x1b];
	[sflag:s3] =	ssyncadd.s32 $0xFFFFE980  }
0x72: {  	[spmem:s4] =	stream.linear.scatter [tilespmem:s1], [sflag:$0xB], $0x1680, $0x38;
	[tilespmem:$0x1E280] =	vst v63  }
0x73: {  	_ =	swait.ge [sflag:s3], $0x1680  }
0x74: {  	[sflag:s3] =	ssyncset.done $0x0  }
0x75: {  	s5 =	rddreg [dreg:$0x1c];
	[sflag:s3] =	ssyncadd.s32 $0xFFFFE980  }
0x76: {  	[spmem:s5] =	stream.linear.scatter [tilespmem:s1], [sflag:$0xB], $0x1680, $0x38;
	[tilespmem:$0x1E280] =	vst v63  }
0x77: {  	_ =	swait.ge [sflag:s3], $0x1680  }
0x78: {  	[sflag:s3] =	ssyncset.done $0x0  }
0x79: {  	s6 =	rddreg [dreg:$0x1d];
	[sflag:s3] =	ssyncadd.s32 $0xFFFFE980  }
0x7a: {  	[spmem:s6] =	stream.linear.scatter [tilespmem:s1], [sflag:$0xB], $0x1680, $0x38;
	[tilespmem:$0x1E280] =	vst v63  }
0x7b: {  	_ =	swait.ge [sflag:s3], $0x1680  }
0x7c: {  	[sflag:s3] =	ssyncset.done $0x0  }
0x7d: {  	s7 =	rddreg [dreg:$0x1e];
	[sflag:s3] =	ssyncadd.s32 $0xFFFFE980  }
0x7e: {  	[spmem:s7] =	stream.linear.scatter [tilespmem:s1], [sflag:$0xB], $0x1680, $0x38;
	[tilespmem:$0x1E280] =	vst v63  }
0x7f: {  	_ =	swait.ge [sflag:s3], $0x1680  }
0x80: {  	[sflag:s3] =	ssyncset.done $0x0  }
0x81: {  	s8 =	rddreg [dreg:$0x1f];
	[sflag:s3] =	ssyncadd.s32 $0xFFFFE980  }
0x82: {  	[spmem:s8] =	stream.linear.scatter [tilespmem:s1], [sflag:$0xB], $0x1680, $0x38;
	[tilespmem:$0x1E280] =	vst v63  }
0x83: {  	_ =	swait.ge [sflag:s3], $0x1680  }
0x84: {  	[sflag:s3] =	ssyncset.done $0x0  }
0x85: {  	s9 =	rddreg [dreg:$0x6];
	[sflag:s3] =	ssyncadd.s32 $0xFFFFE980  }
0x86: {  	[spmem:s9] =	stream.linear.scatter [tilespmem:s1], [sflag:$0xB], $0xE10, $0x38;
	[tilespmem:$0x1E280] =	vst v63  }
0x87: {  	_ =	swait.ge [sflag:s3], $0xE10  }
0x88: {  	[sflag:s3] =	ssyncset.done $0x0  }
0x89: {  	[sflag:s3] =	ssyncadd.s32 $0xFFFFF1F0  }
0x8a: {  	[bflag:$0x0] =	sbarrier.arrive $0xFFFF  }
0x8b: {  	s20 =	simm.s32 $0x0;
	s2 =	simm.s32 $0x4E200;
	s11 =	rddreg [dreg:$0x7]  }
0x8c: {  	[tilespmem:s20], [sflag:$0x1] =	stream.strided.gather [hbm4b:s11+s10], $0x50, s2, s10, $0x38;
	[tilespmem:$0x1E280] =	vst v63  }
0x8d: {  	s14 =	simm.s32 $0xA0;
	s12 =	rddreg [dreg:$0x8]  }
0x8e: {  	[tilespmem:s14], [sflag:$0x3] =	stream.linear.gather [hbm4b:s12+s20], $0x280, $0x38;
	[tilespmem:$0x1E280] =	vst v63  }
0x8f: {  	s16 =	simm.s32 $0x50;
	s15 =	rddreg [dreg:$0x9]  }
0x90: {  	[tilespmem:s16], [sflag:$0x2] =	stream.strided.gather [hbm4b:s15+s10], $0x50, s2, s10, $0x38;
	[tilespmem:$0x1E280] =	vst v63  }
0x91: {  	s18 =	simm.s32 $0x320;
	s19 =	simm.s32 $0x1;
	s17 =	rddreg [dreg:$0xa]  }
0x92: {  	[tilespmem:s18], [sflag:$0x4] =	stream.linear.gather [hbm4b:s17+s20], $0x280, $0x38;
	[tilespmem:$0x1E280] =	vst v63  }
0x93: {  	_ =	swait.ge [sflag:s19], $0x50  }
0x94: {  	[sflag:s19] =	ssyncset.done $0x0  }
0x95: {  	s22 =	simm.s32 $0x5A0;
	s21 =	rddreg [dreg:$0xb];
	[sflag:s19] =	ssyncadd.s32 $0xFFFFFFB0  }
0x96: {  	[tilespmem:s22], [sflag:$0x5] =	stream.indirect.gather [hbm4b:s21+s10], $0x80, s10, s10, $0xb8;
	[tilespmem:$0x1E280] =	vst v63  }
0x97: {  	s23 =	simm.s32 $0x2DA0;
	s24 =	simm.s32 $0x2  }
0x98: {  	[tilespmem:s23], [sflag:$0x6] =	stream.indirect.gather [hbm4b:s13+s10], $0x80, s20, s10, $0xb8;
	[tilespmem:$0x1E280] =	vst v63  }
0x99: {  	_ =	swait.ge [sflag:s24], $0x50  }
0x9a: {  	[sflag:s24] =	ssyncset.done $0x0  }
0x9b: {  	s25 =	simm.s32 $0x78;
	s4 =	simm.s32 $0x19A0;
	[sflag:s24] =	ssyncadd.s32 $0xFFFFFFB0  }
0x9c: {  	[tilespmem:s4], [sflag:$0x7] =	stream.indirect.gather [hbm4b:s21+s10], $0x80, s25, s10, $0xb8;
	[tilespmem:$0x1E280] =	vst v63  }
0x9d: {  	s26 =	simm.s32 $0x41A0  }
0x9e: {  	[tilespmem:s26], [sflag:$0x8] =	stream.indirect.gather [hbm4b:s13+s10], $0x80, s16, s10, $0xb8;
	[tilespmem:$0x1E280] =	vst v63  }
0x9f: {  	v13 =	vld [tilespmem:$0x28]  }
0xa0: {  	v14 =	vld [tilespmem:$0x38]  }
0xa1: {  	v16 =	vld [tilespmem:$0x78]  }
0xa2: {  	v17 =	vld [tilespmem:$0x88]  }
0xa3: {  	v15 =	vld [tilespmem:$0x40]  }
0xa4: {  	v63 =	vld [tilespmem:$0x90];
	[tilespmem:$0x82A0] =	vst v13  }
0xa5: {  	[tilespmem:$0x82B0] =	vst v14  }
0xa6: {  	[tilespmem:$0x82C8] =	vst v16  }
0xa7: {  	[tilespmem:$0x82D8] =	vst v17  }
0xa8: {  	[tilespmem:$0x82B8] =	vst v15  }
0xa9: {  	s29 =	simm.s32 $0x82A0;
	s28 =	rddreg [dreg:$0x2];
	[tilespmem:$0x82E0] =	vst v63  }
0xaa: {  	[spmem:s28] =	stream.indirect.scatter.add.f32 [tilespmem:s1], [sflag:$0x9], $0x90, s29, s10, $0xb8;
	[tilespmem:$0x1E280] =	vst v63  }
0xab: {  	s30 =	simm.s32 $0x82C8;
	s31 =	simm.s32 $0x6C20  }
0xac: {  	[spmem:s28] =	stream.indirect.scatter.add.f32 [tilespmem:s31], [sflag:$0xA], $0x90, s30, s10, $0xb8;
	[tilespmem:$0x1E280] =	vst v63  }
.LBB2_4:
0xad: {  	s0 =	simm.s32 $0x5  }
0xae: {  	_ =	swait.ge [sflag:s0], $0x1400  }
0xaf: {  	[sflag:s0] =	ssyncset.done $0x0  }
0xb0: {  	s29 =	simm.s32 $0x6;
	[sflag:s0] =	ssyncadd.s32 $0xFFFFEC00  }
0xb1: {  	_ =	swait.ge [sflag:s29], $0x1400  }
0xb2: {  	[sflag:s29] =	ssyncset.done $0x0  }
0xb3: {  	s30 =	simm.s32 $0x3;
	[sflag:s29] =	ssyncadd.s32 $0xFFFFEC00  }
0xb4: {  	_ =	swait.ge [sflag:s30], $0x280  }
0xb5: {  	[sflag:s30] =	ssyncset.done $0x0  }
0xb6: {  	s31 =	simm.s32 $0x9;
	[sflag:s30] =	ssyncadd.s32 $0xFFFFFD80  }
0xb7: {  	_ =	swait.ge [sflag:s31], $0x1680  }
0xb8: {  	[sflag:s31] =	ssyncset.done $0x0  }
0xb9: {  	[sflag:s31] =	ssyncadd.s32 $0xFFFFE980  }
0xba: {  	v13 =	vld [tilespmem:$0x28]  }
0xbb: {  	v14 =	vld [tilespmem:$0x38]  }
0xbc: {  	v15 =	vld [tilespmem:$0x40];
	_ =	sdelay $0x2  }
0xbd: {  	[tilespmem:$0x82A0] =	vst v13  }
0xbe: {  	[tilespmem:$0x82B0] =	vst v14  }
0xbf: {  	s21 =	simm.s32 $0x0;
	[tilespmem:$0x82B8] =	vst v15  }
.LBB2_5:
0xc0: {  	s31 =	sshll.u32 s21, $0x7  }
0xc1: {  	v14 =	vld [tilespmem:s31+$0x5A0]  }
0xc2: {  	s0 =	sshll.u32 s21, $0x4;
	v15 =	vld [tilespmem:s31+$0x2DA0]  }
0xc3: {  	s0 =	sand.u32 $0x3FFFFFF0, s0;
	v16 =	vld [tilespmem:s31+$0x5E0]  }
0xc4: {  	v13 =	vld [tilespmem:s0+$0xA0];
	_ =	sdelay $0x2  }
0xc5: {  	v17 =	vld [tilespmem:s31+$0x5B0]  }
0xc6: {  	v18 =	vld [tilespmem:s31+$0x2DB0]  }
0xc7: {  	v19 =	vld [tilespmem:s31+$0x5F0];
	v14 =	vmul.f32 v15, v14;
	v58 =	vmul.f32 v16, v13  }
0xc8: {  	v63 =	vld [tilespmem:s31+$0x5C0]  }
0xc9: {  	v36 =	vld [tilespmem:s31+$0x2DC0];
	v14 =	vadd.f32 v58, v14  }
0xca: {  	v38 =	vld [tilespmem:s31+$0x5D0]  }
0xcb: {  	v21 =	vld [tilespmem:s31+$0x2DD0];
	v62 =	vperm.xlane v14, v1  }
0xcc: {  	s2 =	sor.u32 $0x1, s21;
	v23 =	vld [tilespmem:s31+$0x610]  }
0xcd: {  	v37 =	vld [tilespmem:s31+$0x600];
	s4 =	sshll.u32 s2, $0x7;
	v14 =	vadd.f32 v14, v62  }
0xce: {  	v39 =	vld [tilespmem:s4+$0x5A0];
	v59 =	vmul.f32 v18, v17;
	v60 =	vmul.f32 v19, v13  }
0xcf: {  	v25 =	vld [tilespmem:s4+$0x2DA0];
	v20 =	vperm.xlane v14, v2  }
0xd0: {  	v41 =	vld [tilespmem:s4+$0x5B0];
	v61 =	vadd.f32 v60, v59  }
0xd1: {  	v42 =	vld [tilespmem:s4+$0x2DB0];
	v18 =	vmul.f32 v21, v38;
	v49 =	vmul.f32 v23, v13;
	v20 =	vadd.f32 v14, v20  }
0xd2: {  	v29 =	vld [tilespmem:s4+$0x5F0];
	v27 =	vperm.xlane v61, v1  }
0xd3: {  	s1 =	sshll.u32 s2, $0x4;
	v45 =	vld [tilespmem:s4+$0x5D0];
	v18 =	vadd.f32 v49, v18;
	v24 =	vperm.xlane v20, v3  }
0xd4: {  	s1 =	sand.u32 $0x3FFFFFF0, s1;
	v15 =	vadd.f32 v61, v27;
	v27 =	vld [tilespmem:s4+$0x5E0]  }
0xd5: {  	v55 =	vperm.xlane v18, v1;
	v14 =	vld [tilespmem:s1+$0xA0];
	v20 =	vadd.f32 v20, v24  }
0xd6: {  	v46 =	vld [tilespmem:s4+$0x2DD0]  }
0xd7: {  	v31 =	vld [tilespmem:s4+$0x5C0];
	v18 =	vadd.f32 v18, v55;
	v22 =	vperm.xlane v15, v2;
	v28 =	vperm.xlane v20, v7  }
0xd8: {  	v43 =	vld [tilespmem:s4+$0x600];
	v17 =	vmul.f32 v36, v63;
	v16 =	vmul.f32 v37, v13  }
0xd9: {  	v61 =	vperm.xlane v18, v2;
	v15 =	vadd.f32 v15, v22;
	v20 =	vadd.f32 v20, v28;
	v28 =	vld [tilespmem:s4+$0x2DC0]  }
0xda: {  	v48 =	vld [tilespmem:s4+$0x610];
	v16 =	vadd.f32 v16, v17;
	v22 =	vmul.f32 v25, v39;
	v44 =	vmul.f32 v27, v14  }
0xdb: {  	v17 =	vmul.f32 v46, v45;
	v18 =	vadd.f32 v18, v61;
	v26 =	vperm.xlane v15, v3  }
0xdc: {  	v24 =	vmul.f32 v42, v41;
	v47 =	vmul.f32 v29, v14;
	v22 =	vadd.f32 v44, v22  }
0xdd: {  	v38 =	vperm.xlane v18, v3;
	v15 =	vadd.f32 v15, v26;
	v19 =	vmul.f32 v43, v14  }
0xde: {  	v24 =	vadd.f32 v47, v24;
	v50 =	vperm.xlane v22, v1;
	v51 =	vmul.f32 v28, v31  }
0xdf: {  	v18 =	vadd.f32 v18, v38;
	v29 =	vperm.xlane v16, v1;
	v54 =	vmul.f32 v48, v14  }
0xe0: {  	v53 =	vperm.xlane v24, v1;
	v52 =	vadd.f32 v22, v50;
	v19 =	vadd.f32 v19, v51  }
0xe1: {  	v30 =	vperm.xlane v15, v7;
	v16 =	vadd.f32 v16, v29;
	v17 =	vadd.f32 v54, v17  }
0xe2: {  	v22 =	vadd.f32 v24, v53;
	v56 =	vperm.xlane v52, v2;
	v57 =	vperm.xlane v19, v1  }
0xe3: {  	v15 =	vadd.f32 v15, v30;
	v58 =	vperm.xlane v16, v2;
	v60 =	vperm.xlane v17, v1  }
0xe4: {  	v59 =	vperm.xlane v22, v2;
	v21 =	vadd.f32 v52, v56;
	v19 =	vadd.f32 v19, v57  }
0xe5: {  	v20 =	vmul.f32 v40, v20;
	v16 =	vadd.f32 v16, v58;
	v17 =	vadd.f32 v17, v60  }
0xe6: {  	v22 =	vadd.f32 v22, v59;
	v25 =	vperm.xlane v21, v3;
	v62 =	vperm.xlane v19, v2  }
0xe7: {  	v20 =	vadd.f32 $0.0e+00, v20;
	v63 =	vperm.xlane v16, v3;
	v37 =	vperm.xlane v17, v2  }
0xe8: {  	v36 =	vperm.xlane v22, v3;
	v12 =	vadd.f32 v21, v25;
	v19 =	vadd.f32 v19, v62  }
0xe9: {  	v15 =	vmul.f32 v5, v15;
	v16 =	vadd.f32 v16, v63;
	v17 =	vadd.f32 v17, v37  }
0xea: {  	v21 =	vadd.f32 v22, v36;
	v25 =	vperm.xlane v12, v7;
	v39 =	vperm.xlane v19, v3  }
0xeb: {  	v15 =	vadd.f32 v15, v20;
	v41 =	vperm.xlane v16, v7;
	v43 =	vperm.xlane v17, v3  }
0xec: {  	v42 =	vperm.xlane v21, v7;
	v20 =	vadd.f32 v12, v25;
	v19 =	vadd.f32 v19, v39  }
0xed: {  	v44 =	vperm.xlane v18, v7;
	v16 =	vadd.f32 v16, v41;
	v17 =	vadd.f32 v17, v43  }
0xee: {  	v21 =	vadd.f32 v21, v42;
	v20 =	vmul.f32 v40, v20;
	v45 =	vperm.xlane v19, v7  }
0xef: {  	v18 =	vadd.f32 v18, v44;
	v16 =	vmul.f32 v6, v16;
	v22 =	vperm.xlane v17, v7  }
0xf0: {  	v21 =	vmul.f32 v5, v21;
	v20 =	vadd.f32 $0.0e+00, v20;
	v19 =	vadd.f32 v19, v45  }
0xf1: {  	v46 =	vmul.f32 v8, v18;
	v15 =	vadd.f32 v16, v15  }
0xf2: {  	v17 =	vadd.f32 v17, v22;
	v47 =	vadd.f32 v21, v20;
	v19 =	vmul.f32 v6, v19;
	_ =	sdelay $0x1  }
0xf3: {  	v15 =	vadd.f32 v46, v15;
	v17 =	vmul.f32 v8, v17;
	v48 =	vadd.f32 v19, v47;
	_ =	sdelay $0x1  }
0xf4: {  	v15 =	vmul.f32 $2.500000000e-01, v15;
	v16 =	vadd.f32 v17, v48;
	_ =	sdelay $0x1  }
0xf5: {  	v15 =	vmul.f32 $1.442695020e+00, v15;
	v16 =	vmul.f32 $2.500000000e-01, v16;
	_ =	sdelay $0x1  }
0xf6: {  	(erf) = vpow2.f32 v15;
	v49 =	vmul.f32 $1.442695020e+00, v16;
	_ =	sdelay $0x1  }
0xf7: {  	(erf) = vpow2.f32 v49;
	_ =	sdelay $0x6  }
0xf8: {  	v50 =	vpop (erf)  }
0xf9: {  	s23 =	smul.u32 $0x240, s21;
	v51 =	vperm.xlane v50, v32  }
0xfa: {  	v52 =	vpop (erf)  }
0xfb: {  	s2 =	smul.u32 $0x240, s2;
	s3 =	sshra.s32 s23, $0x2;
	v53 =	vmul.f32 v51, v13;
	v54 =	vperm.xlane v52, v32  }
0xfc: {  	[tilespmem:s3+$0x55A0] =	vst v50  }
0xfd: {  	s2 =	sshra.s32 s2, $0x2;
	[tilespmem:s3+$0x55B0] =	vst v53;
	v55 =	vmul.f32 v54, v14  }
0xfe: {  	v56 =	vld [tilespmem:s31+$0x2DE0];
	[tilespmem:s2+$0x55A0] =	vst v52  }
0xff: {  	[tilespmem:s2+$0x55B0] =	vst v55  }
0x100: {  	v57 =	vperm.xlane v50, v33;
	v18 =	vld [tilespmem:s4+$0x2DE0];
	_ =	sdelay $0x1  }
0x101: {  	v58 =	vmul.f32 v57, v13;
	v59 =	vperm.xlane v52, v33  }
0x102: {  	v16 =	vmul.f32 v56, v51  }
0x103: {  	[tilespmem:s3+$0x55C0] =	vst v58;
	v61 =	vmul.f32 v59, v14  }
0x104: {  	[tilespmem:s3+$0x55F0] =	vst v16;
	v60 =	vmul.f32 v18, v54  }
0x105: {  	v62 =	vld [tilespmem:s31+$0x2DF0];
	[tilespmem:s2+$0x55C0] =	vst v61  }
0x106: {  	[tilespmem:s2+$0x55F0] =	vst v60  }
0x107: {  	v63 =	vperm.xlane v50, v34;
	v16 =	vld [tilespmem:s4+$0x2DF0];
	_ =	sdelay $0x1  }
0x108: {  	v12 =	vmul.f32 v63, v13;
	v24 =	vperm.xlane v52, v34  }
0x109: {  	v19 =	vmul.f32 v62, v57  }
0x10a: {  	[tilespmem:s3+$0x55D0] =	vst v12;
	v25 =	vmul.f32 v24, v14  }
0x10b: {  	[tilespmem:s3+$0x5600] =	vst v19;
	v16 =	vmul.f32 v16, v59  }
0x10c: {  	v20 =	vld [tilespmem:s31+$0x2E00];
	[tilespmem:s2+$0x55D0] =	vst v25  }
0x10d: {  	[tilespmem:s2+$0x5600] =	vst v16  }
0x10e: {  	v15 =	vperm.xlane v50, v35;
	v16 =	vld [tilespmem:s4+$0x2E00];
	_ =	sdelay $0x1  }
0x10f: {  	v13 =	vmul.f32 v15, v13;
	v17 =	vperm.xlane v52, v35  }
0x110: {  	v18 =	vmul.f32 v20, v63  }
0x111: {  	v26 =	vmul.f32 v17, v14;
	[tilespmem:s3+$0x55E0] =	vst v13  }
0x112: {  	[tilespmem:s3+$0x5610] =	vst v18;
	v16 =	vmul.f32 v16, v24  }
0x113: {  	[tilespmem:s2+$0x55E0] =	vst v26  }
0x114: {  	v27 =	vld [tilespmem:s31+$0x2E10];
	[tilespmem:s2+$0x5610] =	vst v16  }
0x115: {  	s5 =	sor.u32 $0x2, s21;
	v13 =	vld [tilespmem:s4+$0x2E10]  }
0x116: {  	s28 =	sshll.u32 s5, $0x7  }
0x117: {  	v36 =	vld [tilespmem:s28+$0x2DB0]  }
0x118: {  	v32 =	vld [tilespmem:s28+$0x5A0]  }
0x119: {  	v33 =	vld [tilespmem:s28+$0x2DA0];
	v14 =	vmul.f32 v27, v15  }
0x11a: {  	s6 =	sshll.u32 s5, $0x4;
	v34 =	vld [tilespmem:s28+$0x5E0];
	v13 =	vmul.f32 v13, v17  }
0x11b: {  	s1 =	sand.u32 $0x3FFFFFF0, s6;
	v35 =	vld [tilespmem:s28+$0x5B0];
	[tilespmem:s3+$0x5620] =	vst v14  }
0x11c: {  	v16 =	vld [tilespmem:s1+$0xA0];
	[tilespmem:s2+$0x5620] =	vst v13  }
0x11d: {  	v19 =	vld [tilespmem:s28+$0x5F0]  }
0x11e: {  	v37 =	vld [tilespmem:s28+$0x5C0]  }
0x11f: {  	v38 =	vld [tilespmem:s28+$0x2DC0]  }
0x120: {  	v39 =	vld [tilespmem:s28+$0x600]  }
0x121: {  	v41 =	vld [tilespmem:s28+$0x5D0]  }
0x122: {  	s7 =	sor.u32 $0x3, s21;
	v14 =	vmul.f32 v33, v32;
	v13 =	vmul.f32 v34, v16;
	v43 =	vld [tilespmem:s28+$0x2DD0]  }
0x123: {  	s29 =	sshll.u32 s7, $0x7;
	v44 =	vld [tilespmem:s28+$0x610]  }
0x124: {  	v50 =	vld [tilespmem:s29+$0x5A0];
	v13 =	vadd.f32 v13, v14  }
0x125: {  	v17 =	vmul.f32 v36, v35;
	v51 =	vld [tilespmem:s29+$0x2DA0]  }
0x126: {  	v52 =	vld [tilespmem:s29+$0x5E0];
	v46 =	vperm.xlane v13, v1;
	v42 =	vmul.f32 v19, v16  }
0x127: {  	s8 =	sshll.u32 s7, $0x4;
	v55 =	vld [tilespmem:s29+$0x5B0];
	v20 =	vmul.f32 v38, v37;
	v48 =	vmul.f32 v39, v16  }
0x128: {  	s1 =	sand.u32 $0x3FFFFFF0, s8;
	v58 =	vld [tilespmem:s29+$0x2DB0];
	v15 =	vmul.f32 v43, v41;
	v49 =	vmul.f32 v44, v16;
	v13 =	vadd.f32 v13, v46  }
0x129: {  	v45 =	vadd.f32 v42, v17;
	v17 =	vld [tilespmem:s1+$0xA0];
	v20 =	vadd.f32 v48, v20  }
0x12a: {  	v59 =	vld [tilespmem:s29+$0x5F0];
	v15 =	vadd.f32 v49, v15;
	v53 =	vperm.xlane v13, v2  }
0x12b: {  	v47 =	vperm.xlane v45, v1;
	v56 =	vperm.xlane v20, v1  }
0x12c: {  	v18 =	vmul.f32 v51, v50;
	v41 =	vld [tilespmem:s29+$0x600];
	v57 =	vperm.xlane v15, v1;
	v13 =	vadd.f32 v13, v53  }
0x12d: {  	v63 =	vmul.f32 v58, v55;
	v14 =	vadd.f32 v45, v47;
	v20 =	vadd.f32 v20, v56  }
0x12e: {  	v43 =	vld [tilespmem:s29+$0x5D0];
	v15 =	vadd.f32 v15, v57;
	v60 =	vperm.xlane v13, v3;
	v19 =	vmul.f32 v52, v17  }
0x12f: {  	v45 =	vld [tilespmem:s29+$0x2DD0];
	v21 =	vmul.f32 v59, v17;
	v54 =	vperm.xlane v14, v2  }
0x130: {  	v36 =	vld [tilespmem:s29+$0x5C0];
	v62 =	vperm.xlane v20, v2;
	v28 =	vperm.xlane v15, v2;
	v13 =	vadd.f32 v13, v60  }
0x131: {  	v39 =	vld [tilespmem:s29+$0x2DC0];
	v18 =	vadd.f32 v19, v18;
	v33 =	vadd.f32 v21, v63;
	v21 =	vmul.f32 v41, v17  }
0x132: {  	v14 =	vadd.f32 v14, v54;
	v20 =	vadd.f32 v20, v62;
	v23 =	vperm.xlane v13, v7  }
0x133: {  	v30 =	vld [tilespmem:s29+$0x610];
	v15 =	vadd.f32 v15, v28;
	v37 =	vperm.xlane v18, v1;
	v38 =	vperm.xlane v33, v1  }
0x134: {  	s9 =	sadd.s32 $0x4, s21;
	v60 =	vmul.f32 v45, v43;
	v61 =	vperm.xlane v14, v3  }
0x135: {  	s1 =	sshll.u32 s9, $0x7;
	v32 =	vperm.xlane v20, v3;
	v13 =	vadd.f32 v13, v23;
	v35 =	vperm.xlane v15, v3  }
0x136: {  	v48 =	vld [tilespmem:s1+$0x5A0];
	v23 =	vmul.f32 v39, v36;
	v18 =	vadd.f32 v18, v37;
	v19 =	vadd.f32 v33, v38  }
0x137: {  	v51 =	vld [tilespmem:s1+$0x5B0];
	v14 =	vadd.f32 v14, v61;
	v20 =	vadd.f32 v20, v32;
	v13 =	vmul.f32 v40, v13  }
0x138: {  	v53 =	vld [tilespmem:s1+$0x2DB0];
	v15 =	vadd.f32 v15, v35;
	v61 =	vmul.f32 v30, v17;
	v28 =	vperm.xlane v18, v2  }
0x139: {  	v49 =	vld [tilespmem:s1+$0x2DA0];
	v55 =	vadd.f32 v21, v23;
	v29 =	vperm.xlane v19, v2;
	v34 =	vperm.xlane v14, v7  }
0x13a: {  	s11 =	sshll.u32 s9, $0x4;
	v56 =	vld [tilespmem:s1+$0x5F0];
	v42 =	vperm.xlane v20, v7;
	v13 =	vadd.f32 $0.0e+00, v13;
	v18 =	vadd.f32 v18, v28  }
0x13b: {  	s3 =	sand.u32 $0x3FFFFFF0, s11;
	v44 =	vperm.xlane v15, v7;
	v58 =	vperm.xlane v55, v1;
	v19 =	vadd.f32 v19, v29;
	v29 =	vld [tilespmem:s1+$0x5E0]  }
0x13c: {  	v14 =	vadd.f32 v14, v34;
	v22 =	vadd.f32 v20, v42;
	v20 =	vld [tilespmem:s3+$0xA0];
	v50 =	vperm.xlane v18, v3  }
0x13d: {  	v59 =	vld [tilespmem:s1+$0x2DC0];
	v46 =	vadd.f32 v15, v44;
	v15 =	vmul.f32 v53, v51;
	v28 =	vperm.xlane v19, v3  }
0x13e: {  	v62 =	vld [tilespmem:s1+$0x600];
	v14 =	vmul.f32 v5, v14;
	v47 =	vmul.f32 v6, v22;
	v52 =	vadd.f32 v18, v50  }
0x13f: {  	v35 =	vld [tilespmem:s1+$0x610];
	v22 =	vmul.f32 v49, v48;
	v54 =	vadd.f32 v19, v28;
	v19 =	vadd.f32 v55, v58  }
0x140: {  	v28 =	vld [tilespmem:s1+$0x5C0];
	v13 =	vadd.f32 v14, v13;
	v14 =	vmul.f32 v8, v46;
	v57 =	vperm.xlane v52, v7  }
0x141: {  	v31 =	vperm.xlane v54, v7;
	v63 =	vmul.f32 v29, v20  }
0x142: {  	v21 =	vmul.f32 v56, v20;
	v36 =	vperm.xlane v19, v2;
	v13 =	vadd.f32 v47, v13  }
0x143: {  	v34 =	vld [tilespmem:s1+$0x2DD0];
	v38 =	vmul.f32 v62, v20;
	v18 =	vadd.f32 v54, v31;
	v22 =	vadd.f32 v63, v22  }
0x144: {  	v29 =	vld [tilespmem:s1+$0x5D0];
	v42 =	vmul.f32 v35, v20;
	v15 =	vadd.f32 v21, v15;
	v13 =	vadd.f32 v14, v13  }
0x145: {  	v19 =	vadd.f32 v19, v36;
	v14 =	vadd.f32 v61, v60;
	v37 =	vmul.f32 v59, v28  }
0x146: {  	v31 =	vperm.xlane v22, v1;
	v23 =	vmul.f32 $2.500000000e-01, v13;
	v13 =	vadd.f32 v52, v57  }
0x147: {  	v39 =	vperm.xlane v15, v1;
	v30 =	vperm.xlane v14, v1  }
0x148: {  	v46 =	vperm.xlane v19, v3;
	v22 =	vadd.f32 v22, v31;
	v13 =	vmul.f32 v40, v13  }
0x149: {  	s12 =	sadd.s32 $0x5, s21;
	v41 =	vmul.f32 v34, v29;
	v15 =	vadd.f32 v15, v39;
	v14 =	vadd.f32 v14, v30  }
0x14a: {  	s9 =	sshll.u32 s12, $0x7;
	v18 =	vmul.f32 v5, v18;
	v19 =	vadd.f32 v19, v46;
	v13 =	vadd.f32 $0.0e+00, v13  }
0x14b: {  	v58 =	vld [tilespmem:s9+$0x2DA0];
	v21 =	vadd.f32 v42, v41;
	v23 =	vmul.f32 $1.442695020e+00, v23;
	v43 =	vperm.xlane v14, v2  }
0x14c: {  	v57 =	vld [tilespmem:s9+$0x5A0];
	v44 =	vperm.xlane v22, v2;
	v18 =	vadd.f32 v18, v13;
	v13 =	vadd.f32 v38, v37  }
0x14d: {  	v47 =	vperm.xlane v15, v2;
	v52 =	vperm.xlane v19, v7;
	v14 =	vadd.f32 v14, v43  }
0x14e: {  	v48 =	vperm.xlane v21, v1;
	v22 =	vadd.f32 v22, v44;
	v45 =	vperm.xlane v13, v1  }
0x14f: {  	(erf) = vpow2.f32 v23;
	v49 =	vperm.xlane v14, v3  }
0x150: {  	v15 =	vadd.f32 v15, v47;
	v50 =	vperm.xlane v22, v3;
	v13 =	vadd.f32 v13, v45  }
0x151: {  	v34 =	vld [tilespmem:s9+$0x2DC0];
	v26 =	vmul.f32 v58, v57;
	v21 =	vadd.f32 v21, v48;
	v14 =	vadd.f32 v14, v49  }
0x152: {  	v30 =	vld [tilespmem:s9+$0x5C0];
	v53 =	vperm.xlane v15, v3;
	v22 =	vadd.f32 v22, v50;
	v51 =	vperm.xlane v13, v2  }
0x153: {  	v62 =	vld [tilespmem:s9+$0x2DB0];
	v19 =	vadd.f32 v19, v52;
	v54 =	vperm.xlane v21, v2;
	v55 =	vperm.xlane v14, v7  }
0x154: {  	s4 =	sshll.u32 s12, $0x4;
	v61 =	vld [tilespmem:s9+$0x5B0];
	v15 =	vadd.f32 v15, v53;
	v28 =	vperm.xlane v22, v7;
	v25 =	vadd.f32 v13, v51  }
0x155: {  	s4 =	sand.u32 $0x3FFFFFF0, s4;
	v29 =	vld [tilespmem:s9+$0x5E0];
	v19 =	vmul.f32 v6, v19;
	v21 =	vadd.f32 v21, v54;
	v14 =	vadd.f32 v14, v55  }
0x156: {  	v22 =	vadd.f32 v22, v28;
	v28 =	vperm.xlane v15, v7;
	v13 =	vld [tilespmem:s4+$0xA0];
	v56 =	vperm.xlane v25, v3  }
0x157: {  	v33 =	vld [tilespmem:s9+$0x5F0];
	v18 =	vadd.f32 v19, v18;
	v45 =	vmul.f32 v34, v30;
	v14 =	vmul.f32 v8, v14  }
0x158: {  	v36 =	vld [tilespmem:s9+$0x600];
	v59 =	vperm.xlane v21, v3;
	v15 =	vadd.f32 v15, v28;
	v24 =	vadd.f32 v25, v56  }
0x159: {  	v60 =	vmul.f32 v40, v22;
	v22 =	vmul.f32 v62, v61;
	v14 =	vadd.f32 v14, v18  }
0x15a: {  	v21 =	vadd.f32 v21, v59;
	v15 =	vmul.f32 v5, v15;
	v28 =	vperm.xlane v24, v7  }
0x15b: {  	v63 =	vadd.f32 $0.0e+00, v60;
	v37 =	vmul.f32 v29, v13;
	v14 =	vmul.f32 $2.500000000e-01, v14  }
0x15c: {  	v41 =	vld [tilespmem:s9+$0x610];
	v19 =	vmul.f32 v33, v13;
	v24 =	vadd.f32 v24, v28;
	v28 =	vperm.xlane v21, v7  }
0x15d: {  	v39 =	vld [tilespmem:s9+$0x2DD0];
	v15 =	vadd.f32 v15, v63;
	v46 =	vmul.f32 v36, v13;
	v14 =	vmul.f32 $1.442695020e+00, v14  }
0x15e: {  	v26 =	vadd.f32 v37, v26;
	v35 =	vmul.f32 v6, v24;
	v21 =	vadd.f32 v21, v28;
	v28 =	vld [tilespmem:s9+$0x5D0]  }
0x15f: {  	v44 =	vadd.f32 v19, v22;
	v22 =	vadd.f32 v46, v45;
	(erf) = vpow2.f32 v14  }
0x160: {  	v43 =	vperm.xlane v26, v1;
	v15 =	vadd.f32 v35, v15;
	v38 =	vmul.f32 v8, v21  }
0x161: {  	v0 =	vimm.s32 $0x0;
	v49 =	vmul.f32 v41, v13;
	v47 =	vperm.xlane v44, v1  }
0x162: {  	v51 =	vperm.xlane v22, v1;
	v19 =	vpop (erf);
	v42 =	vadd.f32 v38, v15;
	v15 =	vadd.f32 v26, v43  }
0x163: {  	v55 =	vperm.xlane v19, v0;
	v18 =	vadd.f32 v44, v47;
	v48 =	vmul.f32 v39, v28  }
0x164: {  	s0 =	smul.u32 $0x240, s5;
	v22 =	vadd.f32 v22, v51;
	v14 =	vmul.f32 $2.500000000e-01, v42;
	v50 =	vperm.xlane v15, v2  }
0x165: {  	v58 =	vmul.f32 v55, v16;
	v53 =	vperm.xlane v18, v2;
	v21 =	vadd.f32 v49, v48  }
0x166: {  	s24 =	sshra.s32 s0, $0x2;
	v57 =	vperm.xlane v22, v2;
	v14 =	vmul.f32 $1.442695020e+00, v14;
	v52 =	vadd.f32 v15, v50  }
0x167: {  	v0 =	vimm.s32 $0x0;
	[tilespmem:s24+$0x55A0] =	vst v19;
	v15 =	vadd.f32 v18, v53;
	v54 =	vperm.xlane v21, v1  }
0x168: {  	s14 =	sadd.s32 $0x6, s21;
	[tilespmem:s24+$0x55B0] =	vst v58;
	v18 =	vadd.f32 v22, v57;
	v25 =	vpop (erf);
	(erf) = vpow2.f32 v14;
	v56 =	vperm.xlane v52, v3  }
0x169: {  	s2 =	smul.u32 $0x240, s7;
	s4 =	sshll.u32 s14, $0x7;
	v29 =	vld [tilespmem:s28+$0x2DE0];
	v59 =	vperm.xlane v15, v3;
	v28 =	vperm.xlane v25, v0  }
0x16a: {  	v39 =	vld [tilespmem:s4+$0x5A0];
	v62 =	vperm.xlane v18, v3;
	v21 =	vadd.f32 v21, v54  }
0x16b: {  	s25 =	sshra.s32 s2, $0x2;
	v42 =	vld [tilespmem:s4+$0x2DA0];
	v14 =	vadd.f32 v52, v56;
	v15 =	vadd.f32 v15, v59;
	v63 =	vmul.f32 v28, v17  }
0x16c: {  	v44 =	vld [tilespmem:s4+$0x5E0];
	[tilespmem:s25+$0x55A0] =	vst v25;
	v18 =	vadd.f32 v18, v62;
	v60 =	vperm.xlane v21, v2  }
0x16d: {  	v50 =	vld [tilespmem:s4+$0x5B0];
	v61 =	vperm.xlane v14, v7;
	v35 =	vperm.xlane v15, v7;
	[tilespmem:s25+$0x55B0] =	vst v63  }
0x16e: {  	v37 =	vperm.xlane v18, v7;
	v21 =	vadd.f32 v21, v60;
	v45 =	vld [tilespmem:s29+$0x2DE0]  }
0x16f: {  	v46 =	vmul.f32 v29, v55;
	v29 =	vld [tilespmem:s4+$0x2DB0];
	v14 =	vadd.f32 v14, v61;
	v15 =	vadd.f32 v15, v35  }
0x170: {  	s15 =	sshll.u32 s14, $0x4;
	v54 =	vld [tilespmem:s4+$0x5F0];
	v52 =	vmul.f32 v42, v39;
	v18 =	vadd.f32 v18, v37;
	v36 =	vperm.xlane v21, v3  }
0x171: {  	s17 =	sadd.s32 $0x7, s21;
	s3 =	sand.u32 $0x3FFFFFF0, s15;
	v0 =	vimm.s32 $0x0;
	[tilespmem:s24+$0x55F0] =	vst v46;
	v46 =	vld [tilespmem:s4+$0x2DD0];
	v31 =	vmul.f32 v40, v14;
	v15 =	vmul.f32 v5, v15;
	v27 =	vpop (erf)  }
0x172: {  	s15 =	sshll.u32 s17, $0x7;
	v14 =	vld [tilespmem:s3+$0xA0];
	v18 =	vmul.f32 v6, v18;
	v21 =	vadd.f32 v21, v36;
	v30 =	vperm.xlane v27, v0  }
0x173: {  	v42 =	vld [tilespmem:s15+$0x5E0];
	v31 =	vadd.f32 $0.0e+00, v31;
	v0 =	vimm.s32 $0x1;
	v28 =	vmul.f32 v45, v28  }
0x174: {  	s16 =	sadd.s32 $0x900, s23;
	v63 =	vld [tilespmem:s4+$0x5D0];
	v41 =	vperm.xlane v21, v7;
	v43 =	vperm.xlane v19, v0  }
0x175: {  	s26 =	sshra.s32 s16, $0x2;
	v60 =	vld [tilespmem:s4+$0x600];
	v0 =	vimm.s32 $0x1;
	v38 =	vmul.f32 v30, v20;
	v15 =	vadd.f32 v15, v31  }
0x176: {  	v37 =	vld [tilespmem:s4+$0x2DC0];
	[tilespmem:s26+$0x55A0] =	vst v27;
	v51 =	vperm.xlane v25, v0;
	v0 =	vimm.s32 $0x1;
	v48 =	vmul.f32 v43, v16  }
0x177: {  	[tilespmem:s25+$0x55F0] =	vst v28;
	v28 =	vld [tilespmem:s4+$0x5C0];
	v21 =	vadd.f32 v21, v41;
	v53 =	vmul.f32 v44, v14;
	v55 =	vperm.xlane v27, v0  }
0x178: {  	v59 =	vmul.f32 v54, v14;
	v41 =	vld [tilespmem:s15+$0x2DA0];
	[tilespmem:s26+$0x55B0] =	vst v38;
	v56 =	vmul.f32 v51, v17  }
0x179: {  	v0 =	vimm.s32 $0x2;
	v15 =	vadd.f32 v18, v15;
	v47 =	vld [tilespmem:s1+$0x2DE0];
	v49 =	vmul.f32 v8, v21;
	[tilespmem:s24+$0x55C0] =	vst v48  }
0x17a: {  	v26 =	vmul.f32 v60, v14;
	v32 =	vperm.xlane v19, v0;
	v0 =	vimm.s32 $0x2;
	v31 =	vld [tilespmem:s28+$0x2DF0];
	[tilespmem:s25+$0x55C0] =	vst v56  }
0x17b: {  	v58 =	vmul.f32 v55, v20;
	v21 =	vmul.f32 v29, v50;
	v15 =	vadd.f32 v49, v15;
	v29 =	vld [tilespmem:s29+$0x2DF0]  }
0x17c: {  	v18 =	vadd.f32 v53, v52;
	v4 =	vperm.xlane v25, v0;
	v36 =	vmul.f32 v32, v16;
	v56 =	vld [tilespmem:s15+$0x600]  }
0x17d: {  	[tilespmem:s26+$0x55C0] =	vst v58;
	v62 =	vadd.f32 v59, v21;
	v28 =	vmul.f32 v37, v28;
	v58 =	vld [tilespmem:s15+$0x2DD0];
	v15 =	vmul.f32 $2.500000000e-01, v15  }
0x17e: {  	v0 =	vimm.s32 $0x2;
	v59 =	vld [tilespmem:s15+$0x610];
	v57 =	vmul.f32 v47, v30;
	v30 =	vperm.xlane v18, v1  }
0x17f: {  	v33 =	vperm.xlane v27, v0;
	v45 =	vperm.xlane v62, v1;
	v49 =	vadd.f32 v26, v28;
	v47 =	vld [tilespmem:s4+$0x610]  }
0x180: {  	s18 =	sshll.u32 s17, $0x4;
	v15 =	vmul.f32 $1.442695020e+00, v15;
	[tilespmem:s26+$0x55F0] =	vst v57;
	v61 =	vadd.f32 v18, v30;
	v39 =	vmul.f32 v29, v51;
	v51 =	vld [tilespmem:s15+$0x5A0]  }
0x181: {  	s2 =	sand.u32 $0x3FFFFFF0, s18;
	v21 =	vmul.f32 v46, v63;
	v18 =	vadd.f32 v62, v45;
	v29 =	vperm.xlane v49, v1;
	v24 =	vld [tilespmem:s1+$0x2DF0]  }
0x182: {  	(erf) = vpow2.f32 v15;
	v15 =	vld [tilespmem:s2+$0xA0];
	v44 =	vperm.xlane v61, v2  }
0x183: {  	v37 =	vmul.f32 v33, v20;
	v28 =	vperm.xlane v18, v2;
	v23 =	vadd.f32 v49, v29;
	v49 =	vld [tilespmem:s15+$0x5D0]  }
0x184: {  	v35 =	vmul.f32 v31, v43;
	v29 =	vld [tilespmem:s15+$0x2DB0];
	v52 =	vmul.f32 v47, v14;
	v48 =	vadd.f32 v61, v44  }
0x185: {  	v18 =	vadd.f32 v18, v28;
	v28 =	vld [tilespmem:s15+$0x5B0];
	v45 =	vperm.xlane v23, v2;
	v26 =	vmul.f32 v41, v51  }
0x186: {  	v44 =	vld [tilespmem:s15+$0x5F0];
	v21 =	vadd.f32 v52, v21;
	v30 =	vmul.f32 v24, v55;
	v50 =	vperm.xlane v48, v3  }
0x187: {  	v43 =	vperm.xlane v18, v3;
	v54 =	vmul.f32 v42, v15;
	v23 =	vadd.f32 v23, v45  }
0x188: {  	v31 =	vmovc v40;
	v47 =	vld [tilespmem:s15+$0x5C0];
	v46 =	vperm.xlane v21, v1;
	v40 =	vmul.f32 v58, v49;
	v24 =	vadd.f32 v48, v50  }
0x189: {  	v55 =	vld [tilespmem:s15+$0x2DC0];
	v18 =	vadd.f32 v18, v43;
	v45 =	vperm.xlane v23, v3;
	v43 =	vmul.f32 v56, v15  }
0x18a: {  	v26 =	vadd.f32 v54, v26;
	v54 =	vmul.f32 v59, v15;
	v28 =	vmul.f32 v29, v28  }
0x18b: {  	v0 =	vimm.s32 $0x0;
	v29 =	vmul.f32 v44, v15;
	v53 =	vperm.xlane v24, v7  }
0x18c: {  	v21 =	vadd.f32 v21, v46;
	v34 =	vpop (erf);
	v57 =	vperm.xlane v18, v7;
	v48 =	vperm.xlane v26, v1  }
0x18d: {  	s19 =	sadd.s32 $0x8, s21;
	v23 =	vadd.f32 v23, v45;
	v40 =	vadd.f32 v54, v40;
	v22 =	vperm.xlane v34, v0  }
0x18e: {  	s17 =	sshll.u32 s19, $0x7;
	v46 =	vperm.xlane v21, v2;
	v41 =	vmul.f32 v55, v47;
	v28 =	vadd.f32 v29, v28  }
0x18f: {  	v12 =	vld [tilespmem:s17+$0x5A0];
	v0 =	vimm.s32 $0x1;
	v24 =	vadd.f32 v24, v53;
	v18 =	vadd.f32 v18, v57  }
0x190: {  	v50 =	vld [tilespmem:s17+$0x2DA0];
	v26 =	vadd.f32 v26, v48;
	v61 =	vperm.xlane v23, v7;
	v42 =	vmul.f32 v22, v13  }
0x191: {  	v21 =	vadd.f32 v21, v46;
	v52 =	vperm.xlane v28, v1;
	v24 =	vmul.f32 v31, v24  }
0x192: {  	s22 =	sshll.u32 s19, $0x4;
	v29 =	vadd.f32 v43, v41;
	v60 =	vmul.f32 v5, v18;
	v63 =	vperm.xlane v26, v2  }
0x193: {  	s2 =	sand.u32 $0x3FFFFFF0, s22;
	v55 =	vld [tilespmem:s17+$0x5E0];
	v23 =	vadd.f32 v23, v61;
	v61 =	vperm.xlane v40, v1;
	v62 =	vperm.xlane v21, v3  }
0x194: {  	v18 =	vld [tilespmem:s2+$0xA0];
	v53 =	vperm.xlane v29, v1;
	v28 =	vadd.f32 v28, v52;
	v24 =	vadd.f32 $0.0e+00, v24  }
0x195: {  	v59 =	vld [tilespmem:s17+$0x5B0];
	v23 =	vmul.f32 v6, v23;
	v26 =	vadd.f32 v26, v63;
	v63 =	vmul.f32 v50, v12  }
0x196: {  	s30 =	sadd.s32 $0xB40, s23;
	v12 =	vld [tilespmem:s17+$0x5F0];
	v40 =	vadd.f32 v40, v61;
	v21 =	vadd.f32 v21, v62;
	v58 =	vperm.xlane v28, v2  }
0x197: {  	s8 =	sshra.s32 s30, $0x2;
	v29 =	vadd.f32 v29, v53;
	v62 =	vld [tilespmem:s17+$0x2DB0];
	v24 =	vadd.f32 v60, v24;
	v57 =	vperm.xlane v26, v3  }
0x198: {  	[tilespmem:s8+$0x55A0] =	vst v34;
	v53 =	vperm.xlane v40, v2;
	v56 =	vperm.xlane v21, v7;
	v28 =	vadd.f32 v28, v58  }
0x199: {  	[tilespmem:s8+$0x55B0] =	vst v42;
	v44 =	vmul.f32 v55, v18;
	v26 =	vadd.f32 v26, v57;
	v23 =	vadd.f32 v23, v24  }
0x19a: {  	v60 =	vperm.xlane v29, v2;
	v40 =	vadd.f32 v40, v53;
	v57 =	vld [tilespmem:s9+$0x2DE0];
	v21 =	vadd.f32 v21, v56  }
0x19b: {  	v50 =	vperm.xlane v28, v3;
	v51 =	vadd.f32 v44, v63;
	v56 =	vmul.f32 v12, v18;
	v44 =	vld [tilespmem:s17+$0x5C0]  }
0x19c: {  	v29 =	vadd.f32 v29, v60;
	v60 =	vld [tilespmem:s17+$0x2DC0];
	v52 =	vperm.xlane v26, v7;
	v55 =	vmul.f32 v62, v59  }
0x19d: {  	v63 =	vld [tilespmem:s17+$0x600];
	v59 =	vperm.xlane v40, v3;
	v21 =	vmul.f32 v8, v21;
	v28 =	vadd.f32 v28, v50  }
0x19e: {  	v54 =	vperm.xlane v29, v3;
	v45 =	vperm.xlane v51, v1;
	v24 =	vadd.f32 v26, v52  }
0x19f: {  	v42 =	vadd.f32 v56, v55;
	v40 =	vadd.f32 v40, v59;
	v58 =	vperm.xlane v28, v7  }
0x1a0: {  	v29 =	vadd.f32 v29, v54;
	v46 =	vmul.f32 v57, v22;
	v24 =	vmul.f32 v31, v24  }
0x1a1: {  	s31 =	sadd.s32 $0x9, s21;
	v43 =	vadd.f32 v51, v45;
	v62 =	vperm.xlane v42, v1;
	v12 =	vperm.xlane v40, v7  }
0x1a2: {  	s0 =	sshll.u32 s31, $0x7;
	s3 =	sshll.u32 s31, $0x4;
	v23 =	vadd.f32 v21, v23;
	v44 =	vmul.f32 v60, v44;
	v60 =	vmul.f32 v63, v18  }
0x1a3: {  	v47 =	vld [tilespmem:s0+$0x2DA0];
	s2 =	sand.u32 $0x3FFFFFF0, s3;
	v26 =	vadd.f32 v28, v58;
	v28 =	vperm.xlane v29, v7;
	v61 =	vperm.xlane v43, v2  }
0x1a4: {  	v21 =	vld [tilespmem:s2+$0xA0];
	v55 =	vmul.f32 $2.500000000e-01, v23;
	v24 =	vadd.f32 $0.0e+00, v24;
	v42 =	vadd.f32 v42, v62  }
0x1a5: {  	v40 =	vadd.f32 v40, v12;
	v26 =	vmul.f32 v5, v26;
	v28 =	vadd.f32 v29, v28;
	v29 =	vld [tilespmem:s17+$0x5D0]  }
0x1a6: {  	v41 =	vadd.f32 v43, v61;
	v43 =	vld [tilespmem:s17+$0x2DD0];
	v22 =	vmul.f32 $1.442695020e+00, v55;
	v54 =	vperm.xlane v42, v2  }
0x1a7: {  	v57 =	vld [tilespmem:s0+$0x5E0];
	v40 =	vmul.f32 v8, v40;
	v24 =	vadd.f32 v26, v24;
	v52 =	vmul.f32 v6, v28  }
0x1a8: {  	v62 =	vadd.f32 v60, v44;
	v28 =	vld [tilespmem:s17+$0x610];
	v53 =	vperm.xlane v41, v3;
	v26 =	vperm.xlane v34, v0  }
0x1a9: {  	v48 =	vld [tilespmem:s0+$0x2DB0];
	(erf) = vpow2.f32 v22;
	v42 =	vadd.f32 v42, v54;
	v56 =	vadd.f32 v52, v24  }
0x1aa: {  	v24 =	vld [tilespmem:s0+$0x5A0];
	v41 =	vadd.f32 v41, v53;
	v52 =	vmul.f32 v26, v13;
	v53 =	vperm.xlane v62, v1  }
0x1ab: {  	v51 =	vld [tilespmem:s0+$0x5B0];
	v59 =	vperm.xlane v42, v3;
	v29 =	vmul.f32 v43, v29  }
0x1ac: {  	v50 =	vld [tilespmem:s0+$0x5F0];
	v23 =	vadd.f32 v40, v56;
	v58 =	vperm.xlane v41, v7;
	v40 =	vadd.f32 v62, v53  }
0x1ad: {  	v12 =	vld [tilespmem:s0+$0x2DC0];
	v56 =	vmul.f32 v57, v21;
	v42 =	vadd.f32 v42, v59;
	v28 =	vmul.f32 v28, v18  }
0x1ae: {  	v0 =	vimm.s32 $0x0;
	v54 =	vld [tilespmem:s0+$0x600];
	v23 =	vmul.f32 $2.500000000e-01, v23;
	v60 =	vperm.xlane v40, v2  }
0x1af: {  	v61 =	vadd.f32 v41, v58;
	v41 =	vld [tilespmem:s0+$0x5C0];
	v63 =	vperm.xlane v42, v7;
	v24 =	vmul.f32 v47, v24  }
0x1b0: {  	v59 =	vld [tilespmem:s0+$0x610];
	v28 =	vadd.f32 v28, v29;
	v29 =	vmul.f32 v48, v51;
	v23 =	vmul.f32 $1.442695020e+00, v23  }
0x1b1: {  	v55 =	vld [tilespmem:s0+$0x5D0];
	v22 =	vmul.f32 v31, v61;
	v61 =	vmul.f32 v50, v21;
	v42 =	vadd.f32 v42, v63  }
0x1b2: {  	v57 =	vld [tilespmem:s0+$0x2DD0];
	v40 =	vadd.f32 v40, v60;
	v24 =	vadd.f32 v56, v24;
	v62 =	vperm.xlane v28, v1  }
0x1b3: {  	(erf) = vpow2.f32 v23;
	v22 =	vadd.f32 $0.0e+00, v22;
	v58 =	vmul.f32 v5, v42  }
0x1b4: {  	v29 =	vadd.f32 v61, v29;
	v63 =	vperm.xlane v24, v1;
	v41 =	vmul.f32 v12, v41  }
0x1b5: {  	v12 =	vmul.f32 v54, v21;
	v42 =	vmul.f32 v59, v21;
	v23 =	vadd.f32 v58, v22  }
0x1b6: {  	v48 =	vperm.xlane v29, v1;
	v22 =	vadd.f32 v28, v62;
	v24 =	vadd.f32 v24, v63  }
0x1b7: {  	v54 =	vperm.xlane v40, v3;
	v28 =	vmul.f32 v57, v55;
	v41 =	vadd.f32 v12, v41  }
0x1b8: {  	v29 =	vadd.f32 v29, v48;
	v50 =	vperm.xlane v22, v2;
	v51 =	vperm.xlane v24, v2  }
0x1b9: {  	v40 =	vadd.f32 v40, v54;
	v28 =	vadd.f32 v42, v28;
	v53 =	vperm.xlane v41, v1  }
0x1ba: {  	v56 =	vperm.xlane v29, v2;
	v22 =	vadd.f32 v22, v50;
	v24 =	vadd.f32 v24, v51  }
0x1bb: {  	v45 =	vperm.xlane v40, v7;
	v55 =	vperm.xlane v28, v1;
	v41 =	vadd.f32 v41, v53  }
0x1bc: {  	s5 =	sadd.s32 $0xA, s21;
	v29 =	vadd.f32 v29, v56;
	v57 =	vperm.xlane v22, v3;
	v58 =	vperm.xlane v24, v3  }
0x1bd: {  	s18 =	sshll.u32 s5, $0x7;
	v40 =	vadd.f32 v40, v45;
	v28 =	vadd.f32 v28, v55;
	v59 =	vperm.xlane v41, v2  }
0x1be: {  	v44 =	vld [tilespmem:s18+$0x2DA0];
	v61 =	vperm.xlane v29, v3;
	v43 =	vadd.f32 v22, v57;
	v24 =	vadd.f32 v24, v58  }
0x1bf: {  	s6 =	sshll.u32 s5, $0x4;
	v47 =	vld [tilespmem:s18+$0x5A0];
	v40 =	vmul.f32 v6, v40;
	v60 =	vperm.xlane v28, v2;
	v41 =	vadd.f32 v41, v59  }
0x1c0: {  	s3 =	sand.u32 $0x3FFFFFF0, s6;
	v56 =	vld [tilespmem:s18+$0x5E0];
	v29 =	vadd.f32 v29, v61;
	v62 =	vperm.xlane v43, v7;
	v63 =	vperm.xlane v24, v7  }
0x1c1: {  	v22 =	vld [tilespmem:s3+$0xA0];
	v23 =	vadd.f32 v40, v23;
	v28 =	vadd.f32 v28, v60;
	v12 =	vperm.xlane v41, v3  }
0x1c2: {  	v59 =	vld [tilespmem:s18+$0x5B0];
	v54 =	vperm.xlane v29, v7;
	v42 =	vadd.f32 v43, v62;
	v45 =	vadd.f32 v24, v63;
	v24 =	vpop (erf)  }
0x1c3: {  	[tilespmem:s8+$0x55F0] =	vst v46;
	v61 =	vld [tilespmem:s18+$0x2DB0];
	v53 =	vperm.xlane v28, v3;
	v41 =	vadd.f32 v41, v12;
	v46 =	vperm.xlane v24, v0  }
0x1c4: {  	v62 =	vld [tilespmem:s18+$0x5F0];
	v29 =	vadd.f32 v29, v54;
	v54 =	vmul.f32 v44, v47;
	v55 =	vmul.f32 v8, v42  }
0x1c5: {  	[tilespmem:s8+$0x55C0] =	vst v52;
	v28 =	vadd.f32 v28, v53;
	v57 =	vmul.f32 v31, v45;
	v58 =	vperm.xlane v41, v7  }
0x1c6: {  	s12 =	sadd.s32 $0xB, s21;
	v63 =	vld [tilespmem:s9+$0x2DF0];
	v0 =	vimm.s32 $0x0;
	v29 =	vmul.f32 v5, v29;
	v12 =	vmul.f32 v46, v14  }
0x1c7: {  	s19 =	sshll.u32 s12, $0x7;
	v40 =	vadd.f32 v55, v23;
	v60 =	vperm.xlane v28, v7;
	v43 =	vadd.f32 $0.0e+00, v57  }
0x1c8: {  	s7 =	sadd.s32 $0xD80, s23;
	v9 =	vld [tilespmem:s19+$0x2DC0];
	v41 =	vadd.f32 v41, v58;
	v23 =	vpop (erf);
	v55 =	vmul.f32 v56, v22;
	v56 =	vmul.f32 v61, v59  }
0x1c9: {  	v11 =	vld [tilespmem:s19+$0x600];
	s14 =	sshra.s32 s7, $0x2;
	v49 =	vperm.xlane v23, v0;
	v45 =	vmul.f32 v62, v22  }
0x1ca: {  	s5 =	sshll.u32 s12, $0x4;
	[tilespmem:s14+$0x55B0] =	vst v12;
	v12 =	vld [tilespmem:s18+$0x2DC0];
	v28 =	vadd.f32 v28, v60;
	v29 =	vadd.f32 v29, v43;
	v41 =	vmul.f32 v6, v41  }
0x1cb: {  	s5 =	sand.u32 $0x3FFFFFF0, s5;
	v42 =	vmul.f32 v63, v26;
	v62 =	vld [tilespmem:s18+$0x600];
	v40 =	vmul.f32 $2.500000000e-01, v40  }
0x1cc: {  	s11 =	sadd.s32 $0xFC0, s23;
	v26 =	vld [tilespmem:s5+$0xA0];
	v59 =	vadd.f32 v45, v56;
	v28 =	vmul.f32 v8, v28;
	v29 =	vadd.f32 v41, v29  }
0x1cd: {  	s2 =	sshra.s32 s11, $0x2;
	[tilespmem:s14+$0x55A0] =	vst v24;
	v0 =	vimm.s32 $0x2;
	v43 =	vld [tilespmem:s18+$0x5C0];
	v58 =	vmul.f32 v49, v15;
	v40 =	vmul.f32 $1.442695020e+00, v40  }
0x1ce: {  	[tilespmem:s2+$0x55A0] =	vst v23;
	v57 =	vld [tilespmem:s4+$0x2DE0];
	v61 =	vperm.xlane v59, v1;
	v28 =	vadd.f32 v28, v29;
	v29 =	vadd.f32 v55, v54  }
0x1cf: {  	v53 =	vld [tilespmem:s18+$0x5D0];
	[tilespmem:s2+$0x55B0] =	vst v58;
	(erf) = vpow2.f32 v40;
	v40 =	vperm.xlane v34, v0  }
0x1d0: {  	v63 =	vld [tilespmem:s15+$0x2DE0];
	v28 =	vmul.f32 $2.500000000e-01, v28;
	v60 =	vperm.xlane v29, v1  }
0x1d1: {  	v0 =	vimm.s32 $0x1;
	v54 =	vld [tilespmem:s18+$0x2DD0];
	v51 =	vmul.f32 v62, v22;
	v11 =	vmul.f32 v11, v26  }
0x1d2: {  	v56 =	vld [tilespmem:s18+$0x610];
	v48 =	vmul.f32 v12, v43;
	v28 =	vmul.f32 $1.442695020e+00, v28;
	v29 =	vadd.f32 v29, v60  }
0x1d3: {  	v44 =	vmul.f32 v57, v46;
	v50 =	vadd.f32 v59, v61;
	v41 =	vperm.xlane v24, v0;
	v57 =	vld [tilespmem:s19+$0x5E0]  }
0x1d4: {  	v48 =	vadd.f32 v51, v48;
	v51 =	vld [tilespmem:s19+$0x2DA0];
	(erf) = vpow2.f32 v28;
	v28 =	vperm.xlane v29, v2  }
0x1d5: {  	v55 =	vperm.xlane v50, v2;
	v46 =	vmul.f32 v63, v49;
	v49 =	vld [tilespmem:s19+$0x5A0]  }
0x1d6: {  	v0 =	vimm.s32 $0x1;
	v53 =	vmul.f32 v54, v53;
	v54 =	vld [tilespmem:s19+$0x5C0];
	v29 =	vadd.f32 v29, v28  }
0x1d7: {  	v45 =	vmul.f32 v40, v13;
	v50 =	vadd.f32 v50, v55;
	v59 =	vperm.xlane v48, v1  }
0x1d8: {  	v43 =	vperm.xlane v23, v0;
	v0 =	vimm.s32 $0x0;
	v12 =	vperm.xlane v29, v3  }
0x1d9: {  	v57 =	vmul.f32 v57, v26;
	v58 =	vperm.xlane v50, v3;
	v48 =	vadd.f32 v48, v59  }
0x1da: {  	v60 =	vld [tilespmem:s19+$0x5B0];
	v28 =	vpop (erf);
	v49 =	vmul.f32 v51, v49;
	v55 =	vadd.f32 v29, v12;
	v12 =	vmul.f32 v56, v22  }
0x1db: {  	v50 =	vadd.f32 v50, v58;
	v58 =	vld [tilespmem:s19+$0x5F0];
	v9 =	vmul.f32 v9, v54;
	v52 =	vperm.xlane v28, v0  }
0x1dc: {  	v0 =	vimm.s32 $0x0;
	v56 =	vld [tilespmem:s19+$0x2DB0];
	v63 =	vperm.xlane v55, v7;
	v53 =	vadd.f32 v12, v53  }
0x1dd: {  	v49 =	vadd.f32 v57, v49;
	v57 =	vld [tilespmem:s19+$0x610];
	v9 =	vadd.f32 v11, v9;
	v12 =	vperm.xlane v48, v2  }
0x1de: {  	v62 =	vmul.f32 v52, v18;
	v29 =	vpop (erf);
	v55 =	vadd.f32 v55, v63;
	v10 =	vperm.xlane v53, v1  }
0x1df: {  	v51 =	vld [tilespmem:s19+$0x5D0];
	v59 =	vperm.xlane v29, v0;
	v0 =	vperm.xlane v50, v7;
	v48 =	vadd.f32 v48, v12  }
0x1e0: {  	v12 =	vperm.xlane v49, v1;
	v55 =	vmul.f32 v31, v55;
	v10 =	vadd.f32 v53, v10;
	v53 =	vld [tilespmem:s19+$0x2DD0]  }
0x1e1: {  	v0 =	vadd.f32 v50, v0;
	v50 =	vmul.f32 v56, v60;
	v56 =	vmul.f32 v58, v26  }
0x1e2: {  	v63 =	vmul.f32 v57, v26;
	v49 =	vadd.f32 v49, v12;
	v60 =	vperm.xlane v10, v2  }
0x1e3: {  	v58 =	vperm.xlane v48, v3;
	v55 =	vadd.f32 $0.0e+00, v55;
	v50 =	vadd.f32 v56, v50  }
0x1e4: {  	v0 =	vmul.f32 v5, v0;
	v57 =	vperm.xlane v49, v2;
	v10 =	vadd.f32 v10, v60  }
0x1e5: {  	v48 =	vadd.f32 v48, v58;
	v60 =	vperm.xlane v50, v1;
	v11 =	vmul.f32 v53, v51  }
0x1e6: {  	v58 =	vperm.xlane v9, v1;
	v49 =	vadd.f32 v49, v57;
	v12 =	vperm.xlane v10, v3  }
0x1e7: {  	v50 =	vadd.f32 v50, v60;
	v60 =	vperm.xlane v48, v7;
	v11 =	vadd.f32 v63, v11  }
0x1e8: {  	[tilespmem:s24+$0x55D0] =	vst v36;
	v9 =	vadd.f32 v9, v58;
	v58 =	vperm.xlane v49, v3;
	v10 =	vadd.f32 v10, v12  }
0x1e9: {  	[tilespmem:s24+$0x5600] =	vst v35;
	v63 =	vperm.xlane v50, v2;
	v56 =	vadd.f32 v48, v60;
	v12 =	vperm.xlane v11, v1  }
0x1ea: {  	[tilespmem:s26+$0x55D0] =	vst v37;
	v0 =	vadd.f32 v0, v55;
	v60 =	vperm.xlane v9, v2;
	v57 =	vperm.xlane v10, v7  }
0x1eb: {  	s16 =	sadd.s32 $0x1200, s23;
	[tilespmem:s25+$0x5600] =	vst v39;
	v35 =	vadd.f32 v50, v63;
	v36 =	vmul.f32 v6, v56;
	v11 =	vadd.f32 v11, v12  }
0x1ec: {  	s31 =	sshra.s32 s16, $0x2;
	[tilespmem:s26+$0x5600] =	vst v30;
	v9 =	vadd.f32 v9, v60;
	v56 =	vmul.f32 v59, v21;
	v10 =	vadd.f32 v10, v57  }
0x1ed: {  	s22 =	sadd.s32 $0x1440, s23;
	[tilespmem:s31+$0x55A0] =	vst v28;
	v63 =	vadd.f32 v49, v58;
	v12 =	vperm.xlane v35, v3;
	v53 =	vperm.xlane v11, v2  }
0x1ee: {  	s3 =	sshra.s32 s22, $0x2;
	[tilespmem:s31+$0x55B0] =	vst v62;
	v0 =	vadd.f32 v36, v0;
	v55 =	vperm.xlane v9, v3;
	v10 =	vmul.f32 v8, v10  }
0x1ef: {  	v30 =	vld [tilespmem:s17+$0x2DE0];
	[tilespmem:s3+$0x55A0] =	vst v29;
	v54 =	vperm.xlane v63, v7;
	v35 =	vadd.f32 v35, v12;
	v11 =	vadd.f32 v11, v53  }
0x1f0: {  	v61 =	vmul.f32 v43, v15;
	[tilespmem:s3+$0x55B0] =	vst v56;
	v9 =	vadd.f32 v9, v55;
	v0 =	vadd.f32 v10, v0  }
0x1f1: {  	[tilespmem:s8+$0x5600] =	vst v42;
	v37 =	vld [tilespmem:s0+$0x2DE0];
	v10 =	vadd.f32 v63, v54;
	v57 =	vperm.xlane v35, v7;
	v58 =	vperm.xlane v11, v3  }
0x1f2: {  	[tilespmem:s8+$0x55D0] =	vst v45;
	v60 =	vperm.xlane v9, v7  }
0x1f3: {  	v42 =	vld [tilespmem:s1+$0x2E00];
	[tilespmem:s2+$0x55C0] =	vst v61;
	v10 =	vmul.f32 v31, v10;
	v35 =	vadd.f32 v35, v57;
	v11 =	vadd.f32 v11, v58  }
0x1f4: {  	v39 =	vld [tilespmem:s9+$0x2E00];
	[tilespmem:s2+$0x55F0] =	vst v46;
	v30 =	vmul.f32 v30, v52;
	v0 =	vmul.f32 $2.500000000e-01, v0;
	v9 =	vadd.f32 v9, v60  }
0x1f5: {  	s30 =	sadd.s32 $0xC, s21;
	s12 =	sadd.s32 $0xD, s21;
	v48 =	vld [tilespmem:s15+$0x2DF0];
	v10 =	vadd.f32 $0.0e+00, v10;
	v35 =	vmul.f32 v5, v35;
	v62 =	vperm.xlane v11, v7  }
0x1f6: {  	s6 =	sshll.u32 s30, $0x4;
	s11 =	sshll.u32 s30, $0x7;
	s30 =	sshll.u32 s12, $0x7;
	v61 =	vimm.s32 $0x3;
	[tilespmem:s31+$0x55F0] =	vst v30;
	v63 =	vld [tilespmem:s28+$0x2E00];
	v30 =	vmul.f32 v37, v59;
	v0 =	vmul.f32 $1.442695020e+00, v0  }
0x1f7: {  	v56 =	vld [tilespmem:s30+$0x5A0];
	v9 =	vmul.f32 v6, v9;
	v10 =	vadd.f32 v35, v10;
	v11 =	vadd.f32 v11, v62  }
0x1f8: {  	v38 =	vmul.f32 v4, v17;
	s6 =	sand.u32 $0x3FFFFFF0, s6;
	v54 =	vld [tilespmem:s11+$0x5A0];
	v58 =	vimm.s32 $0x1;
	[tilespmem:s3+$0x55F0] =	vst v30;
	v30 =	vperm.xlane v19, v61  }
0x1f9: {  	v19 =	vld [tilespmem:s6+$0xA0];
	(erf) = vpow2.f32 v0;
	v9 =	vadd.f32 v9, v10;
	v10 =	vmul.f32 v8, v11  }
0x1fa: {  	v52 =	vperm.xlane v29, v58;
	v61 =	vld [tilespmem:s11+$0x5B0]  }
0x1fb: {  	s7 =	sadd.s32 $0x1680, s23;
	[tilespmem:s25+$0x55D0] =	vst v38;
	v58 =	vimm.s32 $0x3;
	v50 =	vmul.f32 v63, v32;
	v63 =	vld [tilespmem:s11+$0x2DA0];
	v9 =	vadd.f32 v10, v9  }
0x1fc: {  	v47 =	vmul.f32 v41, v14;
	s6 =	sshra.s32 s7, $0x2;
	s7 =	sshll.u32 s12, $0x4;
	v32 =	vperm.xlane v25, v58;
	v0 =	vld [tilespmem:s29+$0x2E00]  }
0x1fd: {  	[tilespmem:s14+$0x55F0] =	vst v44;
	v12 =	vimm.s32 $0x1;
	s7 =	sand.u32 $0x3FFFFFF0, s7;
	v58 =	vld [tilespmem:s30+$0x5E0];
	v60 =	vmul.f32 v52, v21;
	v9 =	vmul.f32 $2.500000000e-01, v9  }
0x1fe: {  	[tilespmem:s14+$0x55C0] =	vst v47;
	v44 =	vperm.xlane v28, v12;
	v49 =	vmul.f32 v30, v16;
	v16 =	vld [tilespmem:s7+$0xA0]  }
0x1ff: {  	v45 =	vmul.f32 v42, v33;
	v59 =	vimm.s32 $0x3;
	[tilespmem:s3+$0x55C0] =	vst v60;
	v11 =	vld [tilespmem:s4+$0x2DF0];
	v9 =	vmul.f32 $1.442695020e+00, v9  }
0x200: {  	v57 =	vmul.f32 v44, v18;
	v12 =	vperm.xlane v27, v59;
	v53 =	vld [tilespmem:s0+$0x2DF0]  }
0x201: {  	v51 =	vmul.f32 v0, v4;
	v0 =	vld [tilespmem:s11+$0x2DB0];
	(erf) = vpow2.f32 v9  }
0x202: {  	v43 =	vmul.f32 v48, v43;
	v37 =	vmul.f32 v39, v40;
	v62 =	vimm.s32 $0x0;
	v35 =	vpop (erf);
	v9 =	vld [tilespmem:s11+$0x5E0]  }
0x203: {  	[tilespmem:s31+$0x55C0] =	vst v57;
	v42 =	vmul.f32 v12, v20;
	v4 =	vimm.s32 $0x2;
	v55 =	vperm.xlane v35, v62;
	v62 =	vld [tilespmem:s11+$0x5F0]  }
0x204: {  	v47 =	vmul.f32 v32, v17;
	v10 =	vld [tilespmem:s17+$0x2DF0];
	v39 =	vperm.xlane v24, v4;
	v4 =	vimm.s32 $0x3  }
0x205: {  	v63 =	vmul.f32 v63, v54;
	v54 =	vld [tilespmem:s11+$0x600];
	v27 =	vperm.xlane v34, v4;
	v4 =	vimm.s32 $0x2  }
0x206: {  	v46 =	vmul.f32 v11, v41;
	v11 =	vld [tilespmem:s11+$0x5C0];
	v38 =	vperm.xlane v23, v4  }
0x207: {  	v41 =	vld [tilespmem:s11+$0x2DC0];
	v0 =	vmul.f32 v0, v61;
	v9 =	vmul.f32 v9, v19  }
0x208: {  	v61 =	vld [tilespmem:s30+$0x5B0];
	v60 =	vmul.f32 v55, v22;
	v17 =	vmul.f32 v62, v19  }
0x209: {  	[tilespmem:s6+$0x55A0] =	vst v35;
	v34 =	vmul.f32 v10, v44;
	v44 =	vmul.f32 v53, v52;
	v52 =	vld [tilespmem:s30+$0x2DB0];
	v9 =	vadd.f32 v9, v63  }
0x20a: {  	v4 =	vimm.s32 $0x0;
	v54 =	vmul.f32 v54, v19;
	[tilespmem:s6+$0x55B0] =	vst v60;
	v0 =	vadd.f32 v17, v0;
	v17 =	vld [tilespmem:s30+$0x2DA0];
	v36 =	vpop (erf)  }
0x20b: {  	v20 =	vld [tilespmem:s18+$0x2DE0];
	v57 =	vperm.xlane v9, v1;
	v10 =	vperm.xlane v36, v4  }
0x20c: {  	s16 =	sadd.s32 $0x18C0, s23;
	[tilespmem:$0x1FFF0] =	vst v12;
	v11 =	vmul.f32 v41, v11;
	v60 =	vld [tilespmem:s11+$0x2DD0];
	v12 =	vperm.xlane v0, v1  }
0x20d: {  	s16 =	sshra.s32 s16, $0x2;
	v25 =	vmul.f32 v39, v14;
	v9 =	vadd.f32 v9, v57;
	v57 =	vld [tilespmem:s30+$0x5F0];
	v59 =	vmul.f32 v10, v26  }
0x20e: {  	v33 =	vmul.f32 v38, v15;
	v11 =	vadd.f32 v54, v11;
	v54 =	vld [tilespmem:s11+$0x5D0];
	[tilespmem:s16+$0x55A0] =	vst v36;
	v0 =	vadd.f32 v0, v12  }
0x20f: {  	v63 =	vmul.f32 v58, v16;
	v17 =	vmul.f32 v17, v56;
	[tilespmem:s16+$0x55B0] =	vst v59  }
0x210: {  	v53 =	vmul.f32 v20, v55;
	v4 =	vimm.s32 $0x2;
	v12 =	vperm.xlane v0, v2;
	v20 =	vld [tilespmem:s19+$0x2DE0]  }
0x211: {  	v62 =	vld [tilespmem:s11+$0x610];
	v55 =	vperm.xlane v9, v2;
	v17 =	vadd.f32 v63, v17;
	v63 =	vmul.f32 v52, v61  }
0x212: {  	v0 =	vadd.f32 v0, v12;
	v12 =	vperm.xlane v11, v1;
	v57 =	vmul.f32 v57, v16  }
0x213: {  	v54 =	vmul.f32 v60, v54;
	v40 =	vperm.xlane v28, v4;
	v9 =	vadd.f32 v9, v55  }
0x214: {  	v11 =	vadd.f32 v11, v12;
	v12 =	vperm.xlane v17, v1;
	v56 =	vadd.f32 v57, v63  }
0x215: {  	v52 =	vmul.f32 v20, v10;
	v10 =	vperm.xlane v9, v3  }
0x216: {  	v61 =	vmul.f32 v62, v19;
	v17 =	vadd.f32 v17, v12;
	v62 =	vperm.xlane v56, v1  }
0x217: {  	v20 =	vperm.xlane v0, v3;
	v9 =	vadd.f32 v9, v10;
	v10 =	vperm.xlane v11, v2  }
0x218: {  	v4 =	vimm.s32 $0x2;
	v12 =	vperm.xlane v17, v2;
	v55 =	vadd.f32 v56, v62  }
0x219: {  	v59 =	vld [tilespmem:s30+$0x600];
	v0 =	vadd.f32 v0, v20;
	v63 =	vperm.xlane v9, v7;
	v10 =	vadd.f32 v11, v10  }
0x21a: {  	v20 =	vadd.f32 v61, v54;
	v56 =	vld [tilespmem:s30+$0x2DC0];
	v17 =	vadd.f32 v17, v12;
	v12 =	vperm.xlane v55, v2  }
0x21b: {  	v61 =	vld [tilespmem:s30+$0x5D0];
	v57 =	vperm.xlane v0, v7;
	v9 =	vadd.f32 v9, v63;
	v58 =	vperm.xlane v10, v3  }
0x21c: {  	v41 =	vperm.xlane v29, v4;
	v11 =	vld [tilespmem:s30+$0x5C0];
	v60 =	vperm.xlane v20, v1;
	v54 =	vadd.f32 v55, v12  }
0x21d: {  	s22 =	sadd.s32 $0xE, s21;
	v0 =	vadd.f32 v0, v57;
	v55 =	vld [tilespmem:s30+$0x610];
	v9 =	vmul.f32 v31, v9;
	v10 =	vadd.f32 v10, v58  }
0x21e: {  	s12 =	sshll.u32 s22, $0x4;
	v57 =	vld [tilespmem:s30+$0x2DD0];
	v58 =	vadd.f32 v20, v60;
	v20 =	vperm.xlane v17, v3;
	v63 =	vperm.xlane v54, v3  }
0x21f: {  	s7 =	sand.u32 $0x3FFFFFF0, s12;
	v0 =	vmul.f32 v5, v0;
	v9 =	vadd.f32 $0.0e+00, v9;
	v60 =	vperm.xlane v10, v7  }
0x220: {  	v12 =	vperm.xlane v58, v2;
	v17 =	vadd.f32 v17, v20;
	v20 =	vld [tilespmem:s7+$0xA0];
	s7 =	sshll.u32 s22, $0x7;
	v54 =	vadd.f32 v54, v63  }
0x221: {  	v62 =	vld [tilespmem:s7+$0x2DA0];
	v0 =	vadd.f32 v0, v9;
	v9 =	vmul.f32 v56, v11;
	v11 =	vmul.f32 v59, v16  }
0x222: {  	v55 =	vmul.f32 v55, v16;
	v56 =	vld [tilespmem:s7+$0x5A0];
	v58 =	vadd.f32 v58, v12;
	v12 =	vperm.xlane v17, v7  }
0x223: {  	v10 =	vadd.f32 v10, v60;
	v59 =	vld [tilespmem:s7+$0x5B0];
	v9 =	vadd.f32 v11, v9;
	v11 =	vmul.f32 v57, v61  }
0x224: {  	v48 =	vmul.f32 v40, v18;
	v57 =	vld [tilespmem:s7+$0x5E0];
	v60 =	vperm.xlane v58, v3;
	v17 =	vadd.f32 v17, v12  }
0x225: {  	v61 =	vperm.xlane v54, v7;
	v10 =	vmul.f32 v6, v10;
	v11 =	vadd.f32 v55, v11;
	v55 =	vld [tilespmem:s7+$0x2DB0]  }
0x226: {  	v12 =	vperm.xlane v9, v1;
	v58 =	vadd.f32 v58, v60;
	v17 =	vmul.f32 v31, v17;
	v60 =	vld [tilespmem:s7+$0x5F0]  }
0x227: {  	v54 =	vadd.f32 v54, v61;
	v0 =	vadd.f32 v10, v0;
	v56 =	vmul.f32 v62, v56  }
0x228: {  	v63 =	vld [tilespmem:s7+$0x5C0];
	v9 =	vadd.f32 v9, v12;
	v61 =	vperm.xlane v11, v1;
	v10 =	vperm.xlane v58, v7  }
0x229: {  	v17 =	vadd.f32 $0.0e+00, v17;
	v12 =	vld [tilespmem:s7+$0x2DC0];
	v54 =	vmul.f32 v5, v54;
	v57 =	vmul.f32 v57, v20  }
0x22a: {  	v4 =	vperm.xlane v9, v2;
	v11 =	vadd.f32 v11, v61;
	v61 =	vld [tilespmem:s7+$0x600];
	v10 =	vadd.f32 v58, v10  }
0x22b: {  	v58 =	vld [tilespmem:s7+$0x5D0];
	v56 =	vadd.f32 v57, v56;
	v55 =	vmul.f32 v55, v59;
	v57 =	vmul.f32 v60, v20  }
0x22c: {  	v54 =	vadd.f32 v54, v17;
	v17 =	vld [tilespmem:s7+$0x2DD0];
	v4 =	vadd.f32 v9, v4;
	v9 =	vperm.xlane v11, v2  }
0x22d: {  	v59 =	vld [tilespmem:s7+$0x610];
	v60 =	vimm.s32 $0x1;
	v55 =	vadd.f32 v57, v55;
	v57 =	vperm.xlane v56, v1  }
0x22e: {  	v60 =	vperm.xlane v35, v60;
	v9 =	vadd.f32 v11, v9;
	v11 =	vperm.xlane v4, v3  }
0x22f: {  	v10 =	vmul.f32 v8, v10;
	v56 =	vadd.f32 v56, v57;
	v62 =	vperm.xlane v55, v1  }
0x230: {  	v4 =	vadd.f32 v4, v11;
	v11 =	vmul.f32 v12, v63;
	v12 =	vmul.f32 v61, v20  }
0x231: {  	v0 =	vadd.f32 v10, v0;
	v61 =	vperm.xlane v9, v3;
	v63 =	vperm.xlane v56, v2  }
0x232: {  	v11 =	vadd.f32 v12, v11;
	v12 =	vmul.f32 v17, v58;
	v17 =	vmul.f32 v59, v20  }
0x233: {  	v55 =	vadd.f32 v55, v62;
	v58 =	vperm.xlane v4, v7;
	v9 =	vadd.f32 v9, v61  }
0x234: {  	v56 =	vadd.f32 v56, v63;
	v62 =	vperm.xlane v11, v1;
	v12 =	vadd.f32 v17, v12  }
0x235: {  	v63 =	vperm.xlane v55, v2;
	v4 =	vadd.f32 v4, v58;
	v61 =	vperm.xlane v9, v7  }
0x236: {  	s22 =	sadd.s32 $0xF, s21;
	v59 =	vperm.xlane v56, v3;
	v11 =	vadd.f32 v11, v62;
	v62 =	vperm.xlane v12, v1  }
0x237: {  	s12 =	sshll.u32 s22, $0x4;
	s22 =	sshll.u32 s22, $0x7;
	v55 =	vadd.f32 v55, v63;
	v4 =	vmul.f32 v6, v4;
	v9 =	vadd.f32 v9, v61  }
0x238: {  	[tilespmem:s24+$0x5610] =	vst v50;
	s12 =	sand.u32 $0x3FFFFFF0, s12;
	v50 =	vld [tilespmem:s22+$0x600];
	v61 =	vadd.f32 v56, v59;
	v63 =	vperm.xlane v11, v2;
	v12 =	vadd.f32 v12, v62  }
0x239: {  	v17 =	vld [tilespmem:s12+$0xA0];
	v4 =	vadd.f32 v4, v54;
	v62 =	vperm.xlane v55, v3;
	v9 =	vmul.f32 v8, v9  }
0x23a: {  	v58 =	vld [tilespmem:s22+$0x5A0];
	v10 =	vperm.xlane v61, v7;
	v11 =	vadd.f32 v11, v63;
	v57 =	vperm.xlane v12, v2  }
0x23b: {  	v0 =	vmul.f32 $2.500000000e-01, v0;
	v59 =	vld [tilespmem:s22+$0x5B0];
	v55 =	vadd.f32 v55, v62;
	v4 =	vadd.f32 v9, v4  }
0x23c: {  	v10 =	vadd.f32 v61, v10;
	v61 =	vld [tilespmem:s22+$0x2DB0];
	v9 =	vperm.xlane v11, v3;
	v12 =	vadd.f32 v12, v57  }
0x23d: {  	v57 =	vld [tilespmem:s22+$0x5E0];
	v54 =	vperm.xlane v55, v7;
	v4 =	vmul.f32 $2.500000000e-01, v4  }
0x23e: {  	v0 =	vmul.f32 $1.442695020e+00, v0;
	v56 =	vld [tilespmem:s22+$0x2DA0];
	v9 =	vadd.f32 v11, v9;
	v11 =	vperm.xlane v12, v3  }
0x23f: {  	v10 =	vmul.f32 v31, v10;
	v54 =	vadd.f32 v55, v54;
	v55 =	vld [tilespmem:s22+$0x5F0];
	v4 =	vmul.f32 $1.442695020e+00, v4  }
0x240: {  	(erf) = vpow2.f32 v0;
	v62 =	vperm.xlane v9, v7;
	v11 =	vadd.f32 v12, v11;
	v12 =	vld [tilespmem:s22+$0x5C0]  }
0x241: {  	v0 =	vadd.f32 $0.0e+00, v10;
	v10 =	vmul.f32 v5, v54;
	v54 =	vld [tilespmem:s22+$0x2DC0];
	(erf) = vpow2.f32 v4  }
0x242: {  	v61 =	vmul.f32 v61, v59;
	v63 =	vmul.f32 v57, v17;
	v4 =	vadd.f32 v9, v62  }
0x243: {  	v9 =	vperm.xlane v11, v7;
	v0 =	vadd.f32 v10, v0;
	v10 =	vmul.f32 v56, v58  }
0x244: {  	v58 =	vmul.f32 v60, v22;
	v62 =	vmul.f32 v55, v17  }
0x245: {  	[tilespmem:s25+$0x55E0] =	vst v47;
	v56 =	vld [tilespmem:s22+$0x5D0];
	v4 =	vmul.f32 v6, v4;
	v9 =	vadd.f32 v11, v9;
	v10 =	vadd.f32 v63, v10  }
0x246: {  	v11 =	vld [tilespmem:s22+$0x2DD0];
	[tilespmem:s6+$0x55C0] =	vst v58;
	v58 =	vmul.f32 v50, v17;
	v47 =	vadd.f32 v62, v61;
	v12 =	vmul.f32 v54, v12  }
0x247: {  	[tilespmem:s14+$0x5600] =	vst v46;
	v63 =	vld [tilespmem:s22+$0x610];
	v54 =	vimm.s32 $0x2;
	v0 =	vadd.f32 v4, v0;
	v9 =	vmul.f32 v8, v9  }
0x248: {  	[tilespmem:s6+$0x55F0] =	vst v53;
	v4 =	vimm.s32 $0x1;
	v57 =	vperm.xlane v10, v1;
	v46 =	vperm.xlane v35, v54  }
0x249: {  	[tilespmem:s24+$0x55E0] =	vst v49;
	v49 =	vld [tilespmem:s18+$0x2DF0];
	v4 =	vperm.xlane v36, v4;
	v61 =	vperm.xlane v47, v1  }
0x24a: {  	[tilespmem:s26+$0x5610] =	vst v45;
	v12 =	vadd.f32 v58, v12;
	v0 =	vadd.f32 v9, v0;
	v9 =	vmul.f32 v41, v21  }
0x24b: {  	[tilespmem:s25+$0x5610] =	vst v51;
	v10 =	vadd.f32 v10, v57;
	v57 =	vmul.f32 v46, v22;
	v59 =	vmul.f32 v4, v26  }
0x24c: {  	[tilespmem:s14+$0x55D0] =	vst v25;
	v11 =	vmul.f32 v11, v56;
	v62 =	vmul.f32 v63, v17  }
0x24d: {  	[tilespmem:s31+$0x5600] =	vst v34;
	v47 =	vadd.f32 v47, v61;
	v51 =	vperm.xlane v12, v1;
	v0 =	vmul.f32 $2.500000000e-01, v0  }
0x24e: {  	[tilespmem:s31+$0x55D0] =	vst v48;
	v63 =	vperm.xlane v10, v2;
	v49 =	vmul.f32 v49, v60  }
0x24f: {  	[tilespmem:s16+$0x55F0] =	vst v52;
	v11 =	vadd.f32 v62, v11;
	v53 =	vperm.xlane v47, v2;
	v12 =	vadd.f32 v12, v51  }
0x250: {  	v34 =	vpop (erf);
	[tilespmem:s16+$0x55C0] =	vst v59;
	v59 =	vimm.s32 $0x2;
	v62 =	vimm.s32 $0x0;
	v51 =	vld [tilespmem:s4+$0x2E00];
	v0 =	vmul.f32 $1.442695020e+00, v0  }
0x251: {  	v52 =	vld [tilespmem:s19+$0x2DF0];
	v10 =	vadd.f32 v10, v63;
	v48 =	vperm.xlane v36, v59;
	[tilespmem:s6+$0x5600] =	vst v49;
	v49 =	vperm.xlane v34, v62  }
0x252: {  	[tilespmem:s6+$0x55D0] =	vst v57;
	v55 =	vperm.xlane v11, v1;
	v58 =	vperm.xlane v12, v2  }
0x253: {  	[tilespmem:s2+$0x5600] =	vst v43;
	v56 =	vadd.f32 v47, v53;
	v54 =	vld [tilespmem:s18+$0x2E00];
	(erf) = vpow2.f32 v0;
	v0 =	vperm.xlane v10, v3  }
0x254: {  	[tilespmem:s3+$0x55D0] =	vst v9;
	v9 =	vmul.f32 v48, v26;
	v11 =	vadd.f32 v11, v55;
	v12 =	vadd.f32 v12, v58  }
0x255: {  	[tilespmem:s26+$0x55E0] =	vst v42;
	v0 =	vadd.f32 v10, v0;
	v10 =	vperm.xlane v56, v3;
	v39 =	vmul.f32 v51, v39  }
0x256: {  	v42 =	vld [tilespmem:s1+$0x2E10];
	[tilespmem:s2+$0x55D0] =	vst v33;
	v4 =	vmul.f32 v52, v4;
	v60 =	vperm.xlane v11, v2  }
0x257: {  	s12 =	sadd.s32 $0x10, s21;
	v58 =	vld [tilespmem:s15+$0x2E00];
	v63 =	vperm.xlane v12, v3;
	v61 =	vperm.xlane v0, v7  }
0x258: {  	s5 =	sadd.s32 $0x1B00, s23;
	v45 =	vld [tilespmem:s28+$0x2E10];
	[tilespmem:s3+$0x5600] =	vst v44;
	s28 =	sshll.u32 s12, $0x4;
	v33 =	vpop (erf);
	v10 =	vadd.f32 v56, v10;
	v56 =	vimm.s32 $0x0;
	v50 =	vmul.f32 v54, v46  }
0x259: {  	s1 =	sshra.s32 s5, $0x2;
	v43 =	vld [tilespmem:s29+$0x2E10];
	s29 =	sand.u32 $0x3FFFFFF0, s28;
	s28 =	sadd.s32 $0x1D40, s23;
	v11 =	vadd.f32 v11, v60;
	v47 =	vperm.xlane v33, v56;
	[tilespmem:s16+$0x5600] =	vst v4;
	v4 =	vmul.f32 v49, v19  }
0x25a: {  	v25 =	vld [tilespmem:s29+$0xA0];
	s5 =	sshra.s32 s28, $0x2;
	[tilespmem:s1+$0x55A0] =	vst v34;
	v12 =	vadd.f32 v12, v63;
	v60 =	vmul.f32 v27, v13;
	v63 =	vimm.s32 $0x3  }
0x25b: {  	[tilespmem:s5+$0x55A0] =	vst v33;
	v62 =	vld [tilespmem:s0+$0x2E00];
	v56 =	vimm.s32 $0x3;
	v57 =	vperm.xlane v10, v7;
	v24 =	vperm.xlane v24, v63  }
0x25c: {  	s29 =	sadd.s32 $0x1F80, s23;
	[tilespmem:s16+$0x55D0] =	vst v9;
	v0 =	vadd.f32 v0, v61;
	v61 =	vld [tilespmem:s17+$0x2E00];
	v52 =	vmul.f32 v58, v38;
	v38 =	vperm.xlane v23, v56  }
0x25d: {  	s28 =	sshra.s32 s29, $0x2;
	s29 =	sshll.u32 s12, $0x7;
	v51 =	vld [tilespmem:s19+$0x2E00];
	v59 =	vperm.xlane v11, v3;
	v9 =	vmul.f32 v47, v16;
	[tilespmem:s1+$0x55B0] =	vst v4  }
0x25e: {  	v63 =	vld [tilespmem:s29+$0x5B0];
	v4 =	vperm.xlane v12, v7;
	[tilespmem:s8+$0x55E0] =	vst v60;
	v0 =	vmul.f32 v31, v0;
	v10 =	vadd.f32 v10, v57  }
0x25f: {  	v56 =	vld [tilespmem:s29+$0x5C0];
	v60 =	vimm.s32 $0x3;
	v13 =	vpop (erf);
	v11 =	vadd.f32 v11, v59;
	[tilespmem:s5+$0x55B0] =	vst v9;
	v9 =	vimm.s32 $0x0  }
0x260: {  	[tilespmem:s2+$0x5610] =	vst v52;
	v52 =	vld [tilespmem:s29+$0x2DB0];
	v9 =	vperm.xlane v13, v9;
	v0 =	vadd.f32 $0.0e+00, v0;
	v10 =	vmul.f32 v5, v10  }
0x261: {  	[tilespmem:s14+$0x5610] =	vst v39;
	v4 =	vadd.f32 v12, v4;
	v12 =	vld [tilespmem:s11+$0x2DE0];
	v55 =	vperm.xlane v11, v7;
	v57 =	vmul.f32 v61, v40  }
0x262: {  	v39 =	vperm.xlane v35, v60;
	[tilespmem:s28+$0x55A0] =	vst v13;
	v61 =	vld [tilespmem:s29+$0x5E0];
	v0 =	vadd.f32 v10, v0;
	v10 =	vmul.f32 v9, v20  }
0x263: {  	v60 =	vimm.s32 $0x1;
	v4 =	vmul.f32 v6, v4;
	v11 =	vadd.f32 v11, v55;
	v55 =	vld [tilespmem:s30+$0x2DE0];
	[tilespmem:s31+$0x5610] =	vst v57  }
0x264: {  	v14 =	vmul.f32 v24, v14;
	v44 =	vperm.xlane v33, v60;
	v57 =	vld [tilespmem:s29+$0x600];
	[tilespmem:s28+$0x55B0] =	vst v10;
	v10 =	vimm.s32 $0x3  }
0x265: {  	v0 =	vadd.f32 v4, v0;
	v23 =	vperm.xlane v28, v10;
	v10 =	vld [tilespmem:s7+$0x2DE0];
	v4 =	vmul.f32 v8, v11  }
0x266: {  	[tilespmem:s8+$0x5610] =	vst v37;
	v59 =	vimm.s32 $0x3;
	v22 =	vmul.f32 v39, v22;
	v11 =	vmul.f32 v38, v15;
	v28 =	vld [tilespmem:s29+$0x5A0]  }
0x267: {  	[tilespmem:s6+$0x5610] =	vst v50;
	v53 =	vmul.f32 v51, v48;
	v58 =	vmul.f32 v23, v18;
	v0 =	vadd.f32 v4, v0;
	v4 =	vld [tilespmem:s29+$0x2DA0]  }
0x268: {  	v54 =	vimm.s32 $0x1;
	v18 =	vperm.xlane v29, v59;
	v29 =	vmul.f32 v62, v41;
	[tilespmem:s2+$0x55E0] =	vst v11;
	v41 =	vld [tilespmem:s9+$0x2E10]  }
0x269: {  	v40 =	vperm.xlane v34, v54;
	[tilespmem:s6+$0x55E0] =	vst v22;
	v12 =	vmul.f32 v12, v49;
	v48 =	vld [tilespmem:s15+$0x2E10]  }
0x26a: {  	[tilespmem:s14+$0x55E0] =	vst v14;
	v11 =	vimm.s32 $0x3;
	v59 =	vmul.f32 v55, v47;
	v47 =	vld [tilespmem:s18+$0x2E10];
	v0 =	vmul.f32 $2.500000000e-01, v0  }
0x26b: {  	[tilespmem:s16+$0x5610] =	vst v53;
	v62 =	vmul.f32 v18, v21;
	v21 =	vperm.xlane v36, v11;
	v11 =	vld [tilespmem:s29+$0x5F0]  }
0x26c: {  	v53 =	vimm.s32 $0x1;
	[tilespmem:s31+$0x55E0] =	vst v58;
	v58 =	vmul.f32 v61, v25;
	v61 =	vld [tilespmem:s29+$0x2DD0];
	v0 =	vmul.f32 $1.442695020e+00, v0  }
0x26d: {  	v46 =	vperm.xlane v13, v53;
	v9 =	vmul.f32 v10, v9;
	v10 =	vld [tilespmem:s4+$0x2E10]  }
0x26e: {  	[tilespmem:s1+$0x55F0] =	vst v12;
	v4 =	vmul.f32 v4, v28;
	(erf) = vpow2.f32 v0;
	v0 =	vld [tilespmem:s29+$0x2DC0]  }
0x26f: {  	[tilespmem:s3+$0x5610] =	vst v29;
	v29 =	vmul.f32 v40, v19;
	v37 =	vld [tilespmem:s17+$0x2E10];
	v26 =	vmul.f32 v21, v26  }
0x270: {  	[tilespmem:s3+$0x55E0] =	vst v62;
	v62 =	vmul.f32 v52, v63;
	v63 =	vld [tilespmem:s29+$0x610];
	v4 =	vadd.f32 v58, v4;
	v11 =	vmul.f32 v11, v25  }
0x271: {  	v55 =	vmul.f32 v57, v25;
	v52 =	vmul.f32 v44, v16;
	[tilespmem:s1+$0x55C0] =	vst v29;
	v28 =	vld [tilespmem:s29+$0x5D0]  }
0x272: {  	s17 =	sadd.s32 $0x11, s21;
	v29 =	vmul.f32 v46, v20;
	v49 =	vld [tilespmem:s0+$0x2E10];
	[tilespmem:s16+$0x55E0] =	vst v26;
	v54 =	vperm.xlane v4, v1;
	v11 =	vadd.f32 v11, v62  }
0x273: {  	s18 =	sshll.u32 s17, $0x4;
	[tilespmem:s5+$0x55C0] =	vst v52;
	v52 =	vld [tilespmem:s11+$0x2DF0];
	v26 =	vmul.f32 v45, v30;
	v0 =	vmul.f32 v0, v56  }
0x274: {  	s9 =	sand.u32 $0x3FFFFFF0, s18;
	v30 =	vmul.f32 v48, v38;
	v51 =	vld [tilespmem:s19+$0x2E10];
	v4 =	vadd.f32 v4, v54;
	v56 =	vperm.xlane v11, v1  }
0x275: {  	[tilespmem:s5+$0x55F0] =	vst v59;
	s4 =	sshll.u32 s17, $0x7;
	v15 =	vld [tilespmem:s9+$0xA0];
	v37 =	vmul.f32 v37, v23;
	v22 =	vmul.f32 v63, v25;
	v0 =	vadd.f32 v55, v0  }
0x276: {  	[tilespmem:s28+$0x55F0] =	vst v9;
	v45 =	vld [tilespmem:s4+$0x5B0];
	v57 =	vmul.f32 v61, v28;
	v59 =	vperm.xlane v4, v2;
	v9 =	vadd.f32 v11, v56  }
0x277: {  	[tilespmem:s28+$0x55C0] =	vst v29;
	v29 =	vld [tilespmem:$0x1FFF0];
	v58 =	vimm.s32 $0x0;
	v23 =	vmul.f32 v47, v39;
	v11 =	vperm.xlane v0, v1  }
0x278: {  	s19 =	sadd.s32 $0x12, s21;
	v12 =	vadd.f32 v22, v57;
	v4 =	vadd.f32 v4, v59;
	v61 =	vperm.xlane v9, v2;
	v59 =	vld [tilespmem:s4+$0x2DB0]  }
0x279: {  	v53 =	vld [tilespmem:s30+$0x2DF0];
	s9 =	sshll.u32 s19, $0x7;
	v38 =	vmul.f32 v52, v40;
	v22 =	vmul.f32 v51, v21;
	v0 =	vadd.f32 v0, v11  }
0x27a: {  	v39 =	vld [tilespmem:s9+$0x2DA0];
	v14 =	vpop (erf);
	v11 =	vperm.xlane v12, v1;
	v62 =	vperm.xlane v4, v3;
	v9 =	vadd.f32 v9, v61  }
0x27b: {  	v54 =	vld [tilespmem:s7+$0x2DF0];
	v50 =	vperm.xlane v14, v58;
	v63 =	vperm.xlane v0, v2  }
0x27c: {  	s15 =	sadd.s32 $0x21C0, s23;
	v57 =	vld [tilespmem:s4+$0x2DA0];
	v11 =	vadd.f32 v12, v11;
	v4 =	vadd.f32 v4, v62;
	v35 =	vperm.xlane v9, v3  }
0x27d: {  	s0 =	sshra.s32 s15, $0x2;
	v56 =	vld [tilespmem:s4+$0x5A0];
	v60 =	vmul.f32 v50, v17;
	v51 =	vmul.f32 v59, v45;
	v0 =	vadd.f32 v0, v63  }
0x27e: {  	[tilespmem:s0+$0x55A0] =	vst v14;
	v58 =	vld [tilespmem:s4+$0x5E0];
	v36 =	vperm.xlane v11, v2;
	v28 =	vperm.xlane v4, v7;
	v9 =	vadd.f32 v9, v35  }
0x27f: {  	v12 =	vld [tilespmem:s4+$0x5C0];
	[tilespmem:s0+$0x55B0] =	vst v60;
	v35 =	vmul.f32 v42, v29;
	v29 =	vmul.f32 v41, v27  }
0x280: {  	v55 =	vld [tilespmem:s22+$0x2DE0];
	v60 =	vperm.xlane v0, v3;
	v11 =	vadd.f32 v11, v36;
	v61 =	vperm.xlane v9, v7  }
0x281: {  	v41 =	vld [tilespmem:s4+$0x2DC0];
	v4 =	vadd.f32 v4, v28;
	v28 =	vmul.f32 v43, v32;
	v36 =	vmul.f32 v10, v24  }
0x282: {  	v42 =	vld [tilespmem:s4+$0x600];
	[tilespmem:s8+$0x5620] =	vst v29;
	v29 =	vimm.s32 $0x2;
	v0 =	vadd.f32 v0, v60;
	v62 =	vperm.xlane v11, v3  }
0x283: {  	s15 =	sshll.u32 s19, $0x4;
	v32 =	vld [tilespmem:s4+$0x5F0];
	v29 =	vperm.xlane v34, v29;
	v4 =	vmul.f32 v31, v4;
	v9 =	vadd.f32 v9, v61  }
0x284: {  	s12 =	sand.u32 $0x3FFFFFF0, s15;
	v10 =	vld [tilespmem:s4+$0x5D0];
	v60 =	vmul.f32 v49, v18;
	v63 =	vperm.xlane v0, v7;
	v11 =	vadd.f32 v11, v62  }
0x285: {  	v18 =	vld [tilespmem:s12+$0xA0];
	v49 =	vmul.f32 v58, v15;
	v24 =	vmul.f32 v55, v50;
	v4 =	vadd.f32 $0.0e+00, v4  }
0x286: {  	v61 =	vld [tilespmem:s9+$0x5F0];
	v9 =	vmul.f32 v5, v9;
	v0 =	vadd.f32 v0, v63;
	v27 =	vperm.xlane v11, v7  }
0x287: {  	v12 =	vmul.f32 v41, v12;
	v50 =	vmul.f32 v42, v15;
	v42 =	vld [tilespmem:s9+$0x600]  }
0x288: {  	v4 =	vadd.f32 v9, v4;
	v0 =	vmul.f32 v6, v0;
	v9 =	vadd.f32 v11, v27;
	v11 =	vld [tilespmem:s4+$0x2DD0]  }
0x289: {  	[tilespmem:s2+$0x5620] =	vst v30;
	v43 =	vld [tilespmem:s4+$0x610];
	v30 =	vmul.f32 v29, v19;
	v52 =	vmul.f32 v32, v15;
	v12 =	vadd.f32 v50, v12  }
0x28a: {  	v59 =	vld [tilespmem:s9+$0x2DB0];
	v32 =	vmul.f32 v53, v44;
	v0 =	vadd.f32 v0, v4;
	v4 =	vmul.f32 v8, v9  }
0x28b: {  	v58 =	vadd.f32 v52, v51;
	v52 =	vmul.f32 v61, v18;
	v55 =	vperm.xlane v12, v1;
	v9 =	vld [tilespmem:s9+$0x5A0]  }
0x28c: {  	v27 =	vmul.f32 v54, v46;
	v0 =	vadd.f32 v4, v0;
	v4 =	vmul.f32 v57, v56;
	v56 =	vld [tilespmem:s9+$0x5E0]  }
0x28d: {  	v42 =	vmul.f32 v42, v18;
	v57 =	vld [tilespmem:s9+$0x5B0];
	v10 =	vmul.f32 v11, v10  }
0x28e: {  	v41 =	vld [tilespmem:s9+$0x2DD0];
	v11 =	vmul.f32 v43, v15;
	v0 =	vmul.f32 $2.500000000e-01, v0  }
0x28f: {  	v63 =	vperm.xlane v58, v1;
	v12 =	vadd.f32 v12, v55;
	v43 =	vld [tilespmem:s9+$0x5D0];
	v4 =	vadd.f32 v49, v4  }
0x290: {  	v45 =	vld [tilespmem:s9+$0x2DC0];
	v9 =	vmul.f32 v39, v9;
	v10 =	vadd.f32 v11, v10;
	v0 =	vmul.f32 $1.442695020e+00, v0  }
0x291: {  	v54 =	vadd.f32 v58, v63;
	v39 =	vld [tilespmem:s9+$0x5C0];
	v62 =	vperm.xlane v4, v1;
	v51 =	vmul.f32 v56, v18  }
0x292: {  	v11 =	vmul.f32 v59, v57;
	v56 =	vperm.xlane v10, v1  }
0x293: {  	v57 =	vperm.xlane v54, v2;
	v4 =	vadd.f32 v4, v62;
	v62 =	vperm.xlane v12, v2  }
0x294: {  	(erf) = vpow2.f32 v0;
	v41 =	vmul.f32 v41, v43  }
0x295: {  	v9 =	vadd.f32 v51, v9;
	v11 =	vadd.f32 v52, v11;
	v53 =	vperm.xlane v4, v2  }
0x296: {  	s17 =	sadd.s32 $0x13, s21;
	v10 =	vadd.f32 v10, v56;
	v40 =	vadd.f32 v54, v57;
	v39 =	vmul.f32 v45, v39  }
0x297: {  	s18 =	sshll.u32 s17, $0x4;
	v58 =	vperm.xlane v9, v1;
	v59 =	vperm.xlane v11, v1;
	v4 =	vadd.f32 v4, v53  }
0x298: {  	s15 =	sand.u32 $0x3FFFFFF0, s18;
	v12 =	vadd.f32 v12, v62;
	v63 =	vperm.xlane v10, v2;
	v48 =	vperm.xlane v40, v3  }
0x299: {  	v21 =	vld [tilespmem:s15+$0xA0];
	s12 =	sshll.u32 s17, $0x7;
	v39 =	vadd.f32 v42, v39;
	v9 =	vadd.f32 v9, v58;
	v61 =	vperm.xlane v4, v3  }
0x29a: {  	v47 =	vld [tilespmem:s12+$0x5A0];
	v52 =	vperm.xlane v12, v3;
	v11 =	vadd.f32 v11, v59;
	v10 =	vadd.f32 v10, v63  }
0x29b: {  	v46 =	vld [tilespmem:s12+$0x2DA0];
	v40 =	vadd.f32 v40, v48;
	v49 =	vperm.xlane v9, v2;
	v4 =	vadd.f32 v4, v61  }
0x29c: {  	v59 =	vld [tilespmem:s12+$0x5E0];
	v12 =	vadd.f32 v12, v52;
	v50 =	vperm.xlane v11, v2;
	v53 =	vperm.xlane v10, v3  }
0x29d: {  	v54 =	vperm.xlane v40, v7;
	v9 =	vadd.f32 v9, v49;
	v51 =	vperm.xlane v4, v7  }
0x29e: {  	v62 =	vld [tilespmem:s12+$0x5B0];
	v57 =	vperm.xlane v12, v7;
	v11 =	vadd.f32 v11, v50;
	v10 =	vadd.f32 v10, v53  }
0x29f: {  	v49 =	vld [tilespmem:s9+$0x610];
	v40 =	vadd.f32 v40, v54;
	v55 =	vperm.xlane v9, v3;
	v4 =	vadd.f32 v4, v51  }
0x2a0: {  	v53 =	vld [tilespmem:s12+$0x2DB0];
	v12 =	vadd.f32 v12, v57;
	v57 =	vmul.f32 v46, v47;
	v56 =	vperm.xlane v11, v3  }
0x2a1: {  	v54 =	vld [tilespmem:s12+$0x5C0];
	v44 =	vmul.f32 v59, v21;
	v9 =	vadd.f32 v9, v55;
	v4 =	vmul.f32 v31, v4  }
0x2a2: {  	v58 =	vperm.xlane v10, v7;
	v40 =	vmul.f32 v5, v40;
	v11 =	vadd.f32 v11, v56;
	v55 =	vld [tilespmem:s12+$0x2DC0]  }
0x2a3: {  	v12 =	vmul.f32 v6, v12;
	v56 =	vld [tilespmem:s12+$0x600];
	v61 =	vperm.xlane v9, v7;
	v4 =	vadd.f32 $0.0e+00, v4  }
0x2a4: {  	v42 =	vadd.f32 v44, v57;
	v10 =	vadd.f32 v10, v58;
	v58 =	vld [tilespmem:s12+$0x5D0];
	v63 =	vperm.xlane v11, v7  }
0x2a5: {  	v59 =	vmul.f32 v49, v18;
	v0 =	vadd.f32 v40, v4;
	v4 =	vadd.f32 v9, v61;
	v9 =	vld [tilespmem:s12+$0x5F0]  }
0x2a6: {  	v62 =	vmul.f32 v53, v62;
	v51 =	vperm.xlane v42, v1;
	v11 =	vadd.f32 v11, v63;
	v63 =	vld [tilespmem:s12+$0x610]  }
0x2a7: {  	v10 =	vmul.f32 v8, v10;
	v61 =	vld [tilespmem:s12+$0x2DD0];
	v0 =	vadd.f32 v12, v0;
	v4 =	vmul.f32 v31, v4  }
0x2a8: {  	v52 =	vmul.f32 v55, v54;
	v12 =	vmul.f32 v56, v21  }
0x2a9: {  	v11 =	vmul.f32 v5, v11;
	v4 =	vadd.f32 $0.0e+00, v4;
	v0 =	vadd.f32 v10, v0  }
0x2aa: {  	v10 =	vperm.xlane v39, v1;
	v12 =	vadd.f32 v12, v52;
	v9 =	vmul.f32 v9, v21  }
0x2ab: {  	v56 =	vmul.f32 v63, v21;
	v4 =	vadd.f32 v11, v4;
	v11 =	vadd.f32 v59, v41  }
0x2ac: {  	v55 =	vmul.f32 v61, v58;
	v10 =	vadd.f32 v39, v10;
	v9 =	vadd.f32 v9, v62  }
0x2ad: {  	v41 =	vadd.f32 v42, v51;
	v59 =	vperm.xlane v12, v1;
	v0 =	vmul.f32 $2.500000000e-01, v0  }
0x2ae: {  	v53 =	vperm.xlane v11, v1;
	v54 =	vperm.xlane v9, v1  }
0x2af: {  	v39 =	vadd.f32 v56, v55;
	v57 =	vperm.xlane v10, v2;
	v58 =	vperm.xlane v41, v2  }
0x2b0: {  	v12 =	vadd.f32 v12, v59;
	v0 =	vmul.f32 $1.442695020e+00, v0;
	v9 =	vadd.f32 v9, v54  }
0x2b1: {  	v63 =	vperm.xlane v39, v1;
	v11 =	vadd.f32 v11, v53;
	v40 =	vadd.f32 v41, v58  }
0x2b2: {  	v10 =	vadd.f32 v10, v57;
	v48 =	vperm.xlane v12, v2;
	v62 =	vperm.xlane v9, v2  }
0x2b3: {  	v39 =	vadd.f32 v39, v63;
	v61 =	vperm.xlane v11, v2;
	v47 =	vperm.xlane v40, v3  }
0x2b4: {  	v44 =	vperm.xlane v10, v3;
	v12 =	vadd.f32 v12, v48;
	v9 =	vadd.f32 v9, v62  }
0x2b5: {  	v51 =	vperm.xlane v39, v2;
	v11 =	vadd.f32 v11, v61;
	v40 =	vadd.f32 v40, v47  }
0x2b6: {  	v10 =	vadd.f32 v10, v44;
	v54 =	vperm.xlane v12, v3;
	v50 =	vperm.xlane v9, v3  }
0x2b7: {  	v53 =	vadd.f32 v39, v51;
	v49 =	vperm.xlane v11, v3;
	v52 =	vperm.xlane v40, v7  }
0x2b8: {  	v44 =	vperm.xlane v10, v7;
	v12 =	vadd.f32 v12, v54;
	v9 =	vadd.f32 v9, v50  }
0x2b9: {  	[tilespmem:s25+$0x5620] =	vst v28;
	v57 =	vperm.xlane v53, v3;
	v11 =	vadd.f32 v11, v49;
	v28 =	vadd.f32 v40, v52  }
0x2ba: {  	v10 =	vadd.f32 v10, v44;
	v58 =	vperm.xlane v12, v7;
	v56 =	vperm.xlane v9, v7  }
0x2bb: {  	[tilespmem:s24+$0x5620] =	vst v26;
	v26 =	vadd.f32 v53, v57;
	v55 =	vperm.xlane v11, v7;
	v28 =	vmul.f32 v31, v28  }
0x2bc: {  	[tilespmem:s31+$0x5620] =	vst v37;
	v10 =	vmul.f32 v6, v10;
	v12 =	vadd.f32 v12, v58;
	v9 =	vadd.f32 v9, v56  }
0x2bd: {  	[tilespmem:s6+$0x5620] =	vst v23;
	v59 =	vperm.xlane v26, v7;
	v11 =	vadd.f32 v11, v55;
	v28 =	vadd.f32 $0.0e+00, v28  }
0x2be: {  	[tilespmem:s1+$0x5600] =	vst v38;
	v4 =	vadd.f32 v10, v4;
	v10 =	vimm.s32 $0x2;
	v9 =	vmul.f32 v5, v9  }
0x2bf: {  	[tilespmem:s26+$0x5620] =	vst v35;
	v35 =	vimm.s32 $0x3;
	v10 =	vperm.xlane v33, v10;
	v11 =	vmul.f32 v8, v11  }
0x2c0: {  	[tilespmem:s3+$0x5620] =	vst v60;
	v12 =	vmul.f32 v6, v12;
	v26 =	vadd.f32 v26, v59;
	v9 =	vadd.f32 v9, v28  }
0x2c1: {  	[tilespmem:s1+$0x55D0] =	vst v30;
	v61 =	vimm.s32 $0x2;
	v4 =	vadd.f32 v11, v4;
	v11 =	vmul.f32 v10, v16  }
0x2c2: {  	[tilespmem:s5+$0x5600] =	vst v32;
	v26 =	vmul.f32 v8, v26;
	v9 =	vadd.f32 v12, v9;
	v12 =	vperm.xlane v13, v61  }
0x2c3: {  	v60 =	vld [tilespmem:s11+$0x2E00];
	(erf) = vpow2.f32 v0;
	v28 =	vimm.s32 $0x1;
	[tilespmem:s5+$0x55D0] =	vst v11;
	v4 =	vmul.f32 $2.500000000e-01, v4  }
0x2c4: {  	[tilespmem:s14+$0x5620] =	vst v36;
	v28 =	vperm.xlane v14, v28;
	v62 =	vld [tilespmem:s30+$0x2E00];
	v9 =	vadd.f32 v26, v9;
	v11 =	vmul.f32 v12, v20  }
0x2c5: {  	[tilespmem:s28+$0x5600] =	vst v27;
	v63 =	vperm.xlane v34, v35;
	v4 =	vmul.f32 $1.442695020e+00, v4  }
0x2c6: {  	v0 =	vmul.f32 v28, v17;
	[tilespmem:s28+$0x55D0] =	vst v11;
	v9 =	vmul.f32 $2.500000000e-01, v9  }
0x2c7: {  	v36 =	vperm.xlane v33, v35;
	[tilespmem:s0+$0x55F0] =	vst v24;
	(erf) = vpow2.f32 v4;
	v27 =	vld [tilespmem:s7+$0x2E00]  }
0x2c8: {  	[tilespmem:s0+$0x55C0] =	vst v0;
	v4 =	vmul.f32 v63, v19;
	v0 =	vmul.f32 $1.442695020e+00, v9  }
0x2c9: {  	[tilespmem:s16+$0x5620] =	vst v22;
	v11 =	vmul.f32 v60, v29;
	v10 =	vmul.f32 v62, v10;
	v9 =	vld [tilespmem:s22+$0x2DF0]  }
0x2ca: {  	[tilespmem:s1+$0x55E0] =	vst v4;
	(erf) = vpow2.f32 v0  }
0x2cb: {  	v13 =	vperm.xlane v13, v35;
	[tilespmem:s1+$0x5610] =	vst v11;
	v0 =	vmul.f32 v36, v16  }
0x2cc: {  	[tilespmem:s5+$0x5610] =	vst v10;
	v4 =	vmul.f32 v27, v12  }
0x2cd: {  	v32 =	vimm.s32 $0x0;
	v10 =	vpop (erf);
	[tilespmem:s5+$0x55E0] =	vst v0;
	v0 =	vmul.f32 v13, v20  }
0x2ce: {  	[tilespmem:s28+$0x5610] =	vst v4;
	v4 =	vmul.f32 v9, v28;
	v9 =	vperm.xlane v10, v32  }
0x2cf: {  	s19 =	sadd.s32 $0x2400, s23;
	v11 =	vpop (erf);
	[tilespmem:s28+$0x55E0] =	vst v0  }
0x2d0: {  	s2 =	sshra.s32 s19, $0x2;
	[tilespmem:s0+$0x5600] =	vst v4;
	v0 =	vmul.f32 v9, v25;
	v4 =	vperm.xlane v11, v32  }
0x2d1: {  	s24 =	sadd.s32 $0x2640, s23;
	[tilespmem:s2+$0x55A0] =	vst v10;
	v37 =	vpop (erf)  }
0x2d2: {  	s3 =	sshra.s32 s24, $0x2;
	v38 =	vperm.xlane v37, v32;
	[tilespmem:s2+$0x55B0] =	vst v0;
	v0 =	vmul.f32 v4, v15  }
0x2d3: {  	s25 =	sadd.s32 $0x2880, s23;
	[tilespmem:s3+$0x55A0] =	vst v11;
	v39 =	vld [tilespmem:s29+$0x2DE0];
	v41 =	vpop (erf)  }
0x2d4: {  	s6 =	sshra.s32 s25, $0x2;
	v34 =	vimm.s32 $0x2;
	[tilespmem:s3+$0x55B0] =	vst v0;
	v0 =	vmul.f32 v38, v18;
	v42 =	vperm.xlane v41, v32  }
0x2d5: {  	s26 =	sadd.s32 $0x2AC0, s23;
	v43 =	vperm.xlane v14, v34;
	[tilespmem:s6+$0x55A0] =	vst v37;
	v44 =	vld [tilespmem:s4+$0x2DE0]  }
0x2d6: {  	s8 =	sshra.s32 s26, $0x2;
	v33 =	vimm.s32 $0x1;
	[tilespmem:s6+$0x55B0] =	vst v0;
	v0 =	vmul.f32 v42, v21  }
0x2d7: {  	v29 =	vperm.xlane v10, v33;
	v28 =	vmul.f32 v43, v17;
	[tilespmem:s8+$0x55A0] =	vst v41;
	v30 =	vld [tilespmem:s9+$0x2DE0]  }
0x2d8: {  	v9 =	vmul.f32 v39, v9;
	[tilespmem:s8+$0x55B0] =	vst v0  }
0x2d9: {  	v45 =	vperm.xlane v11, v33;
	[tilespmem:s0+$0x55D0] =	vst v28;
	v0 =	vmul.f32 v29, v25;
	v28 =	vld [tilespmem:s12+$0x2DE0]  }
0x2da: {  	[tilespmem:s2+$0x55F0] =	vst v9;
	v4 =	vmul.f32 v44, v4  }
0x2db: {  	v46 =	vperm.xlane v37, v33;
	v9 =	vld [tilespmem:s22+$0x2E00];
	[tilespmem:s2+$0x55C0] =	vst v0;
	v0 =	vmul.f32 v45, v15  }
0x2dc: {  	[tilespmem:s3+$0x55F0] =	vst v4;
	v4 =	vld [tilespmem:s29+$0x2DF0];
	v16 =	vmul.f32 v30, v38  }
0x2dd: {  	[tilespmem:s3+$0x55C0] =	vst v0;
	v0 =	vmul.f32 v46, v18;
	v30 =	vperm.xlane v41, v33  }
0x2de: {  	v48 =	vld [tilespmem:s4+$0x2DF0];
	[tilespmem:s6+$0x55F0] =	vst v16;
	v47 =	vmul.f32 v28, v42  }
0x2df: {  	[tilespmem:s6+$0x55C0] =	vst v0;
	v0 =	vmul.f32 v30, v21  }
0x2e0: {  	v49 =	vperm.xlane v10, v34;
	v9 =	vmul.f32 v9, v43;
	[tilespmem:s8+$0x55F0] =	vst v47  }
0x2e1: {  	[tilespmem:s8+$0x55C0] =	vst v0;
	v4 =	vmul.f32 v4, v29  }
0x2e2: {  	v50 =	vld [tilespmem:s9+$0x2DF0];
	v0 =	vmul.f32 v49, v25;
	[tilespmem:s0+$0x5610] =	vst v9;
	v9 =	vperm.xlane v11, v34  }
0x2e3: {  	v14 =	vperm.xlane v14, v35;
	[tilespmem:s2+$0x5600] =	vst v4;
	v4 =	vmul.f32 v48, v45  }
0x2e4: {  	v51 =	vperm.xlane v37, v34;
	v28 =	vld [tilespmem:s12+$0x2DF0];
	[tilespmem:s2+$0x55D0] =	vst v0;
	v0 =	vmul.f32 v9, v15  }
0x2e5: {  	v17 =	vmul.f32 v14, v17;
	[tilespmem:s3+$0x5600] =	vst v4  }
0x2e6: {  	v52 =	vperm.xlane v41, v34;
	v4 =	vld [tilespmem:s29+$0x2E00];
	[tilespmem:s3+$0x55D0] =	vst v0;
	v0 =	vmul.f32 v51, v18  }
0x2e7: {  	[tilespmem:s0+$0x55E0] =	vst v17;
	v16 =	vmul.f32 v50, v46  }
0x2e8: {  	v10 =	vperm.xlane v10, v35;
	v54 =	vld [tilespmem:s4+$0x2E00];
	[tilespmem:s6+$0x55D0] =	vst v0;
	v0 =	vmul.f32 v52, v21  }
0x2e9: {  	[tilespmem:s6+$0x5600] =	vst v16;
	v53 =	vmul.f32 v28, v30  }
0x2ea: {  	v11 =	vperm.xlane v11, v35;
	v55 =	vld [tilespmem:s9+$0x2E00];
	[tilespmem:s8+$0x55D0] =	vst v0;
	v0 =	vmul.f32 v10, v25  }
0x2eb: {  	[tilespmem:s8+$0x5600] =	vst v53;
	v4 =	vmul.f32 v4, v49  }
0x2ec: {  	v12 =	vperm.xlane v37, v35;
	v56 =	vld [tilespmem:s12+$0x2E00];
	[tilespmem:s2+$0x55E0] =	vst v0;
	v0 =	vmul.f32 v11, v15  }
0x2ed: {  	[tilespmem:s2+$0x5610] =	vst v4;
	v4 =	vmul.f32 v54, v9;
	v9 =	vld [tilespmem:s11+$0x2E10]  }
0x2ee: {  	v57 =	vld [tilespmem:s30+$0x2E10];
	v59 =	vperm.xlane v41, v35;
	[tilespmem:s3+$0x55E0] =	vst v0;
	v0 =	vmul.f32 v12, v18  }
0x2ef: {  	v58 =	vld [tilespmem:s7+$0x2E10];
	[tilespmem:s3+$0x5610] =	vst v4;
	v4 =	vmul.f32 v55, v51  }
0x2f0: {  	v60 =	vld [tilespmem:s22+$0x2E10];
	[tilespmem:s6+$0x55E0] =	vst v0;
	v0 =	vmul.f32 v59, v21  }
0x2f1: {  	v61 =	vld [tilespmem:s29+$0x2E10];
	[tilespmem:s6+$0x5610] =	vst v4;
	v4 =	vmul.f32 v56, v52  }
0x2f2: {  	v62 =	vld [tilespmem:s4+$0x2E10];
	v9 =	vmul.f32 v9, v63;
	[tilespmem:s8+$0x55E0] =	vst v0  }
0x2f3: {  	v15 =	vmul.f32 v57, v36;
	[tilespmem:s8+$0x5610] =	vst v4;
	v4 =	vld [tilespmem:s9+$0x2E10]  }
0x2f4: {  	[tilespmem:s1+$0x5620] =	vst v9;
	v0 =	vld [tilespmem:s12+$0x2E10];
	v9 =	vmul.f32 v58, v13  }
0x2f5: {  	[tilespmem:s5+$0x5620] =	vst v15;
	v63 =	vmul.f32 v60, v14  }
0x2f6: {  	p0 =	slt.u32 s21, $0x14;
	[tilespmem:s28+$0x5620] =	vst v9;
	v9 =	vmul.f32 v61, v10  }
.Ltmp1:
0x2f7: {  	[tilespmem:s0+$0x5620] =	vst v63;
	v10 =	vmul.f32 v62, v11;
	(pc) =	sbr.rel @p0 .LBB2_5-.Ltmp1, $4  }
0x2f8: {  	[tilespmem:s2+$0x5620] =	vst v9;
	v4 =	vmul.f32 v4, v12  }
0x2f9: {  	[tilespmem:s3+$0x5620] =	vst v10;
	v0 =	vmul.f32 v0, v59  }
0x2fa: {  	s31 =	sadd.s32 $0x14, s21;
	[tilespmem:s6+$0x5620] =	vst v4  }
0x2fb: {  	s21 =	smov.u32 s31;
	v40 =	vmov v31;
	[tilespmem:s8+$0x5620] =	vst v0  }
0x2fc: {  	s21 =	sshll.u32 s20, $0x1  }
0x2fd: {  	s1 =	rddreg [dreg:$0x2];
	s2 =	simm.s32 $0x55A0;
	s0 =	smin.u32 s21, $0x1F1  }
0x2fe: {  	s3 =	simm.s32 $0x82A0;
	s22 =	rddreg [dreg:$0xc];
	s0 =	smul.u32 $0x28, s0  }
0x2ff: {  	[spmem:s1] =	stream.indirect.scatter.add.f32 [tilespmem:s2], [sflag:$0x9], $0x90, s3, s10, $0xb8;
	[tilespmem:$0x1E280] =	vst v63  }
0x300: {  	s23 =	rddreg [dreg:$0x1];
	s0 =	sadd.s32 s0, s22  }
0x301: {  	s24 =	simm.s32 $0x4E200;
	s25 =	rddreg [dreg:$0x4];
	s1 =	sshrl.u32 s0, $0x3  }
0x302: {  	s0 =	sshll.u32 s0, $0x1;
	s1 =	sadd.s32 s23, s1;
	s23 =	simm.s32 $0x0  }
0x303: {  	[tilespmem:s23], [sflag:$0x1] =	stream.strided.gather [hbm4b:s1+s10], $0x50, s24, s10, $0x38;
	[tilespmem:$0x1E280] =	vst v63  }
0x304: {  	s26 =	simm.s32 $0xA0;
	s28 =	simm.s32 $0x7;
	s0 =	sadd.s32 s25, s0  }
0x305: {  	[tilespmem:s26], [sflag:$0x3] =	stream.linear.gather [hbm4b:s0+s23], $0x280, $0x38;
	[tilespmem:$0x1E280] =	vst v63  }
0x306: {  	_ =	swait.ge [sflag:s28], $0x1400  }
0x307: {  	[sflag:s28] =	ssyncset.done $0x0  }
0x308: {  	s29 =	simm.s32 $0x8;
	[sflag:s28] =	ssyncadd.s32 $0xFFFFEC00  }
0x309: {  	_ =	swait.ge [sflag:s29], $0x1400  }
0x30a: {  	[sflag:s29] =	ssyncset.done $0x0  }
0x30b: {  	s30 =	simm.s32 $0x4;
	[sflag:s29] =	ssyncadd.s32 $0xFFFFEC00  }
0x30c: {  	_ =	swait.ge [sflag:s30], $0x280  }
0x30d: {  	[sflag:s30] =	ssyncset.done $0x0  }
0x30e: {  	s31 =	simm.s32 $0xA;
	[sflag:s30] =	ssyncadd.s32 $0xFFFFFD80  }
0x30f: {  	_ =	swait.ge [sflag:s31], $0x1680  }
0x310: {  	[sflag:s31] =	ssyncset.done $0x0  }
0x311: {  	[sflag:s31] =	ssyncadd.s32 $0xFFFFE980  }
0x312: {  	v0 =	vld [tilespmem:$0x78]  }
0x313: {  	v4 =	vld [tilespmem:$0x88]  }
0x314: {  	v9 =	vld [tilespmem:$0x90];
	_ =	sdelay $0x2  }
0x315: {  	[tilespmem:$0x82C8] =	vst v0  }
0x316: {  	[tilespmem:$0x82D8] =	vst v4  }
0x317: {  	[tilespmem:$0x82E0] =	vst v9  }
.LBB2_7:
0x318: {  	s19 =	sshll.u32 s23, $0x7  }
0x319: {  	v0 =	vld [tilespmem:s19+$0x19A0]  }
0x31a: {  	v4 =	vld [tilespmem:s19+$0x41A0]  }
0x31b: {  	s0 =	sshll.u32 s23, $0x4;
	v9 =	vld [tilespmem:s19+$0x19E0]  }
0x31c: {  	s0 =	sand.u32 $0x3FFFFFF0, s0;
	v10 =	vld [tilespmem:s19+$0x19B0]  }
0x31d: {  	v13 =	vld [tilespmem:s0+$0x320]  }
0x31e: {  	v11 =	vld [tilespmem:s19+$0x41B0]  }
0x31f: {  	v12 =	vld [tilespmem:s19+$0x19F0];
	_ =	sdelay $0x2  }
0x320: {  	v0 =	vmul.f32 v4, v0;
	v4 =	vmul.f32 v9, v13;
	_ =	sdelay $0x1  }
0x321: {  	v41 =	vld [tilespmem:s19+$0x41C0];
	v9 =	vmul.f32 v11, v10;
	v10 =	vmul.f32 v12, v13;
	v0 =	vadd.f32 v4, v0  }
0x322: {  	s2 =	sor.u32 $0x1, s23;
	v15 =	vld [tilespmem:s19+$0x41D0]  }
0x323: {  	v17 =	vld [tilespmem:s19+$0x1A10];
	s22 =	sshll.u32 s2, $0x7;
	v4 =	vadd.f32 v10, v9;
	v9 =	vperm.xlane v0, v1  }
0x324: {  	v42 =	vld [tilespmem:s22+$0x19A0]  }
0x325: {  	v19 =	vld [tilespmem:s22+$0x41A0];
	v11 =	vperm.xlane v4, v1;
	v0 =	vadd.f32 v0, v9  }
0x326: {  	v21 =	vld [tilespmem:s22+$0x19E0]  }
0x327: {  	v43 =	vld [tilespmem:s22+$0x19B0];
	v4 =	vadd.f32 v4, v11;
	v14 =	vperm.xlane v0, v2  }
0x328: {  	v44 =	vld [tilespmem:s22+$0x41B0]  }
0x329: {  	v23 =	vld [tilespmem:s22+$0x19F0];
	v16 =	vperm.xlane v4, v2;
	v0 =	vadd.f32 v0, v14  }
0x32a: {  	v10 =	vld [tilespmem:s19+$0x19C0]  }
0x32b: {  	v9 =	vld [tilespmem:s19+$0x1A00];
	v4 =	vadd.f32 v4, v16;
	v18 =	vperm.xlane v0, v3  }
0x32c: {  	s1 =	sshll.u32 s2, $0x4;
	v25 =	vld [tilespmem:s22+$0x19C0]  }
0x32d: {  	s1 =	sand.u32 $0x3FFFFFF0, s1;
	v11 =	vld [tilespmem:s19+$0x19D0];
	v20 =	vperm.xlane v4, v3;
	v0 =	vadd.f32 v0, v18  }
0x32e: {  	v14 =	vld [tilespmem:s1+$0x320]  }
0x32f: {  	v45 =	vld [tilespmem:s22+$0x41C0];
	v4 =	vadd.f32 v4, v20;
	v22 =	vperm.xlane v0, v7  }
0x330: {  	v46 =	vld [tilespmem:s22+$0x1A00];
	v10 =	vmul.f32 v41, v10;
	v9 =	vmul.f32 v9, v13  }
0x331: {  	v48 =	vld [tilespmem:s22+$0x19D0];
	v52 =	vmul.f32 v17, v13;
	v24 =	vperm.xlane v4, v7;
	v0 =	vadd.f32 v0, v22  }
0x332: {  	v50 =	vld [tilespmem:s22+$0x1A10];
	v16 =	vmul.f32 v19, v42;
	v11 =	vmul.f32 v15, v11;
	v9 =	vadd.f32 v9, v10  }
0x333: {  	v10 =	vld [tilespmem:s22+$0x41D0];
	v47 =	vmul.f32 v21, v14;
	v4 =	vadd.f32 v4, v24;
	v0 =	vmul.f32 v40, v0  }
0x334: {  	v18 =	vmul.f32 v44, v43;
	v49 =	vmul.f32 v23, v14  }
0x335: {  	v16 =	vadd.f32 v47, v16;
	v4 =	vmul.f32 v5, v4;
	v0 =	vadd.f32 $0.0e+00, v0  }
0x336: {  	v51 =	vperm.xlane v9, v1;
	v12 =	vmul.f32 v46, v14;
	v18 =	vadd.f32 v49, v18  }
0x337: {  	v53 =	vperm.xlane v16, v1;
	v0 =	vadd.f32 v4, v0;
	v4 =	vmul.f32 v45, v25  }
0x338: {  	v11 =	vadd.f32 v52, v11;
	v56 =	vmul.f32 v50, v14;
	v10 =	vmul.f32 v10, v48  }
0x339: {  	v55 =	vperm.xlane v18, v1;
	v54 =	vadd.f32 v16, v53;
	v4 =	vadd.f32 v12, v4  }
0x33a: {  	v57 =	vperm.xlane v11, v1;
	v9 =	vadd.f32 v9, v51;
	v10 =	vadd.f32 v56, v10  }
0x33b: {  	v16 =	vadd.f32 v18, v55;
	v58 =	vperm.xlane v54, v2;
	v59 =	vperm.xlane v4, v1  }
0x33c: {  	v11 =	vadd.f32 v11, v57;
	v60 =	vperm.xlane v9, v2;
	v62 =	vperm.xlane v10, v1  }
0x33d: {  	v61 =	vperm.xlane v16, v2;
	v15 =	vadd.f32 v54, v58;
	v4 =	vadd.f32 v4, v59  }
0x33e: {  	v63 =	vperm.xlane v11, v2;
	v9 =	vadd.f32 v9, v60;
	v10 =	vadd.f32 v10, v62  }
0x33f: {  	v16 =	vadd.f32 v16, v61;
	v19 =	vperm.xlane v15, v3;
	v21 =	vperm.xlane v4, v2  }
0x340: {  	v11 =	vadd.f32 v11, v63;
	v22 =	vperm.xlane v9, v3;
	v25 =	vperm.xlane v10, v2  }
0x341: {  	v24 =	vperm.xlane v16, v3;
	v23 =	vadd.f32 v15, v19;
	v4 =	vadd.f32 v4, v21  }
0x342: {  	v26 =	vperm.xlane v11, v3;
	v9 =	vadd.f32 v9, v22;
	v10 =	vadd.f32 v10, v25  }
0x343: {  	v15 =	vadd.f32 v16, v24;
	v19 =	vperm.xlane v23, v7;
	v27 =	vperm.xlane v4, v3  }
0x344: {  	v11 =	vadd.f32 v11, v26;
	v36 =	vperm.xlane v9, v7;
	v38 =	vperm.xlane v10, v3  }
0x345: {  	v37 =	vperm.xlane v15, v7;
	v12 =	vadd.f32 v23, v19;
	v4 =	vadd.f32 v4, v27  }
0x346: {  	v39 =	vperm.xlane v11, v7;
	v9 =	vadd.f32 v9, v36;
	v10 =	vadd.f32 v10, v38  }
0x347: {  	v15 =	vadd.f32 v15, v37;
	v12 =	vmul.f32 v40, v12;
	v41 =	vperm.xlane v4, v7  }
0x348: {  	v11 =	vadd.f32 v11, v39;
	v9 =	vmul.f32 v6, v9;
	v16 =	vperm.xlane v10, v7  }
0x349: {  	v15 =	vmul.f32 v5, v15;
	v12 =	vadd.f32 $0.0e+00, v12;
	v4 =	vadd.f32 v4, v41  }
0x34a: {  	v0 =	vadd.f32 v9, v0;
	v9 =	vmul.f32 v8, v11  }
0x34b: {  	v10 =	vadd.f32 v10, v16;
	v11 =	vadd.f32 v15, v12;
	v4 =	vmul.f32 v6, v4;
	_ =	sdelay $0x1  }
0x34c: {  	v0 =	vadd.f32 v9, v0;
	v9 =	vmul.f32 v8, v10;
	v4 =	vadd.f32 v4, v11;
	_ =	sdelay $0x1  }
0x34d: {  	v0 =	vmul.f32 $2.500000000e-01, v0;
	v4 =	vadd.f32 v9, v4;
	_ =	sdelay $0x1  }
0x34e: {  	v0 =	vmul.f32 $1.442695020e+00, v0;
	v4 =	vmul.f32 $2.500000000e-01, v4;
	_ =	sdelay $0x1  }
0x34f: {  	(erf) = vpow2.f32 v0;
	v0 =	vmul.f32 $1.442695020e+00, v4;
	_ =	sdelay $0x1  }
0x350: {  	(erf) = vpow2.f32 v0;
	_ =	sdelay $0x6  }
0x351: {  	v0 =	vpop (erf)  }
0x352: {  	s24 =	smul.u32 $0x240, s23;
	v4 =	vperm.xlane v0, v32  }
0x353: {  	v9 =	vpop (erf)  }
0x354: {  	s2 =	smul.u32 $0x240, s2;
	s3 =	sshra.s32 s24, $0x2;
	v10 =	vmul.f32 v4, v13;
	v11 =	vperm.xlane v9, v32  }
0x355: {  	[tilespmem:s3+$0x6C20] =	vst v0  }
0x356: {  	s2 =	sshra.s32 s2, $0x2;
	[tilespmem:s3+$0x6C30] =	vst v10;
	v10 =	vmul.f32 v11, v14  }
0x357: {  	v42 =	vld [tilespmem:s19+$0x41E0];
	[tilespmem:s2+$0x6C20] =	vst v9  }
0x358: {  	[tilespmem:s2+$0x6C30] =	vst v10  }
0x359: {  	v43 =	vperm.xlane v0, v33;
	v10 =	vld [tilespmem:s22+$0x41E0];
	_ =	sdelay $0x1  }
0x35a: {  	v44 =	vmul.f32 v43, v13  }
0x35b: {  	v4 =	vmul.f32 v42, v4  }
0x35c: {  	[tilespmem:s3+$0x6C40] =	vst v44;
	v45 =	vperm.xlane v9, v33  }
0x35d: {  	[tilespmem:s3+$0x6C70] =	vst v4;
	v4 =	vmul.f32 v10, v11  }
0x35e: {  	v10 =	vmul.f32 v45, v14;
	v11 =	vld [tilespmem:s19+$0x41F0]  }
0x35f: {  	[tilespmem:s2+$0x6C70] =	vst v4  }
0x360: {  	[tilespmem:s2+$0x6C40] =	vst v10;
	v10 =	vperm.xlane v0, v34  }
0x361: {  	v4 =	vld [tilespmem:s22+$0x41F0]  }
0x362: {  	v46 =	vmul.f32 v10, v13  }
0x363: {  	v47 =	vperm.xlane v9, v34;
	v11 =	vmul.f32 v11, v43  }
0x364: {  	[tilespmem:s3+$0x6C50] =	vst v46  }
0x365: {  	[tilespmem:s3+$0x6C80] =	vst v11;
	v11 =	vmul.f32 v47, v14  }
0x366: {  	v4 =	vmul.f32 v4, v45;
	v12 =	vld [tilespmem:s19+$0x4200]  }
0x367: {  	[tilespmem:s2+$0x6C50] =	vst v11  }
0x368: {  	[tilespmem:s2+$0x6C80] =	vst v4  }
0x369: {  	v4 =	vld [tilespmem:s22+$0x4200]  }
0x36a: {  	v0 =	vperm.xlane v0, v35  }
0x36b: {  	v9 =	vperm.xlane v9, v35;
	v10 =	vmul.f32 v12, v10  }
0x36c: {  	v11 =	vmul.f32 v0, v13  }
0x36d: {  	[tilespmem:s3+$0x6C90] =	vst v10;
	v10 =	vmul.f32 v9, v14  }
0x36e: {  	[tilespmem:s3+$0x6C60] =	vst v11;
	v4 =	vmul.f32 v4, v47  }
0x36f: {  	[tilespmem:s2+$0x6C60] =	vst v10  }
0x370: {  	[tilespmem:s2+$0x6C90] =	vst v4;
	v4 =	vld [tilespmem:s19+$0x4210]  }
0x371: {  	s25 =	sor.u32 $0x2, s23;
	v10 =	vld [tilespmem:s22+$0x4210]  }
0x372: {  	s26 =	sshll.u32 s25, $0x4;
	s29 =	sshll.u32 s25, $0x7  }
0x373: {  	s1 =	sand.u32 $0x3FFFFFF0, s26;
	v48 =	vld [tilespmem:s29+$0x19F0]  }
0x374: {  	v16 =	vld [tilespmem:s1+$0x320]  }
0x375: {  	v11 =	vld [tilespmem:s29+$0x41B0];
	v0 =	vmul.f32 v4, v0  }
0x376: {  	v4 =	vmul.f32 v10, v9;
	v9 =	vld [tilespmem:s29+$0x19A0]  }
0x377: {  	[tilespmem:s3+$0x6CA0] =	vst v0;
	v0 =	vld [tilespmem:s29+$0x41A0]  }
0x378: {  	[tilespmem:s2+$0x6CA0] =	vst v4;
	v4 =	vld [tilespmem:s29+$0x19E0]  }
0x379: {  	v10 =	vld [tilespmem:s29+$0x19B0]  }
0x37a: {  	v49 =	vld [tilespmem:s29+$0x19C0]  }
0x37b: {  	v50 =	vld [tilespmem:s29+$0x41C0]  }
0x37c: {  	v51 =	vld [tilespmem:s29+$0x1A00]  }
0x37d: {  	v52 =	vld [tilespmem:s29+$0x41D0];
	v0 =	vmul.f32 v0, v9;
	v4 =	vmul.f32 v4, v16  }
0x37e: {  	s28 =	sor.u32 $0x3, s23;
	v53 =	vld [tilespmem:s29+$0x1A10];
	v10 =	vmul.f32 v11, v10;
	v11 =	vmul.f32 v48, v16  }
0x37f: {  	s30 =	sshll.u32 s28, $0x4;
	v9 =	vld [tilespmem:s29+$0x19D0];
	v0 =	vadd.f32 v4, v0  }
0x380: {  	s1 =	sand.u32 $0x3FFFFFF0, s30;
	v4 =	vadd.f32 v11, v10  }
0x381: {  	s8 =	sshll.u32 s28, $0x7;
	v17 =	vld [tilespmem:s1+$0x320];
	v13 =	vmul.f32 v50, v49;
	v10 =	vperm.xlane v0, v1  }
0x382: {  	v57 =	vld [tilespmem:s8+$0x19E0];
	v54 =	vmul.f32 v51, v16;
	v11 =	vperm.xlane v4, v1  }
0x383: {  	v60 =	vld [tilespmem:s8+$0x19B0];
	v55 =	vmul.f32 v53, v16;
	v0 =	vadd.f32 v0, v10  }
0x384: {  	v63 =	vld [tilespmem:s8+$0x41B0];
	v9 =	vmul.f32 v52, v9;
	v4 =	vadd.f32 v4, v11;
	v11 =	vadd.f32 v54, v13  }
0x385: {  	v56 =	vld [tilespmem:s8+$0x19A0]  }
0x386: {  	v10 =	vld [tilespmem:s8+$0x41A0];
	v9 =	vadd.f32 v55, v9;
	v58 =	vperm.xlane v0, v2;
	v61 =	vperm.xlane v11, v1  }
0x387: {  	v59 =	vperm.xlane v4, v2  }
0x388: {  	v24 =	vld [tilespmem:s8+$0x19F0];
	v62 =	vperm.xlane v9, v1;
	v0 =	vadd.f32 v0, v58;
	v11 =	vadd.f32 v11, v61  }
0x389: {  	v12 =	vmul.f32 v57, v17;
	v36 =	vmul.f32 v63, v60;
	v4 =	vadd.f32 v4, v59  }
0x38a: {  	v9 =	vadd.f32 v9, v62;
	v25 =	vperm.xlane v0, v3;
	v27 =	vperm.xlane v11, v2  }
0x38b: {  	v10 =	vmul.f32 v10, v56;
	v26 =	vperm.xlane v4, v3  }
0x38c: {  	s31 =	sadd.s32 $0x4, s23;
	v43 =	vld [tilespmem:s8+$0x19C0];
	v35 =	vperm.xlane v9, v2;
	v0 =	vadd.f32 v0, v25;
	v11 =	vadd.f32 v11, v27  }
0x38d: {  	s4 =	sshll.u32 s31, $0x4;
	v46 =	vld [tilespmem:s8+$0x41C0];
	v13 =	vmul.f32 v24, v17;
	v10 =	vadd.f32 v12, v10;
	v4 =	vadd.f32 v4, v26  }
0x38e: {  	s3 =	sand.u32 $0x3FFFFFF0, s4;
	v47 =	vld [tilespmem:s8+$0x1A00];
	v9 =	vadd.f32 v9, v35;
	v37 =	vperm.xlane v0, v7;
	v38 =	vperm.xlane v11, v3  }
0x38f: {  	v20 =	vld [tilespmem:s3+$0x320];
	v39 =	vadd.f32 v13, v36;
	v44 =	vperm.xlane v10, v1;
	v41 =	vperm.xlane v4, v7  }
0x390: {  	v49 =	vld [tilespmem:s8+$0x19D0];
	v42 =	vperm.xlane v9, v3;
	v0 =	vadd.f32 v0, v37;
	v11 =	vadd.f32 v11, v38  }
0x391: {  	v51 =	vld [tilespmem:s8+$0x41D0];
	v45 =	vperm.xlane v39, v1;
	v10 =	vadd.f32 v10, v44;
	v4 =	vadd.f32 v4, v41  }
0x392: {  	s4 =	sshll.u32 s31, $0x7;
	v54 =	vld [tilespmem:s8+$0x1A10];
	v9 =	vadd.f32 v9, v42;
	v0 =	vmul.f32 v40, v0;
	v48 =	vperm.xlane v11, v7  }
0x393: {  	v55 =	vld [tilespmem:s4+$0x19A0];
	v12 =	vadd.f32 v39, v45;
	v52 =	vperm.xlane v10, v2;
	v4 =	vmul.f32 v5, v4  }
0x394: {  	v58 =	vld [tilespmem:s4+$0x19E0];
	v50 =	vperm.xlane v9, v7;
	v0 =	vadd.f32 $0.0e+00, v0;
	v11 =	vadd.f32 v11, v48  }
0x395: {  	v56 =	vld [tilespmem:s4+$0x41A0];
	v53 =	vperm.xlane v12, v2;
	v10 =	vadd.f32 v10, v52  }
0x396: {  	v39 =	vld [tilespmem:s4+$0x19D0];
	v0 =	vadd.f32 v4, v0;
	v4 =	vadd.f32 v9, v50;
	v9 =	vmul.f32 v6, v11  }
0x397: {  	v15 =	vmul.f32 v46, v43;
	v37 =	vld [tilespmem:s4+$0x1A00];
	v11 =	vadd.f32 v12, v53  }
0x398: {  	v41 =	vld [tilespmem:s4+$0x41D0];
	v4 =	vmul.f32 v8, v4;
	v0 =	vadd.f32 v9, v0;
	v9 =	vperm.xlane v10, v3  }
0x399: {  	v60 =	vld [tilespmem:s4+$0x19F0];
	v13 =	vmul.f32 v47, v17;
	v36 =	vmul.f32 v54, v17  }
0x39a: {  	v42 =	vld [tilespmem:s4+$0x1A10];
	v57 =	vperm.xlane v11, v3;
	v0 =	vadd.f32 v4, v0;
	v4 =	vadd.f32 v10, v9  }
0x39b: {  	v35 =	vmul.f32 v51, v49;
	v38 =	vmul.f32 v58, v20  }
0x39c: {  	v59 =	vld [tilespmem:s4+$0x19B0];
	v12 =	vmul.f32 v56, v55;
	v10 =	vadd.f32 v11, v57;
	v61 =	vperm.xlane v4, v7  }
0x39d: {  	v46 =	vmul.f32 v37, v20;
	v48 =	vmul.f32 v41, v39;
	v9 =	vld [tilespmem:s4+$0x41B0]  }
0x39e: {  	v62 =	vld [tilespmem:s4+$0x19C0];
	v12 =	vadd.f32 v38, v12;
	v63 =	vperm.xlane v10, v7;
	v4 =	vadd.f32 v4, v61  }
0x39f: {  	v27 =	vld [tilespmem:s4+$0x41C0];
	v14 =	vmul.f32 v42, v20;
	v11 =	vadd.f32 v13, v15;
	v13 =	vmul.f32 v60, v20  }
0x3a0: {  	v45 =	vperm.xlane v12, v1;
	v10 =	vadd.f32 v10, v63;
	v4 =	vmul.f32 v40, v4  }
0x3a1: {  	v15 =	vadd.f32 v36, v35;
	v0 =	vmul.f32 $2.500000000e-01, v0;
	v26 =	vperm.xlane v11, v1  }
0x3a2: {  	v9 =	vmul.f32 v9, v59;
	v10 =	vmul.f32 v5, v10;
	v4 =	vadd.f32 $0.0e+00, v4  }
0x3a3: {  	v44 =	vperm.xlane v15, v1;
	v12 =	vadd.f32 v12, v45;
	v11 =	vadd.f32 v11, v26  }
0x3a4: {  	v9 =	vadd.f32 v13, v9;
	v4 =	vadd.f32 v10, v4;
	v10 =	vmul.f32 v27, v62  }
0x3a5: {  	v15 =	vadd.f32 v15, v44;
	v50 =	vperm.xlane v12, v2;
	v43 =	vperm.xlane v11, v2  }
0x3a6: {  	v0 =	vmul.f32 $1.442695020e+00, v0;
	v47 =	vperm.xlane v9, v1;
	v10 =	vadd.f32 v46, v10  }
0x3a7: {  	v49 =	vperm.xlane v15, v2;
	v13 =	vadd.f32 v14, v48;
	v11 =	vadd.f32 v11, v43  }
0x3a8: {  	v12 =	vadd.f32 v12, v50;
	v9 =	vadd.f32 v9, v47;
	v51 =	vperm.xlane v10, v1  }
0x3a9: {  	v15 =	vadd.f32 v15, v49;
	v54 =	vperm.xlane v13, v1;
	v52 =	vperm.xlane v11, v3  }
0x3aa: {  	(erf) = vpow2.f32 v0;
	v53 =	vperm.xlane v9, v2;
	v10 =	vadd.f32 v10, v51  }
0x3ab: {  	v55 =	vperm.xlane v15, v3;
	v19 =	vadd.f32 v13, v54;
	v11 =	vadd.f32 v11, v52  }
0x3ac: {  	s5 =	sadd.s32 $0x5, s23;
	v21 =	vperm.xlane v12, v3;
	v9 =	vadd.f32 v9, v53;
	v56 =	vperm.xlane v10, v2  }
0x3ad: {  	s1 =	sshll.u32 s5, $0x7;
	v14 =	vadd.f32 v15, v55;
	v59 =	vperm.xlane v19, v2;
	v57 =	vperm.xlane v11, v7  }
0x3ae: {  	v39 =	vld [tilespmem:s1+$0x19B0];
	v12 =	vadd.f32 v12, v21;
	v58 =	vperm.xlane v9, v3;
	v10 =	vadd.f32 v10, v56  }
0x3af: {  	v35 =	vld [tilespmem:s1+$0x41A0];
	v60 =	vperm.xlane v14, v7;
	v18 =	vadd.f32 v19, v59;
	v11 =	vadd.f32 v11, v57  }
0x3b0: {  	s6 =	sshll.u32 s5, $0x4;
	v63 =	vld [tilespmem:s1+$0x19A0];
	v61 =	vperm.xlane v12, v7;
	v9 =	vadd.f32 v9, v58;
	v62 =	vperm.xlane v10, v3  }
0x3b1: {  	s3 =	sand.u32 $0x3FFFFFF0, s6;
	v38 =	vld [tilespmem:s1+$0x19E0];
	v14 =	vadd.f32 v14, v60;
	v37 =	vperm.xlane v18, v3;
	v11 =	vmul.f32 v6, v11  }
0x3b2: {  	v13 =	vld [tilespmem:s3+$0x320];
	v12 =	vadd.f32 v12, v61;
	v36 =	vperm.xlane v9, v7;
	v10 =	vadd.f32 v10, v62  }
0x3b3: {  	v42 =	vld [tilespmem:s1+$0x41B0];
	v15 =	vadd.f32 v18, v37;
	v4 =	vadd.f32 v11, v4;
	v11 =	vmul.f32 v8, v14  }
0x3b4: {  	v45 =	vld [tilespmem:s1+$0x19C0];
	v12 =	vmul.f32 v40, v12;
	v9 =	vadd.f32 v9, v36;
	v41 =	vperm.xlane v10, v7  }
0x3b5: {  	v48 =	vld [tilespmem:s1+$0x19D0];
	v19 =	vmul.f32 v35, v63;
	v44 =	vperm.xlane v15, v7;
	v4 =	vadd.f32 v11, v4  }
0x3b6: {  	v43 =	vld [tilespmem:s1+$0x19F0];
	v11 =	vadd.f32 $0.0e+00, v12;
	v9 =	vmul.f32 v5, v9;
	v10 =	vadd.f32 v10, v41  }
0x3b7: {  	v46 =	vld [tilespmem:s1+$0x1A00];
	v47 =	vmul.f32 v38, v13;
	v0 =	vmul.f32 $2.500000000e-01, v4  }
0x3b8: {  	v4 =	vld [tilespmem:s1+$0x41C0];
	v9 =	vadd.f32 v9, v11;
	v11 =	vadd.f32 v15, v44;
	v10 =	vmul.f32 v6, v10  }
0x3b9: {  	v49 =	vld [tilespmem:s1+$0x1A10];
	v19 =	vadd.f32 v47, v19  }
0x3ba: {  	v0 =	vmul.f32 $1.442695020e+00, v0;
	v9 =	vadd.f32 v10, v9;
	v10 =	vmul.f32 v8, v11;
	v11 =	vld [tilespmem:s1+$0x41D0]  }
0x3bb: {  	v14 =	vmul.f32 v42, v39;
	v12 =	vmul.f32 v43, v13  }
0x3bc: {  	(erf) = vpow2.f32 v0;
	v0 =	vadd.f32 v10, v9;
	v9 =	vperm.xlane v19, v1  }
0x3bd: {  	v50 =	vmul.f32 v46, v13;
	v4 =	vmul.f32 v4, v45;
	v10 =	vadd.f32 v12, v14  }
0x3be: {  	v51 =	vmul.f32 v49, v13;
	v0 =	vmul.f32 $2.500000000e-01, v0;
	v9 =	vadd.f32 v19, v9  }
0x3bf: {  	v4 =	vadd.f32 v50, v4;
	v14 =	vperm.xlane v10, v1;
	v11 =	vmul.f32 v11, v48  }
0x3c0: {  	v0 =	vmul.f32 $1.442695020e+00, v0;
	v52 =	vperm.xlane v9, v2  }
0x3c1: {  	v53 =	vperm.xlane v4, v1;
	v10 =	vadd.f32 v10, v14;
	v11 =	vadd.f32 v51, v11  }
0x3c2: {  	(erf) = vpow2.f32 v0;
	v0 =	vadd.f32 v9, v52  }
0x3c3: {  	v4 =	vadd.f32 v4, v53;
	v9 =	vperm.xlane v10, v2;
	v12 =	vperm.xlane v11, v1  }
0x3c4: {  	v55 =	vperm.xlane v0, v3  }
0x3c5: {  	v19 =	vpop (erf);
	v9 =	vadd.f32 v10, v9;
	v10 =	vperm.xlane v4, v2;
	v11 =	vadd.f32 v11, v12  }
0x3c6: {  	v54 =	vperm.xlane v19, v32;
	v0 =	vadd.f32 v0, v55  }
0x3c7: {  	s0 =	smul.u32 $0x240, s25;
	v57 =	vperm.xlane v9, v3;
	v4 =	vadd.f32 v4, v10;
	v10 =	vperm.xlane v11, v2  }
0x3c8: {  	v56 =	vmul.f32 v54, v16  }
0x3c9: {  	s7 =	sadd.s32 $0x6, s23;
	s25 =	sshra.s32 s0, $0x2;
	v25 =	vpop (erf);
	v59 =	vperm.xlane v0, v7;
	v9 =	vadd.f32 v9, v57;
	v10 =	vadd.f32 v11, v10  }
0x3ca: {  	s14 =	sshll.u32 s7, $0x7;
	[tilespmem:s25+$0x6C20] =	vst v19;
	v58 =	vperm.xlane v25, v32;
	v60 =	vperm.xlane v4, v3  }
0x3cb: {  	v28 =	vld [tilespmem:s14+$0x19E0];
	[tilespmem:s25+$0x6C30] =	vst v56;
	v0 =	vadd.f32 v0, v59;
	v61 =	vperm.xlane v9, v7;
	v62 =	vperm.xlane v10, v3  }
0x3cc: {  	s2 =	smul.u32 $0x240, s28;
	v63 =	vld [tilespmem:s29+$0x41E0];
	v11 =	vmul.f32 v58, v17;
	v4 =	vadd.f32 v4, v60  }
0x3cd: {  	s9 =	sshll.u32 s7, $0x4;
	v38 =	vld [tilespmem:s14+$0x41A0];
	v27 =	vpop (erf);
	v0 =	vmul.f32 v40, v0;
	v9 =	vadd.f32 v9, v61;
	v10 =	vadd.f32 v10, v62  }
0x3ce: {  	s26 =	sshra.s32 s2, $0x2;
	s3 =	sand.u32 $0x3FFFFFF0, s9;
	v49 =	vld [tilespmem:s14+$0x1A00];
	v32 =	vperm.xlane v27, v32;
	v35 =	vperm.xlane v4, v7  }
0x3cf: {  	s11 =	sadd.s32 $0x900, s24;
	v14 =	vld [tilespmem:s3+$0x320];
	[tilespmem:s26+$0x6C30] =	vst v11;
	v0 =	vadd.f32 $0.0e+00, v0;
	v9 =	vmul.f32 v5, v9;
	v11 =	vperm.xlane v10, v7  }
0x3d0: {  	s28 =	sshra.s32 s11, $0x2;
	v37 =	vld [tilespmem:s14+$0x19A0];
	[tilespmem:s26+$0x6C20] =	vst v25;
	v36 =	vmul.f32 v32, v20;
	v4 =	vadd.f32 v4, v35  }
0x3d1: {  	[tilespmem:s28+$0x6C20] =	vst v27;
	v29 =	vld [tilespmem:s8+$0x41E0];
	v0 =	vadd.f32 v9, v0;
	v9 =	vadd.f32 v10, v11;
	v10 =	vmul.f32 v63, v54  }
0x3d2: {  	v43 =	vld [tilespmem:s14+$0x19F0];
	v39 =	vperm.xlane v19, v33;
	[tilespmem:s28+$0x6C30] =	vst v36  }
0x3d3: {  	v4 =	vmul.f32 v6, v4;
	v11 =	vld [tilespmem:s4+$0x41E0];
	[tilespmem:s25+$0x6C70] =	vst v10;
	v10 =	vperm.xlane v25, v33  }
0x3d4: {  	v41 =	vld [tilespmem:s14+$0x41B0];
	v42 =	vmul.f32 v28, v14;
	v40 =	vmul.f32 v39, v16  }
0x3d5: {  	v0 =	vadd.f32 v4, v0;
	v4 =	vmul.f32 v8, v9;
	v9 =	vld [tilespmem:s14+$0x19B0];
	v28 =	vmul.f32 v10, v17  }
0x3d6: {  	v47 =	vld [tilespmem:s14+$0x19C0];
	[tilespmem:s25+$0x6C40] =	vst v40;
	v18 =	vmul.f32 v29, v58  }
0x3d7: {  	v45 =	vperm.xlane v27, v33;
	v0 =	vadd.f32 v4, v0;
	v4 =	vmul.f32 v38, v37;
	[tilespmem:s26+$0x6C40] =	vst v28;
	v28 =	vld [tilespmem:s14+$0x41C0]  }
0x3d8: {  	[tilespmem:s26+$0x6C70] =	vst v18;
	v44 =	vld [tilespmem:s29+$0x41F0];
	v11 =	vmul.f32 v11, v32  }
0x3d9: {  	v46 =	vmul.f32 v45, v20;
	v0 =	vmul.f32 $2.500000000e-01, v0;
	v4 =	vadd.f32 v42, v4;
	v50 =	vld [tilespmem:s8+$0x41F0]  }
0x3da: {  	v53 =	vld [tilespmem:s14+$0x1A10];
	[tilespmem:s28+$0x6C70] =	vst v11;
	v9 =	vmul.f32 v41, v9;
	v11 =	vmul.f32 v43, v14  }
0x3db: {  	s12 =	sadd.s32 $0x7, s23;
	v52 =	vld [tilespmem:s14+$0x41D0];
	[tilespmem:s28+$0x6C40] =	vst v46;
	v0 =	vmul.f32 $1.442695020e+00, v0;
	v48 =	vperm.xlane v4, v1  }
0x3dc: {  	s15 =	sshll.u32 s12, $0x4;
	v15 =	vmul.f32 v49, v14;
	v12 =	vld [tilespmem:s4+$0x41F0];
	v18 =	vmul.f32 v28, v47  }
0x3dd: {  	s2 =	sand.u32 $0x3FFFFFF0, s15;
	(erf) = vpow2.f32 v0;
	v0 =	vadd.f32 v4, v48;
	v4 =	vadd.f32 v11, v9;
	v9 =	vld [tilespmem:s14+$0x19D0]  }
0x3de: {  	v35 =	vmul.f32 v44, v39;
	v39 =	vmul.f32 v50, v10;
	v10 =	vadd.f32 v15, v18;
	v15 =	vld [tilespmem:s2+$0x320];
	s2 =	sshll.u32 s12, $0x7  }
0x3df: {  	v54 =	vld [tilespmem:s2+$0x19A0]  }
0x3e0: {  	v63 =	vperm.xlane v19, v34;
	v57 =	vld [tilespmem:s2+$0x41A0]  }
0x3e1: {  	v62 =	vperm.xlane v25, v34;
	v59 =	vld [tilespmem:s2+$0x19E0]  }
0x3e2: {  	v58 =	vmul.f32 v53, v14;
	v36 =	vmul.f32 v63, v16;
	v28 =	vld [tilespmem:s2+$0x19F0]  }
0x3e3: {  	v33 =	vperm.xlane v27, v34;
	v38 =	vmul.f32 v62, v17;
	v41 =	vld [tilespmem:s2+$0x19C0]  }
0x3e4: {  	v11 =	vperm.xlane v0, v2;
	v51 =	vperm.xlane v4, v1;
	v47 =	vld [tilespmem:s2+$0x41C0]  }
0x3e5: {  	v48 =	vld [tilespmem:s2+$0x1A00];
	v56 =	vperm.xlane v10, v1;
	v9 =	vmul.f32 v52, v9  }
0x3e6: {  	v37 =	vmul.f32 v33, v20;
	v0 =	vadd.f32 v0, v11;
	v4 =	vadd.f32 v4, v51;
	v43 =	vld [tilespmem:s2+$0x19D0]  }
0x3e7: {  	v30 =	vmul.f32 v12, v45;
	v51 =	vld [tilespmem:s2+$0x41D0];
	v10 =	vadd.f32 v10, v56;
	v9 =	vadd.f32 v58, v9  }
0x3e8: {  	v11 =	vperm.xlane v0, v3;
	v55 =	vperm.xlane v4, v2  }
0x3e9: {  	v29 =	vperm.xlane v10, v2;
	v45 =	vperm.xlane v9, v1  }
0x3ea: {  	v32 =	vimm.s32 $0x0;
	v12 =	vmul.f32 v57, v54;
	v46 =	vmul.f32 v59, v15  }
0x3eb: {  	s16 =	sadd.s32 $0x8, s23;
	v60 =	vld [tilespmem:s2+$0x41B0];
	v0 =	vadd.f32 v0, v11;
	v50 =	vmul.f32 v28, v15;
	v24 =	vmul.f32 v47, v41  }
0x3ec: {  	s17 =	sshll.u32 s16, $0x4;
	v4 =	vadd.f32 v4, v55;
	v11 =	vld [tilespmem:s2+$0x19B0];
	v34 =	vpop (erf);
	v23 =	vmul.f32 v48, v15;
	v21 =	vmul.f32 v51, v43  }
0x3ed: {  	s3 =	sand.u32 $0x3FFFFFF0, s17;
	v22 =	vperm.xlane v34, v32;
	v61 =	vperm.xlane v0, v7;
	v10 =	vadd.f32 v10, v29  }
0x3ee: {  	v18 =	vld [tilespmem:s3+$0x320];
	v44 =	vperm.xlane v4, v3;
	v9 =	vadd.f32 v9, v45;
	v12 =	vadd.f32 v46, v12  }
0x3ef: {  	s30 =	sshll.u32 s16, $0x7;
	v28 =	vld [tilespmem:s2+$0x1A10];
	v23 =	vadd.f32 v23, v24;
	v26 =	vmul.f32 v22, v13;
	v29 =	vperm.xlane v10, v3  }
0x3f0: {  	v54 =	vld [tilespmem:s30+$0x19A0];
	v4 =	vadd.f32 v4, v44;
	v40 =	vperm.xlane v9, v2;
	v42 =	vperm.xlane v12, v1  }
0x3f1: {  	v0 =	vadd.f32 v0, v61;
	v44 =	vld [tilespmem:s30+$0x41A0];
	v11 =	vmul.f32 v60, v11;
	v55 =	vperm.xlane v23, v1  }
0x3f2: {  	v58 =	vld [tilespmem:s30+$0x19B0];
	v49 =	vperm.xlane v4, v7;
	v10 =	vadd.f32 v10, v29;
	v9 =	vadd.f32 v9, v40  }
0x3f3: {  	s18 =	sadd.s32 $0xB40, s24;
	v60 =	vld [tilespmem:s30+$0x41B0];
	v0 =	vmul.f32 v31, v0;
	v12 =	vadd.f32 v12, v42;
	v11 =	vadd.f32 v50, v11  }
0x3f4: {  	s9 =	sshra.s32 s18, $0x2;
	v56 =	vmul.f32 v28, v15;
	v28 =	vld [tilespmem:s30+$0x19E0];
	v23 =	vadd.f32 v23, v55;
	v4 =	vadd.f32 v4, v49  }
0x3f5: {  	[tilespmem:s9+$0x6C20] =	vst v34;
	v0 =	vadd.f32 $0.0e+00, v0;
	v29 =	vperm.xlane v10, v7;
	v52 =	vperm.xlane v9, v3  }
0x3f6: {  	[tilespmem:s9+$0x6C30] =	vst v26;
	v21 =	vadd.f32 v56, v21;
	v53 =	vperm.xlane v12, v2;
	v61 =	vmul.f32 v44, v54  }
0x3f7: {  	v49 =	vld [tilespmem:s1+$0x41E0];
	v4 =	vmul.f32 v5, v4;
	v10 =	vadd.f32 v10, v29;
	v29 =	vperm.xlane v11, v1  }
0x3f8: {  	v59 =	vperm.xlane v21, v1;
	v48 =	vmul.f32 v60, v58;
	v9 =	vadd.f32 v9, v52  }
0x3f9: {  	v44 =	vld [tilespmem:s30+$0x19F0];
	v12 =	vadd.f32 v12, v53;
	v28 =	vmul.f32 v28, v18;
	v11 =	vadd.f32 v11, v29  }
0x3fa: {  	v45 =	vadd.f32 v21, v59;
	v10 =	vmul.f32 v6, v10;
	v29 =	vperm.xlane v9, v7  }
0x3fb: {  	v0 =	vadd.f32 v4, v0;
	v4 =	vperm.xlane v12, v3;
	v57 =	vperm.xlane v11, v2  }
0x3fc: {  	v24 =	vadd.f32 v28, v61;
	v40 =	vmul.f32 v49, v22;
	v28 =	vperm.xlane v45, v2  }
0x3fd: {  	v9 =	vadd.f32 v9, v29;
	v29 =	vperm.xlane v23, v2;
	v11 =	vadd.f32 v11, v57  }
0x3fe: {  	v4 =	vadd.f32 v12, v4;
	v12 =	vadd.f32 v45, v28;
	v28 =	vmul.f32 v44, v18  }
0x3ff: {  	v9 =	vmul.f32 v8, v9;
	v23 =	vadd.f32 v23, v29;
	v46 =	vperm.xlane v11, v3  }
0x400: {  	v0 =	vadd.f32 v10, v0;
	v10 =	vperm.xlane v4, v7;
	v29 =	vperm.xlane v24, v1  }
0x401: {  	v26 =	vadd.f32 v28, v48;
	v47 =	vperm.xlane v23, v3;
	v11 =	vadd.f32 v11, v46  }
0x402: {  	v43 =	vld [tilespmem:s30+$0x19D0];
	v50 =	vperm.xlane v12, v3;
	v4 =	vadd.f32 v4, v10;
	v24 =	vadd.f32 v24, v29  }
0x403: {  	v28 =	vld [tilespmem:s30+$0x19C0];
	v0 =	vadd.f32 v9, v0;
	v21 =	vadd.f32 v23, v47;
	v10 =	vperm.xlane v11, v7  }
0x404: {  	s19 =	sadd.s32 $0x9, s23;
	v29 =	vld [tilespmem:s30+$0x41C0];
	v12 =	vadd.f32 v12, v50;
	v52 =	vperm.xlane v26, v1;
	v51 =	vperm.xlane v24, v2  }
0x405: {  	s22 =	sshll.u32 s19, $0x4;
	v56 =	vld [tilespmem:s30+$0x41D0];
	v0 =	vmul.f32 $2.500000000e-01, v0;
	v10 =	vadd.f32 v11, v10;
	v11 =	vperm.xlane v21, v7  }
0x406: {  	s3 =	sand.u32 $0x3FFFFFF0, s22;
	v53 =	vld [tilespmem:s30+$0x1A00];
	v4 =	vmul.f32 v31, v4;
	v54 =	vperm.xlane v12, v7;
	v55 =	vadd.f32 v26, v52  }
0x407: {  	v23 =	vadd.f32 v24, v51;
	v0 =	vmul.f32 $1.442695020e+00, v0;
	v11 =	vadd.f32 v21, v11;
	v21 =	vld [tilespmem:s3+$0x320];
	s3 =	sshll.u32 s19, $0x7  }
0x408: {  	v4 =	vadd.f32 $0.0e+00, v4;
	v26 =	vperm.xlane v55, v2;
	v10 =	vmul.f32 v5, v10;
	v45 =	vld [tilespmem:s3+$0x19B0]  }
0x409: {  	v60 =	vimm.s32 $0x1;
	v28 =	vmul.f32 v29, v28;
	v57 =	vperm.xlane v23, v3;
	v52 =	vld [tilespmem:s3+$0x41B0]  }
0x40a: {  	v4 =	vadd.f32 v10, v4;
	v9 =	vmul.f32 v6, v11;
	v10 =	vld [tilespmem:s30+$0x1A10];
	v11 =	vadd.f32 v12, v54  }
0x40b: {  	v29 =	vmul.f32 v53, v18;
	v58 =	vadd.f32 v55, v26;
	v26 =	vperm.xlane v34, v60;
	v59 =	vld [tilespmem:s3+$0x41A0]  }
0x40c: {  	v12 =	vadd.f32 v23, v57;
	v4 =	vadd.f32 v9, v4;
	v9 =	vld [tilespmem:s3+$0x19A0];
	v11 =	vmul.f32 v8, v11  }
0x40d: {  	(erf) = vpow2.f32 v0;
	v61 =	vld [tilespmem:s3+$0x19E0];
	v51 =	vperm.xlane v58, v3  }
0x40e: {  	v46 =	vmul.f32 v26, v13;
	v53 =	vld [tilespmem:s3+$0x19F0];
	v4 =	vadd.f32 v11, v4;
	v11 =	vperm.xlane v12, v7  }
0x40f: {  	v48 =	vld [tilespmem:s3+$0x1A00];
	v22 =	vadd.f32 v58, v51;
	v60 =	vmul.f32 v52, v45;
	v10 =	vmul.f32 v10, v18  }
0x410: {  	v54 =	vld [tilespmem:s3+$0x19C0];
	v4 =	vmul.f32 $2.500000000e-01, v4;
	v0 =	vadd.f32 v12, v11;
	v11 =	vadd.f32 v29, v28  }
0x411: {  	v58 =	vld [tilespmem:s3+$0x1A10];
	v28 =	vperm.xlane v22, v7;
	v9 =	vmul.f32 v59, v9  }
0x412: {  	v29 =	vld [tilespmem:s3+$0x41C0];
	v4 =	vmul.f32 $1.442695020e+00, v4;
	v47 =	vperm.xlane v11, v1  }
0x413: {  	v55 =	vld [tilespmem:s3+$0x19D0];
	v0 =	vmul.f32 v31, v0;
	v22 =	vadd.f32 v22, v28;
	v28 =	vmul.f32 v56, v43  }
0x414: {  	v57 =	vld [tilespmem:s3+$0x41D0];
	v56 =	vmul.f32 v61, v21;
	v11 =	vadd.f32 v11, v47;
	(erf) = vpow2.f32 v4  }
0x415: {  	v0 =	vadd.f32 $0.0e+00, v0;
	v4 =	vmul.f32 v5, v22;
	v10 =	vadd.f32 v10, v28  }
0x416: {  	v9 =	vadd.f32 v56, v9;
	v28 =	vmul.f32 v53, v21;
	v22 =	vmul.f32 v58, v21  }
0x417: {  	v12 =	vmul.f32 v29, v54;
	v0 =	vadd.f32 v4, v0;
	v4 =	vperm.xlane v10, v1  }
0x418: {  	[tilespmem:s9+$0x6C70] =	vst v40;
	v61 =	vperm.xlane v9, v1;
	v23 =	vadd.f32 v28, v60;
	v28 =	vmul.f32 v48, v21  }
0x419: {  	[tilespmem:s9+$0x6C40] =	vst v46;
	v59 =	vperm.xlane v11, v2;
	v4 =	vadd.f32 v10, v4;
	v10 =	vmul.f32 v57, v55  }
0x41a: {  	v58 =	vld [tilespmem:s1+$0x41F0];
	v9 =	vadd.f32 v9, v61;
	v41 =	vperm.xlane v23, v1;
	v12 =	vadd.f32 v28, v12  }
0x41b: {  	v11 =	vadd.f32 v11, v59;
	v28 =	vperm.xlane v4, v2;
	v10 =	vadd.f32 v22, v10  }
0x41c: {  	v42 =	vperm.xlane v9, v2;
	v23 =	vadd.f32 v23, v41;
	v43 =	vperm.xlane v12, v1  }
0x41d: {  	v29 =	vperm.xlane v11, v3;
	v4 =	vadd.f32 v4, v28;
	v28 =	vperm.xlane v10, v1  }
0x41e: {  	v24 =	vpop (erf);
	v9 =	vadd.f32 v9, v42;
	v44 =	vperm.xlane v23, v2;
	v12 =	vadd.f32 v12, v43  }
0x41f: {  	v11 =	vadd.f32 v11, v29;
	v43 =	vperm.xlane v24, v32;
	v42 =	vmul.f32 v58, v26  }
0x420: {  	v45 =	vperm.xlane v4, v3;
	v10 =	vadd.f32 v10, v28;
	v47 =	vperm.xlane v12, v2  }
0x421: {  	s31 =	sadd.s32 $0xA, s23;
	v28 =	vperm.xlane v9, v3;
	v22 =	vadd.f32 v23, v44;
	v29 =	vperm.xlane v11, v7  }
0x422: {  	s22 =	sshll.u32 s31, $0x7;
	v4 =	vadd.f32 v4, v45;
	v48 =	vperm.xlane v10, v2;
	v12 =	vadd.f32 v12, v47  }
0x423: {  	s5 =	sshll.u32 s31, $0x4;
	v52 =	vld [tilespmem:s22+$0x19A0];
	v9 =	vadd.f32 v9, v28;
	v28 =	vperm.xlane v22, v3;
	v11 =	vadd.f32 v11, v29  }
0x424: {  	s5 =	sand.u32 $0x3FFFFFF0, s5;
	v56 =	vld [tilespmem:s22+$0x41B0];
	v49 =	vperm.xlane v4, v7;
	v10 =	vadd.f32 v10, v48;
	v29 =	vperm.xlane v12, v3  }
0x425: {  	v50 =	vperm.xlane v9, v7;
	v28 =	vadd.f32 v22, v28;
	v22 =	vld [tilespmem:s5+$0x320];
	v11 =	vmul.f32 v6, v11  }
0x426: {  	v4 =	vadd.f32 v4, v49;
	v51 =	vperm.xlane v10, v3;
	v12 =	vadd.f32 v12, v29;
	v29 =	vld [tilespmem:s22+$0x41A0]  }
0x427: {  	v59 =	vmul.f32 v43, v14;
	v53 =	vperm.xlane v28, v7;
	v0 =	vadd.f32 v11, v0;
	v11 =	vld [tilespmem:s22+$0x19E0]  }
0x428: {  	v55 =	vld [tilespmem:s22+$0x19B0];
	v9 =	vadd.f32 v9, v50;
	v4 =	vmul.f32 v8, v4;
	v10 =	vadd.f32 v10, v51  }
0x429: {  	v54 =	vadd.f32 v28, v53;
	v28 =	vperm.xlane v12, v7;
	v53 =	vimm.s32 $0x2  }
0x42a: {  	s5 =	sadd.s32 $0xD80, s24;
	v9 =	vmul.f32 v31, v9;
	v40 =	vperm.xlane v34, v53;
	v0 =	vadd.f32 v4, v0  }
0x42b: {  	s15 =	sshra.s32 s5, $0x2;
	v4 =	vperm.xlane v10, v7;
	v57 =	vmul.f32 v5, v54;
	v12 =	vadd.f32 v12, v28;
	v28 =	vld [tilespmem:s22+$0x19F0]  }
0x42c: {  	s7 =	sadd.s32 $0xB, s23;
	[tilespmem:s15+$0x6C20] =	vst v24;
	v9 =	vadd.f32 $0.0e+00, v9;
	v60 =	vmul.f32 v29, v52;
	v11 =	vmul.f32 v11, v22  }
0x42d: {  	s12 =	sshll.u32 s7, $0x4;
	[tilespmem:s15+$0x6C30] =	vst v59;
	v50 =	vld [tilespmem:s22+$0x1A10];
	v29 =	vmul.f32 v56, v55;
	v0 =	vmul.f32 $2.500000000e-01, v0  }
0x42e: {  	v23 =	vpop (erf);
	s5 =	sand.u32 $0x3FFFFFF0, s12;
	v61 =	vld [tilespmem:s14+$0x41E0];
	v4 =	vadd.f32 v10, v4;
	v9 =	vadd.f32 v57, v9;
	v12 =	vmul.f32 v6, v12  }
0x42f: {  	v26 =	vld [tilespmem:s5+$0x320];
	v10 =	vperm.xlane v23, v32;
	v0 =	vmul.f32 $1.442695020e+00, v0  }
0x430: {  	s6 =	sadd.s32 $0xFC0, s24;
	v55 =	vld [tilespmem:s22+$0x1A00];
	v4 =	vmul.f32 v8, v4;
	v9 =	vadd.f32 v12, v9;
	v28 =	vmul.f32 v28, v22  }
0x431: {  	s11 =	sshra.s32 s6, $0x2;
	v54 =	vld [tilespmem:s22+$0x41C0];
	v52 =	vmul.f32 v10, v15;
	(erf) = vpow2.f32 v0;
	v0 =	vadd.f32 v11, v60  }
0x432: {  	[tilespmem:s11+$0x6C20] =	vst v23;
	s5 =	sshll.u32 s7, $0x7;
	v45 =	vmul.f32 v40, v13;
	v4 =	vadd.f32 v4, v9;
	v11 =	vld [tilespmem:s22+$0x19C0];
	v9 =	vadd.f32 v28, v29  }
0x433: {  	v44 =	vmul.f32 v61, v43;
	v61 =	vld [tilespmem:s5+$0x1A00];
	[tilespmem:s11+$0x6C30] =	vst v52;
	v28 =	vperm.xlane v0, v1  }
0x434: {  	v57 =	vimm.s32 $0x1;
	v56 =	vld [tilespmem:s2+$0x41E0];
	v4 =	vmul.f32 $2.500000000e-01, v4;
	v29 =	vperm.xlane v9, v1  }
0x435: {  	v51 =	vld [tilespmem:s5+$0x19E0];
	v41 =	vperm.xlane v24, v57;
	v58 =	vmul.f32 v55, v22;
	v0 =	vadd.f32 v0, v28  }
0x436: {  	v12 =	vld [tilespmem:s5+$0x41A0];
	v60 =	vmul.f32 v50, v22;
	v4 =	vmul.f32 $1.442695020e+00, v4;
	v9 =	vadd.f32 v9, v29  }
0x437: {  	v29 =	vld [tilespmem:s22+$0x19D0];
	v11 =	vmul.f32 v54, v11;
	v28 =	vperm.xlane v0, v2  }
0x438: {  	(erf) = vpow2.f32 v4;
	v4 =	vld [tilespmem:s22+$0x41D0];
	v49 =	vperm.xlane v9, v2  }
0x439: {  	v61 =	vmul.f32 v61, v26;
	v46 =	vmul.f32 v56, v10;
	v10 =	vld [tilespmem:s5+$0x19A0];
	v0 =	vadd.f32 v0, v28  }
0x43a: {  	v50 =	vld [tilespmem:s5+$0x41B0];
	v11 =	vadd.f32 v58, v11;
	v28 =	vimm.s32 $0x1;
	v9 =	vadd.f32 v9, v49  }
0x43b: {  	v54 =	vld [tilespmem:s5+$0x19B0];
	v43 =	vperm.xlane v23, v28;
	v59 =	vperm.xlane v0, v3  }
0x43c: {  	v53 =	vperm.xlane v11, v1;
	v52 =	vperm.xlane v9, v3  }
0x43d: {  	v4 =	vmul.f32 v4, v29;
	v55 =	vmul.f32 v43, v15;
	v0 =	vadd.f32 v0, v59  }
0x43e: {  	v11 =	vadd.f32 v11, v53;
	v10 =	vmul.f32 v12, v10;
	v12 =	vmul.f32 v51, v26  }
0x43f: {  	v28 =	vpop (erf);
	v9 =	vadd.f32 v9, v52;
	v52 =	vld [tilespmem:s5+$0x19F0];
	v4 =	vadd.f32 v60, v4;
	v57 =	vperm.xlane v0, v7  }
0x440: {  	v49 =	vld [tilespmem:s5+$0x19C0];
	v48 =	vperm.xlane v28, v32;
	v10 =	vadd.f32 v12, v10;
	v12 =	vmul.f32 v50, v54  }
0x441: {  	v51 =	vld [tilespmem:s5+$0x19D0];
	v60 =	vperm.xlane v4, v1;
	v0 =	vadd.f32 v0, v57;
	v57 =	vperm.xlane v11, v2  }
0x442: {  	s16 =	sadd.s32 $0x1200, s24;
	v59 =	vld [tilespmem:s5+$0x41C0];
	v56 =	vmul.f32 v48, v18;
	v58 =	vperm.xlane v9, v7  }
0x443: {  	s0 =	sshra.s32 s16, $0x2;
	v4 =	vadd.f32 v4, v60;
	v60 =	vperm.xlane v10, v1;
	v11 =	vadd.f32 v11, v57;
	v57 =	vld [tilespmem:s5+$0x41D0]  }
0x444: {  	[tilespmem:s0+$0x6C20] =	vst v28;
	v29 =	vpop (erf);
	v9 =	vadd.f32 v9, v58;
	v0 =	vmul.f32 v31, v0;
	v50 =	vmul.f32 v52, v26;
	v52 =	vld [tilespmem:s5+$0x1A10]  }
0x445: {  	v53 =	vperm.xlane v29, v32;
	[tilespmem:s0+$0x6C30] =	vst v56;
	v58 =	vperm.xlane v4, v2;
	v10 =	vadd.f32 v10, v60  }
0x446: {  	[tilespmem:s28+$0x6C80] =	vst v30;
	v30 =	vld [tilespmem:s30+$0x41E0];
	v9 =	vmul.f32 v5, v9;
	v0 =	vadd.f32 $0.0e+00, v0;
	v12 =	vadd.f32 v50, v12  }
0x447: {  	v54 =	vperm.xlane v11, v3;
	v4 =	vadd.f32 v4, v58;
	v60 =	vperm.xlane v10, v2  }
0x448: {  	v0 =	vadd.f32 v9, v0;
	v9 =	vmul.f32 v59, v49;
	v50 =	vperm.xlane v12, v1  }
0x449: {  	v11 =	vadd.f32 v11, v54;
	v57 =	vmul.f32 v57, v51;
	v58 =	vmul.f32 v52, v26  }
0x44a: {  	v59 =	vperm.xlane v4, v3;
	v9 =	vadd.f32 v61, v9;
	v12 =	vadd.f32 v12, v50  }
0x44b: {  	v30 =	vmul.f32 v30, v48;
	v49 =	vadd.f32 v58, v57;
	v57 =	vperm.xlane v11, v7  }
0x44c: {  	v4 =	vadd.f32 v4, v59;
	v61 =	vperm.xlane v9, v1;
	v58 =	vperm.xlane v12, v2  }
0x44d: {  	v10 =	vadd.f32 v10, v60;
	v59 =	vperm.xlane v49, v1;
	v11 =	vadd.f32 v11, v57  }
0x44e: {  	v60 =	vperm.xlane v4, v7;
	v9 =	vadd.f32 v9, v61;
	v12 =	vadd.f32 v12, v58  }
0x44f: {  	v61 =	vperm.xlane v10, v3;
	v57 =	vadd.f32 v49, v59;
	v11 =	vmul.f32 v6, v11  }
0x450: {  	v4 =	vadd.f32 v4, v60;
	v54 =	vperm.xlane v9, v2;
	v58 =	vperm.xlane v12, v3  }
0x451: {  	[tilespmem:s25+$0x6C50] =	vst v36;
	v10 =	vadd.f32 v10, v61;
	v61 =	vmul.f32 v53, v21;
	v59 =	vperm.xlane v57, v2  }
0x452: {  	[tilespmem:s26+$0x6C50] =	vst v38;
	v0 =	vadd.f32 v11, v0;
	v4 =	vmul.f32 v8, v4;
	v9 =	vadd.f32 v9, v54  }
0x453: {  	[tilespmem:s25+$0x6C80] =	vst v35;
	v11 =	vperm.xlane v10, v7;
	v12 =	vadd.f32 v12, v58;
	v35 =	vadd.f32 v57, v59  }
0x454: {  	s6 =	sadd.s32 $0x1440, s24;
	[tilespmem:s28+$0x6C50] =	vst v37;
	v0 =	vadd.f32 v4, v0;
	v57 =	vimm.s32 $0x1;
	v60 =	vperm.xlane v9, v3  }
0x455: {  	s7 =	sshra.s32 s6, $0x2;
	[tilespmem:s15+$0x6C70] =	vst v44;
	v59 =	vimm.s32 $0x1;
	v4 =	vadd.f32 v10, v11;
	v10 =	vperm.xlane v12, v7  }
0x456: {  	[tilespmem:s7+$0x6C20] =	vst v29;
	v44 =	vperm.xlane v28, v57;
	v11 =	vperm.xlane v35, v3;
	v9 =	vadd.f32 v9, v60  }
0x457: {  	v56 =	vld [tilespmem:s29+$0x4200];
	[tilespmem:s7+$0x6C30] =	vst v61;
	v52 =	vperm.xlane v29, v59;
	v4 =	vmul.f32 v31, v4  }
0x458: {  	s17 =	sadd.s32 $0xC, s23;
	[tilespmem:s9+$0x6C80] =	vst v42;
	v50 =	vld [tilespmem:s3+$0x41E0];
	v10 =	vadd.f32 v12, v10;
	v11 =	vadd.f32 v35, v11;
	v49 =	vperm.xlane v9, v7  }
0x459: {  	s12 =	sshll.u32 s17, $0x4;
	s17 =	sshll.u32 s17, $0x7;
	[tilespmem:s11+$0x6C70] =	vst v46;
	v0 =	vmul.f32 $2.500000000e-01, v0;
	v58 =	vmul.f32 v44, v18;
	v4 =	vadd.f32 $0.0e+00, v4  }
0x45a: {  	v36 =	vld [tilespmem:s17+$0x19A0];
	[tilespmem:s11+$0x6C40] =	vst v55;
	v10 =	vmul.f32 v5, v10;
	v54 =	vperm.xlane v11, v7;
	v9 =	vadd.f32 v9, v49  }
0x45b: {  	[tilespmem:s9+$0x6C50] =	vst v45;
	v48 =	vld [tilespmem:s2+$0x41F0];
	v61 =	vmul.f32 v52, v21;
	v0 =	vmul.f32 $1.442695020e+00, v0  }
0x45c: {  	[tilespmem:s26+$0x6C80] =	vst v39;
	v60 =	vld [tilespmem:s1+$0x4200];
	v4 =	vadd.f32 v10, v4;
	v10 =	vadd.f32 v11, v54;
	v9 =	vmul.f32 v6, v9  }
0x45d: {  	[tilespmem:s0+$0x6C70] =	vst v30;
	v30 =	vmul.f32 v50, v53;
	v50 =	vmul.f32 v56, v63;
	v63 =	vld [tilespmem:s17+$0x41A0]  }
0x45e: {  	[tilespmem:s0+$0x6C40] =	vst v58;
	v58 =	vld [tilespmem:s17+$0x19B0];
	v4 =	vadd.f32 v9, v4;
	v9 =	vmul.f32 v8, v10  }
0x45f: {  	[tilespmem:s7+$0x6C40] =	vst v61;
	(erf) = vpow2.f32 v0;
	v0 =	vld [tilespmem:s8+$0x4200]  }
0x460: {  	v56 =	vimm.s32 $0x3;
	[tilespmem:s7+$0x6C70] =	vst v30;
	v11 =	vld [tilespmem:s4+$0x4200];
	v4 =	vadd.f32 v9, v4  }
0x461: {  	s19 =	sadd.s32 $0xD, s23;
	s12 =	sand.u32 $0x3FFFFFF0, s12;
	v27 =	vperm.xlane v27, v56;
	v30 =	vimm.s32 $0x3;
	v12 =	vld [tilespmem:s3+$0x41F0]  }
0x462: {  	s31 =	sshll.u32 s19, $0x4;
	v30 =	vperm.xlane v19, v30;
	v19 =	vld [tilespmem:s12+$0x320];
	v4 =	vmul.f32 $2.500000000e-01, v4  }
0x463: {  	v42 =	vmul.f32 v27, v20;
	v20 =	vld [tilespmem:s17+$0x41C0];
	s12 =	sand.u32 $0x3FFFFFF0, s31;
	s31 =	sshll.u32 s19, $0x7  }
0x464: {  	v54 =	vld [tilespmem:s31+$0x19A0];
	v4 =	vmul.f32 $1.442695020e+00, v4  }
0x465: {  	v47 =	vmul.f32 v41, v14;
	v56 =	vld [tilespmem:s31+$0x19E0]  }
0x466: {  	v59 =	vimm.s32 $0x2;
	v51 =	vmul.f32 v0, v62;
	v0 =	vld [tilespmem:s17+$0x41B0];
	(erf) = vpow2.f32 v4  }
0x467: {  	v39 =	vperm.xlane v24, v59;
	v59 =	vimm.s32 $0x2;
	v45 =	vmul.f32 v11, v33;
	v11 =	vld [tilespmem:s17+$0x19F0]  }
0x468: {  	v37 =	vmul.f32 v60, v40;
	v40 =	vperm.xlane v28, v59;
	v59 =	vld [tilespmem:s31+$0x19B0]  }
0x469: {  	[tilespmem:s15+$0x6C40] =	vst v47;
	v61 =	vimm.s32 $0x2;
	v4 =	vld [tilespmem:s17+$0x19E0]  }
0x46a: {  	v38 =	vperm.xlane v23, v61;
	[tilespmem:$0x1FFD0] =	vst v30;
	v49 =	vmul.f32 v30, v16;
	v30 =	vimm.s32 $0x3;
	v10 =	vld [tilespmem:s14+$0x41F0];
	v35 =	vpop (erf)  }
0x46b: {  	v30 =	vperm.xlane v25, v30;
	v9 =	vld [tilespmem:s30+$0x41F0];
	v53 =	vperm.xlane v35, v32  }
0x46c: {  	s18 =	sadd.s32 $0x1680, s24;
	v16 =	vld [tilespmem:s12+$0x320];
	v0 =	vmul.f32 v0, v58;
	v11 =	vmul.f32 v11, v19  }
0x46d: {  	s16 =	sshra.s32 s18, $0x2;
	[tilespmem:$0x1FFE0] =	vst v27;
	v60 =	vimm.s32 $0x3;
	v62 =	vmul.f32 v63, v36;
	v63 =	vld [tilespmem:s17+$0x1A00];
	v57 =	vmul.f32 v53, v22  }
0x46e: {  	v27 =	vperm.xlane v34, v60;
	[tilespmem:s16+$0x6C20] =	vst v35;
	v0 =	vadd.f32 v11, v0;
	v11 =	vld [tilespmem:s31+$0x41A0];
	v4 =	vmul.f32 v4, v19  }
0x46f: {  	v47 =	vmul.f32 v30, v17;
	v46 =	vmul.f32 v10, v41;
	v10 =	vld [tilespmem:s17+$0x19C0];
	[tilespmem:s16+$0x6C30] =	vst v57;
	v36 =	vpop (erf)  }
0x470: {  	v34 =	vmul.f32 v9, v44;
	v17 =	vld [tilespmem:s22+$0x41E0];
	v4 =	vadd.f32 v4, v62;
	v9 =	vperm.xlane v36, v32  }
0x471: {  	s18 =	sadd.s32 $0x18C0, s24;
	v44 =	vmul.f32 v12, v52;
	v12 =	vld [tilespmem:s31+$0x41B0];
	v62 =	vperm.xlane v0, v1  }
0x472: {  	s18 =	sshra.s32 s18, $0x2;
	v60 =	vperm.xlane v4, v1;
	v61 =	vmul.f32 v9, v26  }
0x473: {  	v58 =	vld [tilespmem:s17+$0x41D0];
	v11 =	vmul.f32 v11, v54;
	v0 =	vadd.f32 v0, v62;
	v62 =	vmul.f32 v56, v16;
	[tilespmem:s18+$0x6C20] =	vst v36  }
0x474: {  	v63 =	vmul.f32 v63, v19;
	v52 =	vld [tilespmem:s31+$0x19F0];
	v10 =	vmul.f32 v20, v10;
	v4 =	vadd.f32 v4, v60;
	[tilespmem:s18+$0x6C30] =	vst v61  }
0x475: {  	v43 =	vmul.f32 v48, v43;
	v53 =	vmul.f32 v17, v53;
	v11 =	vadd.f32 v62, v11;
	v17 =	vld [tilespmem:s5+$0x41E0]  }
0x476: {  	v20 =	vld [tilespmem:s17+$0x19D0];
	v10 =	vadd.f32 v63, v10;
	v12 =	vmul.f32 v12, v59;
	v55 =	vperm.xlane v4, v2  }
0x477: {  	v60 =	vimm.s32 $0x2;
	v62 =	vperm.xlane v11, v1;
	v61 =	vperm.xlane v0, v2  }
0x478: {  	v63 =	vperm.xlane v10, v1;
	v41 =	vperm.xlane v29, v60;
	v60 =	vld [tilespmem:s17+$0x1A10];
	v4 =	vadd.f32 v4, v55  }
0x479: {  	v11 =	vadd.f32 v11, v62;
	v0 =	vadd.f32 v0, v61;
	v61 =	vmul.f32 v52, v16  }
0x47a: {  	v52 =	vmul.f32 v17, v9;
	v9 =	vperm.xlane v4, v3  }
0x47b: {  	v20 =	vmul.f32 v58, v20;
	v62 =	vperm.xlane v11, v2;
	v12 =	vadd.f32 v61, v12  }
0x47c: {  	v10 =	vadd.f32 v10, v63;
	v17 =	vperm.xlane v0, v3;
	v4 =	vadd.f32 v4, v9  }
0x47d: {  	v63 =	vmul.f32 v60, v19;
	v11 =	vadd.f32 v11, v62;
	v60 =	vperm.xlane v12, v1  }
0x47e: {  	v57 =	vld [tilespmem:s31+$0x1A00];
	v9 =	vperm.xlane v10, v2;
	v0 =	vadd.f32 v0, v17;
	v61 =	vperm.xlane v4, v7  }
0x47f: {  	v59 =	vld [tilespmem:s31+$0x19D0];
	v56 =	vperm.xlane v11, v3;
	v17 =	vadd.f32 v63, v20;
	v12 =	vadd.f32 v12, v60  }
0x480: {  	v54 =	vld [tilespmem:s31+$0x41C0];
	v9 =	vadd.f32 v10, v9;
	v63 =	vperm.xlane v0, v7;
	v4 =	vadd.f32 v4, v61  }
0x481: {  	v11 =	vadd.f32 v11, v56;
	v10 =	vld [tilespmem:s31+$0x19C0];
	v62 =	vperm.xlane v12, v2;
	v61 =	vperm.xlane v17, v1  }
0x482: {  	s6 =	sadd.s32 $0xE, s23;
	v58 =	vld [tilespmem:s31+$0x1A10];
	v60 =	vperm.xlane v9, v3;
	v0 =	vadd.f32 v0, v63;
	v4 =	vmul.f32 v31, v4  }
0x483: {  	s19 =	sshll.u32 s6, $0x4;
	v55 =	vld [tilespmem:s31+$0x41D0];
	v12 =	vadd.f32 v12, v62;
	v62 =	vperm.xlane v11, v7;
	v17 =	vadd.f32 v17, v61  }
0x484: {  	s12 =	sand.u32 $0x3FFFFFF0, s19;
	v9 =	vadd.f32 v9, v60;
	v0 =	vmul.f32 v5, v0;
	v4 =	vadd.f32 $0.0e+00, v4  }
0x485: {  	s6 =	sshll.u32 s6, $0x7;
	v20 =	vld [tilespmem:s12+$0x320];
	v63 =	vperm.xlane v12, v3;
	v11 =	vadd.f32 v11, v62;
	v61 =	vperm.xlane v17, v2  }
0x486: {  	v56 =	vld [tilespmem:s6+$0x41A0];
	v0 =	vadd.f32 v0, v4;
	v4 =	vmul.f32 v54, v10;
	v10 =	vmul.f32 v57, v16  }
0x487: {  	v62 =	vld [tilespmem:s6+$0x41C0];
	v60 =	vperm.xlane v9, v7;
	v12 =	vadd.f32 v12, v63;
	v17 =	vadd.f32 v17, v61  }
0x488: {  	v54 =	vld [tilespmem:s6+$0x19A0];
	v4 =	vadd.f32 v10, v4;
	v10 =	vmul.f32 v55, v59;
	v55 =	vmul.f32 v58, v16  }
0x489: {  	v48 =	vmul.f32 v40, v18;
	v9 =	vadd.f32 v9, v60;
	v57 =	vld [tilespmem:s6+$0x19B0];
	v59 =	vperm.xlane v17, v3  }
0x48a: {  	v60 =	vperm.xlane v12, v7;
	v58 =	vld [tilespmem:s6+$0x19E0];
	v61 =	vperm.xlane v4, v1;
	v10 =	vadd.f32 v55, v10  }
0x48b: {  	v11 =	vmul.f32 v31, v11;
	v9 =	vmul.f32 v6, v9;
	v55 =	vld [tilespmem:s6+$0x41B0];
	v17 =	vadd.f32 v17, v59  }
0x48c: {  	v12 =	vadd.f32 v12, v60;
	v59 =	vld [tilespmem:s6+$0x19F0];
	v4 =	vadd.f32 v4, v61;
	v60 =	vperm.xlane v10, v1  }
0x48d: {  	v11 =	vadd.f32 $0.0e+00, v11;
	v0 =	vadd.f32 v9, v0;
	v61 =	vld [tilespmem:s6+$0x19C0];
	v9 =	vperm.xlane v17, v7  }
0x48e: {  	v12 =	vmul.f32 v5, v12;
	v63 =	vperm.xlane v4, v2;
	v10 =	vadd.f32 v10, v60;
	v60 =	vld [tilespmem:s6+$0x1A00]  }
0x48f: {  	v9 =	vadd.f32 v17, v9;
	v17 =	vmul.f32 v56, v54;
	v54 =	vmul.f32 v58, v20;
	v56 =	vld [tilespmem:s6+$0x19D0]  }
0x490: {  	v25 =	vmul.f32 v39, v14;
	v11 =	vadd.f32 v12, v11;
	v58 =	vld [tilespmem:s6+$0x41D0];
	v4 =	vadd.f32 v4, v63  }
0x491: {  	v12 =	vperm.xlane v10, v2;
	v17 =	vadd.f32 v54, v17;
	v54 =	vmul.f32 v55, v57  }
0x492: {  	v55 =	vmul.f32 v59, v20;
	v57 =	vld [tilespmem:s6+$0x1A10];
	v63 =	vimm.s32 $0x1;
	v9 =	vmul.f32 v8, v9  }
0x493: {  	v59 =	vperm.xlane v35, v63;
	v10 =	vadd.f32 v10, v12;
	v63 =	vperm.xlane v4, v3  }
0x494: {  	v54 =	vadd.f32 v55, v54;
	v55 =	vperm.xlane v17, v1;
	v12 =	vmul.f32 v62, v61  }
0x495: {  	v0 =	vadd.f32 v9, v0;
	v60 =	vmul.f32 v60, v20;
	v56 =	vmul.f32 v58, v56  }
0x496: {  	v4 =	vadd.f32 v4, v63;
	v17 =	vadd.f32 v17, v55;
	v55 =	vperm.xlane v54, v1  }
0x497: {  	v61 =	vperm.xlane v10, v3;
	v12 =	vadd.f32 v60, v12;
	v57 =	vmul.f32 v57, v20  }
0x498: {  	v58 =	vperm.xlane v4, v7;
	v60 =	vperm.xlane v17, v2;
	v54 =	vadd.f32 v54, v55  }
0x499: {  	v10 =	vadd.f32 v10, v61;
	v62 =	vperm.xlane v12, v1;
	v56 =	vadd.f32 v57, v56  }
0x49a: {  	v4 =	vadd.f32 v4, v58;
	v57 =	vadd.f32 v17, v60;
	v17 =	vperm.xlane v54, v2  }
0x49b: {  	[tilespmem:s15+$0x6C50] =	vst v25;
	s12 =	sadd.s32 $0xF, s23;
	v58 =	vperm.xlane v10, v7;
	v12 =	vadd.f32 v12, v62;
	v55 =	vperm.xlane v56, v1  }
0x49c: {  	[tilespmem:s15+$0x6C80] =	vst v46;
	s19 =	sshll.u32 s12, $0x4;
	v4 =	vmul.f32 v6, v4;
	v60 =	vperm.xlane v57, v3;
	v54 =	vadd.f32 v54, v17  }
0x49d: {  	[tilespmem:s26+$0x6C90] =	vst v51;
	v51 =	vld [tilespmem:s14+$0x4200];
	s19 =	sand.u32 $0x3FFFFFF0, s19;
	v10 =	vadd.f32 v10, v58;
	v63 =	vperm.xlane v12, v2;
	v55 =	vadd.f32 v56, v55  }
0x49e: {  	v17 =	vld [tilespmem:s19+$0x320];
	s19 =	sshll.u32 s12, $0x7;
	v4 =	vadd.f32 v4, v11;
	v11 =	vadd.f32 v57, v60;
	v61 =	vperm.xlane v54, v3  }
0x49f: {  	v10 =	vmul.f32 v8, v10;
	v57 =	vld [tilespmem:s19+$0x19E0];
	v12 =	vadd.f32 v12, v63;
	v62 =	vperm.xlane v55, v2  }
0x4a0: {  	v0 =	vmul.f32 $2.500000000e-01, v0;
	v58 =	vld [tilespmem:s19+$0x19A0];
	v9 =	vperm.xlane v11, v7;
	v54 =	vadd.f32 v54, v61  }
0x4a1: {  	v56 =	vld [tilespmem:s19+$0x41A0];
	v4 =	vadd.f32 v10, v4;
	v10 =	vperm.xlane v12, v3;
	v55 =	vadd.f32 v55, v62  }
0x4a2: {  	v0 =	vmul.f32 $1.442695020e+00, v0;
	v60 =	vld [tilespmem:s19+$0x19B0];
	v9 =	vadd.f32 v11, v9;
	v11 =	vperm.xlane v54, v7  }
0x4a3: {  	v61 =	vld [tilespmem:s19+$0x41B0];
	v4 =	vmul.f32 $2.500000000e-01, v4;
	v10 =	vadd.f32 v12, v10;
	v12 =	vperm.xlane v55, v3  }
0x4a4: {  	v63 =	vmul.f32 v57, v17;
	v57 =	vld [tilespmem:s19+$0x1A10];
	v9 =	vmul.f32 v31, v9;
	v11 =	vadd.f32 v54, v11  }
0x4a5: {  	v54 =	vld [tilespmem:s19+$0x19F0];
	v4 =	vmul.f32 $1.442695020e+00, v4;
	v62 =	vperm.xlane v10, v7;
	v12 =	vadd.f32 v55, v12  }
0x4a6: {  	(erf) = vpow2.f32 v0;
	v55 =	vld [tilespmem:s19+$0x19C0];
	v0 =	vadd.f32 $0.0e+00, v9;
	v9 =	vmul.f32 v5, v11  }
0x4a7: {  	v11 =	vld [tilespmem:s19+$0x41C0];
	(erf) = vpow2.f32 v4;
	v4 =	vadd.f32 v10, v62;
	v10 =	vperm.xlane v12, v7  }
0x4a8: {  	v33 =	vmul.f32 v38, v15;
	v0 =	vadd.f32 v9, v0;
	v9 =	vmul.f32 v56, v58  }
0x4a9: {  	[tilespmem:s25+$0x6C90] =	vst v50;
	v39 =	vmul.f32 v51, v39;
	v50 =	vld [tilespmem:s19+$0x1A00];
	v4 =	vmul.f32 v6, v4;
	v10 =	vadd.f32 v12, v10  }
0x4aa: {  	[tilespmem:s11+$0x6C80] =	vst v43;
	v62 =	vmul.f32 v61, v60;
	v56 =	vld [tilespmem:s19+$0x19D0];
	v58 =	vmul.f32 v59, v22;
	v9 =	vadd.f32 v63, v9  }
0x4ab: {  	[tilespmem:s16+$0x6C70] =	vst v53;
	v12 =	vld [tilespmem:s19+$0x41D0];
	v63 =	vmul.f32 v54, v17;
	v0 =	vadd.f32 v4, v0;
	v10 =	vmul.f32 v8, v10  }
0x4ac: {  	[tilespmem:s16+$0x6C40] =	vst v58;
	v4 =	vimm.s32 $0x1;
	v11 =	vmul.f32 v11, v55;
	v55 =	vmul.f32 v57, v17  }
0x4ad: {  	[tilespmem:s28+$0x6C60] =	vst v42;
	v60 =	vld [tilespmem:s22+$0x41F0];
	v4 =	vperm.xlane v36, v4;
	v61 =	vperm.xlane v9, v1  }
0x4ae: {  	[tilespmem:s25+$0x6C60] =	vst v49;
	v58 =	vadd.f32 v63, v62;
	v62 =	vmul.f32 v50, v17;
	v0 =	vadd.f32 v10, v0  }
0x4af: {  	[tilespmem:s0+$0x6C50] =	vst v48;
	v10 =	vmul.f32 v41, v21;
	v63 =	vmul.f32 v4, v26;
	v9 =	vadd.f32 v9, v61  }
0x4b0: {  	[tilespmem:s26+$0x6C60] =	vst v47;
	v53 =	vperm.xlane v58, v1;
	v11 =	vadd.f32 v62, v11;
	v12 =	vmul.f32 v12, v56  }
0x4b1: {  	[tilespmem:s28+$0x6C90] =	vst v45;
	v0 =	vmul.f32 $2.500000000e-01, v0;
	v56 =	vperm.xlane v9, v2  }
0x4b2: {  	[tilespmem:s11+$0x6C50] =	vst v33;
	v47 =	vadd.f32 v58, v53;
	v49 =	vmul.f32 v60, v59;
	v57 =	vperm.xlane v11, v1  }
0x4b3: {  	[tilespmem:s18+$0x6C70] =	vst v52;
	v60 =	vimm.s32 $0x2;
	v53 =	vimm.s32 $0x2;
	v0 =	vmul.f32 $1.442695020e+00, v0  }
0x4b4: {  	[tilespmem:s18+$0x6C40] =	vst v63;
	v12 =	vadd.f32 v55, v12;
	v46 =	vperm.xlane v35, v60;
	v48 =	vperm.xlane v36, v53  }
0x4b5: {  	[tilespmem:s0+$0x6C80] =	vst v34;
	v34 =	vpop (erf);
	v58 =	vld [tilespmem:s5+$0x41F0];
	v60 =	vmul.f32 v27, v13;
	v9 =	vadd.f32 v9, v56;
	v59 =	vperm.xlane v47, v2  }
0x4b6: {  	v45 =	vld [tilespmem:s29+$0x4210];
	v11 =	vadd.f32 v11, v57;
	v61 =	vperm.xlane v12, v1;
	[tilespmem:s16+$0x6C80] =	vst v49;
	v49 =	vperm.xlane v34, v32  }
0x4b7: {  	v43 =	vld [tilespmem:s8+$0x4210];
	[tilespmem:s7+$0x6C80] =	vst v44;
	(erf) = vpow2.f32 v0;
	v0 =	vperm.xlane v9, v3;
	v62 =	vadd.f32 v47, v59  }
0x4b8: {  	v42 =	vld [tilespmem:s4+$0x4210];
	s8 =	sadd.s32 $0x1B00, s24;
	[tilespmem:s15+$0x6C90] =	vst v39;
	v63 =	vmul.f32 v46, v22;
	v52 =	vperm.xlane v11, v2;
	v12 =	vadd.f32 v12, v61  }
0x4b9: {  	s4 =	sshra.s32 s8, $0x2;
	s12 =	sadd.s32 $0x10, s23;
	[tilespmem:s7+$0x6C50] =	vst v10;
	v10 =	vmul.f32 v48, v26;
	v61 =	vld [tilespmem:s30+$0x4200];
	v0 =	vadd.f32 v9, v0;
	v9 =	vperm.xlane v62, v3  }
0x4ba: {  	s29 =	sshll.u32 s12, $0x4;
	[tilespmem:s4+$0x6C20] =	vst v34;
	v33 =	vpop (erf);
	v4 =	vmul.f32 v58, v4;
	v11 =	vadd.f32 v11, v52;
	v54 =	vperm.xlane v12, v2;
	v58 =	vld [tilespmem:s2+$0x4200]  }
0x4bb: {  	s29 =	sand.u32 $0x3FFFFFF0, s29;
	v47 =	vperm.xlane v33, v32;
	[tilespmem:s16+$0x6C50] =	vst v63;
	v63 =	vimm.s32 $0x3;
	v55 =	vperm.xlane v0, v7  }
0x4bc: {  	v25 =	vld [tilespmem:s29+$0x320];
	s29 =	sadd.s32 $0x1D40, s24;
	[tilespmem:s18+$0x6C50] =	vst v10;
	v9 =	vadd.f32 v62, v9;
	v56 =	vperm.xlane v11, v3;
	v12 =	vadd.f32 v12, v54  }
0x4bd: {  	s12 =	sshll.u32 s12, $0x7;
	s8 =	sshra.s32 s29, $0x2;
	v10 =	vmul.f32 v47, v16;
	[tilespmem:s18+$0x6C80] =	vst v4;
	v4 =	vmul.f32 v49, v19;
	v54 =	vld [tilespmem:s22+$0x4200];
	v0 =	vadd.f32 v0, v55  }
0x4be: {  	v50 =	vld [tilespmem:s12+$0x19B0];
	[tilespmem:s8+$0x6C20] =	vst v33;
	v57 =	vperm.xlane v9, v7;
	v11 =	vadd.f32 v11, v56;
	v59 =	vperm.xlane v12, v3  }
0x4bf: {  	s29 =	sadd.s32 $0x1F80, s24;
	v62 =	vld [tilespmem:s3+$0x4200];
	[tilespmem:s8+$0x6C30] =	vst v10;
	v52 =	vmul.f32 v58, v38;
	v58 =	vmul.f32 v61, v40;
	v61 =	vimm.s32 $0x3  }
0x4c0: {  	s29 =	sshra.s32 s29, $0x2;
	v51 =	vld [tilespmem:s5+$0x4200];
	[tilespmem:s4+$0x6C30] =	vst v4;
	v0 =	vmul.f32 v31, v0;
	v9 =	vadd.f32 v9, v57;
	v13 =	vpop (erf);
	v4 =	vperm.xlane v11, v7  }
0x4c1: {  	v55 =	vld [tilespmem:s31+$0x41E0];
	v12 =	vadd.f32 v12, v59;
	v39 =	vperm.xlane v35, v61;
	v10 =	vperm.xlane v13, v32;
	[tilespmem:s29+$0x6C20] =	vst v13  }
0x4c2: {  	[tilespmem:s11+$0x6C90] =	vst v52;
	v53 =	vmul.f32 v54, v46;
	v54 =	vld [tilespmem:s12+$0x41B0];
	v0 =	vadd.f32 $0.0e+00, v0;
	v9 =	vmul.f32 v5, v9  }
0x4c3: {  	[tilespmem:s0+$0x6C90] =	vst v58;
	v58 =	vld [tilespmem:s12+$0x19C0];
	v4 =	vadd.f32 v11, v4;
	v11 =	vperm.xlane v12, v7;
	v22 =	vmul.f32 v39, v22  }
0x4c4: {  	v24 =	vperm.xlane v24, v63;
	v52 =	vld [tilespmem:s12+$0x1A10];
	[tilespmem:s16+$0x6C90] =	vst v53;
	v0 =	vadd.f32 v9, v0;
	v9 =	vmul.f32 v10, v20  }
0x4c5: {  	v57 =	vimm.s32 $0x3;
	v11 =	vadd.f32 v12, v11;
	v12 =	vld [tilespmem:s17+$0x41E0];
	v4 =	vmul.f32 v6, v4;
	[tilespmem:s16+$0x6C60] =	vst v22  }
0x4c6: {  	v38 =	vperm.xlane v23, v57;
	v61 =	vmul.f32 v55, v47;
	v47 =	vld [tilespmem:s22+$0x4210];
	[tilespmem:s29+$0x6C30] =	vst v9;
	v9 =	vimm.s32 $0x3  }
0x4c7: {  	v0 =	vadd.f32 v4, v0;
	v4 =	vmul.f32 v8, v11;
	v23 =	vperm.xlane v28, v9;
	v9 =	vld [tilespmem:s6+$0x41E0]  }
0x4c8: {  	[tilespmem:s9+$0x6C60] =	vst v60;
	v60 =	vimm.s32 $0x3;
	v14 =	vmul.f32 v24, v14;
	v56 =	vmul.f32 v51, v48;
	v28 =	vld [tilespmem:s12+$0x19A0]  }
0x4c9: {  	v11 =	vmul.f32 v38, v15;
	v0 =	vadd.f32 v4, v0;
	v4 =	vld [tilespmem:s12+$0x41A0];
	v59 =	vmul.f32 v23, v18  }
0x4ca: {  	[tilespmem:s9+$0x6C90] =	vst v37;
	v57 =	vimm.s32 $0x1;
	v18 =	vperm.xlane v29, v60;
	v29 =	vmul.f32 v62, v41;
	v62 =	vld [tilespmem:s12+$0x19E0]  }
0x4cb: {  	v40 =	vperm.xlane v34, v57;
	[tilespmem:s11+$0x6C60] =	vst v11;
	v11 =	vimm.s32 $0x3;
	v41 =	vld [tilespmem:s1+$0x4210];
	v0 =	vmul.f32 $2.500000000e-01, v0  }
0x4cc: {  	v63 =	vmul.f32 v18, v21;
	v21 =	vperm.xlane v36, v11;
	v11 =	vld [tilespmem:s12+$0x19F0]  }
0x4cd: {  	[tilespmem:s15+$0x6C60] =	vst v14;
	v51 =	vmul.f32 v54, v50;
	v48 =	vld [tilespmem:s2+$0x4210];
	v0 =	vmul.f32 $1.442695020e+00, v0  }
0x4ce: {  	v22 =	vmul.f32 v52, v25;
	[tilespmem:s0+$0x6C60] =	vst v59;
	v59 =	vld [tilespmem:s12+$0x1A00];
	v4 =	vmul.f32 v4, v28  }
0x4cf: {  	[tilespmem:s18+$0x6C90] =	vst v56;
	v54 =	vimm.s32 $0x1;
	(erf) = vpow2.f32 v0;
	v0 =	vld [tilespmem:s12+$0x41C0];
	v60 =	vmul.f32 v62, v25  }
0x4d0: {  	v46 =	vperm.xlane v13, v54;
	[tilespmem:s7+$0x6C90] =	vst v29;
	v29 =	vmul.f32 v40, v19;
	v28 =	vld [tilespmem:s12+$0x19D0]  }
0x4d1: {  	v12 =	vmul.f32 v12, v49;
	[tilespmem:s7+$0x6C60] =	vst v63;
	v63 =	vld [tilespmem:s12+$0x41D0];
	v4 =	vadd.f32 v60, v4;
	v11 =	vmul.f32 v11, v25  }
0x4d2: {  	v9 =	vmul.f32 v9, v10;
	v10 =	vld [tilespmem:s14+$0x4210];
	[tilespmem:s4+$0x6C40] =	vst v29;
	v29 =	vmul.f32 v46, v20;
	v62 =	vimm.s32 $0x1  }
0x4d3: {  	[tilespmem:s8+$0x6C70] =	vst v61;
	v37 =	vld [tilespmem:s30+$0x4210];
	v44 =	vperm.xlane v33, v62;
	v55 =	vperm.xlane v4, v1;
	v11 =	vadd.f32 v11, v51  }
0x4d4: {  	[tilespmem:s4+$0x6C70] =	vst v12;
	v49 =	vld [tilespmem:s3+$0x4210];
	v56 =	vmul.f32 v59, v25;
	v0 =	vmul.f32 v0, v58  }
0x4d5: {  	v26 =	vmul.f32 v21, v26;
	[tilespmem:s29+$0x6C70] =	vst v9;
	v52 =	vld [tilespmem:s17+$0x41F0];
	v4 =	vadd.f32 v4, v55;
	v57 =	vperm.xlane v11, v1  }
0x4d6: {  	[tilespmem:s29+$0x6C40] =	vst v29;
	v29 =	vld [tilespmem:$0x1FFE0];
	v53 =	vmul.f32 v44, v16;
	v58 =	vmul.f32 v63, v28;
	v0 =	vadd.f32 v56, v0  }
0x4d7: {  	s30 =	sadd.s32 $0x11, s23;
	[tilespmem:s18+$0x6C60] =	vst v26;
	v54 =	vld [tilespmem:s6+$0x41F0];
	v59 =	vperm.xlane v4, v2;
	v9 =	vadd.f32 v11, v57  }
0x4d8: {  	v51 =	vld [tilespmem:s5+$0x4210];
	s5 =	sshll.u32 s30, $0x4;
	[tilespmem:s8+$0x6C40] =	vst v53;
	v12 =	vadd.f32 v22, v58;
	v11 =	vperm.xlane v0, v1  }
0x4d9: {  	s3 =	sand.u32 $0x3FFFFFF0, s5;
	v53 =	vld [tilespmem:s31+$0x41F0];
	v14 =	vpop (erf);
	v4 =	vadd.f32 v4, v59;
	v61 =	vperm.xlane v9, v2  }
0x4da: {  	s2 =	sshll.u32 s30, $0x7;
	v15 =	vld [tilespmem:s3+$0x320];
	v50 =	vperm.xlane v14, v32;
	v0 =	vadd.f32 v0, v11;
	v11 =	vperm.xlane v12, v1  }
0x4db: {  	s14 =	sadd.s32 $0x12, s23;
	v37 =	vmul.f32 v37, v23;
	v56 =	vld [tilespmem:s2+$0x19A0];
	v62 =	vperm.xlane v4, v3;
	v9 =	vadd.f32 v9, v61  }
0x4dc: {  	s22 =	sadd.s32 $0x21C0, s24;
	s3 =	sshll.u32 s14, $0x7;
	v58 =	vld [tilespmem:s2+$0x19E0];
	v60 =	vmul.f32 v50, v17;
	v63 =	vperm.xlane v0, v2;
	v11 =	vadd.f32 v12, v11  }
0x4dd: {  	s1 =	sshra.s32 s22, $0x2;
	v23 =	vmul.f32 v47, v39;
	v39 =	vld [tilespmem:s3+$0x41A0];
	v4 =	vadd.f32 v4, v62;
	v32 =	vperm.xlane v9, v3  }
0x4de: {  	[tilespmem:s1+$0x6C30] =	vst v60;
	v60 =	vld [tilespmem:$0x1FFD0];
	v0 =	vadd.f32 v0, v63;
	v35 =	vperm.xlane v11, v2  }
0x4df: {  	v57 =	vld [tilespmem:s2+$0x41A0];
	v22 =	vmul.f32 v51, v21;
	v28 =	vperm.xlane v4, v7;
	v9 =	vadd.f32 v9, v32  }
0x4e0: {  	[tilespmem:s1+$0x6C20] =	vst v14;
	v59 =	vld [tilespmem:s2+$0x41B0];
	v36 =	vperm.xlane v0, v3;
	v11 =	vadd.f32 v11, v35;
	v35 =	vmul.f32 v42, v29  }
0x4e1: {  	v55 =	vld [tilespmem:s19+$0x41E0];
	v29 =	vmul.f32 v41, v27;
	v61 =	vperm.xlane v9, v7  }
0x4e2: {  	v12 =	vld [tilespmem:s2+$0x19C0];
	v4 =	vadd.f32 v4, v28;
	v28 =	vmul.f32 v43, v30;
	v30 =	vmul.f32 v48, v38  }
0x4e3: {  	v32 =	vld [tilespmem:s2+$0x19F0];
	v38 =	vmul.f32 v52, v40;
	v26 =	vmul.f32 v45, v60  }
0x4e4: {  	v41 =	vld [tilespmem:s2+$0x41C0];
	v0 =	vadd.f32 v0, v36;
	v62 =	vperm.xlane v11, v3;
	v36 =	vmul.f32 v10, v24  }
0x4e5: {  	v42 =	vld [tilespmem:s2+$0x1A00];
	v60 =	vmul.f32 v49, v18;
	v49 =	vmul.f32 v58, v15;
	[tilespmem:s9+$0x6CA0] =	vst v29;
	v29 =	vimm.s32 $0x2  }
0x4e6: {  	s22 =	sshll.u32 s14, $0x4;
	v45 =	vld [tilespmem:s2+$0x19B0];
	v4 =	vmul.f32 v31, v4;
	v9 =	vadd.f32 v9, v61;
	v24 =	vmul.f32 v55, v50  }
0x4e7: {  	s5 =	sand.u32 $0x3FFFFFF0, s22;
	v10 =	vld [tilespmem:s2+$0x19D0];
	v29 =	vperm.xlane v34, v29;
	v63 =	vperm.xlane v0, v7;
	v11 =	vadd.f32 v11, v62  }
0x4e8: {  	v18 =	vld [tilespmem:s5+$0x320];
	v52 =	vmul.f32 v32, v15;
	v32 =	vmul.f32 v53, v44;
	v4 =	vadd.f32 $0.0e+00, v4  }
0x4e9: {  	v61 =	vld [tilespmem:s3+$0x19F0];
	v9 =	vmul.f32 v5, v9;
	v0 =	vadd.f32 v0, v63;
	v27 =	vperm.xlane v11, v7  }
0x4ea: {  	v12 =	vmul.f32 v41, v12;
	v50 =	vmul.f32 v42, v15;
	v42 =	vld [tilespmem:s3+$0x1A00]  }
0x4eb: {  	v4 =	vadd.f32 v9, v4;
	v0 =	vmul.f32 v6, v0;
	v9 =	vadd.f32 v11, v27;
	v11 =	vld [tilespmem:s2+$0x41D0]  }
0x4ec: {  	v43 =	vld [tilespmem:s2+$0x1A10];
	[tilespmem:s11+$0x6CA0] =	vst v30;
	v30 =	vmul.f32 v29, v19;
	v51 =	vmul.f32 v59, v45  }
0x4ed: {  	v59 =	vld [tilespmem:s3+$0x41B0];
	v12 =	vadd.f32 v50, v12;
	v0 =	vadd.f32 v0, v4;
	v4 =	vmul.f32 v8, v9  }
0x4ee: {  	v27 =	vmul.f32 v54, v46;
	v58 =	vadd.f32 v52, v51;
	v52 =	vmul.f32 v61, v18;
	v9 =	vld [tilespmem:s3+$0x19A0]  }
0x4ef: {  	v55 =	vperm.xlane v12, v1;
	v0 =	vadd.f32 v4, v0;
	v4 =	vmul.f32 v57, v56;
	v56 =	vld [tilespmem:s3+$0x19E0]  }
0x4f0: {  	v42 =	vmul.f32 v42, v18;
	v57 =	vld [tilespmem:s3+$0x19B0];
	v10 =	vmul.f32 v11, v10  }
0x4f1: {  	v41 =	vld [tilespmem:s3+$0x41D0];
	v11 =	vmul.f32 v43, v15;
	v0 =	vmul.f32 $2.500000000e-01, v0  }
0x4f2: {  	v63 =	vperm.xlane v58, v1;
	v12 =	vadd.f32 v12, v55;
	v43 =	vld [tilespmem:s3+$0x19D0];
	v4 =	vadd.f32 v49, v4  }
0x4f3: {  	v45 =	vld [tilespmem:s3+$0x41C0];
	v9 =	vmul.f32 v39, v9;
	v10 =	vadd.f32 v11, v10;
	v0 =	vmul.f32 $1.442695020e+00, v0  }
0x4f4: {  	v54 =	vadd.f32 v58, v63;
	v39 =	vld [tilespmem:s3+$0x19C0];
	v62 =	vperm.xlane v4, v1;
	v51 =	vmul.f32 v56, v18  }
0x4f5: {  	v11 =	vmul.f32 v59, v57;
	v56 =	vperm.xlane v10, v1  }
0x4f6: {  	v57 =	vperm.xlane v54, v2;
	v4 =	vadd.f32 v4, v62;
	v62 =	vperm.xlane v12, v2  }
0x4f7: {  	(erf) = vpow2.f32 v0;
	v41 =	vmul.f32 v41, v43  }
0x4f8: {  	v9 =	vadd.f32 v51, v9;
	v11 =	vadd.f32 v52, v11;
	v53 =	vperm.xlane v4, v2  }
0x4f9: {  	s30 =	sadd.s32 $0x13, s23;
	v10 =	vadd.f32 v10, v56;
	v40 =	vadd.f32 v54, v57;
	v39 =	vmul.f32 v45, v39  }
0x4fa: {  	s22 =	sshll.u32 s30, $0x4;
	v58 =	vperm.xlane v9, v1;
	v59 =	vperm.xlane v11, v1;
	v4 =	vadd.f32 v4, v53  }
0x4fb: {  	s14 =	sand.u32 $0x3FFFFFF0, s22;
	v12 =	vadd.f32 v12, v62;
	v63 =	vperm.xlane v10, v2;
	v48 =	vperm.xlane v40, v3  }
0x4fc: {  	v21 =	vld [tilespmem:s14+$0x320];
	s5 =	sshll.u32 s30, $0x7;
	v39 =	vadd.f32 v42, v39;
	v9 =	vadd.f32 v9, v58;
	v61 =	vperm.xlane v4, v3  }
0x4fd: {  	v47 =	vld [tilespmem:s5+$0x19A0];
	v52 =	vperm.xlane v12, v3;
	v11 =	vadd.f32 v11, v59;
	v10 =	vadd.f32 v10, v63  }
0x4fe: {  	v46 =	vld [tilespmem:s5+$0x41A0];
	v40 =	vadd.f32 v40, v48;
	v49 =	vperm.xlane v9, v2;
	v4 =	vadd.f32 v4, v61  }
0x4ff: {  	v59 =	vld [tilespmem:s5+$0x19E0];
	v12 =	vadd.f32 v12, v52;
	v50 =	vperm.xlane v11, v2;
	v53 =	vperm.xlane v10, v3  }
0x500: {  	v54 =	vperm.xlane v40, v7;
	v9 =	vadd.f32 v9, v49;
	v51 =	vperm.xlane v4, v7  }
0x501: {  	v62 =	vld [tilespmem:s5+$0x19B0];
	v57 =	vperm.xlane v12, v7;
	v11 =	vadd.f32 v11, v50;
	v10 =	vadd.f32 v10, v53  }
0x502: {  	v49 =	vld [tilespmem:s3+$0x1A10];
	v40 =	vadd.f32 v40, v54;
	v55 =	vperm.xlane v9, v3;
	v4 =	vadd.f32 v4, v51  }
0x503: {  	v53 =	vld [tilespmem:s5+$0x41B0];
	v12 =	vadd.f32 v12, v57;
	v57 =	vmul.f32 v46, v47;
	v56 =	vperm.xlane v11, v3  }
0x504: {  	v54 =	vld [tilespmem:s5+$0x19C0];
	v44 =	vmul.f32 v59, v21;
	v9 =	vadd.f32 v9, v55;
	v4 =	vmul.f32 v31, v4  }
0x505: {  	v58 =	vperm.xlane v10, v7;
	v40 =	vmul.f32 v5, v40;
	v11 =	vadd.f32 v11, v56;
	v55 =	vld [tilespmem:s5+$0x41C0]  }
0x506: {  	v12 =	vmul.f32 v6, v12;
	v56 =	vld [tilespmem:s5+$0x1A00];
	v61 =	vperm.xlane v9, v7;
	v4 =	vadd.f32 $0.0e+00, v4  }
0x507: {  	v42 =	vadd.f32 v44, v57;
	v10 =	vadd.f32 v10, v58;
	v58 =	vld [tilespmem:s5+$0x19D0];
	v63 =	vperm.xlane v11, v7  }
0x508: {  	v59 =	vmul.f32 v49, v18;
	v0 =	vadd.f32 v40, v4;
	v4 =	vadd.f32 v9, v61;
	v9 =	vld [tilespmem:s5+$0x19F0]  }
0x509: {  	v62 =	vmul.f32 v53, v62;
	v51 =	vperm.xlane v42, v1;
	v11 =	vadd.f32 v11, v63;
	v63 =	vld [tilespmem:s5+$0x1A10]  }
0x50a: {  	v10 =	vmul.f32 v8, v10;
	v61 =	vld [tilespmem:s5+$0x41D0];
	v0 =	vadd.f32 v12, v0;
	v4 =	vmul.f32 v31, v4  }
0x50b: {  	v52 =	vmul.f32 v55, v54;
	v12 =	vmul.f32 v56, v21  }
0x50c: {  	v11 =	vmul.f32 v5, v11;
	v4 =	vadd.f32 $0.0e+00, v4;
	v0 =	vadd.f32 v10, v0  }
0x50d: {  	v10 =	vperm.xlane v39, v1;
	v12 =	vadd.f32 v12, v52;
	v9 =	vmul.f32 v9, v21  }
0x50e: {  	v56 =	vmul.f32 v63, v21;
	v4 =	vadd.f32 v11, v4;
	v11 =	vadd.f32 v59, v41  }
0x50f: {  	v55 =	vmul.f32 v61, v58;
	v10 =	vadd.f32 v39, v10;
	v9 =	vadd.f32 v9, v62  }
0x510: {  	v41 =	vadd.f32 v42, v51;
	v59 =	vperm.xlane v12, v1;
	v0 =	vmul.f32 $2.500000000e-01, v0  }
0x511: {  	v53 =	vperm.xlane v11, v1;
	v54 =	vperm.xlane v9, v1  }
0x512: {  	v39 =	vadd.f32 v56, v55;
	v57 =	vperm.xlane v10, v2;
	v58 =	vperm.xlane v41, v2  }
0x513: {  	v12 =	vadd.f32 v12, v59;
	v0 =	vmul.f32 $1.442695020e+00, v0;
	v9 =	vadd.f32 v9, v54  }
0x514: {  	v63 =	vperm.xlane v39, v1;
	v11 =	vadd.f32 v11, v53;
	v40 =	vadd.f32 v41, v58  }
0x515: {  	v10 =	vadd.f32 v10, v57;
	v48 =	vperm.xlane v12, v2;
	v62 =	vperm.xlane v9, v2  }
0x516: {  	v39 =	vadd.f32 v39, v63;
	v61 =	vperm.xlane v11, v2;
	v47 =	vperm.xlane v40, v3  }
0x517: {  	v44 =	vperm.xlane v10, v3;
	v12 =	vadd.f32 v12, v48;
	v9 =	vadd.f32 v9, v62  }
0x518: {  	v51 =	vperm.xlane v39, v2;
	v11 =	vadd.f32 v11, v61;
	v40 =	vadd.f32 v40, v47  }
0x519: {  	v10 =	vadd.f32 v10, v44;
	v54 =	vperm.xlane v12, v3;
	v50 =	vperm.xlane v9, v3  }
0x51a: {  	v53 =	vadd.f32 v39, v51;
	v49 =	vperm.xlane v11, v3;
	v52 =	vperm.xlane v40, v7  }
0x51b: {  	v44 =	vperm.xlane v10, v7;
	v12 =	vadd.f32 v12, v54;
	v9 =	vadd.f32 v9, v50  }
0x51c: {  	[tilespmem:s26+$0x6CA0] =	vst v28;
	v57 =	vperm.xlane v53, v3;
	v11 =	vadd.f32 v11, v49;
	v28 =	vadd.f32 v40, v52  }
0x51d: {  	v10 =	vadd.f32 v10, v44;
	v58 =	vperm.xlane v12, v7;
	v56 =	vperm.xlane v9, v7  }
0x51e: {  	[tilespmem:s25+$0x6CA0] =	vst v26;
	v26 =	vadd.f32 v53, v57;
	v55 =	vperm.xlane v11, v7;
	v28 =	vmul.f32 v31, v28  }
0x51f: {  	[tilespmem:s0+$0x6CA0] =	vst v37;
	v10 =	vmul.f32 v6, v10;
	v12 =	vadd.f32 v12, v58;
	v9 =	vadd.f32 v9, v56  }
0x520: {  	[tilespmem:s16+$0x6CA0] =	vst v23;
	v59 =	vperm.xlane v26, v7;
	v11 =	vadd.f32 v11, v55;
	v28 =	vadd.f32 $0.0e+00, v28  }
0x521: {  	[tilespmem:s28+$0x6CA0] =	vst v35;
	v4 =	vadd.f32 v10, v4;
	v10 =	vimm.s32 $0x2;
	v9 =	vmul.f32 v5, v9  }
0x522: {  	v35 =	vimm.s32 $0x3;
	[tilespmem:s4+$0x6C80] =	vst v38;
	v10 =	vperm.xlane v33, v10;
	v11 =	vmul.f32 v8, v11  }
0x523: {  	[tilespmem:s7+$0x6CA0] =	vst v60;
	v12 =	vmul.f32 v6, v12;
	v26 =	vadd.f32 v26, v59;
	v9 =	vadd.f32 v9, v28  }
0x524: {  	[tilespmem:s8+$0x6C80] =	vst v32;
	v61 =	vimm.s32 $0x2;
	v4 =	vadd.f32 v11, v4;
	v11 =	vmul.f32 v10, v16  }
0x525: {  	[tilespmem:s4+$0x6C50] =	vst v30;
	v26 =	vmul.f32 v8, v26;
	v9 =	vadd.f32 v12, v9;
	v12 =	vperm.xlane v13, v61  }
0x526: {  	v60 =	vld [tilespmem:s17+$0x4200];
	(erf) = vpow2.f32 v0;
	v28 =	vimm.s32 $0x1;
	[tilespmem:s8+$0x6C50] =	vst v11;
	v4 =	vmul.f32 $2.500000000e-01, v4  }
0x527: {  	[tilespmem:s15+$0x6CA0] =	vst v36;
	v28 =	vperm.xlane v14, v28;
	v62 =	vld [tilespmem:s31+$0x4200];
	v9 =	vadd.f32 v26, v9;
	v11 =	vmul.f32 v12, v20  }
0x528: {  	[tilespmem:s29+$0x6C80] =	vst v27;
	v63 =	vperm.xlane v34, v35;
	v4 =	vmul.f32 $1.442695020e+00, v4  }
0x529: {  	v0 =	vmul.f32 v28, v17;
	[tilespmem:s29+$0x6C50] =	vst v11;
	v9 =	vmul.f32 $2.500000000e-01, v9  }
0x52a: {  	v36 =	vperm.xlane v33, v35;
	[tilespmem:s1+$0x6C70] =	vst v24;
	(erf) = vpow2.f32 v4;
	v27 =	vld [tilespmem:s6+$0x4200]  }
0x52b: {  	[tilespmem:s1+$0x6C40] =	vst v0;
	v4 =	vmul.f32 v63, v19;
	v0 =	vmul.f32 $1.442695020e+00, v9  }
0x52c: {  	[tilespmem:s18+$0x6CA0] =	vst v22;
	v11 =	vmul.f32 v60, v29;
	v10 =	vmul.f32 v62, v10;
	v9 =	vld [tilespmem:s19+$0x41F0]  }
0x52d: {  	[tilespmem:s4+$0x6C60] =	vst v4;
	(erf) = vpow2.f32 v0  }
0x52e: {  	v13 =	vperm.xlane v13, v35;
	[tilespmem:s4+$0x6C90] =	vst v11;
	v0 =	vmul.f32 v36, v16  }
0x52f: {  	[tilespmem:s8+$0x6C90] =	vst v10;
	v4 =	vmul.f32 v27, v12  }
0x530: {  	v32 =	vimm.s32 $0x0;
	v10 =	vpop (erf);
	[tilespmem:s8+$0x6C60] =	vst v0;
	v0 =	vmul.f32 v13, v20  }
0x531: {  	[tilespmem:s29+$0x6C90] =	vst v4;
	v4 =	vmul.f32 v9, v28;
	v9 =	vperm.xlane v10, v32  }
0x532: {  	s25 =	sadd.s32 $0x2400, s24;
	v11 =	vpop (erf);
	[tilespmem:s29+$0x6C60] =	vst v0  }
0x533: {  	s0 =	sshra.s32 s25, $0x2;
	[tilespmem:s1+$0x6C80] =	vst v4;
	v0 =	vmul.f32 v9, v25;
	v4 =	vperm.xlane v11, v32  }
0x534: {  	s26 =	sadd.s32 $0x2640, s24;
	[tilespmem:s0+$0x6C20] =	vst v10;
	v37 =	vpop (erf)  }
0x535: {  	s7 =	sshra.s32 s26, $0x2;
	v38 =	vperm.xlane v37, v32;
	[tilespmem:s0+$0x6C30] =	vst v0;
	v0 =	vmul.f32 v4, v15  }
0x536: {  	s28 =	sadd.s32 $0x2880, s24;
	[tilespmem:s7+$0x6C20] =	vst v11;
	v39 =	vld [tilespmem:s12+$0x41E0];
	v41 =	vpop (erf)  }
0x537: {  	s9 =	sshra.s32 s28, $0x2;
	v34 =	vimm.s32 $0x2;
	[tilespmem:s7+$0x6C30] =	vst v0;
	v0 =	vmul.f32 v38, v18;
	v42 =	vperm.xlane v41, v32  }
0x538: {  	s30 =	sadd.s32 $0x2AC0, s24;
	v43 =	vperm.xlane v14, v34;
	[tilespmem:s9+$0x6C20] =	vst v37;
	v44 =	vld [tilespmem:s2+$0x41E0]  }
0x539: {  	s11 =	sshra.s32 s30, $0x2;
	v33 =	vimm.s32 $0x1;
	[tilespmem:s9+$0x6C30] =	vst v0;
	v0 =	vmul.f32 v42, v21  }
0x53a: {  	v29 =	vperm.xlane v10, v33;
	v28 =	vmul.f32 v43, v17;
	[tilespmem:s11+$0x6C20] =	vst v41;
	v30 =	vld [tilespmem:s3+$0x41E0]  }
0x53b: {  	v9 =	vmul.f32 v39, v9;
	[tilespmem:s11+$0x6C30] =	vst v0  }
0x53c: {  	v45 =	vperm.xlane v11, v33;
	[tilespmem:s1+$0x6C50] =	vst v28;
	v0 =	vmul.f32 v29, v25;
	v28 =	vld [tilespmem:s5+$0x41E0]  }
0x53d: {  	[tilespmem:s0+$0x6C70] =	vst v9;
	v4 =	vmul.f32 v44, v4  }
0x53e: {  	v46 =	vperm.xlane v37, v33;
	v9 =	vld [tilespmem:s19+$0x4200];
	[tilespmem:s0+$0x6C40] =	vst v0;
	v0 =	vmul.f32 v45, v15  }
0x53f: {  	[tilespmem:s7+$0x6C70] =	vst v4;
	v4 =	vld [tilespmem:s12+$0x41F0];
	v16 =	vmul.f32 v30, v38  }
0x540: {  	[tilespmem:s7+$0x6C40] =	vst v0;
	v0 =	vmul.f32 v46, v18;
	v30 =	vperm.xlane v41, v33  }
0x541: {  	v48 =	vld [tilespmem:s2+$0x41F0];
	[tilespmem:s9+$0x6C70] =	vst v16;
	v47 =	vmul.f32 v28, v42  }
0x542: {  	[tilespmem:s9+$0x6C40] =	vst v0;
	v0 =	vmul.f32 v30, v21  }
0x543: {  	v49 =	vperm.xlane v10, v34;
	v9 =	vmul.f32 v9, v43;
	[tilespmem:s11+$0x6C70] =	vst v47  }
0x544: {  	[tilespmem:s11+$0x6C40] =	vst v0;
	v4 =	vmul.f32 v4, v29  }
0x545: {  	v50 =	vld [tilespmem:s3+$0x41F0];
	v0 =	vmul.f32 v49, v25;
	[tilespmem:s1+$0x6C90] =	vst v9;
	v9 =	vperm.xlane v11, v34  }
0x546: {  	v14 =	vperm.xlane v14, v35;
	[tilespmem:s0+$0x6C80] =	vst v4;
	v4 =	vmul.f32 v48, v45  }
0x547: {  	v51 =	vperm.xlane v37, v34;
	v28 =	vld [tilespmem:s5+$0x41F0];
	[tilespmem:s0+$0x6C50] =	vst v0;
	v0 =	vmul.f32 v9, v15  }
0x548: {  	v17 =	vmul.f32 v14, v17;
	[tilespmem:s7+$0x6C80] =	vst v4  }
0x549: {  	v52 =	vperm.xlane v41, v34;
	v4 =	vld [tilespmem:s12+$0x4200];
	[tilespmem:s7+$0x6C50] =	vst v0;
	v0 =	vmul.f32 v51, v18  }
0x54a: {  	[tilespmem:s1+$0x6C60] =	vst v17;
	v16 =	vmul.f32 v50, v46  }
0x54b: {  	v10 =	vperm.xlane v10, v35;
	v54 =	vld [tilespmem:s2+$0x4200];
	[tilespmem:s9+$0x6C50] =	vst v0;
	v0 =	vmul.f32 v52, v21  }
0x54c: {  	[tilespmem:s9+$0x6C80] =	vst v16;
	v53 =	vmul.f32 v28, v30  }
0x54d: {  	v11 =	vperm.xlane v11, v35;
	v55 =	vld [tilespmem:s3+$0x4200];
	[tilespmem:s11+$0x6C50] =	vst v0;
	v0 =	vmul.f32 v10, v25  }
0x54e: {  	[tilespmem:s11+$0x6C80] =	vst v53;
	v4 =	vmul.f32 v4, v49  }
0x54f: {  	v12 =	vperm.xlane v37, v35;
	v56 =	vld [tilespmem:s5+$0x4200];
	[tilespmem:s0+$0x6C60] =	vst v0;
	v0 =	vmul.f32 v11, v15  }
0x550: {  	[tilespmem:s0+$0x6C90] =	vst v4;
	v4 =	vmul.f32 v54, v9;
	v9 =	vld [tilespmem:s17+$0x4210]  }
0x551: {  	v57 =	vld [tilespmem:s31+$0x4210];
	v59 =	vperm.xlane v41, v35;
	[tilespmem:s7+$0x6C60] =	vst v0;
	v0 =	vmul.f32 v12, v18  }
0x552: {  	v58 =	vld [tilespmem:s6+$0x4210];
	[tilespmem:s7+$0x6C90] =	vst v4;
	v4 =	vmul.f32 v55, v51  }
0x553: {  	v60 =	vld [tilespmem:s19+$0x4210];
	[tilespmem:s9+$0x6C60] =	vst v0;
	v0 =	vmul.f32 v59, v21  }
0x554: {  	v61 =	vld [tilespmem:s12+$0x4210];
	[tilespmem:s9+$0x6C90] =	vst v4;
	v4 =	vmul.f32 v56, v52  }
0x555: {  	v62 =	vld [tilespmem:s2+$0x4210];
	v9 =	vmul.f32 v9, v63;
	[tilespmem:s11+$0x6C60] =	vst v0  }
0x556: {  	v15 =	vmul.f32 v57, v36;
	[tilespmem:s11+$0x6C90] =	vst v4;
	v4 =	vld [tilespmem:s3+$0x4210]  }
0x557: {  	[tilespmem:s4+$0x6CA0] =	vst v9;
	v0 =	vld [tilespmem:s5+$0x4210];
	v9 =	vmul.f32 v58, v13  }
0x558: {  	[tilespmem:s8+$0x6CA0] =	vst v15;
	v63 =	vmul.f32 v60, v14  }
0x559: {  	p0 =	slt.u32 s23, $0x14;
	[tilespmem:s29+$0x6CA0] =	vst v9;
	v9 =	vmul.f32 v61, v10  }
.Ltmp2:
0x55a: {  	[tilespmem:s1+$0x6CA0] =	vst v63;
	v10 =	vmul.f32 v62, v11;
	(pc) =	sbr.rel @p0 .LBB2_7-.Ltmp2, $4  }
0x55b: {  	[tilespmem:s0+$0x6CA0] =	vst v9;
	v4 =	vmul.f32 v4, v12  }
0x55c: {  	[tilespmem:s7+$0x6CA0] =	vst v10;
	v0 =	vmul.f32 v0, v59  }
0x55d: {  	s31 =	sadd.s32 $0x14, s23;
	[tilespmem:s9+$0x6CA0] =	vst v4  }
0x55e: {  	v40 =	vmov v31;
	s23 =	smov.u32 s31;
	[tilespmem:s11+$0x6CA0] =	vst v0  }
0x55f: {  	s0 =	smin.u32 s21, $0x1F0;
	s1 =	rddreg [dreg:$0x2];
	s2 =	simm.s32 $0x82C8  }
0x560: {  	s3 =	simm.s32 $0x6C20;
	s15 =	rddreg [dreg:$0xd];
	s0 =	smul.u32 $0x28, s0  }
0x561: {  	[spmem:s1] =	stream.indirect.scatter.add.f32 [tilespmem:s3], [sflag:$0xA], $0x90, s2, s10, $0xb8;
	[tilespmem:$0x1E280] =	vst v63  }
0x562: {  	s16 =	rddreg [dreg:$0x1];
	s17 =	simm.s32 $0x4E200;
	s0 =	sadd.s32 s0, s15  }
0x563: {  	s18 =	simm.s32 $0x50;
	s19 =	rddreg [dreg:$0x4];
	s1 =	sshrl.u32 s0, $0x3  }
0x564: {  	s21 =	simm.s32 $0x0;
	s0 =	sshll.u32 s0, $0x1;
	s1 =	sadd.s32 s16, s1  }
0x565: {  	[tilespmem:s18], [sflag:$0x2] =	stream.strided.gather [hbm4b:s1+s10], $0x50, s17, s10, $0x38;
	[tilespmem:$0x1E280] =	vst v63  }
0x566: {  	s22 =	simm.s32 $0x320;
	s23 =	simm.s32 $0x1;
	s0 =	sadd.s32 s19, s0  }
0x567: {  	[tilespmem:s22], [sflag:$0x4] =	stream.linear.gather [hbm4b:s0+s21], $0x280, $0x38;
	[tilespmem:$0x1E280] =	vst v63  }
0x568: {  	_ =	swait.ge [sflag:s23], $0x50  }
0x569: {  	[sflag:s23] =	ssyncset.done $0x0  }
0x56a: {  	s25 =	simm.s32 $0x5A0;
	s24 =	rddreg [dreg:$0xb];
	[sflag:s23] =	ssyncadd.s32 $0xFFFFFFB0  }
0x56b: {  	[tilespmem:s25], [sflag:$0x5] =	stream.indirect.gather [hbm4b:s24+s10], $0x80, s10, s10, $0xb8;
	[tilespmem:$0x1E280] =	vst v63  }
0x56c: {  	s26 =	simm.s32 $0x2DA0;
	s28 =	simm.s32 $0x2;
	s20 =	sadd.s32 $0x1, s20  }
0x56d: {  	[tilespmem:s26], [sflag:$0x6] =	stream.indirect.gather [hbm4b:s13+s10], $0x80, s21, s10, $0xb8;
	[tilespmem:$0x1E280] =	vst v63  }
0x56e: {  	p0 =	sne.s32 s20, $0xFA;
	_ =	swait.ge [sflag:s28], $0x50  }
.Ltmp3:
0x56f: {  	[sflag:s28] =	ssyncset.done $0x0;
	(pc) =	sbr.rel @p0 .LBB2_4-.Ltmp3, $4  }
0x570: {  	s29 =	simm.s32 $0x78;
	s30 =	simm.s32 $0x19A0;
	[sflag:s28] =	ssyncadd.s32 $0xFFFFFFB0  }
0x571: {  	[tilespmem:s30], [sflag:$0x7] =	stream.indirect.gather [hbm4b:s24+s10], $0x80, s29, s10, $0xb8;
	[tilespmem:$0x1E280] =	vst v63  }
0x572: {  	s5 =	simm.s32 $0x2;
	s31 =	simm.s32 $0x41A0  }
0x573: {  	[tilespmem:s31], [sflag:$0x8] =	stream.indirect.gather [hbm4b:s13+s10], $0x80, s18, s10, $0xb8;
	[tilespmem:$0x1E280] =	vst v63  }
0x574: {  	s0 =	simm.s32 $0x5  }
0x575: {  	_ =	swait.ge [sflag:s0], $0x1400  }
0x576: {  	[sflag:s0] =	ssyncset.done $0x0  }
0x577: {  	s19 =	simm.s32 $0x6;
	[sflag:s0] =	ssyncadd.s32 $0xFFFFEC00  }
0x578: {  	_ =	swait.ge [sflag:s19], $0x1400  }
0x579: {  	[sflag:s19] =	ssyncset.done $0x0  }
0x57a: {  	s20 =	simm.s32 $0x3;
	[sflag:s19] =	ssyncadd.s32 $0xFFFFEC00  }
0x57b: {  	_ =	swait.ge [sflag:s20], $0x280  }
0x57c: {  	[sflag:s20] =	ssyncset.done $0x0  }
0x57d: {  	s21 =	simm.s32 $0x7;
	[sflag:s20] =	ssyncadd.s32 $0xFFFFFD80  }
0x57e: {  	_ =	swait.ge [sflag:s21], $0x1400  }
0x57f: {  	[sflag:s21] =	ssyncset.done $0x0  }
0x580: {  	s22 =	simm.s32 $0x8;
	[sflag:s21] =	ssyncadd.s32 $0xFFFFEC00  }
0x581: {  	_ =	swait.ge [sflag:s22], $0x1400  }
0x582: {  	[sflag:s22] =	ssyncset.done $0x0  }
0x583: {  	s23 =	simm.s32 $0x4;
	[sflag:s22] =	ssyncadd.s32 $0xFFFFEC00  }
0x584: {  	_ =	swait.ge [sflag:s23], $0x280  }
0x585: {  	[sflag:s23] =	ssyncset.done $0x0  }
0x586: {  	s24 =	simm.s32 $0x9;
	[sflag:s23] =	ssyncadd.s32 $0xFFFFFD80  }
0x587: {  	_ =	swait.ge [sflag:s24], $0x1680  }
0x588: {  	[sflag:s24] =	ssyncset.done $0x0  }
0x589: {  	s25 =	simm.s32 $0xA;
	[sflag:s24] =	ssyncadd.s32 $0xFFFFE980  }
0x58a: {  	_ =	swait.ge [sflag:s25], $0x1680  }
0x58b: {  	[sflag:s25] =	ssyncset.done $0x0  }
0x58c: {  	[sflag:s25] =	ssyncadd.s32 $0xFFFFE980  }
0x58d: {  	s26 =	stileid.u32;
	s4 =	simm.s32 $0x1;
	[bflag:$0x0] =	sbarrier.arrive $0xFFFF  }
0x58e: {  	s3 =	simm.s32 $0x10;
	s0 =	sshll.u32 s26, $0x6;
	s1 =	rddreg [dreg:$0xe]  }
0x58f: {  	s6 =	simm.s32 $0x12;
	s0 =	sor.u32 $0x1C0B, s0;
	s2 =	rddreg [dreg:$0x17]  }
0x590: {  	[hbm:s1@s3], [sflag:s0] =	dma.strided [spmem:s2@s6], $0x2710, s4, $0x10   }
0x591: {  	s3 =	simm.s32 $0xB  }
0x592: {  	_ =	swait.ge [sflag:s3], $0x2710  }
0x593: {  	[sflag:s3] =	ssyncset.done $0x0;
	s11 =	rddreg [dreg:$0x5]  }
0x594: {  	s29 =	rddreg [dreg:$0xf];
	[sflag:s3] =	ssyncadd.s32 $0xFFFFD8F0;
	s28 =	sshrl.u32 s11, $0x3  }
0x595: {  	[hbm:s29@s5], [sflag:s0] =	dma.strided [spmem:s28@s6], $0x4E2, s4, $0x2   }
0x596: {  	_ =	swait.ge [sflag:s3], $0x4E2  }
0x597: {  	s30 =	sld [smem:$0x7FD];
	_ =	sdelay $0x2  }
0x598: {  	s31 =	rddreg [dreg:$0x10];
	s1 =	sadd.s32 $0x1, s30  }
0x599: {  	p0 =	sne.s32 s1, s31  }
.Ltmp4:
0x59a: {  	_ = 	snop;
	(pc) =	sbr.rel @p0 .LBB2_1-.Ltmp4, $3  }
0x59b: {  	_ =	sdelay $0x1  }
0x59c: {  	[sflag:s3] =	ssyncset.done $0x0  }
0x59d: {  	v0 =	vimm.f32 $0.0e+00;
	[sflag:s3] =	ssyncadd.s32 $0xFFFFFB1E  }
0x59e: {  	_ =	sfence.sel $0x180000  }
0x59f: {  	[bflag:$0x0] =	sbarrier.arrive $0xFFFF  }
0x5a0: {  	_ =	strace $0x90000047  }
0x5a1: {  	s0 =	stileid.u32;
	[bflag:$0x2] =	sbarrier.arrive $0xFFFF  }
0x5a2: {  	p0 =	sne.s32 s0, $0x0;
	s0 =	rddreg [dreg:$0x3]  }
0x5a3: {  	s0 =	sadd.s32 @!p0 $0x100000, s0  }
0x5a4: {  	[sflag:s0] =	ssyncadd.tile.s32 @!p0 $0x1;
	_ =	shalt  }
.Lfunc_end2:
_tile_overlayer_lowered:
.L_overlay_start_2:
0x5a5: {  	(tag) =	ssettag $0x2  }
0x5a6: {  	s0 =	rddreg [dreg:$0x0];
	s2 =	stileid.u32  }
0x5a7: {  	s1 =	rddreg [dreg:$0x1];
	p0 =	sne.s32 s2, $0x0  }
0x5a8: {  	s3 =	rddreg [dreg:$0x2];
	[bflag:$0x3] =	sbarrier.arrive $0xFFFF;
	s2 =	simm.s32 @!p0 $0x1C0B  }
0x5a9: {  	[timem:s3], [sflag:s2] =	dma.local @!p0 [hbm:s0], s1  }
0x5aa: {  	s0 =	simm.s32 @!p0 $0xB  }
0x5ab: {  	_ =	swait.ge @!p0 [sflag:s0], s1  }
0x5ac: {  	s1 =	ssub.s32 @!p0 $0x0, s1;
	[sflag:s0] =	ssyncset.done @!p0 $0x0  }
0x5ad: {  	[sflag:s0] =	ssyncadd.s32 @!p0 s1  }
0x5ae: {  	[bflag:$0x3] =	sbarrier.arrive $0xFFFF  }
0x5af: {  	_ =	shalt  }

</sc_bundles>
